<compile_context>
chip_gen: v7x
topology: tpu7x:2x2x1
jax: 0.10.2.dev20260603
libtpu: 0.0.44.dev20260713+nightly
codegen_flags: <defaults>
</compile_context>

<pallas_src>
import functools

import jax
import jax.numpy as jnp
from jax import lax
from jax.experimental import pallas as pl
from jax.experimental.pallas import tpu as pltpu
from jax.experimental.pallas import tpu_sc as plsc

N = 10000
E = 320000
D = 128
H = 8
C = 16
HC = H * C

NCORES = 2
NSUB = 16
NTILES = NCORES * NSUB
EDGES_PER_TILE = E // NTILES
K = 80
NCHUNK = EDGES_PER_TILE // K
ROWS_MAIN = 624
ROWS_REM = N - NSUB * ROWS_MAIN


def _copy_tile_rows(s, src_ref, dst_ref):
    base = s * ROWS_MAIN
    pltpu.sync_copy(src_ref.at[pl.ds(base, ROWS_MAIN)],
                    dst_ref.at[pl.ds(base, ROWS_MAIN)])

    @pl.when(s == NSUB - 1)
    def _():
        pltpu.sync_copy(src_ref.at[pl.ds(NSUB * ROWS_MAIN, ROWS_REM)],
                        dst_ref.at[pl.ds(NSUB * ROWS_MAIN, ROWS_REM)])


def _lane_bcast(v, h):
    idx = jnp.full((16, 1), h, dtype=jnp.int32)
    dn = lax.GatherDimensionNumbers(
        offset_dims=(), collapsed_slice_dims=(0,), start_index_map=(0,))
    return lax.gather(v, idx, dn, (1,),
                      mode=lax.GatherScatterMode.PROMISE_IN_BOUNDS)



def _tc_pre_body(x_ref, w_ref, p1_ref, p2_ref, xw_ref, t1_ref, t2_ref):
    xw = jnp.dot(x_ref[...], w_ref[...], preferred_element_type=jnp.float32)
    xw_ref[...] = xw
    t1_ref[...] = jnp.dot(xw, p1_ref[...], preferred_element_type=jnp.float32)
    t2_ref[...] = jnp.dot(xw, p2_ref[...], preferred_element_type=jnp.float32)


def _tc_mid_body(num0_ref, num1_ref, den0_ref, den1_ref, xw_ref, t1_ref,
                 r_ref, rd_ref, bg_ref, g1_ref, b1_ref, h_ref):
    t1 = t1_ref[...]
    xw = xw_ref[...]
    e_self = t1 @ r_ref[...]
    e_self = jnp.where(e_self >= 0, e_self, 0.2 * e_self)
    e_self = jnp.exp(e_self)
    den = (den0_ref[...] + den1_ref[...]) @ rd_ref[...] + e_self
    num = num0_ref[...] + num1_ref[...] + e_self * xw
    gat = num / (den + 1e-16) + bg_ref[...]
    mu = jnp.mean(gat, axis=0, keepdims=True)
    var = jnp.mean(gat * gat, axis=0, keepdims=True) - mu * mu
    hv = (gat - mu) / jnp.sqrt(var + 1e-5) * g1_ref[...] + b1_ref[...]
    h_ref[...] = jnp.where(hv > 0, hv, jnp.exp(jnp.minimum(hv, 0.0)) - 1.0)


def _tc_post_body(h_ref, agg0_ref, agg1_ref, eps_ref, w_ref, bg_ref,
                  g2_ref, b2_ref, out_ref):
    g = (1.0 + eps_ref[0, 0]) * h_ref[...] + agg0_ref[...] + agg1_ref[...]
    z = jnp.dot(g, w_ref[...], preferred_element_type=jnp.float32) + bg_ref[...]
    mu = jnp.mean(z, axis=0, keepdims=True)
    var = jnp.mean(z * z, axis=0, keepdims=True) - mu * mu
    zz = (z - mu) / jnp.sqrt(var + 1e-5) * g2_ref[...] + b2_ref[...]
    out_ref[...] = jnp.where(zz > 0, zz, jnp.exp(jnp.minimum(zz, 0.0)) - 1.0)




def _pipeline(nb, nchunk, wait_isrc, issue_isrc, wait_gather, issue_gather,
              wait_scatter, issue_scatter, compute):
    def step(m, p, do_a, do_c, do_d, do_e):
        pn = (p + 1) % nb
        if do_a:
            wait_isrc(pn)
        wait_gather(p)
        compute(p)
        issue_scatter(p, m)
        if do_c:
            wait_scatter(pn)
        if do_d:
            issue_gather(pn, m + 1)
        if do_e:
            issue_isrc(p, m + nb)

    issue_isrc(0, 0)
    wait_isrc(0)
    issue_gather(0, 0)
    for kk in range(1, nb):
        issue_isrc(kk % nb, kk)
    for m in range(nb):
        step(m, m % nb, True, m >= nb - 1, True, m + nb < nchunk)
    nturns = (nchunk - 2 * nb) // nb

    def turn(g, _):
        for j in range(nb):
            step(g * nb + j, j, True, True, True, True)
        return 0

    lax.fori_loop(1, nturns + 1, turn, 0)
    for m in range(nb + nturns * nb, nchunk):
        step(m, m % nb, m + 1 < nchunk, True, m + 1 < nchunk, m + nb < nchunk)
    for kpend in range(nchunk - nb + 1, nchunk):
        wait_scatter(kpend % nb)


def _make_sc_gat():
    mesh = plsc.VectorSubcoreMesh(core_axis_name="c", subcore_axis_name="s")
    nb = 2

    @functools.partial(
        pl.kernel, mesh=mesh,
        compiler_params=pltpu.CompilerParams(use_tc_tiling_on_sc=False),
        out_type=[jax.ShapeDtypeStruct((NCORES, N, HC), jnp.float32),
                  jax.ShapeDtypeStruct((NCORES, N, 16), jnp.float32)],
        scratch_types=(
            [pltpu.VMEM((NCHUNK, K), jnp.int32)] +
            [pltpu.VMEM((K,), jnp.int32)] * nb +
            [pltpu.VMEM((K, 16), jnp.float32)] * nb +
            [pltpu.VMEM((K, 16), jnp.float32)] * nb +
            [pltpu.VMEM((K, HC), jnp.float32)] * nb +
            [pltpu.VMEM((K, 16), jnp.float32)] * nb +
            [pltpu.VMEM_SHARED((N, HC), jnp.float32),
             pltpu.VMEM_SHARED((N, 16), jnp.float32)] +
            [pltpu.SemaphoreType.DMA] * (3 * nb)
        ))
    def sc_gat(xw_hbm, t1_hbm, t2_hbm, src_hbm, dst_hbm, z128_hbm, z16_hbm,
               num_out, den_out, dst_v, srcb0, srcb1,
               tsrc0, tsrc1, tdst0, tdst1, xbuf0, xbuf1, ebuf0, ebuf1,
               num_sh, den_sh, isem0, isem1, gsem0, gsem1, ssem0, ssem1):
        srcbs = (srcb0, srcb1)
        tsrcs = (tsrc0, tsrc1)
        tdsts = (tdst0, tdst1)
        xbufs = (xbuf0, xbuf1)
        ebufs = (ebuf0, ebuf1)
        isems = (isem0, isem1)
        gsems = (gsem0, gsem1)
        ssems = (ssem0, ssem1)
        c = lax.axis_index("c")
        s = lax.axis_index("s")
        tid = c * NSUB + s
        _copy_tile_rows(s, z128_hbm, num_sh)
        _copy_tile_rows(s, z16_hbm, den_sh)
        pltpu.sync_copy(dst_hbm.at[tid], dst_v)
        plsc.subcore_barrier()

        def issue_isrc(b, k):
            pltpu.async_copy(src_hbm.at[tid, k], srcbs[b], isems[b])

        def wait_isrc(b):
            pltpu.make_async_copy(src_hbm.at[0, 0], srcbs[b], isems[b]).wait()

        def issue_gather(b, k):
            sidx = srcbs[b]
            pltpu.async_copy(t1_hbm.at[sidx], tsrcs[b], gsems[b])
            pltpu.async_copy(t2_hbm.at[dst_v.at[k]], tdsts[b], gsems[b])
            pltpu.async_copy(xw_hbm.at[sidx], xbufs[b], gsems[b])

        def wait_gather(b):
            pltpu.make_async_copy(z16_hbm.at[pl.ds(0, K)], tsrcs[b], gsems[b]).wait()
            pltpu.make_async_copy(z16_hbm.at[pl.ds(0, K)], tdsts[b], gsems[b]).wait()
            pltpu.make_async_copy(z128_hbm.at[pl.ds(0, K)], xbufs[b], gsems[b]).wait()

        def issue_scatter(b, k):
            didx = dst_v.at[k]
            pltpu.async_copy(ebufs[b], den_sh.at[didx], ssems[b], add=True)
            pltpu.async_copy(xbufs[b], num_sh.at[didx], ssems[b], add=True)

        def wait_scatter(b):
            pltpu.make_async_copy(z16_hbm.at[pl.ds(0, K)], ebufs[b], ssems[b]).wait()
            pltpu.make_async_copy(z128_hbm.at[pl.ds(0, K)], xbufs[b], ssems[b]).wait()

        def compute(b):
            tsrc, tdst, xbuf, ebuf = tsrcs[b], tdsts[b], xbufs[b], ebufs[b]

            @plsc.parallel_loop(0, K, unroll=4)
            def edge(i):
                vs = tsrc[i, :]
                vd = tdst[i, :]
                ep = vs + vd
                ep = jnp.where(ep >= 0, ep, 0.2 * ep)
                ev = jnp.exp(ep)
                ebuf[i, :] = ev
                for h in range(H):
                    sc = _lane_bcast(ev, h)
                    xbuf[i, pl.ds(h * 16, 16)] = xbuf[i, pl.ds(h * 16, 16)] * sc

        _pipeline(nb, NCHUNK, wait_isrc, issue_isrc, wait_gather, issue_gather,
                  wait_scatter, issue_scatter, compute)

        plsc.subcore_barrier()
        _copy_tile_rows(s, num_sh, num_out.at[c])
        _copy_tile_rows(s, den_sh, den_out.at[c])

    return sc_gat


def _make_sc_gin():
    mesh = plsc.VectorSubcoreMesh(core_axis_name="c", subcore_axis_name="s")
    nb = 3

    @functools.partial(
        pl.kernel, mesh=mesh,
        compiler_params=pltpu.CompilerParams(use_tc_tiling_on_sc=False),
        out_type=[jax.ShapeDtypeStruct((NCORES, N, HC), jnp.float32)],
        scratch_types=(
            [pltpu.VMEM((NCHUNK, K), jnp.int32)] +
            [pltpu.VMEM((K,), jnp.int32)] * nb +
            [pltpu.VMEM((K, HC), jnp.float32)] * nb +
            [pltpu.VMEM_SHARED((N, HC), jnp.float32)] +
            [pltpu.SemaphoreType.DMA] * (3 * nb)
        ))
    def sc_gin(h_hbm, src_hbm, dst_hbm, z128_hbm, agg_out,
               dst_v, srcb0, srcb1, srcb2, xbuf0, xbuf1, xbuf2, agg_sh,
               isem0, isem1, isem2, gsem0, gsem1, gsem2, ssem0, ssem1, ssem2):
        srcbs = (srcb0, srcb1, srcb2)
        xbufs = (xbuf0, xbuf1, xbuf2)
        isems = (isem0, isem1, isem2)
        gsems = (gsem0, gsem1, gsem2)
        ssems = (ssem0, ssem1, ssem2)
        c = lax.axis_index("c")
        s = lax.axis_index("s")
        tid = c * NSUB + s
        _copy_tile_rows(s, z128_hbm, agg_sh)
        pltpu.sync_copy(dst_hbm.at[tid], dst_v)
        plsc.subcore_barrier()

        def issue_isrc(b, k):
            pltpu.async_copy(src_hbm.at[tid, k], srcbs[b], isems[b])

        def wait_isrc(b):
            pltpu.make_async_copy(src_hbm.at[0, 0], srcbs[b], isems[b]).wait()

        def issue_gather(b, k):
            pltpu.async_copy(h_hbm.at[srcbs[b]], xbufs[b], gsems[b])

        def wait_gather(b):
            pltpu.make_async_copy(z128_hbm.at[pl.ds(0, K)], xbufs[b], gsems[b]).wait()

        def issue_scatter(b, k):
            pltpu.async_copy(xbufs[b], agg_sh.at[dst_v.at[k]], ssems[b], add=True)

        def wait_scatter(b):
            pltpu.make_async_copy(z128_hbm.at[pl.ds(0, K)], xbufs[b], ssems[b]).wait()

        _pipeline(nb, NCHUNK, wait_isrc, issue_isrc, wait_gather, issue_gather,
                  wait_scatter, issue_scatter, lambda b: None)

        plsc.subcore_barrier()
        _copy_tile_rows(s, agg_sh, agg_out.at[c])

    return sc_gin


_sc_gat = _make_sc_gat()
_sc_gin = _make_sc_gin()


def _sds(shape):
    return jax.ShapeDtypeStruct(shape, jnp.float32)


_tc_pre = pl.pallas_call(
    _tc_pre_body, out_shape=[_sds((N, HC)), _sds((N, 16)), _sds((N, 16))])
_tc_mid = pl.pallas_call(_tc_mid_body, out_shape=_sds((N, HC)))
_tc_post = pl.pallas_call(_tc_post_body, out_shape=_sds((N, HC)))


def kernel(x, edge_index, W_gat, a_src, a_dst, b_gat, bn1_g, bn1_b,
           gin_eps, W_gin, b_gin, bn2_g, bn2_b):
    src3 = edge_index[0].reshape(NTILES, NCHUNK, K)
    dst3 = edge_index[1].reshape(NTILES, NCHUNK, K)

    eye_r = jnp.repeat(jnp.eye(H, dtype=jnp.float32), C, axis=0)
    asf = a_src.reshape(HC, 1)
    adf = a_dst.reshape(HC, 1)
    p1 = jnp.concatenate([eye_r * asf, eye_r * adf], axis=1)
    p2 = jnp.concatenate([eye_r * adf, eye_r * asf], axis=1)
    r_top = jnp.repeat(jnp.eye(H, dtype=jnp.float32), C, axis=1)
    r_mat = jnp.concatenate([r_top, r_top], axis=0)
    rd_mat = jnp.concatenate([r_top, jnp.zeros((H, HC), jnp.float32)], axis=0)
    z128 = jnp.zeros((N, HC), jnp.float32)
    z16 = jnp.zeros((N, 16), jnp.float32)

    xw, t1, t2 = _tc_pre(x, W_gat, p1, p2)
    num_p, den_p = _sc_gat(xw, t1, t2, src3, dst3, z128, z16)
    h1 = _tc_mid(num_p[0], num_p[1], den_p[0], den_p[1], xw, t1,
                 r_mat, rd_mat, b_gat.reshape(1, HC),
                 bn1_g.reshape(1, HC), bn1_b.reshape(1, HC))
    (agg_p,) = (_sc_gin(h1, src3, dst3, z128),)
    agg_p = agg_p[0] if isinstance(agg_p, (list, tuple)) else agg_p
    out = _tc_post(h1, agg_p[0], agg_p[1], gin_eps.reshape(1, 1), W_gin,
                   b_gin.reshape(1, HC), bn2_g.reshape(1, HC),
                   bn2_b.reshape(1, HC))
    return out

# --- scband reference (transcript-rebuilt; emitter-appended) ---
"""Pipeline reference for scband-gnnencoder-15496242004448 (READ-ONLY COPY).

The authoritative reference and input builder live on the scoring server;
editing this copy changes nothing except your own understanding.
"""

import jax, jax.numpy as jnp
import numpy as np

N = 10000
E = 320000
D = 128
H = 8
C = 16  # hidden_channels // heads


def setup_inputs(seed: int = 0) -> dict:
    key = jax.random.key(seed)
    ks = jax.random.split(key, 12)
    x = jax.random.normal(ks[0], (N, D), dtype=jnp.float32)
    edge_index = jax.random.randint(ks[1], (2, E), 0, N, dtype=jnp.int32)
    W_gat = jax.random.normal(ks[2], (D, H * C), dtype=jnp.float32) * (1.0 / np.sqrt(D))
    a_src = jax.random.normal(ks[3], (H, C), dtype=jnp.float32) * 0.1
    a_dst = jax.random.normal(ks[4], (H, C), dtype=jnp.float32) * 0.1
    b_gat = jnp.zeros((H * C,), dtype=jnp.float32)
    bn1_g = jnp.ones((H * C,), dtype=jnp.float32)
    bn1_b = jnp.zeros((H * C,), dtype=jnp.float32)
    gin_eps = jnp.zeros((), dtype=jnp.float32)
    W_gin = jax.random.normal(ks[5], (H * C, D), dtype=jnp.float32) * (1.0 / np.sqrt(H * C))
    b_gin = jnp.zeros((D,), dtype=jnp.float32)
    bn2_g = jnp.ones((D,), dtype=jnp.float32)
    bn2_b = jnp.zeros((D,), dtype=jnp.float32)
    return {
        'x': x, 'edge_index': edge_index,
        'W_gat': W_gat, 'a_src': a_src, 'a_dst': a_dst, 'b_gat': b_gat,
        'bn1_g': bn1_g, 'bn1_b': bn1_b,
        'gin_eps': gin_eps, 'W_gin': W_gin, 'b_gin': b_gin,
        'bn2_g': bn2_g, 'bn2_b': bn2_b,
    }


def _batchnorm(x, g, b):
    mu = jnp.mean(x, axis=0)
    var = jnp.var(x, axis=0)  # biased, matches torch BN normalization
    return (x - mu) / jnp.sqrt(var + 1e-5) * g + b


def _gat(x, W, a_s, a_d, bias, src, dst):
    # add self loops (PyG GATConv default)
    loop = jnp.arange(N, dtype=src.dtype)
    src = jnp.concatenate([src, loop])
    dst = jnp.concatenate([dst, loop])
    xw = (x @ W).reshape(N, H, C)
    alpha_s = jnp.sum(xw * a_s[None, :, :], axis=-1)  # [N, H]
    alpha_d = jnp.sum(xw * a_d[None, :, :], axis=-1)
    e = alpha_s[src] + alpha_d[dst]                   # [E+N, H]
    e = jax.nn.leaky_relu(e, 0.2)
    m = jax.ops.segment_max(e, dst, num_segments=N)
    e = jnp.exp(e - m[dst])
    denom = jax.ops.segment_sum(e, dst, num_segments=N)
    alpha = e / (denom[dst] + 1e-16)                  # softmax over incoming edges
    msg = xw[src] * alpha[:, :, None]                 # [E+N, H, C]
    out = jax.ops.segment_sum(msg, dst, num_segments=N)
    return out.reshape(N, H * C) + bias


def _gin(x, eps, W, b, src, dst):
    agg = jax.ops.segment_sum(x[src], dst, num_segments=N)
    h = (1.0 + eps) * x + agg
    return h @ W + b


def reference(x, edge_index, W_gat, a_src, a_dst, b_gat, bn1_g, bn1_b, gin_eps, W_gin, b_gin, bn2_g, bn2_b):
    src = edge_index[0]
    dst = edge_index[1]
    # dropout treated as identity (eval mode)
    h = _gat(x, W_gat, a_src, a_dst, b_gat, src, dst)
    h = _batchnorm(h, bn1_g, bn1_b)
    h = jax.nn.elu(h)
    h = _gin(h, gin_eps, W_gin, b_gin, src, dst)
    h = _batchnorm(h, bn2_g, bn2_b)
    h = jax.nn.elu(h)
    return h

if __name__ == "__main__":
    import jax
    _d = setup_inputs()
    print(jax.jit(kernel)(*tuple(_d.values())))

</pallas_src>

<mosaic_0001>
#map = affine_map<(d0, d1) -> (0, 0)>
#map1 = affine_map<(d0, d1) -> (0, 0, 0)>
module attributes {stable_mosaic.version = 14 : i64} {
  func.func @sc_gat(%arg0: i32, %arg1: i32, %arg2: memref<10000x128xf32, #tpu.memory_space<hbm>>, %arg3: memref<10000x16xf32, #tpu.memory_space<hbm>>, %arg4: memref<10000x16xf32, #tpu.memory_space<hbm>>, %arg5: memref<32x125x80xi32, #tpu.memory_space<hbm>>, %arg6: memref<32x125x80xi32, #tpu.memory_space<hbm>>, %arg7: memref<10000x128xf32, #tpu.memory_space<hbm>>, %arg8: memref<10000x16xf32, #tpu.memory_space<hbm>>, %arg9: memref<2x10000x128xf32, #tpu.memory_space<hbm>>, %arg10: memref<2x10000x16xf32, #tpu.memory_space<hbm>>, %arg11: memref<125x80xi32, #tpu.memory_space<vmem>>, %arg12: memref<80xi32, #tpu.memory_space<vmem>>, %arg13: memref<80xi32, #tpu.memory_space<vmem>>, %arg14: memref<80x16xf32, #tpu.memory_space<vmem>>, %arg15: memref<80x16xf32, #tpu.memory_space<vmem>>, %arg16: memref<80x16xf32, #tpu.memory_space<vmem>>, %arg17: memref<80x16xf32, #tpu.memory_space<vmem>>, %arg18: memref<80x128xf32, #tpu.memory_space<vmem>>, %arg19: memref<80x128xf32, #tpu.memory_space<vmem>>, %arg20: memref<80x16xf32, #tpu.memory_space<vmem>>, %arg21: memref<80x16xf32, #tpu.memory_space<vmem>>, %arg22: memref<10000x128xf32, #tpu.memory_space<vmem_shared>>, %arg23: memref<10000x16xf32, #tpu.memory_space<vmem_shared>>, %arg24: memref<!tpu.dma_semaphore, #tpu.memory_space<semaphore_mem>>, %arg25: memref<!tpu.dma_semaphore, #tpu.memory_space<semaphore_mem>>, %arg26: memref<!tpu.dma_semaphore, #tpu.memory_space<semaphore_mem>>, %arg27: memref<!tpu.dma_semaphore, #tpu.memory_space<semaphore_mem>>, %arg28: memref<!tpu.dma_semaphore, #tpu.memory_space<semaphore_mem>>, %arg29: memref<!tpu.dma_semaphore, #tpu.memory_space<semaphore_mem>>) attributes {dimension_semantics = [#tpu.dimension_semantics<core_parallel>, #tpu.dimension_semantics<subcore_parallel>], iteration_bounds = array<i64: 2, 16>, scalar_prefetch = 0 : i64, scratch_operands = 19 : i64, tpu.core_type = #tpu.core_type<sc_vector_subcore>, window_params = [{transform_indices = #map}, {transform_indices = #map}, {transform_indices = #map}, {transform_indices = #map1}, {transform_indices = #map1}, {transform_indices = #map}, {transform_indices = #map}, {transform_indices = #map1}, {transform_indices = #map1}]} {
    %mul3A = arith.constant 16 : i32
    %mul3A_0 = arith.muli %arg0, %mul3A : i32
    %add3A = arith.addi %mul3A_0, %arg1 : i32
    %mul3A_1 = arith.constant 624 : i32
    %mul3A_2 = arith.muli %arg1, %mul3A_1 : i32
    "tpu.region"() ({
      %run_scoped3A = tpu.sem_alloc : memref<!tpu.dma_semaphore, #tpu.memory_space<semaphore_mem>>
      %dma_start3A_405 = arith.constant 0 : i32
      %dma_start3A_406 = tpu.memref_slice %arg22[%mul3A_2, %dma_start3A_405] : memref<10000x128xf32, #tpu.memory_space<vmem_shared>> -> memref<624x128xf32, #tpu.memory_space<vmem_shared>>
      %dma_start3A_407 = arith.constant 0 : i32
      %dma_start3A_408 = tpu.memref_slice %arg7[%mul3A_2, %dma_start3A_407] : memref<10000x128xf32, #tpu.memory_space<hbm>> -> memref<624x128xf32, #tpu.memory_space<hbm>>
      tpu.enqueue_dma source(%dma_start3A_408 : memref<624x128xf32, #tpu.memory_space<hbm>>) target(%dma_start3A_406 : memref<624x128xf32, #tpu.memory_space<vmem_shared>>) target_semaphore(%run_scoped3A : memref<!tpu.dma_semaphore, #tpu.memory_space<semaphore_mem>>)
      %dma_wait3A_409 = arith.constant 0 : i32
      %dma_wait3A_410 = tpu.memref_slice %arg22[%mul3A_2, %dma_wait3A_409] : memref<10000x128xf32, #tpu.memory_space<vmem_shared>> -> memref<624x128xf32, #tpu.memory_space<vmem_shared>>
      %dma_wait3A_411 = arith.constant 0 : i32
      %dma_wait3A_412 = tpu.memref_slice %arg7[%mul3A_2, %dma_wait3A_411] : memref<10000x128xf32, #tpu.memory_space<hbm>> -> memref<624x128xf32, #tpu.memory_space<hbm>>
      tpu.wait_dma2 semaphore(%run_scoped3A : memref<!tpu.dma_semaphore, #tpu.memory_space<semaphore_mem>>) src(%dma_wait3A_412 : memref<624x128xf32, #tpu.memory_space<hbm>>) dst(%dma_wait3A_410 : memref<624x128xf32, #tpu.memory_space<vmem_shared>>)
      tpu.yield
    }) : () -> ()
    %eq3A = arith.constant 15 : i32
    %eq3A_3 = arith.cmpi eq, %arg1, %eq3A : i32
    %convert_element_type3A = arith.extui %eq3A_3 : i1 to i32
    %cond3A = arith.constant 0 : i32
    %cond3A_4 = arith.cmpi ne, %convert_element_type3A, %cond3A : i32
    scf.if %cond3A_4 {
      "tpu.region"() ({
        %run_scoped3A = tpu.sem_alloc : memref<!tpu.dma_semaphore, #tpu.memory_space<semaphore_mem>>
        %dma_start3A_405 = arith.constant 9984 : i32
        %dma_start3A_406 = arith.constant 0 : i32
        %dma_start3A_407 = tpu.memref_slice %arg22[%dma_start3A_405, %dma_start3A_406] : memref<10000x128xf32, #tpu.memory_space<vmem_shared>> -> memref<16x128xf32, #tpu.memory_space<vmem_shared>>
        %dma_start3A_408 = arith.constant 9984 : i32
        %dma_start3A_409 = arith.constant 0 : i32
        %dma_start3A_410 = tpu.memref_slice %arg7[%dma_start3A_408, %dma_start3A_409] : memref<10000x128xf32, #tpu.memory_space<hbm>> -> memref<16x128xf32, #tpu.memory_space<hbm>>
        tpu.enqueue_dma source(%dma_start3A_410 : memref<16x128xf32, #tpu.memory_space<hbm>>) target(%dma_start3A_407 : memref<16x128xf32, #tpu.memory_space<vmem_shared>>) target_semaphore(%run_scoped3A : memref<!tpu.dma_semaphore, #tpu.memory_space<semaphore_mem>>)
        %dma_wait3A_411 = arith.constant 9984 : i32
        %dma_wait3A_412 = arith.constant 0 : i32
        %dma_wait3A_413 = tpu.memref_slice %arg22[%dma_wait3A_411, %dma_wait3A_412] : memref<10000x128xf32, #tpu.memory_space<vmem_shared>> -> memref<16x128xf32, #tpu.memory_space<vmem_shared>>
        %dma_wait3A_414 = arith.constant 9984 : i32
        %dma_wait3A_415 = arith.constant 0 : i32
        %dma_wait3A_416 = tpu.memref_slice %arg7[%dma_wait3A_414, %dma_wait3A_415] : memref<10000x128xf32, #tpu.memory_space<hbm>> -> memref<16x128xf32, #tpu.memory_space<hbm>>
        tpu.wait_dma2 semaphore(%run_scoped3A : memref<!tpu.dma_semaphore, #tpu.memory_space<semaphore_mem>>) src(%dma_wait3A_416 : memref<16x128xf32, #tpu.memory_space<hbm>>) dst(%dma_wait3A_413 : memref<16x128xf32, #tpu.memory_space<vmem_shared>>)
        tpu.yield
      }) : () -> ()
    } else {
    }
    %mul3A_5 = arith.constant 624 : i32
    %mul3A_6 = arith.muli %arg1, %mul3A_5 : i32
    "tpu.region"() ({
      %run_scoped3A = tpu.sem_alloc : memref<!tpu.dma_semaphore, #tpu.memory_space<semaphore_mem>>
      %dma_start3A_405 = arith.constant 0 : i32
      %dma_start3A_406 = tpu.memref_slice %arg23[%mul3A_6, %dma_start3A_405] : memref<10000x16xf32, #tpu.memory_space<vmem_shared>> -> memref<624x16xf32, #tpu.memory_space<vmem_shared>>
      %dma_start3A_407 = arith.constant 0 : i32
      %dma_start3A_408 = tpu.memref_slice %arg8[%mul3A_6, %dma_start3A_407] : memref<10000x16xf32, #tpu.memory_space<hbm>> -> memref<624x16xf32, #tpu.memory_space<hbm>>
      tpu.enqueue_dma source(%dma_start3A_408 : memref<624x16xf32, #tpu.memory_space<hbm>>) target(%dma_start3A_406 : memref<624x16xf32, #tpu.memory_space<vmem_shared>>) target_semaphore(%run_scoped3A : memref<!tpu.dma_semaphore, #tpu.memory_space<semaphore_mem>>)
      %dma_wait3A_409 = arith.constant 0 : i32
      %dma_wait3A_410 = tpu.memref_slice %arg23[%mul3A_6, %dma_wait3A_409] : memref<10000x16xf32, #tpu.memory_space<vmem_shared>> -> memref<624x16xf32, #tpu.memory_space<vmem_shared>>
      %dma_wait3A_411 = arith.constant 0 : i32
      %dma_wait3A_412 = tpu.memref_slice %arg8[%mul3A_6, %dma_wait3A_411] : memref<10000x16xf32, #tpu.memory_space<hbm>> -> memref<624x16xf32, #tpu.memory_space<hbm>>
      tpu.wait_dma2 semaphore(%run_scoped3A : memref<!tpu.dma_semaphore, #tpu.memory_space<semaphore_mem>>) src(%dma_wait3A_412 : memref<624x16xf32, #tpu.memory_space<hbm>>) dst(%dma_wait3A_410 : memref<624x16xf32, #tpu.memory_space<vmem_shared>>)
      tpu.yield
    }) : () -> ()
    %eq3A_7 = arith.constant 15 : i32
    %eq3A_8 = arith.cmpi eq, %arg1, %eq3A_7 : i32
    %convert_element_type3A_9 = arith.extui %eq3A_8 : i1 to i32
    %cond3A_10 = arith.constant 0 : i32
    %cond3A_11 = arith.cmpi ne, %convert_element_type3A_9, %cond3A_10 : i32
    scf.if %cond3A_11 {
      "tpu.region"() ({
        %run_scoped3A = tpu.sem_alloc : memref<!tpu.dma_semaphore, #tpu.memory_space<semaphore_mem>>
        %dma_start3A_405 = arith.constant 9984 : i32
        %dma_start3A_406 = arith.constant 0 : i32
        %dma_start3A_407 = tpu.memref_slice %arg23[%dma_start3A_405, %dma_start3A_406] : memref<10000x16xf32, #tpu.memory_space<vmem_shared>> -> memref<16x16xf32, #tpu.memory_space<vmem_shared>>
        %dma_start3A_408 = arith.constant 9984 : i32
        %dma_start3A_409 = arith.constant 0 : i32
        %dma_start3A_410 = tpu.memref_slice %arg8[%dma_start3A_408, %dma_start3A_409] : memref<10000x16xf32, #tpu.memory_space<hbm>> -> memref<16x16xf32, #tpu.memory_space<hbm>>
        tpu.enqueue_dma source(%dma_start3A_410 : memref<16x16xf32, #tpu.memory_space<hbm>>) target(%dma_start3A_407 : memref<16x16xf32, #tpu.memory_space<vmem_shared>>) target_semaphore(%run_scoped3A : memref<!tpu.dma_semaphore, #tpu.memory_space<semaphore_mem>>)
        %dma_wait3A_411 = arith.constant 9984 : i32
        %dma_wait3A_412 = arith.constant 0 : i32
        %dma_wait3A_413 = tpu.memref_slice %arg23[%dma_wait3A_411, %dma_wait3A_412] : memref<10000x16xf32, #tpu.memory_space<vmem_shared>> -> memref<16x16xf32, #tpu.memory_space<vmem_shared>>
        %dma_wait3A_414 = arith.constant 9984 : i32
        %dma_wait3A_415 = arith.constant 0 : i32
        %dma_wait3A_416 = tpu.memref_slice %arg8[%dma_wait3A_414, %dma_wait3A_415] : memref<10000x16xf32, #tpu.memory_space<hbm>> -> memref<16x16xf32, #tpu.memory_space<hbm>>
        tpu.wait_dma2 semaphore(%run_scoped3A : memref<!tpu.dma_semaphore, #tpu.memory_space<semaphore_mem>>) src(%dma_wait3A_416 : memref<16x16xf32, #tpu.memory_space<hbm>>) dst(%dma_wait3A_413 : memref<16x16xf32, #tpu.memory_space<vmem_shared>>)
        tpu.yield
      }) : () -> ()
    } else {
    }
    "tpu.region"() ({
      %run_scoped3A = tpu.sem_alloc : memref<!tpu.dma_semaphore, #tpu.memory_space<semaphore_mem>>
      %dma_start3A_405 = arith.constant 0 : i32
      %dma_start3A_406 = arith.constant 0 : i32
      %dma_start3A_407 = tpu.memref_slice %arg6[%add3A, %dma_start3A_405, %dma_start3A_406] : memref<32x125x80xi32, #tpu.memory_space<hbm>> -> memref<1x125x80xi32, #tpu.memory_space<hbm>>
      %dma_start3A_408 = tpu.memref_squeeze %dma_start3A_407 : memref<1x125x80xi32, #tpu.memory_space<hbm>> -> memref<125x80xi32, #tpu.memory_space<hbm>>
      %dma_start3A_409 = arith.constant 0 : i32
      %dma_start3A_410 = arith.constant 0 : i32
      %dma_start3A_411 = tpu.memref_slice %arg6[%add3A, %dma_start3A_409, %dma_start3A_410] : memref<32x125x80xi32, #tpu.memory_space<hbm>> -> memref<1x125x80xi32, #tpu.memory_space<hbm>>
      %dma_start3A_412 = tpu.memref_squeeze %dma_start3A_411 : memref<1x125x80xi32, #tpu.memory_space<hbm>> -> memref<125x80xi32, #tpu.memory_space<hbm>>
      tpu.enqueue_dma source(%dma_start3A_412 : memref<125x80xi32, #tpu.memory_space<hbm>>) target(%arg11 : memref<125x80xi32, #tpu.memory_space<vmem>>) target_semaphore(%run_scoped3A : memref<!tpu.dma_semaphore, #tpu.memory_space<semaphore_mem>>)
      %dma_wait3A_413 = arith.constant 0 : i32
      %dma_wait3A_414 = arith.constant 0 : i32
      %dma_wait3A_415 = tpu.memref_slice %arg6[%add3A, %dma_wait3A_413, %dma_wait3A_414] : memref<32x125x80xi32, #tpu.memory_space<hbm>> -> memref<1x125x80xi32, #tpu.memory_space<hbm>>
      %dma_wait3A_416 = tpu.memref_squeeze %dma_wait3A_415 : memref<1x125x80xi32, #tpu.memory_space<hbm>> -> memref<125x80xi32, #tpu.memory_space<hbm>>
      %dma_wait3A_417 = arith.constant 0 : i32
      %dma_wait3A_418 = arith.constant 0 : i32
      %dma_wait3A_419 = tpu.memref_slice %arg6[%add3A, %dma_wait3A_417, %dma_wait3A_418] : memref<32x125x80xi32, #tpu.memory_space<hbm>> -> memref<1x125x80xi32, #tpu.memory_space<hbm>>
      %dma_wait3A_420 = tpu.memref_squeeze %dma_wait3A_419 : memref<1x125x80xi32, #tpu.memory_space<hbm>> -> memref<125x80xi32, #tpu.memory_space<hbm>>
      tpu.wait_dma2 semaphore(%run_scoped3A : memref<!tpu.dma_semaphore, #tpu.memory_space<semaphore_mem>>) src(%dma_wait3A_420 : memref<125x80xi32, #tpu.memory_space<hbm>>) dst(%arg11 : memref<125x80xi32, #tpu.memory_space<vmem>>)
      tpu.yield
    }) : () -> ()
    %barrier3A = arith.constant 0 : index
    tpu.barrier barrier_id(%barrier3A)
    %dma_start3A = arith.constant 0 : i32
    %dma_start3A_12 = arith.constant 0 : i32
    %dma_start3A_13 = tpu.memref_slice %arg5[%add3A, %dma_start3A, %dma_start3A_12] : memref<32x125x80xi32, #tpu.memory_space<hbm>> -> memref<1x1x80xi32, #tpu.memory_space<hbm>>
    %dma_start3A_14 = tpu.memref_squeeze %dma_start3A_13 : memref<1x1x80xi32, #tpu.memory_space<hbm>> -> memref<80xi32, #tpu.memory_space<hbm>>
    %dma_start3A_15 = arith.constant 0 : i32
    %dma_start3A_16 = tpu.memref_slice %arg5[%add3A, %dma_start3A, %dma_start3A_15] : memref<32x125x80xi32, #tpu.memory_space<hbm>> -> memref<1x1x80xi32, #tpu.memory_space<hbm>>
    %dma_start3A_17 = tpu.memref_squeeze %dma_start3A_16 : memref<1x1x80xi32, #tpu.memory_space<hbm>> -> memref<80xi32, #tpu.memory_space<hbm>>
    tpu.enqueue_dma source(%dma_start3A_17 : memref<80xi32, #tpu.memory_space<hbm>>) target(%arg12 : memref<80xi32, #tpu.memory_space<vmem>>) target_semaphore(%arg24 : memref<!tpu.dma_semaphore, #tpu.memory_space<semaphore_mem>>)
    %dma_wait3A = arith.constant 0 : i32
    %dma_wait3A_18 = arith.constant 0 : i32
    %dma_wait3A_19 = arith.constant 0 : i32
    %dma_wait3A_20 = tpu.memref_slice %arg5[%dma_wait3A, %dma_wait3A_18, %dma_wait3A_19] : memref<32x125x80xi32, #tpu.memory_space<hbm>> -> memref<1x1x80xi32, #tpu.memory_space<hbm>>
    %dma_wait3A_21 = tpu.memref_squeeze %dma_wait3A_20 : memref<1x1x80xi32, #tpu.memory_space<hbm>> -> memref<80xi32, #tpu.memory_space<hbm>>
    %dma_wait3A_22 = arith.constant 0 : i32
    %dma_wait3A_23 = tpu.memref_slice %arg5[%dma_wait3A, %dma_wait3A_18, %dma_wait3A_22] : memref<32x125x80xi32, #tpu.memory_space<hbm>> -> memref<1x1x80xi32, #tpu.memory_space<hbm>>
    %dma_wait3A_24 = tpu.memref_squeeze %dma_wait3A_23 : memref<1x1x80xi32, #tpu.memory_space<hbm>> -> memref<80xi32, #tpu.memory_space<hbm>>
    tpu.wait_dma2 semaphore(%arg24 : memref<!tpu.dma_semaphore, #tpu.memory_space<semaphore_mem>>) src(%dma_wait3A_24 : memref<80xi32, #tpu.memory_space<hbm>>) dst(%arg12 : memref<80xi32, #tpu.memory_space<vmem>>)
    %dma_start3A_25 = arith.constant 0 : i32
    %dma_start3A_26 = arith.constant 0 : i32
    %dma_start3A_27 = tpu.memref_slice %arg3[%dma_start3A_25, %dma_start3A_26] : memref<10000x16xf32, #tpu.memory_space<hbm>> -> memref<10000x16xf32, #tpu.memory_space<hbm>>
    tpu.enqueue_indirect_dma source(%dma_start3A_27 : memref<10000x16xf32, #tpu.memory_space<hbm>>) target(%arg14 : memref<80x16xf32, #tpu.memory_space<vmem>>) offsets(%arg12 : memref<80xi32, #tpu.memory_space<vmem>>) semaphore(%arg26 : memref<!tpu.dma_semaphore, #tpu.memory_space<semaphore_mem>>)
    %dma_start3A_28 = arith.constant 0 : i32
    %dma_start3A_29 = arith.constant 0 : i32
    %dma_start3A_30 = tpu.memref_slice %arg11[%dma_start3A_28, %dma_start3A_29] : memref<125x80xi32, #tpu.memory_space<vmem>> -> memref<1x80xi32, #tpu.memory_space<vmem>>
    %dma_start3A_31 = tpu.memref_squeeze %dma_start3A_30 : memref<1x80xi32, #tpu.memory_space<vmem>> -> memref<80xi32, #tpu.memory_space<vmem>>
    %dma_start3A_32 = arith.constant 0 : i32
    %dma_start3A_33 = arith.constant 0 : i32
    %dma_start3A_34 = tpu.memref_slice %arg4[%dma_start3A_32, %dma_start3A_33] : memref<10000x16xf32, #tpu.memory_space<hbm>> -> memref<10000x16xf32, #tpu.memory_space<hbm>>
    tpu.enqueue_indirect_dma source(%dma_start3A_34 : memref<10000x16xf32, #tpu.memory_space<hbm>>) target(%arg16 : memref<80x16xf32, #tpu.memory_space<vmem>>) offsets(%dma_start3A_31 : memref<80xi32, #tpu.memory_space<vmem>>) semaphore(%arg26 : memref<!tpu.dma_semaphore, #tpu.memory_space<semaphore_mem>>)
    %dma_start3A_35 = arith.constant 0 : i32
    %dma_start3A_36 = arith.constant 0 : i32
    %dma_start3A_37 = tpu.memref_slice %arg2[%dma_start3A_35, %dma_start3A_36] : memref<10000x128xf32, #tpu.memory_space<hbm>> -> memref<10000x128xf32, #tpu.memory_space<hbm>>
    tpu.enqueue_indirect_dma source(%dma_start3A_37 : memref<10000x128xf32, #tpu.memory_space<hbm>>) target(%arg18 : memref<80x128xf32, #tpu.memory_space<vmem>>) offsets(%arg12 : memref<80xi32, #tpu.memory_space<vmem>>) semaphore(%arg26 : memref<!tpu.dma_semaphore, #tpu.memory_space<semaphore_mem>>)
    %dma_start3A_38 = arith.constant 1 : i32
    %dma_start3A_39 = arith.constant 0 : i32
    %dma_start3A_40 = tpu.memref_slice %arg5[%add3A, %dma_start3A_38, %dma_start3A_39] : memref<32x125x80xi32, #tpu.memory_space<hbm>> -> memref<1x1x80xi32, #tpu.memory_space<hbm>>
    %dma_start3A_41 = tpu.memref_squeeze %dma_start3A_40 : memref<1x1x80xi32, #tpu.memory_space<hbm>> -> memref<80xi32, #tpu.memory_space<hbm>>
    %dma_start3A_42 = arith.constant 0 : i32
    %dma_start3A_43 = tpu.memref_slice %arg5[%add3A, %dma_start3A_38, %dma_start3A_42] : memref<32x125x80xi32, #tpu.memory_space<hbm>> -> memref<1x1x80xi32, #tpu.memory_space<hbm>>
    %dma_start3A_44 = tpu.memref_squeeze %dma_start3A_43 : memref<1x1x80xi32, #tpu.memory_space<hbm>> -> memref<80xi32, #tpu.memory_space<hbm>>
    tpu.enqueue_dma source(%dma_start3A_44 : memref<80xi32, #tpu.memory_space<hbm>>) target(%arg13 : memref<80xi32, #tpu.memory_space<vmem>>) target_semaphore(%arg25 : memref<!tpu.dma_semaphore, #tpu.memory_space<semaphore_mem>>)
    %dma_wait3A_45 = arith.constant 0 : i32
    %dma_wait3A_46 = arith.constant 0 : i32
    %dma_wait3A_47 = arith.constant 0 : i32
    %dma_wait3A_48 = tpu.memref_slice %arg5[%dma_wait3A_45, %dma_wait3A_46, %dma_wait3A_47] : memref<32x125x80xi32, #tpu.memory_space<hbm>> -> memref<1x1x80xi32, #tpu.memory_space<hbm>>
    %dma_wait3A_49 = tpu.memref_squeeze %dma_wait3A_48 : memref<1x1x80xi32, #tpu.memory_space<hbm>> -> memref<80xi32, #tpu.memory_space<hbm>>
    %dma_wait3A_50 = arith.constant 0 : i32
    %dma_wait3A_51 = tpu.memref_slice %arg5[%dma_wait3A_45, %dma_wait3A_46, %dma_wait3A_50] : memref<32x125x80xi32, #tpu.memory_space<hbm>> -> memref<1x1x80xi32, #tpu.memory_space<hbm>>
    %dma_wait3A_52 = tpu.memref_squeeze %dma_wait3A_51 : memref<1x1x80xi32, #tpu.memory_space<hbm>> -> memref<80xi32, #tpu.memory_space<hbm>>
    tpu.wait_dma2 semaphore(%arg25 : memref<!tpu.dma_semaphore, #tpu.memory_space<semaphore_mem>>) src(%dma_wait3A_52 : memref<80xi32, #tpu.memory_space<hbm>>) dst(%arg13 : memref<80xi32, #tpu.memory_space<vmem>>)
    %dma_wait3A_53 = arith.constant 0 : i32
    %dma_wait3A_54 = arith.constant 0 : i32
    %dma_wait3A_55 = tpu.memref_slice %arg8[%dma_wait3A_53, %dma_wait3A_54] : memref<10000x16xf32, #tpu.memory_space<hbm>> -> memref<80x16xf32, #tpu.memory_space<hbm>>
    %dma_wait3A_56 = arith.constant 0 : i32
    %dma_wait3A_57 = arith.constant 0 : i32
    %dma_wait3A_58 = tpu.memref_slice %arg8[%dma_wait3A_56, %dma_wait3A_57] : memref<10000x16xf32, #tpu.memory_space<hbm>> -> memref<80x16xf32, #tpu.memory_space<hbm>>
    tpu.wait_dma2 semaphore(%arg26 : memref<!tpu.dma_semaphore, #tpu.memory_space<semaphore_mem>>) src(%dma_wait3A_58 : memref<80x16xf32, #tpu.memory_space<hbm>>) dst(%arg14 : memref<80x16xf32, #tpu.memory_space<vmem>>)
    %dma_wait3A_59 = arith.constant 0 : i32
    %dma_wait3A_60 = arith.constant 0 : i32
    %dma_wait3A_61 = tpu.memref_slice %arg8[%dma_wait3A_59, %dma_wait3A_60] : memref<10000x16xf32, #tpu.memory_space<hbm>> -> memref<80x16xf32, #tpu.memory_space<hbm>>
    %dma_wait3A_62 = arith.constant 0 : i32
    %dma_wait3A_63 = arith.constant 0 : i32
    %dma_wait3A_64 = tpu.memref_slice %arg8[%dma_wait3A_62, %dma_wait3A_63] : memref<10000x16xf32, #tpu.memory_space<hbm>> -> memref<80x16xf32, #tpu.memory_space<hbm>>
    tpu.wait_dma2 semaphore(%arg26 : memref<!tpu.dma_semaphore, #tpu.memory_space<semaphore_mem>>) src(%dma_wait3A_64 : memref<80x16xf32, #tpu.memory_space<hbm>>) dst(%arg16 : memref<80x16xf32, #tpu.memory_space<vmem>>)
    %dma_wait3A_65 = arith.constant 0 : i32
    %dma_wait3A_66 = arith.constant 0 : i32
    %dma_wait3A_67 = tpu.memref_slice %arg7[%dma_wait3A_65, %dma_wait3A_66] : memref<10000x128xf32, #tpu.memory_space<hbm>> -> memref<80x128xf32, #tpu.memory_space<hbm>>
    %dma_wait3A_68 = arith.constant 0 : i32
    %dma_wait3A_69 = arith.constant 0 : i32
    %dma_wait3A_70 = tpu.memref_slice %arg7[%dma_wait3A_68, %dma_wait3A_69] : memref<10000x128xf32, #tpu.memory_space<hbm>> -> memref<80x128xf32, #tpu.memory_space<hbm>>
    tpu.wait_dma2 semaphore(%arg26 : memref<!tpu.dma_semaphore, #tpu.memory_space<semaphore_mem>>) src(%dma_wait3A_70 : memref<80x128xf32, #tpu.memory_space<hbm>>) dst(%arg18 : memref<80x128xf32, #tpu.memory_space<vmem>>)
    %parallel_loop3A = arith.constant 0 : i32
    %parallel_loop3A_71 = arith.constant 80 : i32
    %parallel_loop3A_72 = arith.constant 1 : i32
    scf.for %parallel_loop3A_405 = %parallel_loop3A to %parallel_loop3A_71 step %parallel_loop3A_72  : i32 {
      %parallel_loop3A_406 = arith.index_cast %parallel_loop3A_405 : i32 to index
      %parallel_loop3A_407 = arith.constant 0 : index
      %parallel_loop3A_408 = tpu.vector_load %arg14[%parallel_loop3A_406, %parallel_loop3A_407] {strides = array<i32>} : memref<80x16xf32, #tpu.memory_space<vmem>>, vector<1x16xf32>,
      %parallel_loop3A_409 = vector.shape_cast %parallel_loop3A_408 : vector<1x16xf32> to vector<16xf32>
      %parallel_loop3A_410 = arith.index_cast %parallel_loop3A_405 : i32 to index
      %parallel_loop3A_411 = arith.constant 0 : index
      %parallel_loop3A_412 = tpu.vector_load %arg16[%parallel_loop3A_410, %parallel_loop3A_411] {strides = array<i32>} : memref<80x16xf32, #tpu.memory_space<vmem>>, vector<1x16xf32>,
      %parallel_loop3A_413 = vector.shape_cast %parallel_loop3A_412 : vector<1x16xf32> to vector<16xf32>
      %parallel_loop3A_414 = arith.addf %parallel_loop3A_409, %parallel_loop3A_413 : vector<16xf32>
      %parallel_loop3A_415 = arith.constant 0.000000e+00 : f32
      %parallel_loop3A_416 = vector.broadcast %parallel_loop3A_415 : f32 to vector<16xf32>
      %parallel_loop3A_417 = arith.cmpf oge, %parallel_loop3A_414, %parallel_loop3A_416 : vector<16xf32>
      %parallel_loop3A_418 = arith.constant 2.000000e-01 : f32
      %parallel_loop3A_419 = vector.broadcast %parallel_loop3A_418 : f32 to vector<16xf32>
      %parallel_loop3A_420 = arith.mulf %parallel_loop3A_419, %parallel_loop3A_414 : vector<16xf32>
      %parallel_loop3A_421 = arith.select %parallel_loop3A_417, %parallel_loop3A_414, %parallel_loop3A_420 : vector<16xi1>, vector<16xf32>
      %parallel_loop3A_422 = math.exp %parallel_loop3A_421 : vector<16xf32>
      %parallel_loop3A_423 = arith.index_cast %parallel_loop3A_405 : i32 to index
      %parallel_loop3A_424 = arith.constant 0 : index
      %parallel_loop3A_425 = tpu.vector_load %arg20[%parallel_loop3A_423, %parallel_loop3A_424] {strides = array<i32>} : memref<80x16xf32, #tpu.memory_space<vmem>>, vector<1x16xf32>,
      %parallel_loop3A_426 = vector.shape_cast %parallel_loop3A_425 : vector<1x16xf32> to vector<16xf32>
      %parallel_loop3A_427 = vector.shape_cast %parallel_loop3A_422 : vector<16xf32> to vector<1x16xf32>
      tpu.vector_store %arg20[%parallel_loop3A_423, %parallel_loop3A_424], %parallel_loop3A_427 {strides = array<i32>} : memref<80x16xf32, #tpu.memory_space<vmem>>, vector<1x16xf32>,
      %parallel_loop3A_428 = arith.constant 0 : i32
      %parallel_loop3A_429 = vector.broadcast %parallel_loop3A_428 : i32 to vector<16x1xi32>
      %parallel_loop3A_430 = vector.shape_cast %parallel_loop3A_429 : vector<16x1xi32> to vector<16xi32>
      %parallel_loop3A_431 = tpu.dynamic_gather %parallel_loop3A_422[%parallel_loop3A_430] in [0] : vector<16xf32>, vector<16xi32> -> vector<16xf32>
      %parallel_loop3A_432 = arith.index_cast %parallel_loop3A_405 : i32 to index
      %parallel_loop3A_433 = arith.constant 0 : index
      %parallel_loop3A_434 = tpu.vector_load %arg18[%parallel_loop3A_432, %parallel_loop3A_433] {strides = array<i32>} : memref<80x128xf32, #tpu.memory_space<vmem>>, vector<1x16xf32>,
      %parallel_loop3A_435 = vector.shape_cast %parallel_loop3A_434 : vector<1x16xf32> to vector<16xf32>
      %parallel_loop3A_436 = arith.mulf %parallel_loop3A_435, %parallel_loop3A_431 : vector<16xf32>
      %parallel_loop3A_437 = arith.index_cast %parallel_loop3A_405 : i32 to index
      %parallel_loop3A_438 = arith.constant 0 : index
      %parallel_loop3A_439 = tpu.vector_load %arg18[%parallel_loop3A_437, %parallel_loop3A_438] {strides = array<i32>} : memref<80x128xf32, #tpu.memory_space<vmem>>, vector<1x16xf32>,
      %parallel_loop3A_440 = vector.shape_cast %parallel_loop3A_439 : vector<1x16xf32> to vector<16xf32>
      %parallel_loop3A_441 = vector.shape_cast %parallel_loop3A_436 : vector<16xf32> to vector<1x16xf32>
      tpu.vector_store %arg18[%parallel_loop3A_437, %parallel_loop3A_438], %parallel_loop3A_441 {strides = array<i32>} : memref<80x128xf32, #tpu.memory_space<vmem>>, vector<1x16xf32>,
      %parallel_loop3A_442 = arith.constant 1 : i32
      %parallel_loop3A_443 = vector.broadcast %parallel_loop3A_442 : i32 to vector<16x1xi32>
      %parallel_loop3A_444 = vector.shape_cast %parallel_loop3A_443 : vector<16x1xi32> to vector<16xi32>
      %parallel_loop3A_445 = tpu.dynamic_gather %parallel_loop3A_422[%parallel_loop3A_444] in [0] : vector<16xf32>, vector<16xi32> -> vector<16xf32>
      %parallel_loop3A_446 = arith.index_cast %parallel_loop3A_405 : i32 to index
      %parallel_loop3A_447 = arith.constant 16 : index
      %parallel_loop3A_448 = tpu.vector_load %arg18[%parallel_loop3A_446, %parallel_loop3A_447] {strides = array<i32>} : memref<80x128xf32, #tpu.memory_space<vmem>>, vector<1x16xf32>,
      %parallel_loop3A_449 = vector.shape_cast %parallel_loop3A_448 : vector<1x16xf32> to vector<16xf32>
      %parallel_loop3A_450 = arith.mulf %parallel_loop3A_449, %parallel_loop3A_445 : vector<16xf32>
      %parallel_loop3A_451 = arith.index_cast %parallel_loop3A_405 : i32 to index
      %parallel_loop3A_452 = arith.constant 16 : index
      %parallel_loop3A_453 = tpu.vector_load %arg18[%parallel_loop3A_451, %parallel_loop3A_452] {strides = array<i32>} : memref<80x128xf32, #tpu.memory_space<vmem>>, vector<1x16xf32>,
      %parallel_loop3A_454 = vector.shape_cast %parallel_loop3A_453 : vector<1x16xf32> to vector<16xf32>
      %parallel_loop3A_455 = vector.shape_cast %parallel_loop3A_450 : vector<16xf32> to vector<1x16xf32>
      tpu.vector_store %arg18[%parallel_loop3A_451, %parallel_loop3A_452], %parallel_loop3A_455 {strides = array<i32>} : memref<80x128xf32, #tpu.memory_space<vmem>>, vector<1x16xf32>,
      %parallel_loop3A_456 = arith.constant 2 : i32
      %parallel_loop3A_457 = vector.broadcast %parallel_loop3A_456 : i32 to vector<16x1xi32>
      %parallel_loop3A_458 = vector.shape_cast %parallel_loop3A_457 : vector<16x1xi32> to vector<16xi32>
      %parallel_loop3A_459 = tpu.dynamic_gather %parallel_loop3A_422[%parallel_loop3A_458] in [0] : vector<16xf32>, vector<16xi32> -> vector<16xf32>
      %parallel_loop3A_460 = arith.index_cast %parallel_loop3A_405 : i32 to index
      %parallel_loop3A_461 = arith.constant 32 : index
      %parallel_loop3A_462 = tpu.vector_load %arg18[%parallel_loop3A_460, %parallel_loop3A_461] {strides = array<i32>} : memref<80x128xf32, #tpu.memory_space<vmem>>, vector<1x16xf32>,
      %parallel_loop3A_463 = vector.shape_cast %parallel_loop3A_462 : vector<1x16xf32> to vector<16xf32>
      %parallel_loop3A_464 = arith.mulf %parallel_loop3A_463, %parallel_loop3A_459 : vector<16xf32>
      %parallel_loop3A_465 = arith.index_cast %parallel_loop3A_405 : i32 to index
      %parallel_loop3A_466 = arith.constant 32 : index
      %parallel_loop3A_467 = tpu.vector_load %arg18[%parallel_loop3A_465, %parallel_loop3A_466] {strides = array<i32>} : memref<80x128xf32, #tpu.memory_space<vmem>>, vector<1x16xf32>,
      %parallel_loop3A_468 = vector.shape_cast %parallel_loop3A_467 : vector<1x16xf32> to vector<16xf32>
      %parallel_loop3A_469 = vector.shape_cast %parallel_loop3A_464 : vector<16xf32> to vector<1x16xf32>
      tpu.vector_store %arg18[%parallel_loop3A_465, %parallel_loop3A_466], %parallel_loop3A_469 {strides = array<i32>} : memref<80x128xf32, #tpu.memory_space<vmem>>, vector<1x16xf32>,
      %parallel_loop3A_470 = arith.constant 3 : i32
      %parallel_loop3A_471 = vector.broadcast %parallel_loop3A_470 : i32 to vector<16x1xi32>
      %parallel_loop3A_472 = vector.shape_cast %parallel_loop3A_471 : vector<16x1xi32> to vector<16xi32>
      %parallel_loop3A_473 = tpu.dynamic_gather %parallel_loop3A_422[%parallel_loop3A_472] in [0] : vector<16xf32>, vector<16xi32> -> vector<16xf32>
      %parallel_loop3A_474 = arith.index_cast %parallel_loop3A_405 : i32 to index
      %parallel_loop3A_475 = arith.constant 48 : index
      %parallel_loop3A_476 = tpu.vector_load %arg18[%parallel_loop3A_474, %parallel_loop3A_475] {strides = array<i32>} : memref<80x128xf32, #tpu.memory_space<vmem>>, vector<1x16xf32>,
      %parallel_loop3A_477 = vector.shape_cast %parallel_loop3A_476 : vector<1x16xf32> to vector<16xf32>
      %parallel_loop3A_478 = arith.mulf %parallel_loop3A_477, %parallel_loop3A_473 : vector<16xf32>
      %parallel_loop3A_479 = arith.index_cast %parallel_loop3A_405 : i32 to index
      %parallel_loop3A_480 = arith.constant 48 : index
      %parallel_loop3A_481 = tpu.vector_load %arg18[%parallel_loop3A_479, %parallel_loop3A_480] {strides = array<i32>} : memref<80x128xf32, #tpu.memory_space<vmem>>, vector<1x16xf32>,
      %parallel_loop3A_482 = vector.shape_cast %parallel_loop3A_481 : vector<1x16xf32> to vector<16xf32>
      %parallel_loop3A_483 = vector.shape_cast %parallel_loop3A_478 : vector<16xf32> to vector<1x16xf32>
      tpu.vector_store %arg18[%parallel_loop3A_479, %parallel_loop3A_480], %parallel_loop3A_483 {strides = array<i32>} : memref<80x128xf32, #tpu.memory_space<vmem>>, vector<1x16xf32>,
      %parallel_loop3A_484 = arith.constant 4 : i32
      %parallel_loop3A_485 = vector.broadcast %parallel_loop3A_484 : i32 to vector<16x1xi32>
      %parallel_loop3A_486 = vector.shape_cast %parallel_loop3A_485 : vector<16x1xi32> to vector<16xi32>
      %parallel_loop3A_487 = tpu.dynamic_gather %parallel_loop3A_422[%parallel_loop3A_486] in [0] : vector<16xf32>, vector<16xi32> -> vector<16xf32>
      %parallel_loop3A_488 = arith.index_cast %parallel_loop3A_405 : i32 to index
      %parallel_loop3A_489 = arith.constant 64 : index
      %parallel_loop3A_490 = tpu.vector_load %arg18[%parallel_loop3A_488, %parallel_loop3A_489] {strides = array<i32>} : memref<80x128xf32, #tpu.memory_space<vmem>>, vector<1x16xf32>,
      %parallel_loop3A_491 = vector.shape_cast %parallel_loop3A_490 : vector<1x16xf32> to vector<16xf32>
      %parallel_loop3A_492 = arith.mulf %parallel_loop3A_491, %parallel_loop3A_487 : vector<16xf32>
      %parallel_loop3A_493 = arith.index_cast %parallel_loop3A_405 : i32 to index
      %parallel_loop3A_494 = arith.constant 64 : index
      %parallel_loop3A_495 = tpu.vector_load %arg18[%parallel_loop3A_493, %parallel_loop3A_494] {strides = array<i32>} : memref<80x128xf32, #tpu.memory_space<vmem>>, vector<1x16xf32>,
      %parallel_loop3A_496 = vector.shape_cast %parallel_loop3A_495 : vector<1x16xf32> to vector<16xf32>
      %parallel_loop3A_497 = vector.shape_cast %parallel_loop3A_492 : vector<16xf32> to vector<1x16xf32>
      tpu.vector_store %arg18[%parallel_loop3A_493, %parallel_loop3A_494], %parallel_loop3A_497 {strides = array<i32>} : memref<80x128xf32, #tpu.memory_space<vmem>>, vector<1x16xf32>,
      %parallel_loop3A_498 = arith.constant 5 : i32
      %parallel_loop3A_499 = vector.broadcast %parallel_loop3A_498 : i32 to vector<16x1xi32>
      %parallel_loop3A_500 = vector.shape_cast %parallel_loop3A_499 : vector<16x1xi32> to vector<16xi32>
      %parallel_loop3A_501 = tpu.dynamic_gather %parallel_loop3A_422[%parallel_loop3A_500] in [0] : vector<16xf32>, vector<16xi32> -> vector<16xf32>
      %parallel_loop3A_502 = arith.index_cast %parallel_loop3A_405 : i32 to index
      %parallel_loop3A_503 = arith.constant 80 : index
      %parallel_loop3A_504 = tpu.vector_load %arg18[%parallel_loop3A_502, %parallel_loop3A_503] {strides = array<i32>} : memref<80x128xf32, #tpu.memory_space<vmem>>, vector<1x16xf32>,
      %parallel_loop3A_505 = vector.shape_cast %parallel_loop3A_504 : vector<1x16xf32> to vector<16xf32>
      %parallel_loop3A_506 = arith.mulf %parallel_loop3A_505, %parallel_loop3A_501 : vector<16xf32>
      %parallel_loop3A_507 = arith.index_cast %parallel_loop3A_405 : i32 to index
      %parallel_loop3A_508 = arith.constant 80 : index
      %parallel_loop3A_509 = tpu.vector_load %arg18[%parallel_loop3A_507, %parallel_loop3A_508] {strides = array<i32>} : memref<80x128xf32, #tpu.memory_space<vmem>>, vector<1x16xf32>,
      %parallel_loop3A_510 = vector.shape_cast %parallel_loop3A_509 : vector<1x16xf32> to vector<16xf32>
      %parallel_loop3A_511 = vector.shape_cast %parallel_loop3A_506 : vector<16xf32> to vector<1x16xf32>
      tpu.vector_store %arg18[%parallel_loop3A_507, %parallel_loop3A_508], %parallel_loop3A_511 {strides = array<i32>} : memref<80x128xf32, #tpu.memory_space<vmem>>, vector<1x16xf32>,
      %parallel_loop3A_512 = arith.constant 6 : i32
      %parallel_loop3A_513 = vector.broadcast %parallel_loop3A_512 : i32 to vector<16x1xi32>
      %parallel_loop3A_514 = vector.shape_cast %parallel_loop3A_513 : vector<16x1xi32> to vector<16xi32>
      %parallel_loop3A_515 = tpu.dynamic_gather %parallel_loop3A_422[%parallel_loop3A_514] in [0] : vector<16xf32>, vector<16xi32> -> vector<16xf32>
      %parallel_loop3A_516 = arith.index_cast %parallel_loop3A_405 : i32 to index
      %parallel_loop3A_517 = arith.constant 96 : index
      %parallel_loop3A_518 = tpu.vector_load %arg18[%parallel_loop3A_516, %parallel_loop3A_517] {strides = array<i32>} : memref<80x128xf32, #tpu.memory_space<vmem>>, vector<1x16xf32>,
      %parallel_loop3A_519 = vector.shape_cast %parallel_loop3A_518 : vector<1x16xf32> to vector<16xf32>
      %parallel_loop3A_520 = arith.mulf %parallel_loop3A_519, %parallel_loop3A_515 : vector<16xf32>
      %parallel_loop3A_521 = arith.index_cast %parallel_loop3A_405 : i32 to index
      %parallel_loop3A_522 = arith.constant 96 : index
      %parallel_loop3A_523 = tpu.vector_load %arg18[%parallel_loop3A_521, %parallel_loop3A_522] {strides = array<i32>} : memref<80x128xf32, #tpu.memory_space<vmem>>, vector<1x16xf32>,
      %parallel_loop3A_524 = vector.shape_cast %parallel_loop3A_523 : vector<1x16xf32> to vector<16xf32>
      %parallel_loop3A_525 = vector.shape_cast %parallel_loop3A_520 : vector<16xf32> to vector<1x16xf32>
      tpu.vector_store %arg18[%parallel_loop3A_521, %parallel_loop3A_522], %parallel_loop3A_525 {strides = array<i32>} : memref<80x128xf32, #tpu.memory_space<vmem>>, vector<1x16xf32>,
      %parallel_loop3A_526 = arith.constant 7 : i32
      %parallel_loop3A_527 = vector.broadcast %parallel_loop3A_526 : i32 to vector<16x1xi32>
      %parallel_loop3A_528 = vector.shape_cast %parallel_loop3A_527 : vector<16x1xi32> to vector<16xi32>
      %parallel_loop3A_529 = tpu.dynamic_gather %parallel_loop3A_422[%parallel_loop3A_528] in [0] : vector<16xf32>, vector<16xi32> -> vector<16xf32>
      %parallel_loop3A_530 = arith.index_cast %parallel_loop3A_405 : i32 to index
      %parallel_loop3A_531 = arith.constant 112 : index
      %parallel_loop3A_532 = tpu.vector_load %arg18[%parallel_loop3A_530, %parallel_loop3A_531] {strides = array<i32>} : memref<80x128xf32, #tpu.memory_space<vmem>>, vector<1x16xf32>,
      %parallel_loop3A_533 = vector.shape_cast %parallel_loop3A_532 : vector<1x16xf32> to vector<16xf32>
      %parallel_loop3A_534 = arith.mulf %parallel_loop3A_533, %parallel_loop3A_529 : vector<16xf32>
      %parallel_loop3A_535 = arith.index_cast %parallel_loop3A_405 : i32 to index
      %parallel_loop3A_536 = arith.constant 112 : index
      %parallel_loop3A_537 = tpu.vector_load %arg18[%parallel_loop3A_535, %parallel_loop3A_536] {strides = array<i32>} : memref<80x128xf32, #tpu.memory_space<vmem>>, vector<1x16xf32>,
      %parallel_loop3A_538 = vector.shape_cast %parallel_loop3A_537 : vector<1x16xf32> to vector<16xf32>
      %parallel_loop3A_539 = vector.shape_cast %parallel_loop3A_534 : vector<16xf32> to vector<1x16xf32>
      tpu.vector_store %arg18[%parallel_loop3A_535, %parallel_loop3A_536], %parallel_loop3A_539 {strides = array<i32>} : memref<80x128xf32, #tpu.memory_space<vmem>>, vector<1x16xf32>,
    } {sc.loop_unroll_factor = 4 : i64, sc.parallel_access}
    %dma_start3A_73 = arith.constant 0 : i32
    %dma_start3A_74 = arith.constant 0 : i32
    %dma_start3A_75 = tpu.memref_slice %arg11[%dma_start3A_73, %dma_start3A_74] : memref<125x80xi32, #tpu.memory_space<vmem>> -> memref<1x80xi32, #tpu.memory_space<vmem>>
    %dma_start3A_76 = tpu.memref_squeeze %dma_start3A_75 : memref<1x80xi32, #tpu.memory_space<vmem>> -> memref<80xi32, #tpu.memory_space<vmem>>
    %dma_start3A_77 = arith.constant 0 : i32
    %dma_start3A_78 = arith.constant 0 : i32
    %dma_start3A_79 = tpu.memref_slice %arg23[%dma_start3A_77, %dma_start3A_78] : memref<10000x16xf32, #tpu.memory_space<vmem_shared>> -> memref<10000x16xf32, #tpu.memory_space<vmem_shared>>
    tpu.enqueue_indirect_dma source(%arg20 : memref<80x16xf32, #tpu.memory_space<vmem>>) target(%dma_start3A_79 : memref<10000x16xf32, #tpu.memory_space<vmem_shared>>) offsets(%dma_start3A_76 : memref<80xi32, #tpu.memory_space<vmem>>) semaphore(%arg28 : memref<!tpu.dma_semaphore, #tpu.memory_space<semaphore_mem>>) {add = true}
    %dma_start3A_80 = arith.constant 0 : i32
    %dma_start3A_81 = arith.constant 0 : i32
    %dma_start3A_82 = tpu.memref_slice %arg11[%dma_start3A_80, %dma_start3A_81] : memref<125x80xi32, #tpu.memory_space<vmem>> -> memref<1x80xi32, #tpu.memory_space<vmem>>
    %dma_start3A_83 = tpu.memref_squeeze %dma_start3A_82 : memref<1x80xi32, #tpu.memory_space<vmem>> -> memref<80xi32, #tpu.memory_space<vmem>>
    %dma_start3A_84 = arith.constant 0 : i32
    %dma_start3A_85 = arith.constant 0 : i32
    %dma_start3A_86 = tpu.memref_slice %arg22[%dma_start3A_84, %dma_start3A_85] : memref<10000x128xf32, #tpu.memory_space<vmem_shared>> -> memref<10000x128xf32, #tpu.memory_space<vmem_shared>>
    tpu.enqueue_indirect_dma source(%arg18 : memref<80x128xf32, #tpu.memory_space<vmem>>) target(%dma_start3A_86 : memref<10000x128xf32, #tpu.memory_space<vmem_shared>>) offsets(%dma_start3A_83 : memref<80xi32, #tpu.memory_space<vmem>>) semaphore(%arg28 : memref<!tpu.dma_semaphore, #tpu.memory_space<semaphore_mem>>) {add = true}
    %dma_start3A_87 = arith.constant 0 : i32
    %dma_start3A_88 = arith.constant 0 : i32
    %dma_start3A_89 = tpu.memref_slice %arg3[%dma_start3A_87, %dma_start3A_88] : memref<10000x16xf32, #tpu.memory_space<hbm>> -> memref<10000x16xf32, #tpu.memory_space<hbm>>
    tpu.enqueue_indirect_dma source(%dma_start3A_89 : memref<10000x16xf32, #tpu.memory_space<hbm>>) target(%arg15 : memref<80x16xf32, #tpu.memory_space<vmem>>) offsets(%arg13 : memref<80xi32, #tpu.memory_space<vmem>>) semaphore(%arg27 : memref<!tpu.dma_semaphore, #tpu.memory_space<semaphore_mem>>)
    %dma_start3A_90 = arith.constant 1 : i32
    %dma_start3A_91 = arith.constant 0 : i32
    %dma_start3A_92 = tpu.memref_slice %arg11[%dma_start3A_90, %dma_start3A_91] : memref<125x80xi32, #tpu.memory_space<vmem>> -> memref<1x80xi32, #tpu.memory_space<vmem>>
    %dma_start3A_93 = tpu.memref_squeeze %dma_start3A_92 : memref<1x80xi32, #tpu.memory_space<vmem>> -> memref<80xi32, #tpu.memory_space<vmem>>
    %dma_start3A_94 = arith.constant 0 : i32
    %dma_start3A_95 = arith.constant 0 : i32
    %dma_start3A_96 = tpu.memref_slice %arg4[%dma_start3A_94, %dma_start3A_95] : memref<10000x16xf32, #tpu.memory_space<hbm>> -> memref<10000x16xf32, #tpu.memory_space<hbm>>
    tpu.enqueue_indirect_dma source(%dma_start3A_96 : memref<10000x16xf32, #tpu.memory_space<hbm>>) target(%arg17 : memref<80x16xf32, #tpu.memory_space<vmem>>) offsets(%dma_start3A_93 : memref<80xi32, #tpu.memory_space<vmem>>) semaphore(%arg27 : memref<!tpu.dma_semaphore, #tpu.memory_space<semaphore_mem>>)
    %dma_start3A_97 = arith.constant 0 : i32
    %dma_start3A_98 = arith.constant 0 : i32
    %dma_start3A_99 = tpu.memref_slice %arg2[%dma_start3A_97, %dma_start3A_98] : memref<10000x128xf32, #tpu.memory_space<hbm>> -> memref<10000x128xf32, #tpu.memory_space<hbm>>
    tpu.enqueue_indirect_dma source(%dma_start3A_99 : memref<10000x128xf32, #tpu.memory_space<hbm>>) target(%arg19 : memref<80x128xf32, #tpu.memory_space<vmem>>) offsets(%arg13 : memref<80xi32, #tpu.memory_space<vmem>>) semaphore(%arg27 : memref<!tpu.dma_semaphore, #tpu.memory_space<semaphore_mem>>)
    %dma_start3A_100 = arith.constant 2 : i32
    %dma_start3A_101 = arith.constant 0 : i32
    %dma_start3A_102 = tpu.memref_slice %arg5[%add3A, %dma_start3A_100, %dma_start3A_101] : memref<32x125x80xi32, #tpu.memory_space<hbm>> -> memref<1x1x80xi32, #tpu.memory_space<hbm>>
    %dma_start3A_103 = tpu.memref_squeeze %dma_start3A_102 : memref<1x1x80xi32, #tpu.memory_space<hbm>> -> memref<80xi32, #tpu.memory_space<hbm>>
    %dma_start3A_104 = arith.constant 0 : i32
    %dma_start3A_105 = tpu.memref_slice %arg5[%add3A, %dma_start3A_100, %dma_start3A_104] : memref<32x125x80xi32, #tpu.memory_space<hbm>> -> memref<1x1x80xi32, #tpu.memory_space<hbm>>
    %dma_start3A_106 = tpu.memref_squeeze %dma_start3A_105 : memref<1x1x80xi32, #tpu.memory_space<hbm>> -> memref<80xi32, #tpu.memory_space<hbm>>
    tpu.enqueue_dma source(%dma_start3A_106 : memref<80xi32, #tpu.memory_space<hbm>>) target(%arg12 : memref<80xi32, #tpu.memory_space<vmem>>) target_semaphore(%arg24 : memref<!tpu.dma_semaphore, #tpu.memory_space<semaphore_mem>>)
    %dma_wait3A_107 = arith.constant 0 : i32
    %dma_wait3A_108 = arith.constant 0 : i32
    %dma_wait3A_109 = arith.constant 0 : i32
    %dma_wait3A_110 = tpu.memref_slice %arg5[%dma_wait3A_107, %dma_wait3A_108, %dma_wait3A_109] : memref<32x125x80xi32, #tpu.memory_space<hbm>> -> memref<1x1x80xi32, #tpu.memory_space<hbm>>
    %dma_wait3A_111 = tpu.memref_squeeze %dma_wait3A_110 : memref<1x1x80xi32, #tpu.memory_space<hbm>> -> memref<80xi32, #tpu.memory_space<hbm>>
    %dma_wait3A_112 = arith.constant 0 : i32
    %dma_wait3A_113 = tpu.memref_slice %arg5[%dma_wait3A_107, %dma_wait3A_108, %dma_wait3A_112] : memref<32x125x80xi32, #tpu.memory_space<hbm>> -> memref<1x1x80xi32, #tpu.memory_space<hbm>>
    %dma_wait3A_114 = tpu.memref_squeeze %dma_wait3A_113 : memref<1x1x80xi32, #tpu.memory_space<hbm>> -> memref<80xi32, #tpu.memory_space<hbm>>
    tpu.wait_dma2 semaphore(%arg24 : memref<!tpu.dma_semaphore, #tpu.memory_space<semaphore_mem>>) src(%dma_wait3A_114 : memref<80xi32, #tpu.memory_space<hbm>>) dst(%arg12 : memref<80xi32, #tpu.memory_space<vmem>>)
    %dma_wait3A_115 = arith.constant 0 : i32
    %dma_wait3A_116 = arith.constant 0 : i32
    %dma_wait3A_117 = tpu.memref_slice %arg8[%dma_wait3A_115, %dma_wait3A_116] : memref<10000x16xf32, #tpu.memory_space<hbm>> -> memref<80x16xf32, #tpu.memory_space<hbm>>
    %dma_wait3A_118 = arith.constant 0 : i32
    %dma_wait3A_119 = arith.constant 0 : i32
    %dma_wait3A_120 = tpu.memref_slice %arg8[%dma_wait3A_118, %dma_wait3A_119] : memref<10000x16xf32, #tpu.memory_space<hbm>> -> memref<80x16xf32, #tpu.memory_space<hbm>>
    tpu.wait_dma2 semaphore(%arg27 : memref<!tpu.dma_semaphore, #tpu.memory_space<semaphore_mem>>) src(%dma_wait3A_120 : memref<80x16xf32, #tpu.memory_space<hbm>>) dst(%arg15 : memref<80x16xf32, #tpu.memory_space<vmem>>)
    %dma_wait3A_121 = arith.constant 0 : i32
    %dma_wait3A_122 = arith.constant 0 : i32
    %dma_wait3A_123 = tpu.memref_slice %arg8[%dma_wait3A_121, %dma_wait3A_122] : memref<10000x16xf32, #tpu.memory_space<hbm>> -> memref<80x16xf32, #tpu.memory_space<hbm>>
    %dma_wait3A_124 = arith.constant 0 : i32
    %dma_wait3A_125 = arith.constant 0 : i32
    %dma_wait3A_126 = tpu.memref_slice %arg8[%dma_wait3A_124, %dma_wait3A_125] : memref<10000x16xf32, #tpu.memory_space<hbm>> -> memref<80x16xf32, #tpu.memory_space<hbm>>
    tpu.wait_dma2 semaphore(%arg27 : memref<!tpu.dma_semaphore, #tpu.memory_space<semaphore_mem>>) src(%dma_wait3A_126 : memref<80x16xf32, #tpu.memory_space<hbm>>) dst(%arg17 : memref<80x16xf32, #tpu.memory_space<vmem>>)
    %dma_wait3A_127 = arith.constant 0 : i32
    %dma_wait3A_128 = arith.constant 0 : i32
    %dma_wait3A_129 = tpu.memref_slice %arg7[%dma_wait3A_127, %dma_wait3A_128] : memref<10000x128xf32, #tpu.memory_space<hbm>> -> memref<80x128xf32, #tpu.memory_space<hbm>>
    %dma_wait3A_130 = arith.constant 0 : i32
    %dma_wait3A_131 = arith.constant 0 : i32
    %dma_wait3A_132 = tpu.memref_slice %arg7[%dma_wait3A_130, %dma_wait3A_131] : memref<10000x128xf32, #tpu.memory_space<hbm>> -> memref<80x128xf32, #tpu.memory_space<hbm>>
    tpu.wait_dma2 semaphore(%arg27 : memref<!tpu.dma_semaphore, #tpu.memory_space<semaphore_mem>>) src(%dma_wait3A_132 : memref<80x128xf32, #tpu.memory_space<hbm>>) dst(%arg19 : memref<80x128xf32, #tpu.memory_space<vmem>>)
    %parallel_loop3A_133 = arith.constant 0 : i32
    %parallel_loop3A_134 = arith.constant 80 : i32
    %parallel_loop3A_135 = arith.constant 1 : i32
    scf.for %parallel_loop3A_405 = %parallel_loop3A_133 to %parallel_loop3A_134 step %parallel_loop3A_135  : i32 {
      %parallel_loop3A_406 = arith.index_cast %parallel_loop3A_405 : i32 to index
      %parallel_loop3A_407 = arith.constant 0 : index
      %parallel_loop3A_408 = tpu.vector_load %arg15[%parallel_loop3A_406, %parallel_loop3A_407] {strides = array<i32>} : memref<80x16xf32, #tpu.memory_space<vmem>>, vector<1x16xf32>,
      %parallel_loop3A_409 = vector.shape_cast %parallel_loop3A_408 : vector<1x16xf32> to vector<16xf32>
      %parallel_loop3A_410 = arith.index_cast %parallel_loop3A_405 : i32 to index
      %parallel_loop3A_411 = arith.constant 0 : index
      %parallel_loop3A_412 = tpu.vector_load %arg17[%parallel_loop3A_410, %parallel_loop3A_411] {strides = array<i32>} : memref<80x16xf32, #tpu.memory_space<vmem>>, vector<1x16xf32>,
      %parallel_loop3A_413 = vector.shape_cast %parallel_loop3A_412 : vector<1x16xf32> to vector<16xf32>
      %parallel_loop3A_414 = arith.addf %parallel_loop3A_409, %parallel_loop3A_413 : vector<16xf32>
      %parallel_loop3A_415 = arith.constant 0.000000e+00 : f32
      %parallel_loop3A_416 = vector.broadcast %parallel_loop3A_415 : f32 to vector<16xf32>
      %parallel_loop3A_417 = arith.cmpf oge, %parallel_loop3A_414, %parallel_loop3A_416 : vector<16xf32>
      %parallel_loop3A_418 = arith.constant 2.000000e-01 : f32
      %parallel_loop3A_419 = vector.broadcast %parallel_loop3A_418 : f32 to vector<16xf32>
      %parallel_loop3A_420 = arith.mulf %parallel_loop3A_419, %parallel_loop3A_414 : vector<16xf32>
      %parallel_loop3A_421 = arith.select %parallel_loop3A_417, %parallel_loop3A_414, %parallel_loop3A_420 : vector<16xi1>, vector<16xf32>
      %parallel_loop3A_422 = math.exp %parallel_loop3A_421 : vector<16xf32>
      %parallel_loop3A_423 = arith.index_cast %parallel_loop3A_405 : i32 to index
      %parallel_loop3A_424 = arith.constant 0 : index
      %parallel_loop3A_425 = tpu.vector_load %arg21[%parallel_loop3A_423, %parallel_loop3A_424] {strides = array<i32>} : memref<80x16xf32, #tpu.memory_space<vmem>>, vector<1x16xf32>,
      %parallel_loop3A_426 = vector.shape_cast %parallel_loop3A_425 : vector<1x16xf32> to vector<16xf32>
      %parallel_loop3A_427 = vector.shape_cast %parallel_loop3A_422 : vector<16xf32> to vector<1x16xf32>
      tpu.vector_store %arg21[%parallel_loop3A_423, %parallel_loop3A_424], %parallel_loop3A_427 {strides = array<i32>} : memref<80x16xf32, #tpu.memory_space<vmem>>, vector<1x16xf32>,
      %parallel_loop3A_428 = arith.constant 0 : i32
      %parallel_loop3A_429 = vector.broadcast %parallel_loop3A_428 : i32 to vector<16x1xi32>
      %parallel_loop3A_430 = vector.shape_cast %parallel_loop3A_429 : vector<16x1xi32> to vector<16xi32>
      %parallel_loop3A_431 = tpu.dynamic_gather %parallel_loop3A_422[%parallel_loop3A_430] in [0] : vector<16xf32>, vector<16xi32> -> vector<16xf32>
      %parallel_loop3A_432 = arith.index_cast %parallel_loop3A_405 : i32 to index
      %parallel_loop3A_433 = arith.constant 0 : index
      %parallel_loop3A_434 = tpu.vector_load %arg19[%parallel_loop3A_432, %parallel_loop3A_433] {strides = array<i32>} : memref<80x128xf32, #tpu.memory_space<vmem>>, vector<1x16xf32>,
      %parallel_loop3A_435 = vector.shape_cast %parallel_loop3A_434 : vector<1x16xf32> to vector<16xf32>
      %parallel_loop3A_436 = arith.mulf %parallel_loop3A_435, %parallel_loop3A_431 : vector<16xf32>
      %parallel_loop3A_437 = arith.index_cast %parallel_loop3A_405 : i32 to index
      %parallel_loop3A_438 = arith.constant 0 : index
      %parallel_loop3A_439 = tpu.vector_load %arg19[%parallel_loop3A_437, %parallel_loop3A_438] {strides = array<i32>} : memref<80x128xf32, #tpu.memory_space<vmem>>, vector<1x16xf32>,
      %parallel_loop3A_440 = vector.shape_cast %parallel_loop3A_439 : vector<1x16xf32> to vector<16xf32>
      %parallel_loop3A_441 = vector.shape_cast %parallel_loop3A_436 : vector<16xf32> to vector<1x16xf32>
      tpu.vector_store %arg19[%parallel_loop3A_437, %parallel_loop3A_438], %parallel_loop3A_441 {strides = array<i32>} : memref<80x128xf32, #tpu.memory_space<vmem>>, vector<1x16xf32>,
      %parallel_loop3A_442 = arith.constant 1 : i32
      %parallel_loop3A_443 = vector.broadcast %parallel_loop3A_442 : i32 to vector<16x1xi32>
      %parallel_loop3A_444 = vector.shape_cast %parallel_loop3A_443 : vector<16x1xi32> to vector<16xi32>
      %parallel_loop3A_445 = tpu.dynamic_gather %parallel_loop3A_422[%parallel_loop3A_444] in [0] : vector<16xf32>, vector<16xi32> -> vector<16xf32>
      %parallel_loop3A_446 = arith.index_cast %parallel_loop3A_405 : i32 to index
      %parallel_loop3A_447 = arith.constant 16 : index
      %parallel_loop3A_448 = tpu.vector_load %arg19[%parallel_loop3A_446, %parallel_loop3A_447] {strides = array<i32>} : memref<80x128xf32, #tpu.memory_space<vmem>>, vector<1x16xf32>,
      %parallel_loop3A_449 = vector.shape_cast %parallel_loop3A_448 : vector<1x16xf32> to vector<16xf32>
      %parallel_loop3A_450 = arith.mulf %parallel_loop3A_449, %parallel_loop3A_445 : vector<16xf32>
      %parallel_loop3A_451 = arith.index_cast %parallel_loop3A_405 : i32 to index
      %parallel_loop3A_452 = arith.constant 16 : index
      %parallel_loop3A_453 = tpu.vector_load %arg19[%parallel_loop3A_451, %parallel_loop3A_452] {strides = array<i32>} : memref<80x128xf32, #tpu.memory_space<vmem>>, vector<1x16xf32>,
      %parallel_loop3A_454 = vector.shape_cast %parallel_loop3A_453 : vector<1x16xf32> to vector<16xf32>
      %parallel_loop3A_455 = vector.shape_cast %parallel_loop3A_450 : vector<16xf32> to vector<1x16xf32>
      tpu.vector_store %arg19[%parallel_loop3A_451, %parallel_loop3A_452], %parallel_loop3A_455 {strides = array<i32>} : memref<80x128xf32, #tpu.memory_space<vmem>>, vector<1x16xf32>,
      %parallel_loop3A_456 = arith.constant 2 : i32
      %parallel_loop3A_457 = vector.broadcast %parallel_loop3A_456 : i32 to vector<16x1xi32>
      %parallel_loop3A_458 = vector.shape_cast %parallel_loop3A_457 : vector<16x1xi32> to vector<16xi32>
      %parallel_loop3A_459 = tpu.dynamic_gather %parallel_loop3A_422[%parallel_loop3A_458] in [0] : vector<16xf32>, vector<16xi32> -> vector<16xf32>
      %parallel_loop3A_460 = arith.index_cast %parallel_loop3A_405 : i32 to index
      %parallel_loop3A_461 = arith.constant 32 : index
      %parallel_loop3A_462 = tpu.vector_load %arg19[%parallel_loop3A_460, %parallel_loop3A_461] {strides = array<i32>} : memref<80x128xf32, #tpu.memory_space<vmem>>, vector<1x16xf32>,
      %parallel_loop3A_463 = vector.shape_cast %parallel_loop3A_462 : vector<1x16xf32> to vector<16xf32>
      %parallel_loop3A_464 = arith.mulf %parallel_loop3A_463, %parallel_loop3A_459 : vector<16xf32>
      %parallel_loop3A_465 = arith.index_cast %parallel_loop3A_405 : i32 to index
      %parallel_loop3A_466 = arith.constant 32 : index
      %parallel_loop3A_467 = tpu.vector_load %arg19[%parallel_loop3A_465, %parallel_loop3A_466] {strides = array<i32>} : memref<80x128xf32, #tpu.memory_space<vmem>>, vector<1x16xf32>,
      %parallel_loop3A_468 = vector.shape_cast %parallel_loop3A_467 : vector<1x16xf32> to vector<16xf32>
      %parallel_loop3A_469 = vector.shape_cast %parallel_loop3A_464 : vector<16xf32> to vector<1x16xf32>
      tpu.vector_store %arg19[%parallel_loop3A_465, %parallel_loop3A_466], %parallel_loop3A_469 {strides = array<i32>} : memref<80x128xf32, #tpu.memory_space<vmem>>, vector<1x16xf32>,
      %parallel_loop3A_470 = arith.constant 3 : i32
      %parallel_loop3A_471 = vector.broadcast %parallel_loop3A_470 : i32 to vector<16x1xi32>
      %parallel_loop3A_472 = vector.shape_cast %parallel_loop3A_471 : vector<16x1xi32> to vector<16xi32>
      %parallel_loop3A_473 = tpu.dynamic_gather %parallel_loop3A_422[%parallel_loop3A_472] in [0] : vector<16xf32>, vector<16xi32> -> vector<16xf32>
      %parallel_loop3A_474 = arith.index_cast %parallel_loop3A_405 : i32 to index
      %parallel_loop3A_475 = arith.constant 48 : index
      %parallel_loop3A_476 = tpu.vector_load %arg19[%parallel_loop3A_474, %parallel_loop3A_475] {strides = array<i32>} : memref<80x128xf32, #tpu.memory_space<vmem>>, vector<1x16xf32>,
      %parallel_loop3A_477 = vector.shape_cast %parallel_loop3A_476 : vector<1x16xf32> to vector<16xf32>
      %parallel_loop3A_478 = arith.mulf %parallel_loop3A_477, %parallel_loop3A_473 : vector<16xf32>
      %parallel_loop3A_479 = arith.index_cast %parallel_loop3A_405 : i32 to index
      %parallel_loop3A_480 = arith.constant 48 : index
      %parallel_loop3A_481 = tpu.vector_load %arg19[%parallel_loop3A_479, %parallel_loop3A_480] {strides = array<i32>} : memref<80x128xf32, #tpu.memory_space<vmem>>, vector<1x16xf32>,
      %parallel_loop3A_482 = vector.shape_cast %parallel_loop3A_481 : vector<1x16xf32> to vector<16xf32>
      %parallel_loop3A_483 = vector.shape_cast %parallel_loop3A_478 : vector<16xf32> to vector<1x16xf32>
      tpu.vector_store %arg19[%parallel_loop3A_479, %parallel_loop3A_480], %parallel_loop3A_483 {strides = array<i32>} : memref<80x128xf32, #tpu.memory_space<vmem>>, vector<1x16xf32>,
      %parallel_loop3A_484 = arith.constant 4 : i32
      %parallel_loop3A_485 = vector.broadcast %parallel_loop3A_484 : i32 to vector<16x1xi32>
      %parallel_loop3A_486 = vector.shape_cast %parallel_loop3A_485 : vector<16x1xi32> to vector<16xi32>
      %parallel_loop3A_487 = tpu.dynamic_gather %parallel_loop3A_422[%parallel_loop3A_486] in [0] : vector<16xf32>, vector<16xi32> -> vector<16xf32>
      %parallel_loop3A_488 = arith.index_cast %parallel_loop3A_405 : i32 to index
      %parallel_loop3A_489 = arith.constant 64 : index
      %parallel_loop3A_490 = tpu.vector_load %arg19[%parallel_loop3A_488, %parallel_loop3A_489] {strides = array<i32>} : memref<80x128xf32, #tpu.memory_space<vmem>>, vector<1x16xf32>,
      %parallel_loop3A_491 = vector.shape_cast %parallel_loop3A_490 : vector<1x16xf32> to vector<16xf32>
      %parallel_loop3A_492 = arith.mulf %parallel_loop3A_491, %parallel_loop3A_487 : vector<16xf32>
      %parallel_loop3A_493 = arith.index_cast %parallel_loop3A_405 : i32 to index
      %parallel_loop3A_494 = arith.constant 64 : index
      %parallel_loop3A_495 = tpu.vector_load %arg19[%parallel_loop3A_493, %parallel_loop3A_494] {strides = array<i32>} : memref<80x128xf32, #tpu.memory_space<vmem>>, vector<1x16xf32>,
      %parallel_loop3A_496 = vector.shape_cast %parallel_loop3A_495 : vector<1x16xf32> to vector<16xf32>
      %parallel_loop3A_497 = vector.shape_cast %parallel_loop3A_492 : vector<16xf32> to vector<1x16xf32>
      tpu.vector_store %arg19[%parallel_loop3A_493, %parallel_loop3A_494], %parallel_loop3A_497 {strides = array<i32>} : memref<80x128xf32, #tpu.memory_space<vmem>>, vector<1x16xf32>,
      %parallel_loop3A_498 = arith.constant 5 : i32
      %parallel_loop3A_499 = vector.broadcast %parallel_loop3A_498 : i32 to vector<16x1xi32>
      %parallel_loop3A_500 = vector.shape_cast %parallel_loop3A_499 : vector<16x1xi32> to vector<16xi32>
      %parallel_loop3A_501 = tpu.dynamic_gather %parallel_loop3A_422[%parallel_loop3A_500] in [0] : vector<16xf32>, vector<16xi32> -> vector<16xf32>
      %parallel_loop3A_502 = arith.index_cast %parallel_loop3A_405 : i32 to index
      %parallel_loop3A_503 = arith.constant 80 : index
      %parallel_loop3A_504 = tpu.vector_load %arg19[%parallel_loop3A_502, %parallel_loop3A_503] {strides = array<i32>} : memref<80x128xf32, #tpu.memory_space<vmem>>, vector<1x16xf32>,
      %parallel_loop3A_505 = vector.shape_cast %parallel_loop3A_504 : vector<1x16xf32> to vector<16xf32>
      %parallel_loop3A_506 = arith.mulf %parallel_loop3A_505, %parallel_loop3A_501 : vector<16xf32>
      %parallel_loop3A_507 = arith.index_cast %parallel_loop3A_405 : i32 to index
      %parallel_loop3A_508 = arith.constant 80 : index
      %parallel_loop3A_509 = tpu.vector_load %arg19[%parallel_loop3A_507, %parallel_loop3A_508] {strides = array<i32>} : memref<80x128xf32, #tpu.memory_space<vmem>>, vector<1x16xf32>,
      %parallel_loop3A_510 = vector.shape_cast %parallel_loop3A_509 : vector<1x16xf32> to vector<16xf32>
      %parallel_loop3A_511 = vector.shape_cast %parallel_loop3A_506 : vector<16xf32> to vector<1x16xf32>
      tpu.vector_store %arg19[%parallel_loop3A_507, %parallel_loop3A_508], %parallel_loop3A_511 {strides = array<i32>} : memref<80x128xf32, #tpu.memory_space<vmem>>, vector<1x16xf32>,
      %parallel_loop3A_512 = arith.constant 6 : i32
      %parallel_loop3A_513 = vector.broadcast %parallel_loop3A_512 : i32 to vector<16x1xi32>
      %parallel_loop3A_514 = vector.shape_cast %parallel_loop3A_513 : vector<16x1xi32> to vector<16xi32>
      %parallel_loop3A_515 = tpu.dynamic_gather %parallel_loop3A_422[%parallel_loop3A_514] in [0] : vector<16xf32>, vector<16xi32> -> vector<16xf32>
      %parallel_loop3A_516 = arith.index_cast %parallel_loop3A_405 : i32 to index
      %parallel_loop3A_517 = arith.constant 96 : index
      %parallel_loop3A_518 = tpu.vector_load %arg19[%parallel_loop3A_516, %parallel_loop3A_517] {strides = array<i32>} : memref<80x128xf32, #tpu.memory_space<vmem>>, vector<1x16xf32>,
      %parallel_loop3A_519 = vector.shape_cast %parallel_loop3A_518 : vector<1x16xf32> to vector<16xf32>
      %parallel_loop3A_520 = arith.mulf %parallel_loop3A_519, %parallel_loop3A_515 : vector<16xf32>
      %parallel_loop3A_521 = arith.index_cast %parallel_loop3A_405 : i32 to index
      %parallel_loop3A_522 = arith.constant 96 : index
      %parallel_loop3A_523 = tpu.vector_load %arg19[%parallel_loop3A_521, %parallel_loop3A_522] {strides = array<i32>} : memref<80x128xf32, #tpu.memory_space<vmem>>, vector<1x16xf32>,
      %parallel_loop3A_524 = vector.shape_cast %parallel_loop3A_523 : vector<1x16xf32> to vector<16xf32>
      %parallel_loop3A_525 = vector.shape_cast %parallel_loop3A_520 : vector<16xf32> to vector<1x16xf32>
      tpu.vector_store %arg19[%parallel_loop3A_521, %parallel_loop3A_522], %parallel_loop3A_525 {strides = array<i32>} : memref<80x128xf32, #tpu.memory_space<vmem>>, vector<1x16xf32>,
      %parallel_loop3A_526 = arith.constant 7 : i32
      %parallel_loop3A_527 = vector.broadcast %parallel_loop3A_526 : i32 to vector<16x1xi32>
      %parallel_loop3A_528 = vector.shape_cast %parallel_loop3A_527 : vector<16x1xi32> to vector<16xi32>
      %parallel_loop3A_529 = tpu.dynamic_gather %parallel_loop3A_422[%parallel_loop3A_528] in [0] : vector<16xf32>, vector<16xi32> -> vector<16xf32>
      %parallel_loop3A_530 = arith.index_cast %parallel_loop3A_405 : i32 to index
      %parallel_loop3A_531 = arith.constant 112 : index
      %parallel_loop3A_532 = tpu.vector_load %arg19[%parallel_loop3A_530, %parallel_loop3A_531] {strides = array<i32>} : memref<80x128xf32, #tpu.memory_space<vmem>>, vector<1x16xf32>,
      %parallel_loop3A_533 = vector.shape_cast %parallel_loop3A_532 : vector<1x16xf32> to vector<16xf32>
      %parallel_loop3A_534 = arith.mulf %parallel_loop3A_533, %parallel_loop3A_529 : vector<16xf32>
      %parallel_loop3A_535 = arith.index_cast %parallel_loop3A_405 : i32 to index
      %parallel_loop3A_536 = arith.constant 112 : index
      %parallel_loop3A_537 = tpu.vector_load %arg19[%parallel_loop3A_535, %parallel_loop3A_536] {strides = array<i32>} : memref<80x128xf32, #tpu.memory_space<vmem>>, vector<1x16xf32>,
      %parallel_loop3A_538 = vector.shape_cast %parallel_loop3A_537 : vector<1x16xf32> to vector<16xf32>
      %parallel_loop3A_539 = vector.shape_cast %parallel_loop3A_534 : vector<16xf32> to vector<1x16xf32>
      tpu.vector_store %arg19[%parallel_loop3A_535, %parallel_loop3A_536], %parallel_loop3A_539 {strides = array<i32>} : memref<80x128xf32, #tpu.memory_space<vmem>>, vector<1x16xf32>,
    } {sc.loop_unroll_factor = 4 : i64, sc.parallel_access}
    %dma_start3A_136 = arith.constant 1 : i32
    %dma_start3A_137 = arith.constant 0 : i32
    %dma_start3A_138 = tpu.memref_slice %arg11[%dma_start3A_136, %dma_start3A_137] : memref<125x80xi32, #tpu.memory_space<vmem>> -> memref<1x80xi32, #tpu.memory_space<vmem>>
    %dma_start3A_139 = tpu.memref_squeeze %dma_start3A_138 : memref<1x80xi32, #tpu.memory_space<vmem>> -> memref<80xi32, #tpu.memory_space<vmem>>
    %dma_start3A_140 = arith.constant 0 : i32
    %dma_start3A_141 = arith.constant 0 : i32
    %dma_start3A_142 = tpu.memref_slice %arg23[%dma_start3A_140, %dma_start3A_141] : memref<10000x16xf32, #tpu.memory_space<vmem_shared>> -> memref<10000x16xf32, #tpu.memory_space<vmem_shared>>
    tpu.enqueue_indirect_dma source(%arg21 : memref<80x16xf32, #tpu.memory_space<vmem>>) target(%dma_start3A_142 : memref<10000x16xf32, #tpu.memory_space<vmem_shared>>) offsets(%dma_start3A_139 : memref<80xi32, #tpu.memory_space<vmem>>) semaphore(%arg29 : memref<!tpu.dma_semaphore, #tpu.memory_space<semaphore_mem>>) {add = true}
    %dma_start3A_143 = arith.constant 1 : i32
    %dma_start3A_144 = arith.constant 0 : i32
    %dma_start3A_145 = tpu.memref_slice %arg11[%dma_start3A_143, %dma_start3A_144] : memref<125x80xi32, #tpu.memory_space<vmem>> -> memref<1x80xi32, #tpu.memory_space<vmem>>
    %dma_start3A_146 = tpu.memref_squeeze %dma_start3A_145 : memref<1x80xi32, #tpu.memory_space<vmem>> -> memref<80xi32, #tpu.memory_space<vmem>>
    %dma_start3A_147 = arith.constant 0 : i32
    %dma_start3A_148 = arith.constant 0 : i32
    %dma_start3A_149 = tpu.memref_slice %arg22[%dma_start3A_147, %dma_start3A_148] : memref<10000x128xf32, #tpu.memory_space<vmem_shared>> -> memref<10000x128xf32, #tpu.memory_space<vmem_shared>>
    tpu.enqueue_indirect_dma source(%arg19 : memref<80x128xf32, #tpu.memory_space<vmem>>) target(%dma_start3A_149 : memref<10000x128xf32, #tpu.memory_space<vmem_shared>>) offsets(%dma_start3A_146 : memref<80xi32, #tpu.memory_space<vmem>>) semaphore(%arg29 : memref<!tpu.dma_semaphore, #tpu.memory_space<semaphore_mem>>) {add = true}
    %dma_wait3A_150 = arith.constant 0 : i32
    %dma_wait3A_151 = arith.constant 0 : i32
    %dma_wait3A_152 = tpu.memref_slice %arg8[%dma_wait3A_150, %dma_wait3A_151] : memref<10000x16xf32, #tpu.memory_space<hbm>> -> memref<80x16xf32, #tpu.memory_space<hbm>>
    %dma_wait3A_153 = arith.constant 0 : i32
    %dma_wait3A_154 = arith.constant 0 : i32
    %dma_wait3A_155 = tpu.memref_slice %arg8[%dma_wait3A_153, %dma_wait3A_154] : memref<10000x16xf32, #tpu.memory_space<hbm>> -> memref<80x16xf32, #tpu.memory_space<hbm>>
    tpu.wait_dma2 semaphore(%arg28 : memref<!tpu.dma_semaphore, #tpu.memory_space<semaphore_mem>>) src(%dma_wait3A_155 : memref<80x16xf32, #tpu.memory_space<hbm>>) dst(%arg20 : memref<80x16xf32, #tpu.memory_space<vmem>>)
    %dma_wait3A_156 = arith.constant 0 : i32
    %dma_wait3A_157 = arith.constant 0 : i32
    %dma_wait3A_158 = tpu.memref_slice %arg7[%dma_wait3A_156, %dma_wait3A_157] : memref<10000x128xf32, #tpu.memory_space<hbm>> -> memref<80x128xf32, #tpu.memory_space<hbm>>
    %dma_wait3A_159 = arith.constant 0 : i32
    %dma_wait3A_160 = arith.constant 0 : i32
    %dma_wait3A_161 = tpu.memref_slice %arg7[%dma_wait3A_159, %dma_wait3A_160] : memref<10000x128xf32, #tpu.memory_space<hbm>> -> memref<80x128xf32, #tpu.memory_space<hbm>>
    tpu.wait_dma2 semaphore(%arg28 : memref<!tpu.dma_semaphore, #tpu.memory_space<semaphore_mem>>) src(%dma_wait3A_161 : memref<80x128xf32, #tpu.memory_space<hbm>>) dst(%arg18 : memref<80x128xf32, #tpu.memory_space<vmem>>)
    %dma_start3A_162 = arith.constant 0 : i32
    %dma_start3A_163 = arith.constant 0 : i32
    %dma_start3A_164 = tpu.memref_slice %arg3[%dma_start3A_162, %dma_start3A_163] : memref<10000x16xf32, #tpu.memory_space<hbm>> -> memref<10000x16xf32, #tpu.memory_space<hbm>>
    tpu.enqueue_indirect_dma source(%dma_start3A_164 : memref<10000x16xf32, #tpu.memory_space<hbm>>) target(%arg14 : memref<80x16xf32, #tpu.memory_space<vmem>>) offsets(%arg12 : memref<80xi32, #tpu.memory_space<vmem>>) semaphore(%arg26 : memref<!tpu.dma_semaphore, #tpu.memory_space<semaphore_mem>>)
    %dma_start3A_165 = arith.constant 2 : i32
    %dma_start3A_166 = arith.constant 0 : i32
    %dma_start3A_167 = tpu.memref_slice %arg11[%dma_start3A_165, %dma_start3A_166] : memref<125x80xi32, #tpu.memory_space<vmem>> -> memref<1x80xi32, #tpu.memory_space<vmem>>
    %dma_start3A_168 = tpu.memref_squeeze %dma_start3A_167 : memref<1x80xi32, #tpu.memory_space<vmem>> -> memref<80xi32, #tpu.memory_space<vmem>>
    %dma_start3A_169 = arith.constant 0 : i32
    %dma_start3A_170 = arith.constant 0 : i32
    %dma_start3A_171 = tpu.memref_slice %arg4[%dma_start3A_169, %dma_start3A_170] : memref<10000x16xf32, #tpu.memory_space<hbm>> -> memref<10000x16xf32, #tpu.memory_space<hbm>>
    tpu.enqueue_indirect_dma source(%dma_start3A_171 : memref<10000x16xf32, #tpu.memory_space<hbm>>) target(%arg16 : memref<80x16xf32, #tpu.memory_space<vmem>>) offsets(%dma_start3A_168 : memref<80xi32, #tpu.memory_space<vmem>>) semaphore(%arg26 : memref<!tpu.dma_semaphore, #tpu.memory_space<semaphore_mem>>)
    %dma_start3A_172 = arith.constant 0 : i32
    %dma_start3A_173 = arith.constant 0 : i32
    %dma_start3A_174 = tpu.memref_slice %arg2[%dma_start3A_172, %dma_start3A_173] : memref<10000x128xf32, #tpu.memory_space<hbm>> -> memref<10000x128xf32, #tpu.memory_space<hbm>>
    tpu.enqueue_indirect_dma source(%dma_start3A_174 : memref<10000x128xf32, #tpu.memory_space<hbm>>) target(%arg18 : memref<80x128xf32, #tpu.memory_space<vmem>>) offsets(%arg12 : memref<80xi32, #tpu.memory_space<vmem>>) semaphore(%arg26 : memref<!tpu.dma_semaphore, #tpu.memory_space<semaphore_mem>>)
    %dma_start3A_175 = arith.constant 3 : i32
    %dma_start3A_176 = arith.constant 0 : i32
    %dma_start3A_177 = tpu.memref_slice %arg5[%add3A, %dma_start3A_175, %dma_start3A_176] : memref<32x125x80xi32, #tpu.memory_space<hbm>> -> memref<1x1x80xi32, #tpu.memory_space<hbm>>
    %dma_start3A_178 = tpu.memref_squeeze %dma_start3A_177 : memref<1x1x80xi32, #tpu.memory_space<hbm>> -> memref<80xi32, #tpu.memory_space<hbm>>
    %dma_start3A_179 = arith.constant 0 : i32
    %dma_start3A_180 = tpu.memref_slice %arg5[%add3A, %dma_start3A_175, %dma_start3A_179] : memref<32x125x80xi32, #tpu.memory_space<hbm>> -> memref<1x1x80xi32, #tpu.memory_space<hbm>>
    %dma_start3A_181 = tpu.memref_squeeze %dma_start3A_180 : memref<1x1x80xi32, #tpu.memory_space<hbm>> -> memref<80xi32, #tpu.memory_space<hbm>>
    tpu.enqueue_dma source(%dma_start3A_181 : memref<80xi32, #tpu.memory_space<hbm>>) target(%arg13 : memref<80xi32, #tpu.memory_space<vmem>>) target_semaphore(%arg25 : memref<!tpu.dma_semaphore, #tpu.memory_space<semaphore_mem>>)
    %scan3A = arith.constant 0 : i32
    %scan3A_182 = arith.constant 1 : i32
    %scan3A_183 = arith.constant 60 : i32
    %scan3A_184 = arith.addi %scan3A_182, %scan3A_183 : i32
    %scan3A_185 = arith.constant 1 : i32
    %scan3A_186 = scf.for %scan3A_405 = %scan3A_182 to %scan3A_184 step %scan3A_185 iter_args(%scan3A_406 = %scan3A) -> (i32)  : i32 {
      %mul3A_407 = arith.constant 2 : i32
      %mul3A_408 = arith.muli %scan3A_405, %mul3A_407 : i32
      %add3A_409 = arith.constant 0 : i32
      %add3A_410 = arith.addi %mul3A_408, %add3A_409 : i32
      %dma_wait3A_411 = arith.constant 0 : i32
      %dma_wait3A_412 = arith.constant 0 : i32
      %dma_wait3A_413 = arith.constant 0 : i32
      %dma_wait3A_414 = tpu.memref_slice %arg5[%dma_wait3A_411, %dma_wait3A_412, %dma_wait3A_413] : memref<32x125x80xi32, #tpu.memory_space<hbm>> -> memref<1x1x80xi32, #tpu.memory_space<hbm>>
      %dma_wait3A_415 = tpu.memref_squeeze %dma_wait3A_414 : memref<1x1x80xi32, #tpu.memory_space<hbm>> -> memref<80xi32, #tpu.memory_space<hbm>>
      %dma_wait3A_416 = arith.constant 0 : i32
      %dma_wait3A_417 = tpu.memref_slice %arg5[%dma_wait3A_411, %dma_wait3A_412, %dma_wait3A_416] : memref<32x125x80xi32, #tpu.memory_space<hbm>> -> memref<1x1x80xi32, #tpu.memory_space<hbm>>
      %dma_wait3A_418 = tpu.memref_squeeze %dma_wait3A_417 : memref<1x1x80xi32, #tpu.memory_space<hbm>> -> memref<80xi32, #tpu.memory_space<hbm>>
      tpu.wait_dma2 semaphore(%arg25 : memref<!tpu.dma_semaphore, #tpu.memory_space<semaphore_mem>>) src(%dma_wait3A_418 : memref<80xi32, #tpu.memory_space<hbm>>) dst(%arg13 : memref<80xi32, #tpu.memory_space<vmem>>)
      %dma_wait3A_419 = arith.constant 0 : i32
      %dma_wait3A_420 = arith.constant 0 : i32
      %dma_wait3A_421 = tpu.memref_slice %arg8[%dma_wait3A_419, %dma_wait3A_420] : memref<10000x16xf32, #tpu.memory_space<hbm>> -> memref<80x16xf32, #tpu.memory_space<hbm>>
      %dma_wait3A_422 = arith.constant 0 : i32
      %dma_wait3A_423 = arith.constant 0 : i32
      %dma_wait3A_424 = tpu.memref_slice %arg8[%dma_wait3A_422, %dma_wait3A_423] : memref<10000x16xf32, #tpu.memory_space<hbm>> -> memref<80x16xf32, #tpu.memory_space<hbm>>
      tpu.wait_dma2 semaphore(%arg26 : memref<!tpu.dma_semaphore, #tpu.memory_space<semaphore_mem>>) src(%dma_wait3A_424 : memref<80x16xf32, #tpu.memory_space<hbm>>) dst(%arg14 : memref<80x16xf32, #tpu.memory_space<vmem>>)
      %dma_wait3A_425 = arith.constant 0 : i32
      %dma_wait3A_426 = arith.constant 0 : i32
      %dma_wait3A_427 = tpu.memref_slice %arg8[%dma_wait3A_425, %dma_wait3A_426] : memref<10000x16xf32, #tpu.memory_space<hbm>> -> memref<80x16xf32, #tpu.memory_space<hbm>>
      %dma_wait3A_428 = arith.constant 0 : i32
      %dma_wait3A_429 = arith.constant 0 : i32
      %dma_wait3A_430 = tpu.memref_slice %arg8[%dma_wait3A_428, %dma_wait3A_429] : memref<10000x16xf32, #tpu.memory_space<hbm>> -> memref<80x16xf32, #tpu.memory_space<hbm>>
      tpu.wait_dma2 semaphore(%arg26 : memref<!tpu.dma_semaphore, #tpu.memory_space<semaphore_mem>>) src(%dma_wait3A_430 : memref<80x16xf32, #tpu.memory_space<hbm>>) dst(%arg16 : memref<80x16xf32, #tpu.memory_space<vmem>>)
      %dma_wait3A_431 = arith.constant 0 : i32
      %dma_wait3A_432 = arith.constant 0 : i32
      %dma_wait3A_433 = tpu.memref_slice %arg7[%dma_wait3A_431, %dma_wait3A_432] : memref<10000x128xf32, #tpu.memory_space<hbm>> -> memref<80x128xf32, #tpu.memory_space<hbm>>
      %dma_wait3A_434 = arith.constant 0 : i32
      %dma_wait3A_435 = arith.constant 0 : i32
      %dma_wait3A_436 = tpu.memref_slice %arg7[%dma_wait3A_434, %dma_wait3A_435] : memref<10000x128xf32, #tpu.memory_space<hbm>> -> memref<80x128xf32, #tpu.memory_space<hbm>>
      tpu.wait_dma2 semaphore(%arg26 : memref<!tpu.dma_semaphore, #tpu.memory_space<semaphore_mem>>) src(%dma_wait3A_436 : memref<80x128xf32, #tpu.memory_space<hbm>>) dst(%arg18 : memref<80x128xf32, #tpu.memory_space<vmem>>)
      %parallel_loop3A_437 = arith.constant 0 : i32
      %parallel_loop3A_438 = arith.constant 80 : i32
      %parallel_loop3A_439 = arith.constant 1 : i32
      scf.for %parallel_loop3A_566 = %parallel_loop3A_437 to %parallel_loop3A_438 step %parallel_loop3A_439  : i32 {
        %parallel_loop3A_567 = arith.index_cast %parallel_loop3A_566 : i32 to index
        %parallel_loop3A_568 = arith.constant 0 : index
        %parallel_loop3A_569 = tpu.vector_load %arg14[%parallel_loop3A_567, %parallel_loop3A_568] {strides = array<i32>} : memref<80x16xf32, #tpu.memory_space<vmem>>, vector<1x16xf32>,
        %parallel_loop3A_570 = vector.shape_cast %parallel_loop3A_569 : vector<1x16xf32> to vector<16xf32>
        %parallel_loop3A_571 = arith.index_cast %parallel_loop3A_566 : i32 to index
        %parallel_loop3A_572 = arith.constant 0 : index
        %parallel_loop3A_573 = tpu.vector_load %arg16[%parallel_loop3A_571, %parallel_loop3A_572] {strides = array<i32>} : memref<80x16xf32, #tpu.memory_space<vmem>>, vector<1x16xf32>,
        %parallel_loop3A_574 = vector.shape_cast %parallel_loop3A_573 : vector<1x16xf32> to vector<16xf32>
        %parallel_loop3A_575 = arith.addf %parallel_loop3A_570, %parallel_loop3A_574 : vector<16xf32>
        %parallel_loop3A_576 = arith.constant 0.000000e+00 : f32
        %parallel_loop3A_577 = vector.broadcast %parallel_loop3A_576 : f32 to vector<16xf32>
        %parallel_loop3A_578 = arith.cmpf oge, %parallel_loop3A_575, %parallel_loop3A_577 : vector<16xf32>
        %parallel_loop3A_579 = arith.constant 2.000000e-01 : f32
        %parallel_loop3A_580 = vector.broadcast %parallel_loop3A_579 : f32 to vector<16xf32>
        %parallel_loop3A_581 = arith.mulf %parallel_loop3A_580, %parallel_loop3A_575 : vector<16xf32>
        %parallel_loop3A_582 = arith.select %parallel_loop3A_578, %parallel_loop3A_575, %parallel_loop3A_581 : vector<16xi1>, vector<16xf32>
        %parallel_loop3A_583 = math.exp %parallel_loop3A_582 : vector<16xf32>
        %parallel_loop3A_584 = arith.index_cast %parallel_loop3A_566 : i32 to index
        %parallel_loop3A_585 = arith.constant 0 : index
        %parallel_loop3A_586 = tpu.vector_load %arg20[%parallel_loop3A_584, %parallel_loop3A_585] {strides = array<i32>} : memref<80x16xf32, #tpu.memory_space<vmem>>, vector<1x16xf32>,
        %parallel_loop3A_587 = vector.shape_cast %parallel_loop3A_586 : vector<1x16xf32> to vector<16xf32>
        %parallel_loop3A_588 = vector.shape_cast %parallel_loop3A_583 : vector<16xf32> to vector<1x16xf32>
        tpu.vector_store %arg20[%parallel_loop3A_584, %parallel_loop3A_585], %parallel_loop3A_588 {strides = array<i32>} : memref<80x16xf32, #tpu.memory_space<vmem>>, vector<1x16xf32>,
        %parallel_loop3A_589 = arith.constant 0 : i32
        %parallel_loop3A_590 = vector.broadcast %parallel_loop3A_589 : i32 to vector<16x1xi32>
        %parallel_loop3A_591 = vector.shape_cast %parallel_loop3A_590 : vector<16x1xi32> to vector<16xi32>
        %parallel_loop3A_592 = tpu.dynamic_gather %parallel_loop3A_583[%parallel_loop3A_591] in [0] : vector<16xf32>, vector<16xi32> -> vector<16xf32>
        %parallel_loop3A_593 = arith.index_cast %parallel_loop3A_566 : i32 to index
        %parallel_loop3A_594 = arith.constant 0 : index
        %parallel_loop3A_595 = tpu.vector_load %arg18[%parallel_loop3A_593, %parallel_loop3A_594] {strides = array<i32>} : memref<80x128xf32, #tpu.memory_space<vmem>>, vector<1x16xf32>,
        %parallel_loop3A_596 = vector.shape_cast %parallel_loop3A_595 : vector<1x16xf32> to vector<16xf32>
        %parallel_loop3A_597 = arith.mulf %parallel_loop3A_596, %parallel_loop3A_592 : vector<16xf32>
        %parallel_loop3A_598 = arith.index_cast %parallel_loop3A_566 : i32 to index
        %parallel_loop3A_599 = arith.constant 0 : index
        %parallel_loop3A_600 = tpu.vector_load %arg18[%parallel_loop3A_598, %parallel_loop3A_599] {strides = array<i32>} : memref<80x128xf32, #tpu.memory_space<vmem>>, vector<1x16xf32>,
        %parallel_loop3A_601 = vector.shape_cast %parallel_loop3A_600 : vector<1x16xf32> to vector<16xf32>
        %parallel_loop3A_602 = vector.shape_cast %parallel_loop3A_597 : vector<16xf32> to vector<1x16xf32>
        tpu.vector_store %arg18[%parallel_loop3A_598, %parallel_loop3A_599], %parallel_loop3A_602 {strides = array<i32>} : memref<80x128xf32, #tpu.memory_space<vmem>>, vector<1x16xf32>,
        %parallel_loop3A_603 = arith.constant 1 : i32
        %parallel_loop3A_604 = vector.broadcast %parallel_loop3A_603 : i32 to vector<16x1xi32>
        %parallel_loop3A_605 = vector.shape_cast %parallel_loop3A_604 : vector<16x1xi32> to vector<16xi32>
        %parallel_loop3A_606 = tpu.dynamic_gather %parallel_loop3A_583[%parallel_loop3A_605] in [0] : vector<16xf32>, vector<16xi32> -> vector<16xf32>
        %parallel_loop3A_607 = arith.index_cast %parallel_loop3A_566 : i32 to index
        %parallel_loop3A_608 = arith.constant 16 : index
        %parallel_loop3A_609 = tpu.vector_load %arg18[%parallel_loop3A_607, %parallel_loop3A_608] {strides = array<i32>} : memref<80x128xf32, #tpu.memory_space<vmem>>, vector<1x16xf32>,
        %parallel_loop3A_610 = vector.shape_cast %parallel_loop3A_609 : vector<1x16xf32> to vector<16xf32>
        %parallel_loop3A_611 = arith.mulf %parallel_loop3A_610, %parallel_loop3A_606 : vector<16xf32>
        %parallel_loop3A_612 = arith.index_cast %parallel_loop3A_566 : i32 to index
        %parallel_loop3A_613 = arith.constant 16 : index
        %parallel_loop3A_614 = tpu.vector_load %arg18[%parallel_loop3A_612, %parallel_loop3A_613] {strides = array<i32>} : memref<80x128xf32, #tpu.memory_space<vmem>>, vector<1x16xf32>,
        %parallel_loop3A_615 = vector.shape_cast %parallel_loop3A_614 : vector<1x16xf32> to vector<16xf32>
        %parallel_loop3A_616 = vector.shape_cast %parallel_loop3A_611 : vector<16xf32> to vector<1x16xf32>
        tpu.vector_store %arg18[%parallel_loop3A_612, %parallel_loop3A_613], %parallel_loop3A_616 {strides = array<i32>} : memref<80x128xf32, #tpu.memory_space<vmem>>, vector<1x16xf32>,
        %parallel_loop3A_617 = arith.constant 2 : i32
        %parallel_loop3A_618 = vector.broadcast %parallel_loop3A_617 : i32 to vector<16x1xi32>
        %parallel_loop3A_619 = vector.shape_cast %parallel_loop3A_618 : vector<16x1xi32> to vector<16xi32>
        %parallel_loop3A_620 = tpu.dynamic_gather %parallel_loop3A_583[%parallel_loop3A_619] in [0] : vector<16xf32>, vector<16xi32> -> vector<16xf32>
        %parallel_loop3A_621 = arith.index_cast %parallel_loop3A_566 : i32 to index
        %parallel_loop3A_622 = arith.constant 32 : index
        %parallel_loop3A_623 = tpu.vector_load %arg18[%parallel_loop3A_621, %parallel_loop3A_622] {strides = array<i32>} : memref<80x128xf32, #tpu.memory_space<vmem>>, vector<1x16xf32>,
        %parallel_loop3A_624 = vector.shape_cast %parallel_loop3A_623 : vector<1x16xf32> to vector<16xf32>
        %parallel_loop3A_625 = arith.mulf %parallel_loop3A_624, %parallel_loop3A_620 : vector<16xf32>
        %parallel_loop3A_626 = arith.index_cast %parallel_loop3A_566 : i32 to index
        %parallel_loop3A_627 = arith.constant 32 : index
        %parallel_loop3A_628 = tpu.vector_load %arg18[%parallel_loop3A_626, %parallel_loop3A_627] {strides = array<i32>} : memref<80x128xf32, #tpu.memory_space<vmem>>, vector<1x16xf32>,
        %parallel_loop3A_629 = vector.shape_cast %parallel_loop3A_628 : vector<1x16xf32> to vector<16xf32>
        %parallel_loop3A_630 = vector.shape_cast %parallel_loop3A_625 : vector<16xf32> to vector<1x16xf32>
        tpu.vector_store %arg18[%parallel_loop3A_626, %parallel_loop3A_627], %parallel_loop3A_630 {strides = array<i32>} : memref<80x128xf32, #tpu.memory_space<vmem>>, vector<1x16xf32>,
        %parallel_loop3A_631 = arith.constant 3 : i32
        %parallel_loop3A_632 = vector.broadcast %parallel_loop3A_631 : i32 to vector<16x1xi32>
        %parallel_loop3A_633 = vector.shape_cast %parallel_loop3A_632 : vector<16x1xi32> to vector<16xi32>
        %parallel_loop3A_634 = tpu.dynamic_gather %parallel_loop3A_583[%parallel_loop3A_633] in [0] : vector<16xf32>, vector<16xi32> -> vector<16xf32>
        %parallel_loop3A_635 = arith.index_cast %parallel_loop3A_566 : i32 to index
        %parallel_loop3A_636 = arith.constant 48 : index
        %parallel_loop3A_637 = tpu.vector_load %arg18[%parallel_loop3A_635, %parallel_loop3A_636] {strides = array<i32>} : memref<80x128xf32, #tpu.memory_space<vmem>>, vector<1x16xf32>,
        %parallel_loop3A_638 = vector.shape_cast %parallel_loop3A_637 : vector<1x16xf32> to vector<16xf32>
        %parallel_loop3A_639 = arith.mulf %parallel_loop3A_638, %parallel_loop3A_634 : vector<16xf32>
        %parallel_loop3A_640 = arith.index_cast %parallel_loop3A_566 : i32 to index
        %parallel_loop3A_641 = arith.constant 48 : index
        %parallel_loop3A_642 = tpu.vector_load %arg18[%parallel_loop3A_640, %parallel_loop3A_641] {strides = array<i32>} : memref<80x128xf32, #tpu.memory_space<vmem>>, vector<1x16xf32>,
        %parallel_loop3A_643 = vector.shape_cast %parallel_loop3A_642 : vector<1x16xf32> to vector<16xf32>
        %parallel_loop3A_644 = vector.shape_cast %parallel_loop3A_639 : vector<16xf32> to vector<1x16xf32>
        tpu.vector_store %arg18[%parallel_loop3A_640, %parallel_loop3A_641], %parallel_loop3A_644 {strides = array<i32>} : memref<80x128xf32, #tpu.memory_space<vmem>>, vector<1x16xf32>,
        %parallel_loop3A_645 = arith.constant 4 : i32
        %parallel_loop3A_646 = vector.broadcast %parallel_loop3A_645 : i32 to vector<16x1xi32>
        %parallel_loop3A_647 = vector.shape_cast %parallel_loop3A_646 : vector<16x1xi32> to vector<16xi32>
        %parallel_loop3A_648 = tpu.dynamic_gather %parallel_loop3A_583[%parallel_loop3A_647] in [0] : vector<16xf32>, vector<16xi32> -> vector<16xf32>
        %parallel_loop3A_649 = arith.index_cast %parallel_loop3A_566 : i32 to index
        %parallel_loop3A_650 = arith.constant 64 : index
        %parallel_loop3A_651 = tpu.vector_load %arg18[%parallel_loop3A_649, %parallel_loop3A_650] {strides = array<i32>} : memref<80x128xf32, #tpu.memory_space<vmem>>, vector<1x16xf32>,
        %parallel_loop3A_652 = vector.shape_cast %parallel_loop3A_651 : vector<1x16xf32> to vector<16xf32>
        %parallel_loop3A_653 = arith.mulf %parallel_loop3A_652, %parallel_loop3A_648 : vector<16xf32>
        %parallel_loop3A_654 = arith.index_cast %parallel_loop3A_566 : i32 to index
        %parallel_loop3A_655 = arith.constant 64 : index
        %parallel_loop3A_656 = tpu.vector_load %arg18[%parallel_loop3A_654, %parallel_loop3A_655] {strides = array<i32>} : memref<80x128xf32, #tpu.memory_space<vmem>>, vector<1x16xf32>,
        %parallel_loop3A_657 = vector.shape_cast %parallel_loop3A_656 : vector<1x16xf32> to vector<16xf32>
        %parallel_loop3A_658 = vector.shape_cast %parallel_loop3A_653 : vector<16xf32> to vector<1x16xf32>
        tpu.vector_store %arg18[%parallel_loop3A_654, %parallel_loop3A_655], %parallel_loop3A_658 {strides = array<i32>} : memref<80x128xf32, #tpu.memory_space<vmem>>, vector<1x16xf32>,
        %parallel_loop3A_659 = arith.constant 5 : i32
        %parallel_loop3A_660 = vector.broadcast %parallel_loop3A_659 : i32 to vector<16x1xi32>
        %parallel_loop3A_661 = vector.shape_cast %parallel_loop3A_660 : vector<16x1xi32> to vector<16xi32>
        %parallel_loop3A_662 = tpu.dynamic_gather %parallel_loop3A_583[%parallel_loop3A_661] in [0] : vector<16xf32>, vector<16xi32> -> vector<16xf32>
        %parallel_loop3A_663 = arith.index_cast %parallel_loop3A_566 : i32 to index
        %parallel_loop3A_664 = arith.constant 80 : index
        %parallel_loop3A_665 = tpu.vector_load %arg18[%parallel_loop3A_663, %parallel_loop3A_664] {strides = array<i32>} : memref<80x128xf32, #tpu.memory_space<vmem>>, vector<1x16xf32>,
        %parallel_loop3A_666 = vector.shape_cast %parallel_loop3A_665 : vector<1x16xf32> to vector<16xf32>
        %parallel_loop3A_667 = arith.mulf %parallel_loop3A_666, %parallel_loop3A_662 : vector<16xf32>
        %parallel_loop3A_668 = arith.index_cast %parallel_loop3A_566 : i32 to index
        %parallel_loop3A_669 = arith.constant 80 : index
        %parallel_loop3A_670 = tpu.vector_load %arg18[%parallel_loop3A_668, %parallel_loop3A_669] {strides = array<i32>} : memref<80x128xf32, #tpu.memory_space<vmem>>, vector<1x16xf32>,
        %parallel_loop3A_671 = vector.shape_cast %parallel_loop3A_670 : vector<1x16xf32> to vector<16xf32>
        %parallel_loop3A_672 = vector.shape_cast %parallel_loop3A_667 : vector<16xf32> to vector<1x16xf32>
        tpu.vector_store %arg18[%parallel_loop3A_668, %parallel_loop3A_669], %parallel_loop3A_672 {strides = array<i32>} : memref<80x128xf32, #tpu.memory_space<vmem>>, vector<1x16xf32>,
        %parallel_loop3A_673 = arith.constant 6 : i32
        %parallel_loop3A_674 = vector.broadcast %parallel_loop3A_673 : i32 to vector<16x1xi32>
        %parallel_loop3A_675 = vector.shape_cast %parallel_loop3A_674 : vector<16x1xi32> to vector<16xi32>
        %parallel_loop3A_676 = tpu.dynamic_gather %parallel_loop3A_583[%parallel_loop3A_675] in [0] : vector<16xf32>, vector<16xi32> -> vector<16xf32>
        %parallel_loop3A_677 = arith.index_cast %parallel_loop3A_566 : i32 to index
        %parallel_loop3A_678 = arith.constant 96 : index
        %parallel_loop3A_679 = tpu.vector_load %arg18[%parallel_loop3A_677, %parallel_loop3A_678] {strides = array<i32>} : memref<80x128xf32, #tpu.memory_space<vmem>>, vector<1x16xf32>,
        %parallel_loop3A_680 = vector.shape_cast %parallel_loop3A_679 : vector<1x16xf32> to vector<16xf32>
        %parallel_loop3A_681 = arith.mulf %parallel_loop3A_680, %parallel_loop3A_676 : vector<16xf32>
        %parallel_loop3A_682 = arith.index_cast %parallel_loop3A_566 : i32 to index
        %parallel_loop3A_683 = arith.constant 96 : index
        %parallel_loop3A_684 = tpu.vector_load %arg18[%parallel_loop3A_682, %parallel_loop3A_683] {strides = array<i32>} : memref<80x128xf32, #tpu.memory_space<vmem>>, vector<1x16xf32>,
        %parallel_loop3A_685 = vector.shape_cast %parallel_loop3A_684 : vector<1x16xf32> to vector<16xf32>
        %parallel_loop3A_686 = vector.shape_cast %parallel_loop3A_681 : vector<16xf32> to vector<1x16xf32>
        tpu.vector_store %arg18[%parallel_loop3A_682, %parallel_loop3A_683], %parallel_loop3A_686 {strides = array<i32>} : memref<80x128xf32, #tpu.memory_space<vmem>>, vector<1x16xf32>,
        %parallel_loop3A_687 = arith.constant 7 : i32
        %parallel_loop3A_688 = vector.broadcast %parallel_loop3A_687 : i32 to vector<16x1xi32>
        %parallel_loop3A_689 = vector.shape_cast %parallel_loop3A_688 : vector<16x1xi32> to vector<16xi32>
        %parallel_loop3A_690 = tpu.dynamic_gather %parallel_loop3A_583[%parallel_loop3A_689] in [0] : vector<16xf32>, vector<16xi32> -> vector<16xf32>
        %parallel_loop3A_691 = arith.index_cast %parallel_loop3A_566 : i32 to index
        %parallel_loop3A_692 = arith.constant 112 : index
        %parallel_loop3A_693 = tpu.vector_load %arg18[%parallel_loop3A_691, %parallel_loop3A_692] {strides = array<i32>} : memref<80x128xf32, #tpu.memory_space<vmem>>, vector<1x16xf32>,
        %parallel_loop3A_694 = vector.shape_cast %parallel_loop3A_693 : vector<1x16xf32> to vector<16xf32>
        %parallel_loop3A_695 = arith.mulf %parallel_loop3A_694, %parallel_loop3A_690 : vector<16xf32>
        %parallel_loop3A_696 = arith.index_cast %parallel_loop3A_566 : i32 to index
        %parallel_loop3A_697 = arith.constant 112 : index
        %parallel_loop3A_698 = tpu.vector_load %arg18[%parallel_loop3A_696, %parallel_loop3A_697] {strides = array<i32>} : memref<80x128xf32, #tpu.memory_space<vmem>>, vector<1x16xf32>,
        %parallel_loop3A_699 = vector.shape_cast %parallel_loop3A_698 : vector<1x16xf32> to vector<16xf32>
        %parallel_loop3A_700 = vector.shape_cast %parallel_loop3A_695 : vector<16xf32> to vector<1x16xf32>
        tpu.vector_store %arg18[%parallel_loop3A_696, %parallel_loop3A_697], %parallel_loop3A_700 {strides = array<i32>} : memref<80x128xf32, #tpu.memory_space<vmem>>, vector<1x16xf32>,
      } {sc.loop_unroll_factor = 4 : i64, sc.parallel_access}
      %dma_start3A_440 = arith.constant 0 : i32
      %dma_start3A_441 = tpu.memref_slice %arg11[%add3A_410, %dma_start3A_440] : memref<125x80xi32, #tpu.memory_space<vmem>> -> memref<1x80xi32, #tpu.memory_space<vmem>>
      %dma_start3A_442 = tpu.memref_squeeze %dma_start3A_441 : memref<1x80xi32, #tpu.memory_space<vmem>> -> memref<80xi32, #tpu.memory_space<vmem>>
      %dma_start3A_443 = arith.constant 0 : i32
      %dma_start3A_444 = arith.constant 0 : i32
      %dma_start3A_445 = tpu.memref_slice %arg23[%dma_start3A_443, %dma_start3A_444] : memref<10000x16xf32, #tpu.memory_space<vmem_shared>> -> memref<10000x16xf32, #tpu.memory_space<vmem_shared>>
      tpu.enqueue_indirect_dma source(%arg20 : memref<80x16xf32, #tpu.memory_space<vmem>>) target(%dma_start3A_445 : memref<10000x16xf32, #tpu.memory_space<vmem_shared>>) offsets(%dma_start3A_442 : memref<80xi32, #tpu.memory_space<vmem>>) semaphore(%arg28 : memref<!tpu.dma_semaphore, #tpu.memory_space<semaphore_mem>>) {add = true}
      %dma_start3A_446 = arith.constant 0 : i32
      %dma_start3A_447 = tpu.memref_slice %arg11[%add3A_410, %dma_start3A_446] : memref<125x80xi32, #tpu.memory_space<vmem>> -> memref<1x80xi32, #tpu.memory_space<vmem>>
      %dma_start3A_448 = tpu.memref_squeeze %dma_start3A_447 : memref<1x80xi32, #tpu.memory_space<vmem>> -> memref<80xi32, #tpu.memory_space<vmem>>
      %dma_start3A_449 = arith.constant 0 : i32
      %dma_start3A_450 = arith.constant 0 : i32
      %dma_start3A_451 = tpu.memref_slice %arg22[%dma_start3A_449, %dma_start3A_450] : memref<10000x128xf32, #tpu.memory_space<vmem_shared>> -> memref<10000x128xf32, #tpu.memory_space<vmem_shared>>
      tpu.enqueue_indirect_dma source(%arg18 : memref<80x128xf32, #tpu.memory_space<vmem>>) target(%dma_start3A_451 : memref<10000x128xf32, #tpu.memory_space<vmem_shared>>) offsets(%dma_start3A_448 : memref<80xi32, #tpu.memory_space<vmem>>) semaphore(%arg28 : memref<!tpu.dma_semaphore, #tpu.memory_space<semaphore_mem>>) {add = true}
      %dma_wait3A_452 = arith.constant 0 : i32
      %dma_wait3A_453 = arith.constant 0 : i32
      %dma_wait3A_454 = tpu.memref_slice %arg8[%dma_wait3A_452, %dma_wait3A_453] : memref<10000x16xf32, #tpu.memory_space<hbm>> -> memref<80x16xf32, #tpu.memory_space<hbm>>
      %dma_wait3A_455 = arith.constant 0 : i32
      %dma_wait3A_456 = arith.constant 0 : i32
      %dma_wait3A_457 = tpu.memref_slice %arg8[%dma_wait3A_455, %dma_wait3A_456] : memref<10000x16xf32, #tpu.memory_space<hbm>> -> memref<80x16xf32, #tpu.memory_space<hbm>>
      tpu.wait_dma2 semaphore(%arg29 : memref<!tpu.dma_semaphore, #tpu.memory_space<semaphore_mem>>) src(%dma_wait3A_457 : memref<80x16xf32, #tpu.memory_space<hbm>>) dst(%arg21 : memref<80x16xf32, #tpu.memory_space<vmem>>)
      %dma_wait3A_458 = arith.constant 0 : i32
      %dma_wait3A_459 = arith.constant 0 : i32
      %dma_wait3A_460 = tpu.memref_slice %arg7[%dma_wait3A_458, %dma_wait3A_459] : memref<10000x128xf32, #tpu.memory_space<hbm>> -> memref<80x128xf32, #tpu.memory_space<hbm>>
      %dma_wait3A_461 = arith.constant 0 : i32
      %dma_wait3A_462 = arith.constant 0 : i32
      %dma_wait3A_463 = tpu.memref_slice %arg7[%dma_wait3A_461, %dma_wait3A_462] : memref<10000x128xf32, #tpu.memory_space<hbm>> -> memref<80x128xf32, #tpu.memory_space<hbm>>
      tpu.wait_dma2 semaphore(%arg29 : memref<!tpu.dma_semaphore, #tpu.memory_space<semaphore_mem>>) src(%dma_wait3A_463 : memref<80x128xf32, #tpu.memory_space<hbm>>) dst(%arg19 : memref<80x128xf32, #tpu.memory_space<vmem>>)
      %add3A_464 = arith.constant 1 : i32
      %add3A_465 = arith.addi %add3A_410, %add3A_464 : i32
      %dma_start3A_466 = arith.constant 0 : i32
      %dma_start3A_467 = arith.constant 0 : i32
      %dma_start3A_468 = tpu.memref_slice %arg3[%dma_start3A_466, %dma_start3A_467] : memref<10000x16xf32, #tpu.memory_space<hbm>> -> memref<10000x16xf32, #tpu.memory_space<hbm>>
      tpu.enqueue_indirect_dma source(%dma_start3A_468 : memref<10000x16xf32, #tpu.memory_space<hbm>>) target(%arg15 : memref<80x16xf32, #tpu.memory_space<vmem>>) offsets(%arg13 : memref<80xi32, #tpu.memory_space<vmem>>) semaphore(%arg27 : memref<!tpu.dma_semaphore, #tpu.memory_space<semaphore_mem>>)
      %dma_start3A_469 = arith.constant 0 : i32
      %dma_start3A_470 = tpu.memref_slice %arg11[%add3A_465, %dma_start3A_469] : memref<125x80xi32, #tpu.memory_space<vmem>> -> memref<1x80xi32, #tpu.memory_space<vmem>>
      %dma_start3A_471 = tpu.memref_squeeze %dma_start3A_470 : memref<1x80xi32, #tpu.memory_space<vmem>> -> memref<80xi32, #tpu.memory_space<vmem>>
      %dma_start3A_472 = arith.constant 0 : i32
      %dma_start3A_473 = arith.constant 0 : i32
      %dma_start3A_474 = tpu.memref_slice %arg4[%dma_start3A_472, %dma_start3A_473] : memref<10000x16xf32, #tpu.memory_space<hbm>> -> memref<10000x16xf32, #tpu.memory_space<hbm>>
      tpu.enqueue_indirect_dma source(%dma_start3A_474 : memref<10000x16xf32, #tpu.memory_space<hbm>>) target(%arg17 : memref<80x16xf32, #tpu.memory_space<vmem>>) offsets(%dma_start3A_471 : memref<80xi32, #tpu.memory_space<vmem>>) semaphore(%arg27 : memref<!tpu.dma_semaphore, #tpu.memory_space<semaphore_mem>>)
      %dma_start3A_475 = arith.constant 0 : i32
      %dma_start3A_476 = arith.constant 0 : i32
      %dma_start3A_477 = tpu.memref_slice %arg2[%dma_start3A_475, %dma_start3A_476] : memref<10000x128xf32, #tpu.memory_space<hbm>> -> memref<10000x128xf32, #tpu.memory_space<hbm>>
      tpu.enqueue_indirect_dma source(%dma_start3A_477 : memref<10000x128xf32, #tpu.memory_space<hbm>>) target(%arg19 : memref<80x128xf32, #tpu.memory_space<vmem>>) offsets(%arg13 : memref<80xi32, #tpu.memory_space<vmem>>) semaphore(%arg27 : memref<!tpu.dma_semaphore, #tpu.memory_space<semaphore_mem>>)
      %add3A_478 = arith.constant 2 : i32
      %add3A_479 = arith.addi %add3A_410, %add3A_478 : i32
      %dma_start3A_480 = arith.constant 0 : i32
      %dma_start3A_481 = tpu.memref_slice %arg5[%add3A, %add3A_479, %dma_start3A_480] : memref<32x125x80xi32, #tpu.memory_space<hbm>> -> memref<1x1x80xi32, #tpu.memory_space<hbm>>
      %dma_start3A_482 = tpu.memref_squeeze %dma_start3A_481 : memref<1x1x80xi32, #tpu.memory_space<hbm>> -> memref<80xi32, #tpu.memory_space<hbm>>
      %dma_start3A_483 = arith.constant 0 : i32
      %dma_start3A_484 = tpu.memref_slice %arg5[%add3A, %add3A_479, %dma_start3A_483] : memref<32x125x80xi32, #tpu.memory_space<hbm>> -> memref<1x1x80xi32, #tpu.memory_space<hbm>>
      %dma_start3A_485 = tpu.memref_squeeze %dma_start3A_484 : memref<1x1x80xi32, #tpu.memory_space<hbm>> -> memref<80xi32, #tpu.memory_space<hbm>>
      tpu.enqueue_dma source(%dma_start3A_485 : memref<80xi32, #tpu.memory_space<hbm>>) target(%arg12 : memref<80xi32, #tpu.memory_space<vmem>>) target_semaphore(%arg24 : memref<!tpu.dma_semaphore, #tpu.memory_space<semaphore_mem>>)
      %mul3A_486 = arith.constant 2 : i32
      %mul3A_487 = arith.muli %scan3A_405, %mul3A_486 : i32
      %add3A_488 = arith.constant 1 : i32
      %add3A_489 = arith.addi %mul3A_487, %add3A_488 : i32
      %dma_wait3A_490 = arith.constant 0 : i32
      %dma_wait3A_491 = arith.constant 0 : i32
      %dma_wait3A_492 = arith.constant 0 : i32
      %dma_wait3A_493 = tpu.memref_slice %arg5[%dma_wait3A_490, %dma_wait3A_491, %dma_wait3A_492] : memref<32x125x80xi32, #tpu.memory_space<hbm>> -> memref<1x1x80xi32, #tpu.memory_space<hbm>>
      %dma_wait3A_494 = tpu.memref_squeeze %dma_wait3A_493 : memref<1x1x80xi32, #tpu.memory_space<hbm>> -> memref<80xi32, #tpu.memory_space<hbm>>
      %dma_wait3A_495 = arith.constant 0 : i32
      %dma_wait3A_496 = tpu.memref_slice %arg5[%dma_wait3A_490, %dma_wait3A_491, %dma_wait3A_495] : memref<32x125x80xi32, #tpu.memory_space<hbm>> -> memref<1x1x80xi32, #tpu.memory_space<hbm>>
      %dma_wait3A_497 = tpu.memref_squeeze %dma_wait3A_496 : memref<1x1x80xi32, #tpu.memory_space<hbm>> -> memref<80xi32, #tpu.memory_space<hbm>>
      tpu.wait_dma2 semaphore(%arg24 : memref<!tpu.dma_semaphore, #tpu.memory_space<semaphore_mem>>) src(%dma_wait3A_497 : memref<80xi32, #tpu.memory_space<hbm>>) dst(%arg12 : memref<80xi32, #tpu.memory_space<vmem>>)
      %dma_wait3A_498 = arith.constant 0 : i32
      %dma_wait3A_499 = arith.constant 0 : i32
      %dma_wait3A_500 = tpu.memref_slice %arg8[%dma_wait3A_498, %dma_wait3A_499] : memref<10000x16xf32, #tpu.memory_space<hbm>> -> memref<80x16xf32, #tpu.memory_space<hbm>>
      %dma_wait3A_501 = arith.constant 0 : i32
      %dma_wait3A_502 = arith.constant 0 : i32
      %dma_wait3A_503 = tpu.memref_slice %arg8[%dma_wait3A_501, %dma_wait3A_502] : memref<10000x16xf32, #tpu.memory_space<hbm>> -> memref<80x16xf32, #tpu.memory_space<hbm>>
      tpu.wait_dma2 semaphore(%arg27 : memref<!tpu.dma_semaphore, #tpu.memory_space<semaphore_mem>>) src(%dma_wait3A_503 : memref<80x16xf32, #tpu.memory_space<hbm>>) dst(%arg15 : memref<80x16xf32, #tpu.memory_space<vmem>>)
      %dma_wait3A_504 = arith.constant 0 : i32
      %dma_wait3A_505 = arith.constant 0 : i32
      %dma_wait3A_506 = tpu.memref_slice %arg8[%dma_wait3A_504, %dma_wait3A_505] : memref<10000x16xf32, #tpu.memory_space<hbm>> -> memref<80x16xf32, #tpu.memory_space<hbm>>
      %dma_wait3A_507 = arith.constant 0 : i32
      %dma_wait3A_508 = arith.constant 0 : i32
      %dma_wait3A_509 = tpu.memref_slice %arg8[%dma_wait3A_507, %dma_wait3A_508] : memref<10000x16xf32, #tpu.memory_space<hbm>> -> memref<80x16xf32, #tpu.memory_space<hbm>>
      tpu.wait_dma2 semaphore(%arg27 : memref<!tpu.dma_semaphore, #tpu.memory_space<semaphore_mem>>) src(%dma_wait3A_509 : memref<80x16xf32, #tpu.memory_space<hbm>>) dst(%arg17 : memref<80x16xf32, #tpu.memory_space<vmem>>)
      %dma_wait3A_510 = arith.constant 0 : i32
      %dma_wait3A_511 = arith.constant 0 : i32
      %dma_wait3A_512 = tpu.memref_slice %arg7[%dma_wait3A_510, %dma_wait3A_511] : memref<10000x128xf32, #tpu.memory_space<hbm>> -> memref<80x128xf32, #tpu.memory_space<hbm>>
      %dma_wait3A_513 = arith.constant 0 : i32
      %dma_wait3A_514 = arith.constant 0 : i32
      %dma_wait3A_515 = tpu.memref_slice %arg7[%dma_wait3A_513, %dma_wait3A_514] : memref<10000x128xf32, #tpu.memory_space<hbm>> -> memref<80x128xf32, #tpu.memory_space<hbm>>
      tpu.wait_dma2 semaphore(%arg27 : memref<!tpu.dma_semaphore, #tpu.memory_space<semaphore_mem>>) src(%dma_wait3A_515 : memref<80x128xf32, #tpu.memory_space<hbm>>) dst(%arg19 : memref<80x128xf32, #tpu.memory_space<vmem>>)
      %parallel_loop3A_516 = arith.constant 0 : i32
      %parallel_loop3A_517 = arith.constant 80 : i32
      %parallel_loop3A_518 = arith.constant 1 : i32
      scf.for %parallel_loop3A_566 = %parallel_loop3A_516 to %parallel_loop3A_517 step %parallel_loop3A_518  : i32 {
        %parallel_loop3A_567 = arith.index_cast %parallel_loop3A_566 : i32 to index
        %parallel_loop3A_568 = arith.constant 0 : index
        %parallel_loop3A_569 = tpu.vector_load %arg15[%parallel_loop3A_567, %parallel_loop3A_568] {strides = array<i32>} : memref<80x16xf32, #tpu.memory_space<vmem>>, vector<1x16xf32>,
        %parallel_loop3A_570 = vector.shape_cast %parallel_loop3A_569 : vector<1x16xf32> to vector<16xf32>
        %parallel_loop3A_571 = arith.index_cast %parallel_loop3A_566 : i32 to index
        %parallel_loop3A_572 = arith.constant 0 : index
        %parallel_loop3A_573 = tpu.vector_load %arg17[%parallel_loop3A_571, %parallel_loop3A_572] {strides = array<i32>} : memref<80x16xf32, #tpu.memory_space<vmem>>, vector<1x16xf32>,
        %parallel_loop3A_574 = vector.shape_cast %parallel_loop3A_573 : vector<1x16xf32> to vector<16xf32>
        %parallel_loop3A_575 = arith.addf %parallel_loop3A_570, %parallel_loop3A_574 : vector<16xf32>
        %parallel_loop3A_576 = arith.constant 0.000000e+00 : f32
        %parallel_loop3A_577 = vector.broadcast %parallel_loop3A_576 : f32 to vector<16xf32>
        %parallel_loop3A_578 = arith.cmpf oge, %parallel_loop3A_575, %parallel_loop3A_577 : vector<16xf32>
        %parallel_loop3A_579 = arith.constant 2.000000e-01 : f32
        %parallel_loop3A_580 = vector.broadcast %parallel_loop3A_579 : f32 to vector<16xf32>
        %parallel_loop3A_581 = arith.mulf %parallel_loop3A_580, %parallel_loop3A_575 : vector<16xf32>
        %parallel_loop3A_582 = arith.select %parallel_loop3A_578, %parallel_loop3A_575, %parallel_loop3A_581 : vector<16xi1>, vector<16xf32>
        %parallel_loop3A_583 = math.exp %parallel_loop3A_582 : vector<16xf32>
        %parallel_loop3A_584 = arith.index_cast %parallel_loop3A_566 : i32 to index
        %parallel_loop3A_585 = arith.constant 0 : index
        %parallel_loop3A_586 = tpu.vector_load %arg21[%parallel_loop3A_584, %parallel_loop3A_585] {strides = array<i32>} : memref<80x16xf32, #tpu.memory_space<vmem>>, vector<1x16xf32>,
        %parallel_loop3A_587 = vector.shape_cast %parallel_loop3A_586 : vector<1x16xf32> to vector<16xf32>
        %parallel_loop3A_588 = vector.shape_cast %parallel_loop3A_583 : vector<16xf32> to vector<1x16xf32>
        tpu.vector_store %arg21[%parallel_loop3A_584, %parallel_loop3A_585], %parallel_loop3A_588 {strides = array<i32>} : memref<80x16xf32, #tpu.memory_space<vmem>>, vector<1x16xf32>,
        %parallel_loop3A_589 = arith.constant 0 : i32
        %parallel_loop3A_590 = vector.broadcast %parallel_loop3A_589 : i32 to vector<16x1xi32>
        %parallel_loop3A_591 = vector.shape_cast %parallel_loop3A_590 : vector<16x1xi32> to vector<16xi32>
        %parallel_loop3A_592 = tpu.dynamic_gather %parallel_loop3A_583[%parallel_loop3A_591] in [0] : vector<16xf32>, vector<16xi32> -> vector<16xf32>
        %parallel_loop3A_593 = arith.index_cast %parallel_loop3A_566 : i32 to index
        %parallel_loop3A_594 = arith.constant 0 : index
        %parallel_loop3A_595 = tpu.vector_load %arg19[%parallel_loop3A_593, %parallel_loop3A_594] {strides = array<i32>} : memref<80x128xf32, #tpu.memory_space<vmem>>, vector<1x16xf32>,
        %parallel_loop3A_596 = vector.shape_cast %parallel_loop3A_595 : vector<1x16xf32> to vector<16xf32>
        %parallel_loop3A_597 = arith.mulf %parallel_loop3A_596, %parallel_loop3A_592 : vector<16xf32>
        %parallel_loop3A_598 = arith.index_cast %parallel_loop3A_566 : i32 to index
        %parallel_loop3A_599 = arith.constant 0 : index
        %parallel_loop3A_600 = tpu.vector_load %arg19[%parallel_loop3A_598, %parallel_loop3A_599] {strides = array<i32>} : memref<80x128xf32, #tpu.memory_space<vmem>>, vector<1x16xf32>,
        %parallel_loop3A_601 = vector.shape_cast %parallel_loop3A_600 : vector<1x16xf32> to vector<16xf32>
        %parallel_loop3A_602 = vector.shape_cast %parallel_loop3A_597 : vector<16xf32> to vector<1x16xf32>
        tpu.vector_store %arg19[%parallel_loop3A_598, %parallel_loop3A_599], %parallel_loop3A_602 {strides = array<i32>} : memref<80x128xf32, #tpu.memory_space<vmem>>, vector<1x16xf32>,
        %parallel_loop3A_603 = arith.constant 1 : i32
        %parallel_loop3A_604 = vector.broadcast %parallel_loop3A_603 : i32 to vector<16x1xi32>
        %parallel_loop3A_605 = vector.shape_cast %parallel_loop3A_604 : vector<16x1xi32> to vector<16xi32>
        %parallel_loop3A_606 = tpu.dynamic_gather %parallel_loop3A_583[%parallel_loop3A_605] in [0] : vector<16xf32>, vector<16xi32> -> vector<16xf32>
        %parallel_loop3A_607 = arith.index_cast %parallel_loop3A_566 : i32 to index
        %parallel_loop3A_608 = arith.constant 16 : index
        %parallel_loop3A_609 = tpu.vector_load %arg19[%parallel_loop3A_607, %parallel_loop3A_608] {strides = array<i32>} : memref<80x128xf32, #tpu.memory_space<vmem>>, vector<1x16xf32>,
        %parallel_loop3A_610 = vector.shape_cast %parallel_loop3A_609 : vector<1x16xf32> to vector<16xf32>
        %parallel_loop3A_611 = arith.mulf %parallel_loop3A_610, %parallel_loop3A_606 : vector<16xf32>
        %parallel_loop3A_612 = arith.index_cast %parallel_loop3A_566 : i32 to index
        %parallel_loop3A_613 = arith.constant 16 : index
        %parallel_loop3A_614 = tpu.vector_load %arg19[%parallel_loop3A_612, %parallel_loop3A_613] {strides = array<i32>} : memref<80x128xf32, #tpu.memory_space<vmem>>, vector<1x16xf32>,
        %parallel_loop3A_615 = vector.shape_cast %parallel_loop3A_614 : vector<1x16xf32> to vector<16xf32>
        %parallel_loop3A_616 = vector.shape_cast %parallel_loop3A_611 : vector<16xf32> to vector<1x16xf32>
        tpu.vector_store %arg19[%parallel_loop3A_612, %parallel_loop3A_613], %parallel_loop3A_616 {strides = array<i32>} : memref<80x128xf32, #tpu.memory_space<vmem>>, vector<1x16xf32>,
        %parallel_loop3A_617 = arith.constant 2 : i32
        %parallel_loop3A_618 = vector.broadcast %parallel_loop3A_617 : i32 to vector<16x1xi32>
        %parallel_loop3A_619 = vector.shape_cast %parallel_loop3A_618 : vector<16x1xi32> to vector<16xi32>
        %parallel_loop3A_620 = tpu.dynamic_gather %parallel_loop3A_583[%parallel_loop3A_619] in [0] : vector<16xf32>, vector<16xi32> -> vector<16xf32>
        %parallel_loop3A_621 = arith.index_cast %parallel_loop3A_566 : i32 to index
        %parallel_loop3A_622 = arith.constant 32 : index
        %parallel_loop3A_623 = tpu.vector_load %arg19[%parallel_loop3A_621, %parallel_loop3A_622] {strides = array<i32>} : memref<80x128xf32, #tpu.memory_space<vmem>>, vector<1x16xf32>,
        %parallel_loop3A_624 = vector.shape_cast %parallel_loop3A_623 : vector<1x16xf32> to vector<16xf32>
        %parallel_loop3A_625 = arith.mulf %parallel_loop3A_624, %parallel_loop3A_620 : vector<16xf32>
        %parallel_loop3A_626 = arith.index_cast %parallel_loop3A_566 : i32 to index
        %parallel_loop3A_627 = arith.constant 32 : index
        %parallel_loop3A_628 = tpu.vector_load %arg19[%parallel_loop3A_626, %parallel_loop3A_627] {strides = array<i32>} : memref<80x128xf32, #tpu.memory_space<vmem>>, vector<1x16xf32>,
        %parallel_loop3A_629 = vector.shape_cast %parallel_loop3A_628 : vector<1x16xf32> to vector<16xf32>
        %parallel_loop3A_630 = vector.shape_cast %parallel_loop3A_625 : vector<16xf32> to vector<1x16xf32>
        tpu.vector_store %arg19[%parallel_loop3A_626, %parallel_loop3A_627], %parallel_loop3A_630 {strides = array<i32>} : memref<80x128xf32, #tpu.memory_space<vmem>>, vector<1x16xf32>,
        %parallel_loop3A_631 = arith.constant 3 : i32
        %parallel_loop3A_632 = vector.broadcast %parallel_loop3A_631 : i32 to vector<16x1xi32>
        %parallel_loop3A_633 = vector.shape_cast %parallel_loop3A_632 : vector<16x1xi32> to vector<16xi32>
        %parallel_loop3A_634 = tpu.dynamic_gather %parallel_loop3A_583[%parallel_loop3A_633] in [0] : vector<16xf32>, vector<16xi32> -> vector<16xf32>
        %parallel_loop3A_635 = arith.index_cast %parallel_loop3A_566 : i32 to index
        %parallel_loop3A_636 = arith.constant 48 : index
        %parallel_loop3A_637 = tpu.vector_load %arg19[%parallel_loop3A_635, %parallel_loop3A_636] {strides = array<i32>} : memref<80x128xf32, #tpu.memory_space<vmem>>, vector<1x16xf32>,
        %parallel_loop3A_638 = vector.shape_cast %parallel_loop3A_637 : vector<1x16xf32> to vector<16xf32>
        %parallel_loop3A_639 = arith.mulf %parallel_loop3A_638, %parallel_loop3A_634 : vector<16xf32>
        %parallel_loop3A_640 = arith.index_cast %parallel_loop3A_566 : i32 to index
        %parallel_loop3A_641 = arith.constant 48 : index
        %parallel_loop3A_642 = tpu.vector_load %arg19[%parallel_loop3A_640, %parallel_loop3A_641] {strides = array<i32>} : memref<80x128xf32, #tpu.memory_space<vmem>>, vector<1x16xf32>,
        %parallel_loop3A_643 = vector.shape_cast %parallel_loop3A_642 : vector<1x16xf32> to vector<16xf32>
        %parallel_loop3A_644 = vector.shape_cast %parallel_loop3A_639 : vector<16xf32> to vector<1x16xf32>
        tpu.vector_store %arg19[%parallel_loop3A_640, %parallel_loop3A_641], %parallel_loop3A_644 {strides = array<i32>} : memref<80x128xf32, #tpu.memory_space<vmem>>, vector<1x16xf32>,
        %parallel_loop3A_645 = arith.constant 4 : i32
        %parallel_loop3A_646 = vector.broadcast %parallel_loop3A_645 : i32 to vector<16x1xi32>
        %parallel_loop3A_647 = vector.shape_cast %parallel_loop3A_646 : vector<16x1xi32> to vector<16xi32>
        %parallel_loop3A_648 = tpu.dynamic_gather %parallel_loop3A_583[%parallel_loop3A_647] in [0] : vector<16xf32>, vector<16xi32> -> vector<16xf32>
        %parallel_loop3A_649 = arith.index_cast %parallel_loop3A_566 : i32 to index
        %parallel_loop3A_650 = arith.constant 64 : index
        %parallel_loop3A_651 = tpu.vector_load %arg19[%parallel_loop3A_649, %parallel_loop3A_650] {strides = array<i32>} : memref<80x128xf32, #tpu.memory_space<vmem>>, vector<1x16xf32>,
        %parallel_loop3A_652 = vector.shape_cast %parallel_loop3A_651 : vector<1x16xf32> to vector<16xf32>
        %parallel_loop3A_653 = arith.mulf %parallel_loop3A_652, %parallel_loop3A_648 : vector<16xf32>
        %parallel_loop3A_654 = arith.index_cast %parallel_loop3A_566 : i32 to index
        %parallel_loop3A_655 = arith.constant 64 : index
        %parallel_loop3A_656 = tpu.vector_load %arg19[%parallel_loop3A_654, %parallel_loop3A_655] {strides = array<i32>} : memref<80x128xf32, #tpu.memory_space<vmem>>, vector<1x16xf32>,
        %parallel_loop3A_657 = vector.shape_cast %parallel_loop3A_656 : vector<1x16xf32> to vector<16xf32>
        %parallel_loop3A_658 = vector.shape_cast %parallel_loop3A_653 : vector<16xf32> to vector<1x16xf32>
        tpu.vector_store %arg19[%parallel_loop3A_654, %parallel_loop3A_655], %parallel_loop3A_658 {strides = array<i32>} : memref<80x128xf32, #tpu.memory_space<vmem>>, vector<1x16xf32>,
        %parallel_loop3A_659 = arith.constant 5 : i32
        %parallel_loop3A_660 = vector.broadcast %parallel_loop3A_659 : i32 to vector<16x1xi32>
        %parallel_loop3A_661 = vector.shape_cast %parallel_loop3A_660 : vector<16x1xi32> to vector<16xi32>
        %parallel_loop3A_662 = tpu.dynamic_gather %parallel_loop3A_583[%parallel_loop3A_661] in [0] : vector<16xf32>, vector<16xi32> -> vector<16xf32>
        %parallel_loop3A_663 = arith.index_cast %parallel_loop3A_566 : i32 to index
        %parallel_loop3A_664 = arith.constant 80 : index
        %parallel_loop3A_665 = tpu.vector_load %arg19[%parallel_loop3A_663, %parallel_loop3A_664] {strides = array<i32>} : memref<80x128xf32, #tpu.memory_space<vmem>>, vector<1x16xf32>,
        %parallel_loop3A_666 = vector.shape_cast %parallel_loop3A_665 : vector<1x16xf32> to vector<16xf32>
        %parallel_loop3A_667 = arith.mulf %parallel_loop3A_666, %parallel_loop3A_662 : vector<16xf32>
        %parallel_loop3A_668 = arith.index_cast %parallel_loop3A_566 : i32 to index
        %parallel_loop3A_669 = arith.constant 80 : index
        %parallel_loop3A_670 = tpu.vector_load %arg19[%parallel_loop3A_668, %parallel_loop3A_669] {strides = array<i32>} : memref<80x128xf32, #tpu.memory_space<vmem>>, vector<1x16xf32>,
        %parallel_loop3A_671 = vector.shape_cast %parallel_loop3A_670 : vector<1x16xf32> to vector<16xf32>
        %parallel_loop3A_672 = vector.shape_cast %parallel_loop3A_667 : vector<16xf32> to vector<1x16xf32>
        tpu.vector_store %arg19[%parallel_loop3A_668, %parallel_loop3A_669], %parallel_loop3A_672 {strides = array<i32>} : memref<80x128xf32, #tpu.memory_space<vmem>>, vector<1x16xf32>,
        %parallel_loop3A_673 = arith.constant 6 : i32
        %parallel_loop3A_674 = vector.broadcast %parallel_loop3A_673 : i32 to vector<16x1xi32>
        %parallel_loop3A_675 = vector.shape_cast %parallel_loop3A_674 : vector<16x1xi32> to vector<16xi32>
        %parallel_loop3A_676 = tpu.dynamic_gather %parallel_loop3A_583[%parallel_loop3A_675] in [0] : vector<16xf32>, vector<16xi32> -> vector<16xf32>
        %parallel_loop3A_677 = arith.index_cast %parallel_loop3A_566 : i32 to index
        %parallel_loop3A_678 = arith.constant 96 : index
        %parallel_loop3A_679 = tpu.vector_load %arg19[%parallel_loop3A_677, %parallel_loop3A_678] {strides = array<i32>} : memref<80x128xf32, #tpu.memory_space<vmem>>, vector<1x16xf32>,
        %parallel_loop3A_680 = vector.shape_cast %parallel_loop3A_679 : vector<1x16xf32> to vector<16xf32>
        %parallel_loop3A_681 = arith.mulf %parallel_loop3A_680, %parallel_loop3A_676 : vector<16xf32>
        %parallel_loop3A_682 = arith.index_cast %parallel_loop3A_566 : i32 to index
        %parallel_loop3A_683 = arith.constant 96 : index
        %parallel_loop3A_684 = tpu.vector_load %arg19[%parallel_loop3A_682, %parallel_loop3A_683] {strides = array<i32>} : memref<80x128xf32, #tpu.memory_space<vmem>>, vector<1x16xf32>,
        %parallel_loop3A_685 = vector.shape_cast %parallel_loop3A_684 : vector<1x16xf32> to vector<16xf32>
        %parallel_loop3A_686 = vector.shape_cast %parallel_loop3A_681 : vector<16xf32> to vector<1x16xf32>
        tpu.vector_store %arg19[%parallel_loop3A_682, %parallel_loop3A_683], %parallel_loop3A_686 {strides = array<i32>} : memref<80x128xf32, #tpu.memory_space<vmem>>, vector<1x16xf32>,
        %parallel_loop3A_687 = arith.constant 7 : i32
        %parallel_loop3A_688 = vector.broadcast %parallel_loop3A_687 : i32 to vector<16x1xi32>
        %parallel_loop3A_689 = vector.shape_cast %parallel_loop3A_688 : vector<16x1xi32> to vector<16xi32>
        %parallel_loop3A_690 = tpu.dynamic_gather %parallel_loop3A_583[%parallel_loop3A_689] in [0] : vector<16xf32>, vector<16xi32> -> vector<16xf32>
        %parallel_loop3A_691 = arith.index_cast %parallel_loop3A_566 : i32 to index
        %parallel_loop3A_692 = arith.constant 112 : index
        %parallel_loop3A_693 = tpu.vector_load %arg19[%parallel_loop3A_691, %parallel_loop3A_692] {strides = array<i32>} : memref<80x128xf32, #tpu.memory_space<vmem>>, vector<1x16xf32>,
        %parallel_loop3A_694 = vector.shape_cast %parallel_loop3A_693 : vector<1x16xf32> to vector<16xf32>
        %parallel_loop3A_695 = arith.mulf %parallel_loop3A_694, %parallel_loop3A_690 : vector<16xf32>
        %parallel_loop3A_696 = arith.index_cast %parallel_loop3A_566 : i32 to index
        %parallel_loop3A_697 = arith.constant 112 : index
        %parallel_loop3A_698 = tpu.vector_load %arg19[%parallel_loop3A_696, %parallel_loop3A_697] {strides = array<i32>} : memref<80x128xf32, #tpu.memory_space<vmem>>, vector<1x16xf32>,
        %parallel_loop3A_699 = vector.shape_cast %parallel_loop3A_698 : vector<1x16xf32> to vector<16xf32>
        %parallel_loop3A_700 = vector.shape_cast %parallel_loop3A_695 : vector<16xf32> to vector<1x16xf32>
        tpu.vector_store %arg19[%parallel_loop3A_696, %parallel_loop3A_697], %parallel_loop3A_700 {strides = array<i32>} : memref<80x128xf32, #tpu.memory_space<vmem>>, vector<1x16xf32>,
      } {sc.loop_unroll_factor = 4 : i64, sc.parallel_access}
      %dma_start3A_519 = arith.constant 0 : i32
      %dma_start3A_520 = tpu.memref_slice %arg11[%add3A_489, %dma_start3A_519] : memref<125x80xi32, #tpu.memory_space<vmem>> -> memref<1x80xi32, #tpu.memory_space<vmem>>
      %dma_start3A_521 = tpu.memref_squeeze %dma_start3A_520 : memref<1x80xi32, #tpu.memory_space<vmem>> -> memref<80xi32, #tpu.memory_space<vmem>>
      %dma_start3A_522 = arith.constant 0 : i32
      %dma_start3A_523 = arith.constant 0 : i32
      %dma_start3A_524 = tpu.memref_slice %arg23[%dma_start3A_522, %dma_start3A_523] : memref<10000x16xf32, #tpu.memory_space<vmem_shared>> -> memref<10000x16xf32, #tpu.memory_space<vmem_shared>>
      tpu.enqueue_indirect_dma source(%arg21 : memref<80x16xf32, #tpu.memory_space<vmem>>) target(%dma_start3A_524 : memref<10000x16xf32, #tpu.memory_space<vmem_shared>>) offsets(%dma_start3A_521 : memref<80xi32, #tpu.memory_space<vmem>>) semaphore(%arg29 : memref<!tpu.dma_semaphore, #tpu.memory_space<semaphore_mem>>) {add = true}
      %dma_start3A_525 = arith.constant 0 : i32
      %dma_start3A_526 = tpu.memref_slice %arg11[%add3A_489, %dma_start3A_525] : memref<125x80xi32, #tpu.memory_space<vmem>> -> memref<1x80xi32, #tpu.memory_space<vmem>>
      %dma_start3A_527 = tpu.memref_squeeze %dma_start3A_526 : memref<1x80xi32, #tpu.memory_space<vmem>> -> memref<80xi32, #tpu.memory_space<vmem>>
      %dma_start3A_528 = arith.constant 0 : i32
      %dma_start3A_529 = arith.constant 0 : i32
      %dma_start3A_530 = tpu.memref_slice %arg22[%dma_start3A_528, %dma_start3A_529] : memref<10000x128xf32, #tpu.memory_space<vmem_shared>> -> memref<10000x128xf32, #tpu.memory_space<vmem_shared>>
      tpu.enqueue_indirect_dma source(%arg19 : memref<80x128xf32, #tpu.memory_space<vmem>>) target(%dma_start3A_530 : memref<10000x128xf32, #tpu.memory_space<vmem_shared>>) offsets(%dma_start3A_527 : memref<80xi32, #tpu.memory_space<vmem>>) semaphore(%arg29 : memref<!tpu.dma_semaphore, #tpu.memory_space<semaphore_mem>>) {add = true}
      %dma_wait3A_531 = arith.constant 0 : i32
      %dma_wait3A_532 = arith.constant 0 : i32
      %dma_wait3A_533 = tpu.memref_slice %arg8[%dma_wait3A_531, %dma_wait3A_532] : memref<10000x16xf32, #tpu.memory_space<hbm>> -> memref<80x16xf32, #tpu.memory_space<hbm>>
      %dma_wait3A_534 = arith.constant 0 : i32
      %dma_wait3A_535 = arith.constant 0 : i32
      %dma_wait3A_536 = tpu.memref_slice %arg8[%dma_wait3A_534, %dma_wait3A_535] : memref<10000x16xf32, #tpu.memory_space<hbm>> -> memref<80x16xf32, #tpu.memory_space<hbm>>
      tpu.wait_dma2 semaphore(%arg28 : memref<!tpu.dma_semaphore, #tpu.memory_space<semaphore_mem>>) src(%dma_wait3A_536 : memref<80x16xf32, #tpu.memory_space<hbm>>) dst(%arg20 : memref<80x16xf32, #tpu.memory_space<vmem>>)
      %dma_wait3A_537 = arith.constant 0 : i32
      %dma_wait3A_538 = arith.constant 0 : i32
      %dma_wait3A_539 = tpu.memref_slice %arg7[%dma_wait3A_537, %dma_wait3A_538] : memref<10000x128xf32, #tpu.memory_space<hbm>> -> memref<80x128xf32, #tpu.memory_space<hbm>>
      %dma_wait3A_540 = arith.constant 0 : i32
      %dma_wait3A_541 = arith.constant 0 : i32
      %dma_wait3A_542 = tpu.memref_slice %arg7[%dma_wait3A_540, %dma_wait3A_541] : memref<10000x128xf32, #tpu.memory_space<hbm>> -> memref<80x128xf32, #tpu.memory_space<hbm>>
      tpu.wait_dma2 semaphore(%arg28 : memref<!tpu.dma_semaphore, #tpu.memory_space<semaphore_mem>>) src(%dma_wait3A_542 : memref<80x128xf32, #tpu.memory_space<hbm>>) dst(%arg18 : memref<80x128xf32, #tpu.memory_space<vmem>>)
      %add3A_543 = arith.constant 1 : i32
      %add3A_544 = arith.addi %add3A_489, %add3A_543 : i32
      %dma_start3A_545 = arith.constant 0 : i32
      %dma_start3A_546 = arith.constant 0 : i32
      %dma_start3A_547 = tpu.memref_slice %arg3[%dma_start3A_545, %dma_start3A_546] : memref<10000x16xf32, #tpu.memory_space<hbm>> -> memref<10000x16xf32, #tpu.memory_space<hbm>>
      tpu.enqueue_indirect_dma source(%dma_start3A_547 : memref<10000x16xf32, #tpu.memory_space<hbm>>) target(%arg14 : memref<80x16xf32, #tpu.memory_space<vmem>>) offsets(%arg12 : memref<80xi32, #tpu.memory_space<vmem>>) semaphore(%arg26 : memref<!tpu.dma_semaphore, #tpu.memory_space<semaphore_mem>>)
      %dma_start3A_548 = arith.constant 0 : i32
      %dma_start3A_549 = tpu.memref_slice %arg11[%add3A_544, %dma_start3A_548] : memref<125x80xi32, #tpu.memory_space<vmem>> -> memref<1x80xi32, #tpu.memory_space<vmem>>
      %dma_start3A_550 = tpu.memref_squeeze %dma_start3A_549 : memref<1x80xi32, #tpu.memory_space<vmem>> -> memref<80xi32, #tpu.memory_space<vmem>>
      %dma_start3A_551 = arith.constant 0 : i32
      %dma_start3A_552 = arith.constant 0 : i32
      %dma_start3A_553 = tpu.memref_slice %arg4[%dma_start3A_551, %dma_start3A_552] : memref<10000x16xf32, #tpu.memory_space<hbm>> -> memref<10000x16xf32, #tpu.memory_space<hbm>>
      tpu.enqueue_indirect_dma source(%dma_start3A_553 : memref<10000x16xf32, #tpu.memory_space<hbm>>) target(%arg16 : memref<80x16xf32, #tpu.memory_space<vmem>>) offsets(%dma_start3A_550 : memref<80xi32, #tpu.memory_space<vmem>>) semaphore(%arg26 : memref<!tpu.dma_semaphore, #tpu.memory_space<semaphore_mem>>)
      %dma_start3A_554 = arith.constant 0 : i32
      %dma_start3A_555 = arith.constant 0 : i32
      %dma_start3A_556 = tpu.memref_slice %arg2[%dma_start3A_554, %dma_start3A_555] : memref<10000x128xf32, #tpu.memory_space<hbm>> -> memref<10000x128xf32, #tpu.memory_space<hbm>>
      tpu.enqueue_indirect_dma source(%dma_start3A_556 : memref<10000x128xf32, #tpu.memory_space<hbm>>) target(%arg18 : memref<80x128xf32, #tpu.memory_space<vmem>>) offsets(%arg12 : memref<80xi32, #tpu.memory_space<vmem>>) semaphore(%arg26 : memref<!tpu.dma_semaphore, #tpu.memory_space<semaphore_mem>>)
      %add3A_557 = arith.constant 2 : i32
      %add3A_558 = arith.addi %add3A_489, %add3A_557 : i32
      %dma_start3A_559 = arith.constant 0 : i32
      %dma_start3A_560 = tpu.memref_slice %arg5[%add3A, %add3A_558, %dma_start3A_559] : memref<32x125x80xi32, #tpu.memory_space<hbm>> -> memref<1x1x80xi32, #tpu.memory_space<hbm>>
      %dma_start3A_561 = tpu.memref_squeeze %dma_start3A_560 : memref<1x1x80xi32, #tpu.memory_space<hbm>> -> memref<80xi32, #tpu.memory_space<hbm>>
      %dma_start3A_562 = arith.constant 0 : i32
      %dma_start3A_563 = tpu.memref_slice %arg5[%add3A, %add3A_558, %dma_start3A_562] : memref<32x125x80xi32, #tpu.memory_space<hbm>> -> memref<1x1x80xi32, #tpu.memory_space<hbm>>
      %dma_start3A_564 = tpu.memref_squeeze %dma_start3A_563 : memref<1x1x80xi32, #tpu.memory_space<hbm>> -> memref<80xi32, #tpu.memory_space<hbm>>
      tpu.enqueue_dma source(%dma_start3A_564 : memref<80xi32, #tpu.memory_space<hbm>>) target(%arg13 : memref<80xi32, #tpu.memory_space<vmem>>) target_semaphore(%arg25 : memref<!tpu.dma_semaphore, #tpu.memory_space<semaphore_mem>>)
      %scan3A_565 = arith.constant 0 : i32
      scf.yield %scan3A_565 : i32
    }
    %scan3A_187 = arith.constant 60 : i32
    %dma_wait3A_188 = arith.constant 0 : i32
    %dma_wait3A_189 = arith.constant 0 : i32
    %dma_wait3A_190 = arith.constant 0 : i32
    %dma_wait3A_191 = tpu.memref_slice %arg5[%dma_wait3A_188, %dma_wait3A_189, %dma_wait3A_190] : memref<32x125x80xi32, #tpu.memory_space<hbm>> -> memref<1x1x80xi32, #tpu.memory_space<hbm>>
    %dma_wait3A_192 = tpu.memref_squeeze %dma_wait3A_191 : memref<1x1x80xi32, #tpu.memory_space<hbm>> -> memref<80xi32, #tpu.memory_space<hbm>>
    %dma_wait3A_193 = arith.constant 0 : i32
    %dma_wait3A_194 = tpu.memref_slice %arg5[%dma_wait3A_188, %dma_wait3A_189, %dma_wait3A_193] : memref<32x125x80xi32, #tpu.memory_space<hbm>> -> memref<1x1x80xi32, #tpu.memory_space<hbm>>
    %dma_wait3A_195 = tpu.memref_squeeze %dma_wait3A_194 : memref<1x1x80xi32, #tpu.memory_space<hbm>> -> memref<80xi32, #tpu.memory_space<hbm>>
    tpu.wait_dma2 semaphore(%arg25 : memref<!tpu.dma_semaphore, #tpu.memory_space<semaphore_mem>>) src(%dma_wait3A_195 : memref<80xi32, #tpu.memory_space<hbm>>) dst(%arg13 : memref<80xi32, #tpu.memory_space<vmem>>)
    %dma_wait3A_196 = arith.constant 0 : i32
    %dma_wait3A_197 = arith.constant 0 : i32
    %dma_wait3A_198 = tpu.memref_slice %arg8[%dma_wait3A_196, %dma_wait3A_197] : memref<10000x16xf32, #tpu.memory_space<hbm>> -> memref<80x16xf32, #tpu.memory_space<hbm>>
    %dma_wait3A_199 = arith.constant 0 : i32
    %dma_wait3A_200 = arith.constant 0 : i32
    %dma_wait3A_201 = tpu.memref_slice %arg8[%dma_wait3A_199, %dma_wait3A_200] : memref<10000x16xf32, #tpu.memory_space<hbm>> -> memref<80x16xf32, #tpu.memory_space<hbm>>
    tpu.wait_dma2 semaphore(%arg26 : memref<!tpu.dma_semaphore, #tpu.memory_space<semaphore_mem>>) src(%dma_wait3A_201 : memref<80x16xf32, #tpu.memory_space<hbm>>) dst(%arg14 : memref<80x16xf32, #tpu.memory_space<vmem>>)
    %dma_wait3A_202 = arith.constant 0 : i32
    %dma_wait3A_203 = arith.constant 0 : i32
    %dma_wait3A_204 = tpu.memref_slice %arg8[%dma_wait3A_202, %dma_wait3A_203] : memref<10000x16xf32, #tpu.memory_space<hbm>> -> memref<80x16xf32, #tpu.memory_space<hbm>>
    %dma_wait3A_205 = arith.constant 0 : i32
    %dma_wait3A_206 = arith.constant 0 : i32
    %dma_wait3A_207 = tpu.memref_slice %arg8[%dma_wait3A_205, %dma_wait3A_206] : memref<10000x16xf32, #tpu.memory_space<hbm>> -> memref<80x16xf32, #tpu.memory_space<hbm>>
    tpu.wait_dma2 semaphore(%arg26 : memref<!tpu.dma_semaphore, #tpu.memory_space<semaphore_mem>>) src(%dma_wait3A_207 : memref<80x16xf32, #tpu.memory_space<hbm>>) dst(%arg16 : memref<80x16xf32, #tpu.memory_space<vmem>>)
    %dma_wait3A_208 = arith.constant 0 : i32
    %dma_wait3A_209 = arith.constant 0 : i32
    %dma_wait3A_210 = tpu.memref_slice %arg7[%dma_wait3A_208, %dma_wait3A_209] : memref<10000x128xf32, #tpu.memory_space<hbm>> -> memref<80x128xf32, #tpu.memory_space<hbm>>
    %dma_wait3A_211 = arith.constant 0 : i32
    %dma_wait3A_212 = arith.constant 0 : i32
    %dma_wait3A_213 = tpu.memref_slice %arg7[%dma_wait3A_211, %dma_wait3A_212] : memref<10000x128xf32, #tpu.memory_space<hbm>> -> memref<80x128xf32, #tpu.memory_space<hbm>>
    tpu.wait_dma2 semaphore(%arg26 : memref<!tpu.dma_semaphore, #tpu.memory_space<semaphore_mem>>) src(%dma_wait3A_213 : memref<80x128xf32, #tpu.memory_space<hbm>>) dst(%arg18 : memref<80x128xf32, #tpu.memory_space<vmem>>)
    %parallel_loop3A_214 = arith.constant 0 : i32
    %parallel_loop3A_215 = arith.constant 80 : i32
    %parallel_loop3A_216 = arith.constant 1 : i32
    scf.for %parallel_loop3A_405 = %parallel_loop3A_214 to %parallel_loop3A_215 step %parallel_loop3A_216  : i32 {
      %parallel_loop3A_406 = arith.index_cast %parallel_loop3A_405 : i32 to index
      %parallel_loop3A_407 = arith.constant 0 : index
      %parallel_loop3A_408 = tpu.vector_load %arg14[%parallel_loop3A_406, %parallel_loop3A_407] {strides = array<i32>} : memref<80x16xf32, #tpu.memory_space<vmem>>, vector<1x16xf32>,
      %parallel_loop3A_409 = vector.shape_cast %parallel_loop3A_408 : vector<1x16xf32> to vector<16xf32>
      %parallel_loop3A_410 = arith.index_cast %parallel_loop3A_405 : i32 to index
      %parallel_loop3A_411 = arith.constant 0 : index
      %parallel_loop3A_412 = tpu.vector_load %arg16[%parallel_loop3A_410, %parallel_loop3A_411] {strides = array<i32>} : memref<80x16xf32, #tpu.memory_space<vmem>>, vector<1x16xf32>,
      %parallel_loop3A_413 = vector.shape_cast %parallel_loop3A_412 : vector<1x16xf32> to vector<16xf32>
      %parallel_loop3A_414 = arith.addf %parallel_loop3A_409, %parallel_loop3A_413 : vector<16xf32>
      %parallel_loop3A_415 = arith.constant 0.000000e+00 : f32
      %parallel_loop3A_416 = vector.broadcast %parallel_loop3A_415 : f32 to vector<16xf32>
      %parallel_loop3A_417 = arith.cmpf oge, %parallel_loop3A_414, %parallel_loop3A_416 : vector<16xf32>
      %parallel_loop3A_418 = arith.constant 2.000000e-01 : f32
      %parallel_loop3A_419 = vector.broadcast %parallel_loop3A_418 : f32 to vector<16xf32>
      %parallel_loop3A_420 = arith.mulf %parallel_loop3A_419, %parallel_loop3A_414 : vector<16xf32>
      %parallel_loop3A_421 = arith.select %parallel_loop3A_417, %parallel_loop3A_414, %parallel_loop3A_420 : vector<16xi1>, vector<16xf32>
      %parallel_loop3A_422 = math.exp %parallel_loop3A_421 : vector<16xf32>
      %parallel_loop3A_423 = arith.index_cast %parallel_loop3A_405 : i32 to index
      %parallel_loop3A_424 = arith.constant 0 : index
      %parallel_loop3A_425 = tpu.vector_load %arg20[%parallel_loop3A_423, %parallel_loop3A_424] {strides = array<i32>} : memref<80x16xf32, #tpu.memory_space<vmem>>, vector<1x16xf32>,
      %parallel_loop3A_426 = vector.shape_cast %parallel_loop3A_425 : vector<1x16xf32> to vector<16xf32>
      %parallel_loop3A_427 = vector.shape_cast %parallel_loop3A_422 : vector<16xf32> to vector<1x16xf32>
      tpu.vector_store %arg20[%parallel_loop3A_423, %parallel_loop3A_424], %parallel_loop3A_427 {strides = array<i32>} : memref<80x16xf32, #tpu.memory_space<vmem>>, vector<1x16xf32>,
      %parallel_loop3A_428 = arith.constant 0 : i32
      %parallel_loop3A_429 = vector.broadcast %parallel_loop3A_428 : i32 to vector<16x1xi32>
      %parallel_loop3A_430 = vector.shape_cast %parallel_loop3A_429 : vector<16x1xi32> to vector<16xi32>
      %parallel_loop3A_431 = tpu.dynamic_gather %parallel_loop3A_422[%parallel_loop3A_430] in [0] : vector<16xf32>, vector<16xi32> -> vector<16xf32>
      %parallel_loop3A_432 = arith.index_cast %parallel_loop3A_405 : i32 to index
      %parallel_loop3A_433 = arith.constant 0 : index
      %parallel_loop3A_434 = tpu.vector_load %arg18[%parallel_loop3A_432, %parallel_loop3A_433] {strides = array<i32>} : memref<80x128xf32, #tpu.memory_space<vmem>>, vector<1x16xf32>,
      %parallel_loop3A_435 = vector.shape_cast %parallel_loop3A_434 : vector<1x16xf32> to vector<16xf32>
      %parallel_loop3A_436 = arith.mulf %parallel_loop3A_435, %parallel_loop3A_431 : vector<16xf32>
      %parallel_loop3A_437 = arith.index_cast %parallel_loop3A_405 : i32 to index
      %parallel_loop3A_438 = arith.constant 0 : index
      %parallel_loop3A_439 = tpu.vector_load %arg18[%parallel_loop3A_437, %parallel_loop3A_438] {strides = array<i32>} : memref<80x128xf32, #tpu.memory_space<vmem>>, vector<1x16xf32>,
      %parallel_loop3A_440 = vector.shape_cast %parallel_loop3A_439 : vector<1x16xf32> to vector<16xf32>
      %parallel_loop3A_441 = vector.shape_cast %parallel_loop3A_436 : vector<16xf32> to vector<1x16xf32>
      tpu.vector_store %arg18[%parallel_loop3A_437, %parallel_loop3A_438], %parallel_loop3A_441 {strides = array<i32>} : memref<80x128xf32, #tpu.memory_space<vmem>>, vector<1x16xf32>,
      %parallel_loop3A_442 = arith.constant 1 : i32
      %parallel_loop3A_443 = vector.broadcast %parallel_loop3A_442 : i32 to vector<16x1xi32>
      %parallel_loop3A_444 = vector.shape_cast %parallel_loop3A_443 : vector<16x1xi32> to vector<16xi32>
      %parallel_loop3A_445 = tpu.dynamic_gather %parallel_loop3A_422[%parallel_loop3A_444] in [0] : vector<16xf32>, vector<16xi32> -> vector<16xf32>
      %parallel_loop3A_446 = arith.index_cast %parallel_loop3A_405 : i32 to index
      %parallel_loop3A_447 = arith.constant 16 : index
      %parallel_loop3A_448 = tpu.vector_load %arg18[%parallel_loop3A_446, %parallel_loop3A_447] {strides = array<i32>} : memref<80x128xf32, #tpu.memory_space<vmem>>, vector<1x16xf32>,
      %parallel_loop3A_449 = vector.shape_cast %parallel_loop3A_448 : vector<1x16xf32> to vector<16xf32>
      %parallel_loop3A_450 = arith.mulf %parallel_loop3A_449, %parallel_loop3A_445 : vector<16xf32>
      %parallel_loop3A_451 = arith.index_cast %parallel_loop3A_405 : i32 to index
      %parallel_loop3A_452 = arith.constant 16 : index
      %parallel_loop3A_453 = tpu.vector_load %arg18[%parallel_loop3A_451, %parallel_loop3A_452] {strides = array<i32>} : memref<80x128xf32, #tpu.memory_space<vmem>>, vector<1x16xf32>,
      %parallel_loop3A_454 = vector.shape_cast %parallel_loop3A_453 : vector<1x16xf32> to vector<16xf32>
      %parallel_loop3A_455 = vector.shape_cast %parallel_loop3A_450 : vector<16xf32> to vector<1x16xf32>
      tpu.vector_store %arg18[%parallel_loop3A_451, %parallel_loop3A_452], %parallel_loop3A_455 {strides = array<i32>} : memref<80x128xf32, #tpu.memory_space<vmem>>, vector<1x16xf32>,
      %parallel_loop3A_456 = arith.constant 2 : i32
      %parallel_loop3A_457 = vector.broadcast %parallel_loop3A_456 : i32 to vector<16x1xi32>
      %parallel_loop3A_458 = vector.shape_cast %parallel_loop3A_457 : vector<16x1xi32> to vector<16xi32>
      %parallel_loop3A_459 = tpu.dynamic_gather %parallel_loop3A_422[%parallel_loop3A_458] in [0] : vector<16xf32>, vector<16xi32> -> vector<16xf32>
      %parallel_loop3A_460 = arith.index_cast %parallel_loop3A_405 : i32 to index
      %parallel_loop3A_461 = arith.constant 32 : index
      %parallel_loop3A_462 = tpu.vector_load %arg18[%parallel_loop3A_460, %parallel_loop3A_461] {strides = array<i32>} : memref<80x128xf32, #tpu.memory_space<vmem>>, vector<1x16xf32>,
      %parallel_loop3A_463 = vector.shape_cast %parallel_loop3A_462 : vector<1x16xf32> to vector<16xf32>
      %parallel_loop3A_464 = arith.mulf %parallel_loop3A_463, %parallel_loop3A_459 : vector<16xf32>
      %parallel_loop3A_465 = arith.index_cast %parallel_loop3A_405 : i32 to index
      %parallel_loop3A_466 = arith.constant 32 : index
      %parallel_loop3A_467 = tpu.vector_load %arg18[%parallel_loop3A_465, %parallel_loop3A_466] {strides = array<i32>} : memref<80x128xf32, #tpu.memory_space<vmem>>, vector<1x16xf32>,
      %parallel_loop3A_468 = vector.shape_cast %parallel_loop3A_467 : vector<1x16xf32> to vector<16xf32>
      %parallel_loop3A_469 = vector.shape_cast %parallel_loop3A_464 : vector<16xf32> to vector<1x16xf32>
      tpu.vector_store %arg18[%parallel_loop3A_465, %parallel_loop3A_466], %parallel_loop3A_469 {strides = array<i32>} : memref<80x128xf32, #tpu.memory_space<vmem>>, vector<1x16xf32>,
      %parallel_loop3A_470 = arith.constant 3 : i32
      %parallel_loop3A_471 = vector.broadcast %parallel_loop3A_470 : i32 to vector<16x1xi32>
      %parallel_loop3A_472 = vector.shape_cast %parallel_loop3A_471 : vector<16x1xi32> to vector<16xi32>
      %parallel_loop3A_473 = tpu.dynamic_gather %parallel_loop3A_422[%parallel_loop3A_472] in [0] : vector<16xf32>, vector<16xi32> -> vector<16xf32>
      %parallel_loop3A_474 = arith.index_cast %parallel_loop3A_405 : i32 to index
      %parallel_loop3A_475 = arith.constant 48 : index
      %parallel_loop3A_476 = tpu.vector_load %arg18[%parallel_loop3A_474, %parallel_loop3A_475] {strides = array<i32>} : memref<80x128xf32, #tpu.memory_space<vmem>>, vector<1x16xf32>,
      %parallel_loop3A_477 = vector.shape_cast %parallel_loop3A_476 : vector<1x16xf32> to vector<16xf32>
      %parallel_loop3A_478 = arith.mulf %parallel_loop3A_477, %parallel_loop3A_473 : vector<16xf32>
      %parallel_loop3A_479 = arith.index_cast %parallel_loop3A_405 : i32 to index
      %parallel_loop3A_480 = arith.constant 48 : index
      %parallel_loop3A_481 = tpu.vector_load %arg18[%parallel_loop3A_479, %parallel_loop3A_480] {strides = array<i32>} : memref<80x128xf32, #tpu.memory_space<vmem>>, vector<1x16xf32>,
      %parallel_loop3A_482 = vector.shape_cast %parallel_loop3A_481 : vector<1x16xf32> to vector<16xf32>
      %parallel_loop3A_483 = vector.shape_cast %parallel_loop3A_478 : vector<16xf32> to vector<1x16xf32>
      tpu.vector_store %arg18[%parallel_loop3A_479, %parallel_loop3A_480], %parallel_loop3A_483 {strides = array<i32>} : memref<80x128xf32, #tpu.memory_space<vmem>>, vector<1x16xf32>,
      %parallel_loop3A_484 = arith.constant 4 : i32
      %parallel_loop3A_485 = vector.broadcast %parallel_loop3A_484 : i32 to vector<16x1xi32>
      %parallel_loop3A_486 = vector.shape_cast %parallel_loop3A_485 : vector<16x1xi32> to vector<16xi32>
      %parallel_loop3A_487 = tpu.dynamic_gather %parallel_loop3A_422[%parallel_loop3A_486] in [0] : vector<16xf32>, vector<16xi32> -> vector<16xf32>
      %parallel_loop3A_488 = arith.index_cast %parallel_loop3A_405 : i32 to index
      %parallel_loop3A_489 = arith.constant 64 : index
      %parallel_loop3A_490 = tpu.vector_load %arg18[%parallel_loop3A_488, %parallel_loop3A_489] {strides = array<i32>} : memref<80x128xf32, #tpu.memory_space<vmem>>, vector<1x16xf32>,
      %parallel_loop3A_491 = vector.shape_cast %parallel_loop3A_490 : vector<1x16xf32> to vector<16xf32>
      %parallel_loop3A_492 = arith.mulf %parallel_loop3A_491, %parallel_loop3A_487 : vector<16xf32>
      %parallel_loop3A_493 = arith.index_cast %parallel_loop3A_405 : i32 to index
      %parallel_loop3A_494 = arith.constant 64 : index
      %parallel_loop3A_495 = tpu.vector_load %arg18[%parallel_loop3A_493, %parallel_loop3A_494] {strides = array<i32>} : memref<80x128xf32, #tpu.memory_space<vmem>>, vector<1x16xf32>,
      %parallel_loop3A_496 = vector.shape_cast %parallel_loop3A_495 : vector<1x16xf32> to vector<16xf32>
      %parallel_loop3A_497 = vector.shape_cast %parallel_loop3A_492 : vector<16xf32> to vector<1x16xf32>
      tpu.vector_store %arg18[%parallel_loop3A_493, %parallel_loop3A_494], %parallel_loop3A_497 {strides = array<i32>} : memref<80x128xf32, #tpu.memory_space<vmem>>, vector<1x16xf32>,
      %parallel_loop3A_498 = arith.constant 5 : i32
      %parallel_loop3A_499 = vector.broadcast %parallel_loop3A_498 : i32 to vector<16x1xi32>
      %parallel_loop3A_500 = vector.shape_cast %parallel_loop3A_499 : vector<16x1xi32> to vector<16xi32>
      %parallel_loop3A_501 = tpu.dynamic_gather %parallel_loop3A_422[%parallel_loop3A_500] in [0] : vector<16xf32>, vector<16xi32> -> vector<16xf32>
      %parallel_loop3A_502 = arith.index_cast %parallel_loop3A_405 : i32 to index
      %parallel_loop3A_503 = arith.constant 80 : index
      %parallel_loop3A_504 = tpu.vector_load %arg18[%parallel_loop3A_502, %parallel_loop3A_503] {strides = array<i32>} : memref<80x128xf32, #tpu.memory_space<vmem>>, vector<1x16xf32>,
      %parallel_loop3A_505 = vector.shape_cast %parallel_loop3A_504 : vector<1x16xf32> to vector<16xf32>
      %parallel_loop3A_506 = arith.mulf %parallel_loop3A_505, %parallel_loop3A_501 : vector<16xf32>
      %parallel_loop3A_507 = arith.index_cast %parallel_loop3A_405 : i32 to index
      %parallel_loop3A_508 = arith.constant 80 : index
      %parallel_loop3A_509 = tpu.vector_load %arg18[%parallel_loop3A_507, %parallel_loop3A_508] {strides = array<i32>} : memref<80x128xf32, #tpu.memory_space<vmem>>, vector<1x16xf32>,
      %parallel_loop3A_510 = vector.shape_cast %parallel_loop3A_509 : vector<1x16xf32> to vector<16xf32>
      %parallel_loop3A_511 = vector.shape_cast %parallel_loop3A_506 : vector<16xf32> to vector<1x16xf32>
      tpu.vector_store %arg18[%parallel_loop3A_507, %parallel_loop3A_508], %parallel_loop3A_511 {strides = array<i32>} : memref<80x128xf32, #tpu.memory_space<vmem>>, vector<1x16xf32>,
      %parallel_loop3A_512 = arith.constant 6 : i32
      %parallel_loop3A_513 = vector.broadcast %parallel_loop3A_512 : i32 to vector<16x1xi32>
      %parallel_loop3A_514 = vector.shape_cast %parallel_loop3A_513 : vector<16x1xi32> to vector<16xi32>
      %parallel_loop3A_515 = tpu.dynamic_gather %parallel_loop3A_422[%parallel_loop3A_514] in [0] : vector<16xf32>, vector<16xi32> -> vector<16xf32>
      %parallel_loop3A_516 = arith.index_cast %parallel_loop3A_405 : i32 to index
      %parallel_loop3A_517 = arith.constant 96 : index
      %parallel_loop3A_518 = tpu.vector_load %arg18[%parallel_loop3A_516, %parallel_loop3A_517] {strides = array<i32>} : memref<80x128xf32, #tpu.memory_space<vmem>>, vector<1x16xf32>,
      %parallel_loop3A_519 = vector.shape_cast %parallel_loop3A_518 : vector<1x16xf32> to vector<16xf32>
      %parallel_loop3A_520 = arith.mulf %parallel_loop3A_519, %parallel_loop3A_515 : vector<16xf32>
      %parallel_loop3A_521 = arith.index_cast %parallel_loop3A_405 : i32 to index
      %parallel_loop3A_522 = arith.constant 96 : index
      %parallel_loop3A_523 = tpu.vector_load %arg18[%parallel_loop3A_521, %parallel_loop3A_522] {strides = array<i32>} : memref<80x128xf32, #tpu.memory_space<vmem>>, vector<1x16xf32>,
      %parallel_loop3A_524 = vector.shape_cast %parallel_loop3A_523 : vector<1x16xf32> to vector<16xf32>
      %parallel_loop3A_525 = vector.shape_cast %parallel_loop3A_520 : vector<16xf32> to vector<1x16xf32>
      tpu.vector_store %arg18[%parallel_loop3A_521, %parallel_loop3A_522], %parallel_loop3A_525 {strides = array<i32>} : memref<80x128xf32, #tpu.memory_space<vmem>>, vector<1x16xf32>,
      %parallel_loop3A_526 = arith.constant 7 : i32
      %parallel_loop3A_527 = vector.broadcast %parallel_loop3A_526 : i32 to vector<16x1xi32>
      %parallel_loop3A_528 = vector.shape_cast %parallel_loop3A_527 : vector<16x1xi32> to vector<16xi32>
      %parallel_loop3A_529 = tpu.dynamic_gather %parallel_loop3A_422[%parallel_loop3A_528] in [0] : vector<16xf32>, vector<16xi32> -> vector<16xf32>
      %parallel_loop3A_530 = arith.index_cast %parallel_loop3A_405 : i32 to index
      %parallel_loop3A_531 = arith.constant 112 : index
      %parallel_loop3A_532 = tpu.vector_load %arg18[%parallel_loop3A_530, %parallel_loop3A_531] {strides = array<i32>} : memref<80x128xf32, #tpu.memory_space<vmem>>, vector<1x16xf32>,
      %parallel_loop3A_533 = vector.shape_cast %parallel_loop3A_532 : vector<1x16xf32> to vector<16xf32>
      %parallel_loop3A_534 = arith.mulf %parallel_loop3A_533, %parallel_loop3A_529 : vector<16xf32>
      %parallel_loop3A_535 = arith.index_cast %parallel_loop3A_405 : i32 to index
      %parallel_loop3A_536 = arith.constant 112 : index
      %parallel_loop3A_537 = tpu.vector_load %arg18[%parallel_loop3A_535, %parallel_loop3A_536] {strides = array<i32>} : memref<80x128xf32, #tpu.memory_space<vmem>>, vector<1x16xf32>,
      %parallel_loop3A_538 = vector.shape_cast %parallel_loop3A_537 : vector<1x16xf32> to vector<16xf32>
      %parallel_loop3A_539 = vector.shape_cast %parallel_loop3A_534 : vector<16xf32> to vector<1x16xf32>
      tpu.vector_store %arg18[%parallel_loop3A_535, %parallel_loop3A_536], %parallel_loop3A_539 {strides = array<i32>} : memref<80x128xf32, #tpu.memory_space<vmem>>, vector<1x16xf32>,
    } {sc.loop_unroll_factor = 4 : i64, sc.parallel_access}
    %dma_start3A_217 = arith.constant 122 : i32
    %dma_start3A_218 = arith.constant 0 : i32
    %dma_start3A_219 = tpu.memref_slice %arg11[%dma_start3A_217, %dma_start3A_218] : memref<125x80xi32, #tpu.memory_space<vmem>> -> memref<1x80xi32, #tpu.memory_space<vmem>>
    %dma_start3A_220 = tpu.memref_squeeze %dma_start3A_219 : memref<1x80xi32, #tpu.memory_space<vmem>> -> memref<80xi32, #tpu.memory_space<vmem>>
    %dma_start3A_221 = arith.constant 0 : i32
    %dma_start3A_222 = arith.constant 0 : i32
    %dma_start3A_223 = tpu.memref_slice %arg23[%dma_start3A_221, %dma_start3A_222] : memref<10000x16xf32, #tpu.memory_space<vmem_shared>> -> memref<10000x16xf32, #tpu.memory_space<vmem_shared>>
    tpu.enqueue_indirect_dma source(%arg20 : memref<80x16xf32, #tpu.memory_space<vmem>>) target(%dma_start3A_223 : memref<10000x16xf32, #tpu.memory_space<vmem_shared>>) offsets(%dma_start3A_220 : memref<80xi32, #tpu.memory_space<vmem>>) semaphore(%arg28 : memref<!tpu.dma_semaphore, #tpu.memory_space<semaphore_mem>>) {add = true}
    %dma_start3A_224 = arith.constant 122 : i32
    %dma_start3A_225 = arith.constant 0 : i32
    %dma_start3A_226 = tpu.memref_slice %arg11[%dma_start3A_224, %dma_start3A_225] : memref<125x80xi32, #tpu.memory_space<vmem>> -> memref<1x80xi32, #tpu.memory_space<vmem>>
    %dma_start3A_227 = tpu.memref_squeeze %dma_start3A_226 : memref<1x80xi32, #tpu.memory_space<vmem>> -> memref<80xi32, #tpu.memory_space<vmem>>
    %dma_start3A_228 = arith.constant 0 : i32
    %dma_start3A_229 = arith.constant 0 : i32
    %dma_start3A_230 = tpu.memref_slice %arg22[%dma_start3A_228, %dma_start3A_229] : memref<10000x128xf32, #tpu.memory_space<vmem_shared>> -> memref<10000x128xf32, #tpu.memory_space<vmem_shared>>
    tpu.enqueue_indirect_dma source(%arg18 : memref<80x128xf32, #tpu.memory_space<vmem>>) target(%dma_start3A_230 : memref<10000x128xf32, #tpu.memory_space<vmem_shared>>) offsets(%dma_start3A_227 : memref<80xi32, #tpu.memory_space<vmem>>) semaphore(%arg28 : memref<!tpu.dma_semaphore, #tpu.memory_space<semaphore_mem>>) {add = true}
    %dma_wait3A_231 = arith.constant 0 : i32
    %dma_wait3A_232 = arith.constant 0 : i32
    %dma_wait3A_233 = tpu.memref_slice %arg8[%dma_wait3A_231, %dma_wait3A_232] : memref<10000x16xf32, #tpu.memory_space<hbm>> -> memref<80x16xf32, #tpu.memory_space<hbm>>
    %dma_wait3A_234 = arith.constant 0 : i32
    %dma_wait3A_235 = arith.constant 0 : i32
    %dma_wait3A_236 = tpu.memref_slice %arg8[%dma_wait3A_234, %dma_wait3A_235] : memref<10000x16xf32, #tpu.memory_space<hbm>> -> memref<80x16xf32, #tpu.memory_space<hbm>>
    tpu.wait_dma2 semaphore(%arg29 : memref<!tpu.dma_semaphore, #tpu.memory_space<semaphore_mem>>) src(%dma_wait3A_236 : memref<80x16xf32, #tpu.memory_space<hbm>>) dst(%arg21 : memref<80x16xf32, #tpu.memory_space<vmem>>)
    %dma_wait3A_237 = arith.constant 0 : i32
    %dma_wait3A_238 = arith.constant 0 : i32
    %dma_wait3A_239 = tpu.memref_slice %arg7[%dma_wait3A_237, %dma_wait3A_238] : memref<10000x128xf32, #tpu.memory_space<hbm>> -> memref<80x128xf32, #tpu.memory_space<hbm>>
    %dma_wait3A_240 = arith.constant 0 : i32
    %dma_wait3A_241 = arith.constant 0 : i32
    %dma_wait3A_242 = tpu.memref_slice %arg7[%dma_wait3A_240, %dma_wait3A_241] : memref<10000x128xf32, #tpu.memory_space<hbm>> -> memref<80x128xf32, #tpu.memory_space<hbm>>
    tpu.wait_dma2 semaphore(%arg29 : memref<!tpu.dma_semaphore, #tpu.memory_space<semaphore_mem>>) src(%dma_wait3A_242 : memref<80x128xf32, #tpu.memory_space<hbm>>) dst(%arg19 : memref<80x128xf32, #tpu.memory_space<vmem>>)
    %dma_start3A_243 = arith.constant 0 : i32
    %dma_start3A_244 = arith.constant 0 : i32
    %dma_start3A_245 = tpu.memref_slice %arg3[%dma_start3A_243, %dma_start3A_244] : memref<10000x16xf32, #tpu.memory_space<hbm>> -> memref<10000x16xf32, #tpu.memory_space<hbm>>
    tpu.enqueue_indirect_dma source(%dma_start3A_245 : memref<10000x16xf32, #tpu.memory_space<hbm>>) target(%arg15 : memref<80x16xf32, #tpu.memory_space<vmem>>) offsets(%arg13 : memref<80xi32, #tpu.memory_space<vmem>>) semaphore(%arg27 : memref<!tpu.dma_semaphore, #tpu.memory_space<semaphore_mem>>)
    %dma_start3A_246 = arith.constant 123 : i32
    %dma_start3A_247 = arith.constant 0 : i32
    %dma_start3A_248 = tpu.memref_slice %arg11[%dma_start3A_246, %dma_start3A_247] : memref<125x80xi32, #tpu.memory_space<vmem>> -> memref<1x80xi32, #tpu.memory_space<vmem>>
    %dma_start3A_249 = tpu.memref_squeeze %dma_start3A_248 : memref<1x80xi32, #tpu.memory_space<vmem>> -> memref<80xi32, #tpu.memory_space<vmem>>
    %dma_start3A_250 = arith.constant 0 : i32
    %dma_start3A_251 = arith.constant 0 : i32
    %dma_start3A_252 = tpu.memref_slice %arg4[%dma_start3A_250, %dma_start3A_251] : memref<10000x16xf32, #tpu.memory_space<hbm>> -> memref<10000x16xf32, #tpu.memory_space<hbm>>
    tpu.enqueue_indirect_dma source(%dma_start3A_252 : memref<10000x16xf32, #tpu.memory_space<hbm>>) target(%arg17 : memref<80x16xf32, #tpu.memory_space<vmem>>) offsets(%dma_start3A_249 : memref<80xi32, #tpu.memory_space<vmem>>) semaphore(%arg27 : memref<!tpu.dma_semaphore, #tpu.memory_space<semaphore_mem>>)
    %dma_start3A_253 = arith.constant 0 : i32
    %dma_start3A_254 = arith.constant 0 : i32
    %dma_start3A_255 = tpu.memref_slice %arg2[%dma_start3A_253, %dma_start3A_254] : memref<10000x128xf32, #tpu.memory_space<hbm>> -> memref<10000x128xf32, #tpu.memory_space<hbm>>
    tpu.enqueue_indirect_dma source(%dma_start3A_255 : memref<10000x128xf32, #tpu.memory_space<hbm>>) target(%arg19 : memref<80x128xf32, #tpu.memory_space<vmem>>) offsets(%arg13 : memref<80xi32, #tpu.memory_space<vmem>>) semaphore(%arg27 : memref<!tpu.dma_semaphore, #tpu.memory_space<semaphore_mem>>)
    %dma_start3A_256 = arith.constant 124 : i32
    %dma_start3A_257 = arith.constant 0 : i32
    %dma_start3A_258 = tpu.memref_slice %arg5[%add3A, %dma_start3A_256, %dma_start3A_257] : memref<32x125x80xi32, #tpu.memory_space<hbm>> -> memref<1x1x80xi32, #tpu.memory_space<hbm>>
    %dma_start3A_259 = tpu.memref_squeeze %dma_start3A_258 : memref<1x1x80xi32, #tpu.memory_space<hbm>> -> memref<80xi32, #tpu.memory_space<hbm>>
    %dma_start3A_260 = arith.constant 0 : i32
    %dma_start3A_261 = tpu.memref_slice %arg5[%add3A, %dma_start3A_256, %dma_start3A_260] : memref<32x125x80xi32, #tpu.memory_space<hbm>> -> memref<1x1x80xi32, #tpu.memory_space<hbm>>
    %dma_start3A_262 = tpu.memref_squeeze %dma_start3A_261 : memref<1x1x80xi32, #tpu.memory_space<hbm>> -> memref<80xi32, #tpu.memory_space<hbm>>
    tpu.enqueue_dma source(%dma_start3A_262 : memref<80xi32, #tpu.memory_space<hbm>>) target(%arg12 : memref<80xi32, #tpu.memory_space<vmem>>) target_semaphore(%arg24 : memref<!tpu.dma_semaphore, #tpu.memory_space<semaphore_mem>>)
    %dma_wait3A_263 = arith.constant 0 : i32
    %dma_wait3A_264 = arith.constant 0 : i32
    %dma_wait3A_265 = arith.constant 0 : i32
    %dma_wait3A_266 = tpu.memref_slice %arg5[%dma_wait3A_263, %dma_wait3A_264, %dma_wait3A_265] : memref<32x125x80xi32, #tpu.memory_space<hbm>> -> memref<1x1x80xi32, #tpu.memory_space<hbm>>
    %dma_wait3A_267 = tpu.memref_squeeze %dma_wait3A_266 : memref<1x1x80xi32, #tpu.memory_space<hbm>> -> memref<80xi32, #tpu.memory_space<hbm>>
    %dma_wait3A_268 = arith.constant 0 : i32
    %dma_wait3A_269 = tpu.memref_slice %arg5[%dma_wait3A_263, %dma_wait3A_264, %dma_wait3A_268] : memref<32x125x80xi32, #tpu.memory_space<hbm>> -> memref<1x1x80xi32, #tpu.memory_space<hbm>>
    %dma_wait3A_270 = tpu.memref_squeeze %dma_wait3A_269 : memref<1x1x80xi32, #tpu.memory_space<hbm>> -> memref<80xi32, #tpu.memory_space<hbm>>
    tpu.wait_dma2 semaphore(%arg24 : memref<!tpu.dma_semaphore, #tpu.memory_space<semaphore_mem>>) src(%dma_wait3A_270 : memref<80xi32, #tpu.memory_space<hbm>>) dst(%arg12 : memref<80xi32, #tpu.memory_space<vmem>>)
    %dma_wait3A_271 = arith.constant 0 : i32
    %dma_wait3A_272 = arith.constant 0 : i32
    %dma_wait3A_273 = tpu.memref_slice %arg8[%dma_wait3A_271, %dma_wait3A_272] : memref<10000x16xf32, #tpu.memory_space<hbm>> -> memref<80x16xf32, #tpu.memory_space<hbm>>
    %dma_wait3A_274 = arith.constant 0 : i32
    %dma_wait3A_275 = arith.constant 0 : i32
    %dma_wait3A_276 = tpu.memref_slice %arg8[%dma_wait3A_274, %dma_wait3A_275] : memref<10000x16xf32, #tpu.memory_space<hbm>> -> memref<80x16xf32, #tpu.memory_space<hbm>>
    tpu.wait_dma2 semaphore(%arg27 : memref<!tpu.dma_semaphore, #tpu.memory_space<semaphore_mem>>) src(%dma_wait3A_276 : memref<80x16xf32, #tpu.memory_space<hbm>>) dst(%arg15 : memref<80x16xf32, #tpu.memory_space<vmem>>)
    %dma_wait3A_277 = arith.constant 0 : i32
    %dma_wait3A_278 = arith.constant 0 : i32
    %dma_wait3A_279 = tpu.memref_slice %arg8[%dma_wait3A_277, %dma_wait3A_278] : memref<10000x16xf32, #tpu.memory_space<hbm>> -> memref<80x16xf32, #tpu.memory_space<hbm>>
    %dma_wait3A_280 = arith.constant 0 : i32
    %dma_wait3A_281 = arith.constant 0 : i32
    %dma_wait3A_282 = tpu.memref_slice %arg8[%dma_wait3A_280, %dma_wait3A_281] : memref<10000x16xf32, #tpu.memory_space<hbm>> -> memref<80x16xf32, #tpu.memory_space<hbm>>
    tpu.wait_dma2 semaphore(%arg27 : memref<!tpu.dma_semaphore, #tpu.memory_space<semaphore_mem>>) src(%dma_wait3A_282 : memref<80x16xf32, #tpu.memory_space<hbm>>) dst(%arg17 : memref<80x16xf32, #tpu.memory_space<vmem>>)
    %dma_wait3A_283 = arith.constant 0 : i32
    %dma_wait3A_284 = arith.constant 0 : i32
    %dma_wait3A_285 = tpu.memref_slice %arg7[%dma_wait3A_283, %dma_wait3A_284] : memref<10000x128xf32, #tpu.memory_space<hbm>> -> memref<80x128xf32, #tpu.memory_space<hbm>>
    %dma_wait3A_286 = arith.constant 0 : i32
    %dma_wait3A_287 = arith.constant 0 : i32
    %dma_wait3A_288 = tpu.memref_slice %arg7[%dma_wait3A_286, %dma_wait3A_287] : memref<10000x128xf32, #tpu.memory_space<hbm>> -> memref<80x128xf32, #tpu.memory_space<hbm>>
    tpu.wait_dma2 semaphore(%arg27 : memref<!tpu.dma_semaphore, #tpu.memory_space<semaphore_mem>>) src(%dma_wait3A_288 : memref<80x128xf32, #tpu.memory_space<hbm>>) dst(%arg19 : memref<80x128xf32, #tpu.memory_space<vmem>>)
    %parallel_loop3A_289 = arith.constant 0 : i32
    %parallel_loop3A_290 = arith.constant 80 : i32
    %parallel_loop3A_291 = arith.constant 1 : i32
    scf.for %parallel_loop3A_405 = %parallel_loop3A_289 to %parallel_loop3A_290 step %parallel_loop3A_291  : i32 {
      %parallel_loop3A_406 = arith.index_cast %parallel_loop3A_405 : i32 to index
      %parallel_loop3A_407 = arith.constant 0 : index
      %parallel_loop3A_408 = tpu.vector_load %arg15[%parallel_loop3A_406, %parallel_loop3A_407] {strides = array<i32>} : memref<80x16xf32, #tpu.memory_space<vmem>>, vector<1x16xf32>,
      %parallel_loop3A_409 = vector.shape_cast %parallel_loop3A_408 : vector<1x16xf32> to vector<16xf32>
      %parallel_loop3A_410 = arith.index_cast %parallel_loop3A_405 : i32 to index
      %parallel_loop3A_411 = arith.constant 0 : index
      %parallel_loop3A_412 = tpu.vector_load %arg17[%parallel_loop3A_410, %parallel_loop3A_411] {strides = array<i32>} : memref<80x16xf32, #tpu.memory_space<vmem>>, vector<1x16xf32>,
      %parallel_loop3A_413 = vector.shape_cast %parallel_loop3A_412 : vector<1x16xf32> to vector<16xf32>
      %parallel_loop3A_414 = arith.addf %parallel_loop3A_409, %parallel_loop3A_413 : vector<16xf32>
      %parallel_loop3A_415 = arith.constant 0.000000e+00 : f32
      %parallel_loop3A_416 = vector.broadcast %parallel_loop3A_415 : f32 to vector<16xf32>
      %parallel_loop3A_417 = arith.cmpf oge, %parallel_loop3A_414, %parallel_loop3A_416 : vector<16xf32>
      %parallel_loop3A_418 = arith.constant 2.000000e-01 : f32
      %parallel_loop3A_419 = vector.broadcast %parallel_loop3A_418 : f32 to vector<16xf32>
      %parallel_loop3A_420 = arith.mulf %parallel_loop3A_419, %parallel_loop3A_414 : vector<16xf32>
      %parallel_loop3A_421 = arith.select %parallel_loop3A_417, %parallel_loop3A_414, %parallel_loop3A_420 : vector<16xi1>, vector<16xf32>
      %parallel_loop3A_422 = math.exp %parallel_loop3A_421 : vector<16xf32>
      %parallel_loop3A_423 = arith.index_cast %parallel_loop3A_405 : i32 to index
      %parallel_loop3A_424 = arith.constant 0 : index
      %parallel_loop3A_425 = tpu.vector_load %arg21[%parallel_loop3A_423, %parallel_loop3A_424] {strides = array<i32>} : memref<80x16xf32, #tpu.memory_space<vmem>>, vector<1x16xf32>,
      %parallel_loop3A_426 = vector.shape_cast %parallel_loop3A_425 : vector<1x16xf32> to vector<16xf32>
      %parallel_loop3A_427 = vector.shape_cast %parallel_loop3A_422 : vector<16xf32> to vector<1x16xf32>
      tpu.vector_store %arg21[%parallel_loop3A_423, %parallel_loop3A_424], %parallel_loop3A_427 {strides = array<i32>} : memref<80x16xf32, #tpu.memory_space<vmem>>, vector<1x16xf32>,
      %parallel_loop3A_428 = arith.constant 0 : i32
      %parallel_loop3A_429 = vector.broadcast %parallel_loop3A_428 : i32 to vector<16x1xi32>
      %parallel_loop3A_430 = vector.shape_cast %parallel_loop3A_429 : vector<16x1xi32> to vector<16xi32>
      %parallel_loop3A_431 = tpu.dynamic_gather %parallel_loop3A_422[%parallel_loop3A_430] in [0] : vector<16xf32>, vector<16xi32> -> vector<16xf32>
      %parallel_loop3A_432 = arith.index_cast %parallel_loop3A_405 : i32 to index
      %parallel_loop3A_433 = arith.constant 0 : index
      %parallel_loop3A_434 = tpu.vector_load %arg19[%parallel_loop3A_432, %parallel_loop3A_433] {strides = array<i32>} : memref<80x128xf32, #tpu.memory_space<vmem>>, vector<1x16xf32>,
      %parallel_loop3A_435 = vector.shape_cast %parallel_loop3A_434 : vector<1x16xf32> to vector<16xf32>
      %parallel_loop3A_436 = arith.mulf %parallel_loop3A_435, %parallel_loop3A_431 : vector<16xf32>
      %parallel_loop3A_437 = arith.index_cast %parallel_loop3A_405 : i32 to index
      %parallel_loop3A_438 = arith.constant 0 : index
      %parallel_loop3A_439 = tpu.vector_load %arg19[%parallel_loop3A_437, %parallel_loop3A_438] {strides = array<i32>} : memref<80x128xf32, #tpu.memory_space<vmem>>, vector<1x16xf32>,
      %parallel_loop3A_440 = vector.shape_cast %parallel_loop3A_439 : vector<1x16xf32> to vector<16xf32>
      %parallel_loop3A_441 = vector.shape_cast %parallel_loop3A_436 : vector<16xf32> to vector<1x16xf32>
      tpu.vector_store %arg19[%parallel_loop3A_437, %parallel_loop3A_438], %parallel_loop3A_441 {strides = array<i32>} : memref<80x128xf32, #tpu.memory_space<vmem>>, vector<1x16xf32>,
      %parallel_loop3A_442 = arith.constant 1 : i32
      %parallel_loop3A_443 = vector.broadcast %parallel_loop3A_442 : i32 to vector<16x1xi32>
      %parallel_loop3A_444 = vector.shape_cast %parallel_loop3A_443 : vector<16x1xi32> to vector<16xi32>
      %parallel_loop3A_445 = tpu.dynamic_gather %parallel_loop3A_422[%parallel_loop3A_444] in [0] : vector<16xf32>, vector<16xi32> -> vector<16xf32>
      %parallel_loop3A_446 = arith.index_cast %parallel_loop3A_405 : i32 to index
      %parallel_loop3A_447 = arith.constant 16 : index
      %parallel_loop3A_448 = tpu.vector_load %arg19[%parallel_loop3A_446, %parallel_loop3A_447] {strides = array<i32>} : memref<80x128xf32, #tpu.memory_space<vmem>>, vector<1x16xf32>,
      %parallel_loop3A_449 = vector.shape_cast %parallel_loop3A_448 : vector<1x16xf32> to vector<16xf32>
      %parallel_loop3A_450 = arith.mulf %parallel_loop3A_449, %parallel_loop3A_445 : vector<16xf32>
      %parallel_loop3A_451 = arith.index_cast %parallel_loop3A_405 : i32 to index
      %parallel_loop3A_452 = arith.constant 16 : index
      %parallel_loop3A_453 = tpu.vector_load %arg19[%parallel_loop3A_451, %parallel_loop3A_452] {strides = array<i32>} : memref<80x128xf32, #tpu.memory_space<vmem>>, vector<1x16xf32>,
      %parallel_loop3A_454 = vector.shape_cast %parallel_loop3A_453 : vector<1x16xf32> to vector<16xf32>
      %parallel_loop3A_455 = vector.shape_cast %parallel_loop3A_450 : vector<16xf32> to vector<1x16xf32>
      tpu.vector_store %arg19[%parallel_loop3A_451, %parallel_loop3A_452], %parallel_loop3A_455 {strides = array<i32>} : memref<80x128xf32, #tpu.memory_space<vmem>>, vector<1x16xf32>,
      %parallel_loop3A_456 = arith.constant 2 : i32
      %parallel_loop3A_457 = vector.broadcast %parallel_loop3A_456 : i32 to vector<16x1xi32>
      %parallel_loop3A_458 = vector.shape_cast %parallel_loop3A_457 : vector<16x1xi32> to vector<16xi32>
      %parallel_loop3A_459 = tpu.dynamic_gather %parallel_loop3A_422[%parallel_loop3A_458] in [0] : vector<16xf32>, vector<16xi32> -> vector<16xf32>
      %parallel_loop3A_460 = arith.index_cast %parallel_loop3A_405 : i32 to index
      %parallel_loop3A_461 = arith.constant 32 : index
      %parallel_loop3A_462 = tpu.vector_load %arg19[%parallel_loop3A_460, %parallel_loop3A_461] {strides = array<i32>} : memref<80x128xf32, #tpu.memory_space<vmem>>, vector<1x16xf32>,
      %parallel_loop3A_463 = vector.shape_cast %parallel_loop3A_462 : vector<1x16xf32> to vector<16xf32>
      %parallel_loop3A_464 = arith.mulf %parallel_loop3A_463, %parallel_loop3A_459 : vector<16xf32>
      %parallel_loop3A_465 = arith.index_cast %parallel_loop3A_405 : i32 to index
      %parallel_loop3A_466 = arith.constant 32 : index
      %parallel_loop3A_467 = tpu.vector_load %arg19[%parallel_loop3A_465, %parallel_loop3A_466] {strides = array<i32>} : memref<80x128xf32, #tpu.memory_space<vmem>>, vector<1x16xf32>,
      %parallel_loop3A_468 = vector.shape_cast %parallel_loop3A_467 : vector<1x16xf32> to vector<16xf32>
      %parallel_loop3A_469 = vector.shape_cast %parallel_loop3A_464 : vector<16xf32> to vector<1x16xf32>
      tpu.vector_store %arg19[%parallel_loop3A_465, %parallel_loop3A_466], %parallel_loop3A_469 {strides = array<i32>} : memref<80x128xf32, #tpu.memory_space<vmem>>, vector<1x16xf32>,
      %parallel_loop3A_470 = arith.constant 3 : i32
      %parallel_loop3A_471 = vector.broadcast %parallel_loop3A_470 : i32 to vector<16x1xi32>
      %parallel_loop3A_472 = vector.shape_cast %parallel_loop3A_471 : vector<16x1xi32> to vector<16xi32>
      %parallel_loop3A_473 = tpu.dynamic_gather %parallel_loop3A_422[%parallel_loop3A_472] in [0] : vector<16xf32>, vector<16xi32> -> vector<16xf32>
      %parallel_loop3A_474 = arith.index_cast %parallel_loop3A_405 : i32 to index
      %parallel_loop3A_475 = arith.constant 48 : index
      %parallel_loop3A_476 = tpu.vector_load %arg19[%parallel_loop3A_474, %parallel_loop3A_475] {strides = array<i32>} : memref<80x128xf32, #tpu.memory_space<vmem>>, vector<1x16xf32>,
      %parallel_loop3A_477 = vector.shape_cast %parallel_loop3A_476 : vector<1x16xf32> to vector<16xf32>
      %parallel_loop3A_478 = arith.mulf %parallel_loop3A_477, %parallel_loop3A_473 : vector<16xf32>
      %parallel_loop3A_479 = arith.index_cast %parallel_loop3A_405 : i32 to index
      %parallel_loop3A_480 = arith.constant 48 : index
      %parallel_loop3A_481 = tpu.vector_load %arg19[%parallel_loop3A_479, %parallel_loop3A_480] {strides = array<i32>} : memref<80x128xf32, #tpu.memory_space<vmem>>, vector<1x16xf32>,
      %parallel_loop3A_482 = vector.shape_cast %parallel_loop3A_481 : vector<1x16xf32> to vector<16xf32>
      %parallel_loop3A_483 = vector.shape_cast %parallel_loop3A_478 : vector<16xf32> to vector<1x16xf32>
      tpu.vector_store %arg19[%parallel_loop3A_479, %parallel_loop3A_480], %parallel_loop3A_483 {strides = array<i32>} : memref<80x128xf32, #tpu.memory_space<vmem>>, vector<1x16xf32>,
      %parallel_loop3A_484 = arith.constant 4 : i32
      %parallel_loop3A_485 = vector.broadcast %parallel_loop3A_484 : i32 to vector<16x1xi32>
      %parallel_loop3A_486 = vector.shape_cast %parallel_loop3A_485 : vector<16x1xi32> to vector<16xi32>
      %parallel_loop3A_487 = tpu.dynamic_gather %parallel_loop3A_422[%parallel_loop3A_486] in [0] : vector<16xf32>, vector<16xi32> -> vector<16xf32>
      %parallel_loop3A_488 = arith.index_cast %parallel_loop3A_405 : i32 to index
      %parallel_loop3A_489 = arith.constant 64 : index
      %parallel_loop3A_490 = tpu.vector_load %arg19[%parallel_loop3A_488, %parallel_loop3A_489] {strides = array<i32>} : memref<80x128xf32, #tpu.memory_space<vmem>>, vector<1x16xf32>,
      %parallel_loop3A_491 = vector.shape_cast %parallel_loop3A_490 : vector<1x16xf32> to vector<16xf32>
      %parallel_loop3A_492 = arith.mulf %parallel_loop3A_491, %parallel_loop3A_487 : vector<16xf32>
      %parallel_loop3A_493 = arith.index_cast %parallel_loop3A_405 : i32 to index
      %parallel_loop3A_494 = arith.constant 64 : index
      %parallel_loop3A_495 = tpu.vector_load %arg19[%parallel_loop3A_493, %parallel_loop3A_494] {strides = array<i32>} : memref<80x128xf32, #tpu.memory_space<vmem>>, vector<1x16xf32>,
      %parallel_loop3A_496 = vector.shape_cast %parallel_loop3A_495 : vector<1x16xf32> to vector<16xf32>
      %parallel_loop3A_497 = vector.shape_cast %parallel_loop3A_492 : vector<16xf32> to vector<1x16xf32>
      tpu.vector_store %arg19[%parallel_loop3A_493, %parallel_loop3A_494], %parallel_loop3A_497 {strides = array<i32>} : memref<80x128xf32, #tpu.memory_space<vmem>>, vector<1x16xf32>,
      %parallel_loop3A_498 = arith.constant 5 : i32
      %parallel_loop3A_499 = vector.broadcast %parallel_loop3A_498 : i32 to vector<16x1xi32>
      %parallel_loop3A_500 = vector.shape_cast %parallel_loop3A_499 : vector<16x1xi32> to vector<16xi32>
      %parallel_loop3A_501 = tpu.dynamic_gather %parallel_loop3A_422[%parallel_loop3A_500] in [0] : vector<16xf32>, vector<16xi32> -> vector<16xf32>
      %parallel_loop3A_502 = arith.index_cast %parallel_loop3A_405 : i32 to index
      %parallel_loop3A_503 = arith.constant 80 : index
      %parallel_loop3A_504 = tpu.vector_load %arg19[%parallel_loop3A_502, %parallel_loop3A_503] {strides = array<i32>} : memref<80x128xf32, #tpu.memory_space<vmem>>, vector<1x16xf32>,
      %parallel_loop3A_505 = vector.shape_cast %parallel_loop3A_504 : vector<1x16xf32> to vector<16xf32>
      %parallel_loop3A_506 = arith.mulf %parallel_loop3A_505, %parallel_loop3A_501 : vector<16xf32>
      %parallel_loop3A_507 = arith.index_cast %parallel_loop3A_405 : i32 to index
      %parallel_loop3A_508 = arith.constant 80 : index
      %parallel_loop3A_509 = tpu.vector_load %arg19[%parallel_loop3A_507, %parallel_loop3A_508] {strides = array<i32>} : memref<80x128xf32, #tpu.memory_space<vmem>>, vector<1x16xf32>,
      %parallel_loop3A_510 = vector.shape_cast %parallel_loop3A_509 : vector<1x16xf32> to vector<16xf32>
      %parallel_loop3A_511 = vector.shape_cast %parallel_loop3A_506 : vector<16xf32> to vector<1x16xf32>
      tpu.vector_store %arg19[%parallel_loop3A_507, %parallel_loop3A_508], %parallel_loop3A_511 {strides = array<i32>} : memref<80x128xf32, #tpu.memory_space<vmem>>, vector<1x16xf32>,
      %parallel_loop3A_512 = arith.constant 6 : i32
      %parallel_loop3A_513 = vector.broadcast %parallel_loop3A_512 : i32 to vector<16x1xi32>
      %parallel_loop3A_514 = vector.shape_cast %parallel_loop3A_513 : vector<16x1xi32> to vector<16xi32>
      %parallel_loop3A_515 = tpu.dynamic_gather %parallel_loop3A_422[%parallel_loop3A_514] in [0] : vector<16xf32>, vector<16xi32> -> vector<16xf32>
      %parallel_loop3A_516 = arith.index_cast %parallel_loop3A_405 : i32 to index
      %parallel_loop3A_517 = arith.constant 96 : index
      %parallel_loop3A_518 = tpu.vector_load %arg19[%parallel_loop3A_516, %parallel_loop3A_517] {strides = array<i32>} : memref<80x128xf32, #tpu.memory_space<vmem>>, vector<1x16xf32>,
      %parallel_loop3A_519 = vector.shape_cast %parallel_loop3A_518 : vector<1x16xf32> to vector<16xf32>
      %parallel_loop3A_520 = arith.mulf %parallel_loop3A_519, %parallel_loop3A_515 : vector<16xf32>
      %parallel_loop3A_521 = arith.index_cast %parallel_loop3A_405 : i32 to index
      %parallel_loop3A_522 = arith.constant 96 : index
      %parallel_loop3A_523 = tpu.vector_load %arg19[%parallel_loop3A_521, %parallel_loop3A_522] {strides = array<i32>} : memref<80x128xf32, #tpu.memory_space<vmem>>, vector<1x16xf32>,
      %parallel_loop3A_524 = vector.shape_cast %parallel_loop3A_523 : vector<1x16xf32> to vector<16xf32>
      %parallel_loop3A_525 = vector.shape_cast %parallel_loop3A_520 : vector<16xf32> to vector<1x16xf32>
      tpu.vector_store %arg19[%parallel_loop3A_521, %parallel_loop3A_522], %parallel_loop3A_525 {strides = array<i32>} : memref<80x128xf32, #tpu.memory_space<vmem>>, vector<1x16xf32>,
      %parallel_loop3A_526 = arith.constant 7 : i32
      %parallel_loop3A_527 = vector.broadcast %parallel_loop3A_526 : i32 to vector<16x1xi32>
      %parallel_loop3A_528 = vector.shape_cast %parallel_loop3A_527 : vector<16x1xi32> to vector<16xi32>
      %parallel_loop3A_529 = tpu.dynamic_gather %parallel_loop3A_422[%parallel_loop3A_528] in [0] : vector<16xf32>, vector<16xi32> -> vector<16xf32>
      %parallel_loop3A_530 = arith.index_cast %parallel_loop3A_405 : i32 to index
      %parallel_loop3A_531 = arith.constant 112 : index
      %parallel_loop3A_532 = tpu.vector_load %arg19[%parallel_loop3A_530, %parallel_loop3A_531] {strides = array<i32>} : memref<80x128xf32, #tpu.memory_space<vmem>>, vector<1x16xf32>,
      %parallel_loop3A_533 = vector.shape_cast %parallel_loop3A_532 : vector<1x16xf32> to vector<16xf32>
      %parallel_loop3A_534 = arith.mulf %parallel_loop3A_533, %parallel_loop3A_529 : vector<16xf32>
      %parallel_loop3A_535 = arith.index_cast %parallel_loop3A_405 : i32 to index
      %parallel_loop3A_536 = arith.constant 112 : index
      %parallel_loop3A_537 = tpu.vector_load %arg19[%parallel_loop3A_535, %parallel_loop3A_536] {strides = array<i32>} : memref<80x128xf32, #tpu.memory_space<vmem>>, vector<1x16xf32>,
      %parallel_loop3A_538 = vector.shape_cast %parallel_loop3A_537 : vector<1x16xf32> to vector<16xf32>
      %parallel_loop3A_539 = vector.shape_cast %parallel_loop3A_534 : vector<16xf32> to vector<1x16xf32>
      tpu.vector_store %arg19[%parallel_loop3A_535, %parallel_loop3A_536], %parallel_loop3A_539 {strides = array<i32>} : memref<80x128xf32, #tpu.memory_space<vmem>>, vector<1x16xf32>,
    } {sc.loop_unroll_factor = 4 : i64, sc.parallel_access}
    %dma_start3A_292 = arith.constant 123 : i32
    %dma_start3A_293 = arith.constant 0 : i32
    %dma_start3A_294 = tpu.memref_slice %arg11[%dma_start3A_292, %dma_start3A_293] : memref<125x80xi32, #tpu.memory_space<vmem>> -> memref<1x80xi32, #tpu.memory_space<vmem>>
    %dma_start3A_295 = tpu.memref_squeeze %dma_start3A_294 : memref<1x80xi32, #tpu.memory_space<vmem>> -> memref<80xi32, #tpu.memory_space<vmem>>
    %dma_start3A_296 = arith.constant 0 : i32
    %dma_start3A_297 = arith.constant 0 : i32
    %dma_start3A_298 = tpu.memref_slice %arg23[%dma_start3A_296, %dma_start3A_297] : memref<10000x16xf32, #tpu.memory_space<vmem_shared>> -> memref<10000x16xf32, #tpu.memory_space<vmem_shared>>
    tpu.enqueue_indirect_dma source(%arg21 : memref<80x16xf32, #tpu.memory_space<vmem>>) target(%dma_start3A_298 : memref<10000x16xf32, #tpu.memory_space<vmem_shared>>) offsets(%dma_start3A_295 : memref<80xi32, #tpu.memory_space<vmem>>) semaphore(%arg29 : memref<!tpu.dma_semaphore, #tpu.memory_space<semaphore_mem>>) {add = true}
    %dma_start3A_299 = arith.constant 123 : i32
    %dma_start3A_300 = arith.constant 0 : i32
    %dma_start3A_301 = tpu.memref_slice %arg11[%dma_start3A_299, %dma_start3A_300] : memref<125x80xi32, #tpu.memory_space<vmem>> -> memref<1x80xi32, #tpu.memory_space<vmem>>
    %dma_start3A_302 = tpu.memref_squeeze %dma_start3A_301 : memref<1x80xi32, #tpu.memory_space<vmem>> -> memref<80xi32, #tpu.memory_space<vmem>>
    %dma_start3A_303 = arith.constant 0 : i32
    %dma_start3A_304 = arith.constant 0 : i32
    %dma_start3A_305 = tpu.memref_slice %arg22[%dma_start3A_303, %dma_start3A_304] : memref<10000x128xf32, #tpu.memory_space<vmem_shared>> -> memref<10000x128xf32, #tpu.memory_space<vmem_shared>>
    tpu.enqueue_indirect_dma source(%arg19 : memref<80x128xf32, #tpu.memory_space<vmem>>) target(%dma_start3A_305 : memref<10000x128xf32, #tpu.memory_space<vmem_shared>>) offsets(%dma_start3A_302 : memref<80xi32, #tpu.memory_space<vmem>>) semaphore(%arg29 : memref<!tpu.dma_semaphore, #tpu.memory_space<semaphore_mem>>) {add = true}
    %dma_wait3A_306 = arith.constant 0 : i32
    %dma_wait3A_307 = arith.constant 0 : i32
    %dma_wait3A_308 = tpu.memref_slice %arg8[%dma_wait3A_306, %dma_wait3A_307] : memref<10000x16xf32, #tpu.memory_space<hbm>> -> memref<80x16xf32, #tpu.memory_space<hbm>>
    %dma_wait3A_309 = arith.constant 0 : i32
    %dma_wait3A_310 = arith.constant 0 : i32
    %dma_wait3A_311 = tpu.memref_slice %arg8[%dma_wait3A_309, %dma_wait3A_310] : memref<10000x16xf32, #tpu.memory_space<hbm>> -> memref<80x16xf32, #tpu.memory_space<hbm>>
    tpu.wait_dma2 semaphore(%arg28 : memref<!tpu.dma_semaphore, #tpu.memory_space<semaphore_mem>>) src(%dma_wait3A_311 : memref<80x16xf32, #tpu.memory_space<hbm>>) dst(%arg20 : memref<80x16xf32, #tpu.memory_space<vmem>>)
    %dma_wait3A_312 = arith.constant 0 : i32
    %dma_wait3A_313 = arith.constant 0 : i32
    %dma_wait3A_314 = tpu.memref_slice %arg7[%dma_wait3A_312, %dma_wait3A_313] : memref<10000x128xf32, #tpu.memory_space<hbm>> -> memref<80x128xf32, #tpu.memory_space<hbm>>
    %dma_wait3A_315 = arith.constant 0 : i32
    %dma_wait3A_316 = arith.constant 0 : i32
    %dma_wait3A_317 = tpu.memref_slice %arg7[%dma_wait3A_315, %dma_wait3A_316] : memref<10000x128xf32, #tpu.memory_space<hbm>> -> memref<80x128xf32, #tpu.memory_space<hbm>>
    tpu.wait_dma2 semaphore(%arg28 : memref<!tpu.dma_semaphore, #tpu.memory_space<semaphore_mem>>) src(%dma_wait3A_317 : memref<80x128xf32, #tpu.memory_space<hbm>>) dst(%arg18 : memref<80x128xf32, #tpu.memory_space<vmem>>)
    %dma_start3A_318 = arith.constant 0 : i32
    %dma_start3A_319 = arith.constant 0 : i32
    %dma_start3A_320 = tpu.memref_slice %arg3[%dma_start3A_318, %dma_start3A_319] : memref<10000x16xf32, #tpu.memory_space<hbm>> -> memref<10000x16xf32, #tpu.memory_space<hbm>>
    tpu.enqueue_indirect_dma source(%dma_start3A_320 : memref<10000x16xf32, #tpu.memory_space<hbm>>) target(%arg14 : memref<80x16xf32, #tpu.memory_space<vmem>>) offsets(%arg12 : memref<80xi32, #tpu.memory_space<vmem>>) semaphore(%arg26 : memref<!tpu.dma_semaphore, #tpu.memory_space<semaphore_mem>>)
    %dma_start3A_321 = arith.constant 124 : i32
    %dma_start3A_322 = arith.constant 0 : i32
    %dma_start3A_323 = tpu.memref_slice %arg11[%dma_start3A_321, %dma_start3A_322] : memref<125x80xi32, #tpu.memory_space<vmem>> -> memref<1x80xi32, #tpu.memory_space<vmem>>
    %dma_start3A_324 = tpu.memref_squeeze %dma_start3A_323 : memref<1x80xi32, #tpu.memory_space<vmem>> -> memref<80xi32, #tpu.memory_space<vmem>>
    %dma_start3A_325 = arith.constant 0 : i32
    %dma_start3A_326 = arith.constant 0 : i32
    %dma_start3A_327 = tpu.memref_slice %arg4[%dma_start3A_325, %dma_start3A_326] : memref<10000x16xf32, #tpu.memory_space<hbm>> -> memref<10000x16xf32, #tpu.memory_space<hbm>>
    tpu.enqueue_indirect_dma source(%dma_start3A_327 : memref<10000x16xf32, #tpu.memory_space<hbm>>) target(%arg16 : memref<80x16xf32, #tpu.memory_space<vmem>>) offsets(%dma_start3A_324 : memref<80xi32, #tpu.memory_space<vmem>>) semaphore(%arg26 : memref<!tpu.dma_semaphore, #tpu.memory_space<semaphore_mem>>)
    %dma_start3A_328 = arith.constant 0 : i32
    %dma_start3A_329 = arith.constant 0 : i32
    %dma_start3A_330 = tpu.memref_slice %arg2[%dma_start3A_328, %dma_start3A_329] : memref<10000x128xf32, #tpu.memory_space<hbm>> -> memref<10000x128xf32, #tpu.memory_space<hbm>>
    tpu.enqueue_indirect_dma source(%dma_start3A_330 : memref<10000x128xf32, #tpu.memory_space<hbm>>) target(%arg18 : memref<80x128xf32, #tpu.memory_space<vmem>>) offsets(%arg12 : memref<80xi32, #tpu.memory_space<vmem>>) semaphore(%arg26 : memref<!tpu.dma_semaphore, #tpu.memory_space<semaphore_mem>>)
    %dma_wait3A_331 = arith.constant 0 : i32
    %dma_wait3A_332 = arith.constant 0 : i32
    %dma_wait3A_333 = tpu.memref_slice %arg8[%dma_wait3A_331, %dma_wait3A_332] : memref<10000x16xf32, #tpu.memory_space<hbm>> -> memref<80x16xf32, #tpu.memory_space<hbm>>
    %dma_wait3A_334 = arith.constant 0 : i32
    %dma_wait3A_335 = arith.constant 0 : i32
    %dma_wait3A_336 = tpu.memref_slice %arg8[%dma_wait3A_334, %dma_wait3A_335] : memref<10000x16xf32, #tpu.memory_space<hbm>> -> memref<80x16xf32, #tpu.memory_space<hbm>>
    tpu.wait_dma2 semaphore(%arg26 : memref<!tpu.dma_semaphore, #tpu.memory_space<semaphore_mem>>) src(%dma_wait3A_336 : memref<80x16xf32, #tpu.memory_space<hbm>>) dst(%arg14 : memref<80x16xf32, #tpu.memory_space<vmem>>)
    %dma_wait3A_337 = arith.constant 0 : i32
    %dma_wait3A_338 = arith.constant 0 : i32
    %dma_wait3A_339 = tpu.memref_slice %arg8[%dma_wait3A_337, %dma_wait3A_338] : memref<10000x16xf32, #tpu.memory_space<hbm>> -> memref<80x16xf32, #tpu.memory_space<hbm>>
    %dma_wait3A_340 = arith.constant 0 : i32
    %dma_wait3A_341 = arith.constant 0 : i32
    %dma_wait3A_342 = tpu.memref_slice %arg8[%dma_wait3A_340, %dma_wait3A_341] : memref<10000x16xf32, #tpu.memory_space<hbm>> -> memref<80x16xf32, #tpu.memory_space<hbm>>
    tpu.wait_dma2 semaphore(%arg26 : memref<!tpu.dma_semaphore, #tpu.memory_space<semaphore_mem>>) src(%dma_wait3A_342 : memref<80x16xf32, #tpu.memory_space<hbm>>) dst(%arg16 : memref<80x16xf32, #tpu.memory_space<vmem>>)
    %dma_wait3A_343 = arith.constant 0 : i32
    %dma_wait3A_344 = arith.constant 0 : i32
    %dma_wait3A_345 = tpu.memref_slice %arg7[%dma_wait3A_343, %dma_wait3A_344] : memref<10000x128xf32, #tpu.memory_space<hbm>> -> memref<80x128xf32, #tpu.memory_space<hbm>>
    %dma_wait3A_346 = arith.constant 0 : i32
    %dma_wait3A_347 = arith.constant 0 : i32
    %dma_wait3A_348 = tpu.memref_slice %arg7[%dma_wait3A_346, %dma_wait3A_347] : memref<10000x128xf32, #tpu.memory_space<hbm>> -> memref<80x128xf32, #tpu.memory_space<hbm>>
    tpu.wait_dma2 semaphore(%arg26 : memref<!tpu.dma_semaphore, #tpu.memory_space<semaphore_mem>>) src(%dma_wait3A_348 : memref<80x128xf32, #tpu.memory_space<hbm>>) dst(%arg18 : memref<80x128xf32, #tpu.memory_space<vmem>>)
    %parallel_loop3A_349 = arith.constant 0 : i32
    %parallel_loop3A_350 = arith.constant 80 : i32
    %parallel_loop3A_351 = arith.constant 1 : i32
    scf.for %parallel_loop3A_405 = %parallel_loop3A_349 to %parallel_loop3A_350 step %parallel_loop3A_351  : i32 {
      %parallel_loop3A_406 = arith.index_cast %parallel_loop3A_405 : i32 to index
      %parallel_loop3A_407 = arith.constant 0 : index
      %parallel_loop3A_408 = tpu.vector_load %arg14[%parallel_loop3A_406, %parallel_loop3A_407] {strides = array<i32>} : memref<80x16xf32, #tpu.memory_space<vmem>>, vector<1x16xf32>,
      %parallel_loop3A_409 = vector.shape_cast %parallel_loop3A_408 : vector<1x16xf32> to vector<16xf32>
      %parallel_loop3A_410 = arith.index_cast %parallel_loop3A_405 : i32 to index
      %parallel_loop3A_411 = arith.constant 0 : index
      %parallel_loop3A_412 = tpu.vector_load %arg16[%parallel_loop3A_410, %parallel_loop3A_411] {strides = array<i32>} : memref<80x16xf32, #tpu.memory_space<vmem>>, vector<1x16xf32>,
      %parallel_loop3A_413 = vector.shape_cast %parallel_loop3A_412 : vector<1x16xf32> to vector<16xf32>
      %parallel_loop3A_414 = arith.addf %parallel_loop3A_409, %parallel_loop3A_413 : vector<16xf32>
      %parallel_loop3A_415 = arith.constant 0.000000e+00 : f32
      %parallel_loop3A_416 = vector.broadcast %parallel_loop3A_415 : f32 to vector<16xf32>
      %parallel_loop3A_417 = arith.cmpf oge, %parallel_loop3A_414, %parallel_loop3A_416 : vector<16xf32>
      %parallel_loop3A_418 = arith.constant 2.000000e-01 : f32
      %parallel_loop3A_419 = vector.broadcast %parallel_loop3A_418 : f32 to vector<16xf32>
      %parallel_loop3A_420 = arith.mulf %parallel_loop3A_419, %parallel_loop3A_414 : vector<16xf32>
      %parallel_loop3A_421 = arith.select %parallel_loop3A_417, %parallel_loop3A_414, %parallel_loop3A_420 : vector<16xi1>, vector<16xf32>
      %parallel_loop3A_422 = math.exp %parallel_loop3A_421 : vector<16xf32>
      %parallel_loop3A_423 = arith.index_cast %parallel_loop3A_405 : i32 to index
      %parallel_loop3A_424 = arith.constant 0 : index
      %parallel_loop3A_425 = tpu.vector_load %arg20[%parallel_loop3A_423, %parallel_loop3A_424] {strides = array<i32>} : memref<80x16xf32, #tpu.memory_space<vmem>>, vector<1x16xf32>,
      %parallel_loop3A_426 = vector.shape_cast %parallel_loop3A_425 : vector<1x16xf32> to vector<16xf32>
      %parallel_loop3A_427 = vector.shape_cast %parallel_loop3A_422 : vector<16xf32> to vector<1x16xf32>
      tpu.vector_store %arg20[%parallel_loop3A_423, %parallel_loop3A_424], %parallel_loop3A_427 {strides = array<i32>} : memref<80x16xf32, #tpu.memory_space<vmem>>, vector<1x16xf32>,
      %parallel_loop3A_428 = arith.constant 0 : i32
      %parallel_loop3A_429 = vector.broadcast %parallel_loop3A_428 : i32 to vector<16x1xi32>
      %parallel_loop3A_430 = vector.shape_cast %parallel_loop3A_429 : vector<16x1xi32> to vector<16xi32>
      %parallel_loop3A_431 = tpu.dynamic_gather %parallel_loop3A_422[%parallel_loop3A_430] in [0] : vector<16xf32>, vector<16xi32> -> vector<16xf32>
      %parallel_loop3A_432 = arith.index_cast %parallel_loop3A_405 : i32 to index
      %parallel_loop3A_433 = arith.constant 0 : index
      %parallel_loop3A_434 = tpu.vector_load %arg18[%parallel_loop3A_432, %parallel_loop3A_433] {strides = array<i32>} : memref<80x128xf32, #tpu.memory_space<vmem>>, vector<1x16xf32>,
      %parallel_loop3A_435 = vector.shape_cast %parallel_loop3A_434 : vector<1x16xf32> to vector<16xf32>
      %parallel_loop3A_436 = arith.mulf %parallel_loop3A_435, %parallel_loop3A_431 : vector<16xf32>
      %parallel_loop3A_437 = arith.index_cast %parallel_loop3A_405 : i32 to index
      %parallel_loop3A_438 = arith.constant 0 : index
      %parallel_loop3A_439 = tpu.vector_load %arg18[%parallel_loop3A_437, %parallel_loop3A_438] {strides = array<i32>} : memref<80x128xf32, #tpu.memory_space<vmem>>, vector<1x16xf32>,
      %parallel_loop3A_440 = vector.shape_cast %parallel_loop3A_439 : vector<1x16xf32> to vector<16xf32>
      %parallel_loop3A_441 = vector.shape_cast %parallel_loop3A_436 : vector<16xf32> to vector<1x16xf32>
      tpu.vector_store %arg18[%parallel_loop3A_437, %parallel_loop3A_438], %parallel_loop3A_441 {strides = array<i32>} : memref<80x128xf32, #tpu.memory_space<vmem>>, vector<1x16xf32>,
      %parallel_loop3A_442 = arith.constant 1 : i32
      %parallel_loop3A_443 = vector.broadcast %parallel_loop3A_442 : i32 to vector<16x1xi32>
      %parallel_loop3A_444 = vector.shape_cast %parallel_loop3A_443 : vector<16x1xi32> to vector<16xi32>
      %parallel_loop3A_445 = tpu.dynamic_gather %parallel_loop3A_422[%parallel_loop3A_444] in [0] : vector<16xf32>, vector<16xi32> -> vector<16xf32>
      %parallel_loop3A_446 = arith.index_cast %parallel_loop3A_405 : i32 to index
      %parallel_loop3A_447 = arith.constant 16 : index
      %parallel_loop3A_448 = tpu.vector_load %arg18[%parallel_loop3A_446, %parallel_loop3A_447] {strides = array<i32>} : memref<80x128xf32, #tpu.memory_space<vmem>>, vector<1x16xf32>,
      %parallel_loop3A_449 = vector.shape_cast %parallel_loop3A_448 : vector<1x16xf32> to vector<16xf32>
      %parallel_loop3A_450 = arith.mulf %parallel_loop3A_449, %parallel_loop3A_445 : vector<16xf32>
      %parallel_loop3A_451 = arith.index_cast %parallel_loop3A_405 : i32 to index
      %parallel_loop3A_452 = arith.constant 16 : index
      %parallel_loop3A_453 = tpu.vector_load %arg18[%parallel_loop3A_451, %parallel_loop3A_452] {strides = array<i32>} : memref<80x128xf32, #tpu.memory_space<vmem>>, vector<1x16xf32>,
      %parallel_loop3A_454 = vector.shape_cast %parallel_loop3A_453 : vector<1x16xf32> to vector<16xf32>
      %parallel_loop3A_455 = vector.shape_cast %parallel_loop3A_450 : vector<16xf32> to vector<1x16xf32>
      tpu.vector_store %arg18[%parallel_loop3A_451, %parallel_loop3A_452], %parallel_loop3A_455 {strides = array<i32>} : memref<80x128xf32, #tpu.memory_space<vmem>>, vector<1x16xf32>,
      %parallel_loop3A_456 = arith.constant 2 : i32
      %parallel_loop3A_457 = vector.broadcast %parallel_loop3A_456 : i32 to vector<16x1xi32>
      %parallel_loop3A_458 = vector.shape_cast %parallel_loop3A_457 : vector<16x1xi32> to vector<16xi32>
      %parallel_loop3A_459 = tpu.dynamic_gather %parallel_loop3A_422[%parallel_loop3A_458] in [0] : vector<16xf32>, vector<16xi32> -> vector<16xf32>
      %parallel_loop3A_460 = arith.index_cast %parallel_loop3A_405 : i32 to index
      %parallel_loop3A_461 = arith.constant 32 : index
      %parallel_loop3A_462 = tpu.vector_load %arg18[%parallel_loop3A_460, %parallel_loop3A_461] {strides = array<i32>} : memref<80x128xf32, #tpu.memory_space<vmem>>, vector<1x16xf32>,
      %parallel_loop3A_463 = vector.shape_cast %parallel_loop3A_462 : vector<1x16xf32> to vector<16xf32>
      %parallel_loop3A_464 = arith.mulf %parallel_loop3A_463, %parallel_loop3A_459 : vector<16xf32>
      %parallel_loop3A_465 = arith.index_cast %parallel_loop3A_405 : i32 to index
      %parallel_loop3A_466 = arith.constant 32 : index
      %parallel_loop3A_467 = tpu.vector_load %arg18[%parallel_loop3A_465, %parallel_loop3A_466] {strides = array<i32>} : memref<80x128xf32, #tpu.memory_space<vmem>>, vector<1x16xf32>,
      %parallel_loop3A_468 = vector.shape_cast %parallel_loop3A_467 : vector<1x16xf32> to vector<16xf32>
      %parallel_loop3A_469 = vector.shape_cast %parallel_loop3A_464 : vector<16xf32> to vector<1x16xf32>
      tpu.vector_store %arg18[%parallel_loop3A_465, %parallel_loop3A_466], %parallel_loop3A_469 {strides = array<i32>} : memref<80x128xf32, #tpu.memory_space<vmem>>, vector<1x16xf32>,
      %parallel_loop3A_470 = arith.constant 3 : i32
      %parallel_loop3A_471 = vector.broadcast %parallel_loop3A_470 : i32 to vector<16x1xi32>
      %parallel_loop3A_472 = vector.shape_cast %parallel_loop3A_471 : vector<16x1xi32> to vector<16xi32>
      %parallel_loop3A_473 = tpu.dynamic_gather %parallel_loop3A_422[%parallel_loop3A_472] in [0] : vector<16xf32>, vector<16xi32> -> vector<16xf32>
      %parallel_loop3A_474 = arith.index_cast %parallel_loop3A_405 : i32 to index
      %parallel_loop3A_475 = arith.constant 48 : index
      %parallel_loop3A_476 = tpu.vector_load %arg18[%parallel_loop3A_474, %parallel_loop3A_475] {strides = array<i32>} : memref<80x128xf32, #tpu.memory_space<vmem>>, vector<1x16xf32>,
      %parallel_loop3A_477 = vector.shape_cast %parallel_loop3A_476 : vector<1x16xf32> to vector<16xf32>
      %parallel_loop3A_478 = arith.mulf %parallel_loop3A_477, %parallel_loop3A_473 : vector<16xf32>
      %parallel_loop3A_479 = arith.index_cast %parallel_loop3A_405 : i32 to index
      %parallel_loop3A_480 = arith.constant 48 : index
      %parallel_loop3A_481 = tpu.vector_load %arg18[%parallel_loop3A_479, %parallel_loop3A_480] {strides = array<i32>} : memref<80x128xf32, #tpu.memory_space<vmem>>, vector<1x16xf32>,
      %parallel_loop3A_482 = vector.shape_cast %parallel_loop3A_481 : vector<1x16xf32> to vector<16xf32>
      %parallel_loop3A_483 = vector.shape_cast %parallel_loop3A_478 : vector<16xf32> to vector<1x16xf32>
      tpu.vector_store %arg18[%parallel_loop3A_479, %parallel_loop3A_480], %parallel_loop3A_483 {strides = array<i32>} : memref<80x128xf32, #tpu.memory_space<vmem>>, vector<1x16xf32>,
      %parallel_loop3A_484 = arith.constant 4 : i32
      %parallel_loop3A_485 = vector.broadcast %parallel_loop3A_484 : i32 to vector<16x1xi32>
      %parallel_loop3A_486 = vector.shape_cast %parallel_loop3A_485 : vector<16x1xi32> to vector<16xi32>
      %parallel_loop3A_487 = tpu.dynamic_gather %parallel_loop3A_422[%parallel_loop3A_486] in [0] : vector<16xf32>, vector<16xi32> -> vector<16xf32>
      %parallel_loop3A_488 = arith.index_cast %parallel_loop3A_405 : i32 to index
      %parallel_loop3A_489 = arith.constant 64 : index
      %parallel_loop3A_490 = tpu.vector_load %arg18[%parallel_loop3A_488, %parallel_loop3A_489] {strides = array<i32>} : memref<80x128xf32, #tpu.memory_space<vmem>>, vector<1x16xf32>,
      %parallel_loop3A_491 = vector.shape_cast %parallel_loop3A_490 : vector<1x16xf32> to vector<16xf32>
      %parallel_loop3A_492 = arith.mulf %parallel_loop3A_491, %parallel_loop3A_487 : vector<16xf32>
      %parallel_loop3A_493 = arith.index_cast %parallel_loop3A_405 : i32 to index
      %parallel_loop3A_494 = arith.constant 64 : index
      %parallel_loop3A_495 = tpu.vector_load %arg18[%parallel_loop3A_493, %parallel_loop3A_494] {strides = array<i32>} : memref<80x128xf32, #tpu.memory_space<vmem>>, vector<1x16xf32>,
      %parallel_loop3A_496 = vector.shape_cast %parallel_loop3A_495 : vector<1x16xf32> to vector<16xf32>
      %parallel_loop3A_497 = vector.shape_cast %parallel_loop3A_492 : vector<16xf32> to vector<1x16xf32>
      tpu.vector_store %arg18[%parallel_loop3A_493, %parallel_loop3A_494], %parallel_loop3A_497 {strides = array<i32>} : memref<80x128xf32, #tpu.memory_space<vmem>>, vector<1x16xf32>,
      %parallel_loop3A_498 = arith.constant 5 : i32
      %parallel_loop3A_499 = vector.broadcast %parallel_loop3A_498 : i32 to vector<16x1xi32>
      %parallel_loop3A_500 = vector.shape_cast %parallel_loop3A_499 : vector<16x1xi32> to vector<16xi32>
      %parallel_loop3A_501 = tpu.dynamic_gather %parallel_loop3A_422[%parallel_loop3A_500] in [0] : vector<16xf32>, vector<16xi32> -> vector<16xf32>
      %parallel_loop3A_502 = arith.index_cast %parallel_loop3A_405 : i32 to index
      %parallel_loop3A_503 = arith.constant 80 : index
      %parallel_loop3A_504 = tpu.vector_load %arg18[%parallel_loop3A_502, %parallel_loop3A_503] {strides = array<i32>} : memref<80x128xf32, #tpu.memory_space<vmem>>, vector<1x16xf32>,
      %parallel_loop3A_505 = vector.shape_cast %parallel_loop3A_504 : vector<1x16xf32> to vector<16xf32>
      %parallel_loop3A_506 = arith.mulf %parallel_loop3A_505, %parallel_loop3A_501 : vector<16xf32>
      %parallel_loop3A_507 = arith.index_cast %parallel_loop3A_405 : i32 to index
      %parallel_loop3A_508 = arith.constant 80 : index
      %parallel_loop3A_509 = tpu.vector_load %arg18[%parallel_loop3A_507, %parallel_loop3A_508] {strides = array<i32>} : memref<80x128xf32, #tpu.memory_space<vmem>>, vector<1x16xf32>,
      %parallel_loop3A_510 = vector.shape_cast %parallel_loop3A_509 : vector<1x16xf32> to vector<16xf32>
      %parallel_loop3A_511 = vector.shape_cast %parallel_loop3A_506 : vector<16xf32> to vector<1x16xf32>
      tpu.vector_store %arg18[%parallel_loop3A_507, %parallel_loop3A_508], %parallel_loop3A_511 {strides = array<i32>} : memref<80x128xf32, #tpu.memory_space<vmem>>, vector<1x16xf32>,
      %parallel_loop3A_512 = arith.constant 6 : i32
      %parallel_loop3A_513 = vector.broadcast %parallel_loop3A_512 : i32 to vector<16x1xi32>
      %parallel_loop3A_514 = vector.shape_cast %parallel_loop3A_513 : vector<16x1xi32> to vector<16xi32>
      %parallel_loop3A_515 = tpu.dynamic_gather %parallel_loop3A_422[%parallel_loop3A_514] in [0] : vector<16xf32>, vector<16xi32> -> vector<16xf32>
      %parallel_loop3A_516 = arith.index_cast %parallel_loop3A_405 : i32 to index
      %parallel_loop3A_517 = arith.constant 96 : index
      %parallel_loop3A_518 = tpu.vector_load %arg18[%parallel_loop3A_516, %parallel_loop3A_517] {strides = array<i32>} : memref<80x128xf32, #tpu.memory_space<vmem>>, vector<1x16xf32>,
      %parallel_loop3A_519 = vector.shape_cast %parallel_loop3A_518 : vector<1x16xf32> to vector<16xf32>
      %parallel_loop3A_520 = arith.mulf %parallel_loop3A_519, %parallel_loop3A_515 : vector<16xf32>
      %parallel_loop3A_521 = arith.index_cast %parallel_loop3A_405 : i32 to index
      %parallel_loop3A_522 = arith.constant 96 : index
      %parallel_loop3A_523 = tpu.vector_load %arg18[%parallel_loop3A_521, %parallel_loop3A_522] {strides = array<i32>} : memref<80x128xf32, #tpu.memory_space<vmem>>, vector<1x16xf32>,
      %parallel_loop3A_524 = vector.shape_cast %parallel_loop3A_523 : vector<1x16xf32> to vector<16xf32>
      %parallel_loop3A_525 = vector.shape_cast %parallel_loop3A_520 : vector<16xf32> to vector<1x16xf32>
      tpu.vector_store %arg18[%parallel_loop3A_521, %parallel_loop3A_522], %parallel_loop3A_525 {strides = array<i32>} : memref<80x128xf32, #tpu.memory_space<vmem>>, vector<1x16xf32>,
      %parallel_loop3A_526 = arith.constant 7 : i32
      %parallel_loop3A_527 = vector.broadcast %parallel_loop3A_526 : i32 to vector<16x1xi32>
      %parallel_loop3A_528 = vector.shape_cast %parallel_loop3A_527 : vector<16x1xi32> to vector<16xi32>
      %parallel_loop3A_529 = tpu.dynamic_gather %parallel_loop3A_422[%parallel_loop3A_528] in [0] : vector<16xf32>, vector<16xi32> -> vector<16xf32>
      %parallel_loop3A_530 = arith.index_cast %parallel_loop3A_405 : i32 to index
      %parallel_loop3A_531 = arith.constant 112 : index
      %parallel_loop3A_532 = tpu.vector_load %arg18[%parallel_loop3A_530, %parallel_loop3A_531] {strides = array<i32>} : memref<80x128xf32, #tpu.memory_space<vmem>>, vector<1x16xf32>,
      %parallel_loop3A_533 = vector.shape_cast %parallel_loop3A_532 : vector<1x16xf32> to vector<16xf32>
      %parallel_loop3A_534 = arith.mulf %parallel_loop3A_533, %parallel_loop3A_529 : vector<16xf32>
      %parallel_loop3A_535 = arith.index_cast %parallel_loop3A_405 : i32 to index
      %parallel_loop3A_536 = arith.constant 112 : index
      %parallel_loop3A_537 = tpu.vector_load %arg18[%parallel_loop3A_535, %parallel_loop3A_536] {strides = array<i32>} : memref<80x128xf32, #tpu.memory_space<vmem>>, vector<1x16xf32>,
      %parallel_loop3A_538 = vector.shape_cast %parallel_loop3A_537 : vector<1x16xf32> to vector<16xf32>
      %parallel_loop3A_539 = vector.shape_cast %parallel_loop3A_534 : vector<16xf32> to vector<1x16xf32>
      tpu.vector_store %arg18[%parallel_loop3A_535, %parallel_loop3A_536], %parallel_loop3A_539 {strides = array<i32>} : memref<80x128xf32, #tpu.memory_space<vmem>>, vector<1x16xf32>,
    } {sc.loop_unroll_factor = 4 : i64, sc.parallel_access}
    %dma_start3A_352 = arith.constant 124 : i32
    %dma_start3A_353 = arith.constant 0 : i32
    %dma_start3A_354 = tpu.memref_slice %arg11[%dma_start3A_352, %dma_start3A_353] : memref<125x80xi32, #tpu.memory_space<vmem>> -> memref<1x80xi32, #tpu.memory_space<vmem>>
    %dma_start3A_355 = tpu.memref_squeeze %dma_start3A_354 : memref<1x80xi32, #tpu.memory_space<vmem>> -> memref<80xi32, #tpu.memory_space<vmem>>
    %dma_start3A_356 = arith.constant 0 : i32
    %dma_start3A_357 = arith.constant 0 : i32
    %dma_start3A_358 = tpu.memref_slice %arg23[%dma_start3A_356, %dma_start3A_357] : memref<10000x16xf32, #tpu.memory_space<vmem_shared>> -> memref<10000x16xf32, #tpu.memory_space<vmem_shared>>
    tpu.enqueue_indirect_dma source(%arg20 : memref<80x16xf32, #tpu.memory_space<vmem>>) target(%dma_start3A_358 : memref<10000x16xf32, #tpu.memory_space<vmem_shared>>) offsets(%dma_start3A_355 : memref<80xi32, #tpu.memory_space<vmem>>) semaphore(%arg28 : memref<!tpu.dma_semaphore, #tpu.memory_space<semaphore_mem>>) {add = true}
    %dma_start3A_359 = arith.constant 124 : i32
    %dma_start3A_360 = arith.constant 0 : i32
    %dma_start3A_361 = tpu.memref_slice %arg11[%dma_start3A_359, %dma_start3A_360] : memref<125x80xi32, #tpu.memory_space<vmem>> -> memref<1x80xi32, #tpu.memory_space<vmem>>
    %dma_start3A_362 = tpu.memref_squeeze %dma_start3A_361 : memref<1x80xi32, #tpu.memory_space<vmem>> -> memref<80xi32, #tpu.memory_space<vmem>>
    %dma_start3A_363 = arith.constant 0 : i32
    %dma_start3A_364 = arith.constant 0 : i32
    %dma_start3A_365 = tpu.memref_slice %arg22[%dma_start3A_363, %dma_start3A_364] : memref<10000x128xf32, #tpu.memory_space<vmem_shared>> -> memref<10000x128xf32, #tpu.memory_space<vmem_shared>>
    tpu.enqueue_indirect_dma source(%arg18 : memref<80x128xf32, #tpu.memory_space<vmem>>) target(%dma_start3A_365 : memref<10000x128xf32, #tpu.memory_space<vmem_shared>>) offsets(%dma_start3A_362 : memref<80xi32, #tpu.memory_space<vmem>>) semaphore(%arg28 : memref<!tpu.dma_semaphore, #tpu.memory_space<semaphore_mem>>) {add = true}
    %dma_wait3A_366 = arith.constant 0 : i32
    %dma_wait3A_367 = arith.constant 0 : i32
    %dma_wait3A_368 = tpu.memref_slice %arg8[%dma_wait3A_366, %dma_wait3A_367] : memref<10000x16xf32, #tpu.memory_space<hbm>> -> memref<80x16xf32, #tpu.memory_space<hbm>>
    %dma_wait3A_369 = arith.constant 0 : i32
    %dma_wait3A_370 = arith.constant 0 : i32
    %dma_wait3A_371 = tpu.memref_slice %arg8[%dma_wait3A_369, %dma_wait3A_370] : memref<10000x16xf32, #tpu.memory_space<hbm>> -> memref<80x16xf32, #tpu.memory_space<hbm>>
    tpu.wait_dma2 semaphore(%arg29 : memref<!tpu.dma_semaphore, #tpu.memory_space<semaphore_mem>>) src(%dma_wait3A_371 : memref<80x16xf32, #tpu.memory_space<hbm>>) dst(%arg21 : memref<80x16xf32, #tpu.memory_space<vmem>>)
    %dma_wait3A_372 = arith.constant 0 : i32
    %dma_wait3A_373 = arith.constant 0 : i32
    %dma_wait3A_374 = tpu.memref_slice %arg7[%dma_wait3A_372, %dma_wait3A_373] : memref<10000x128xf32, #tpu.memory_space<hbm>> -> memref<80x128xf32, #tpu.memory_space<hbm>>
    %dma_wait3A_375 = arith.constant 0 : i32
    %dma_wait3A_376 = arith.constant 0 : i32
    %dma_wait3A_377 = tpu.memref_slice %arg7[%dma_wait3A_375, %dma_wait3A_376] : memref<10000x128xf32, #tpu.memory_space<hbm>> -> memref<80x128xf32, #tpu.memory_space<hbm>>
    tpu.wait_dma2 semaphore(%arg29 : memref<!tpu.dma_semaphore, #tpu.memory_space<semaphore_mem>>) src(%dma_wait3A_377 : memref<80x128xf32, #tpu.memory_space<hbm>>) dst(%arg19 : memref<80x128xf32, #tpu.memory_space<vmem>>)
    %dma_wait3A_378 = arith.constant 0 : i32
    %dma_wait3A_379 = arith.constant 0 : i32
    %dma_wait3A_380 = tpu.memref_slice %arg8[%dma_wait3A_378, %dma_wait3A_379] : memref<10000x16xf32, #tpu.memory_space<hbm>> -> memref<80x16xf32, #tpu.memory_space<hbm>>
    %dma_wait3A_381 = arith.constant 0 : i32
    %dma_wait3A_382 = arith.constant 0 : i32
    %dma_wait3A_383 = tpu.memref_slice %arg8[%dma_wait3A_381, %dma_wait3A_382] : memref<10000x16xf32, #tpu.memory_space<hbm>> -> memref<80x16xf32, #tpu.memory_space<hbm>>
    tpu.wait_dma2 semaphore(%arg28 : memref<!tpu.dma_semaphore, #tpu.memory_space<semaphore_mem>>) src(%dma_wait3A_383 : memref<80x16xf32, #tpu.memory_space<hbm>>) dst(%arg20 : memref<80x16xf32, #tpu.memory_space<vmem>>)
    %dma_wait3A_384 = arith.constant 0 : i32
    %dma_wait3A_385 = arith.constant 0 : i32
    %dma_wait3A_386 = tpu.memref_slice %arg7[%dma_wait3A_384, %dma_wait3A_385] : memref<10000x128xf32, #tpu.memory_space<hbm>> -> memref<80x128xf32, #tpu.memory_space<hbm>>
    %dma_wait3A_387 = arith.constant 0 : i32
    %dma_wait3A_388 = arith.constant 0 : i32
    %dma_wait3A_389 = tpu.memref_slice %arg7[%dma_wait3A_387, %dma_wait3A_388] : memref<10000x128xf32, #tpu.memory_space<hbm>> -> memref<80x128xf32, #tpu.memory_space<hbm>>
    tpu.wait_dma2 semaphore(%arg28 : memref<!tpu.dma_semaphore, #tpu.memory_space<semaphore_mem>>) src(%dma_wait3A_389 : memref<80x128xf32, #tpu.memory_space<hbm>>) dst(%arg18 : memref<80x128xf32, #tpu.memory_space<vmem>>)
    %barrier3A_390 = arith.constant 0 : index
    tpu.barrier barrier_id(%barrier3A_390)
    %mul3A_391 = arith.constant 624 : i32
    %mul3A_392 = arith.muli %arg1, %mul3A_391 : i32
    "tpu.region"() ({
      %run_scoped3A = tpu.sem_alloc : memref<!tpu.dma_semaphore, #tpu.memory_space<semaphore_mem>>
      %dma_start3A_405 = arith.constant 0 : i32
      %dma_start3A_406 = arith.constant 0 : i32
      %dma_start3A_407 = tpu.memref_slice %arg9[%arg0, %dma_start3A_405, %dma_start3A_406] : memref<2x10000x128xf32, #tpu.memory_space<hbm>> -> memref<1x10000x128xf32, #tpu.memory_space<hbm>>
      %dma_start3A_408 = tpu.memref_squeeze %dma_start3A_407 : memref<1x10000x128xf32, #tpu.memory_space<hbm>> -> memref<10000x128xf32, #tpu.memory_space<hbm>>
      %dma_start3A_409 = arith.constant 0 : i32
      %dma_start3A_410 = tpu.memref_slice %dma_start3A_408[%mul3A_392, %dma_start3A_409] : memref<10000x128xf32, #tpu.memory_space<hbm>> -> memref<624x128xf32, #tpu.memory_space<hbm>>
      %dma_start3A_411 = arith.constant 0 : i32
      %dma_start3A_412 = tpu.memref_slice %arg22[%mul3A_392, %dma_start3A_411] : memref<10000x128xf32, #tpu.memory_space<vmem_shared>> -> memref<624x128xf32, #tpu.memory_space<vmem_shared>>
      tpu.enqueue_dma source(%dma_start3A_412 : memref<624x128xf32, #tpu.memory_space<vmem_shared>>) target(%dma_start3A_410 : memref<624x128xf32, #tpu.memory_space<hbm>>) target_semaphore(%run_scoped3A : memref<!tpu.dma_semaphore, #tpu.memory_space<semaphore_mem>>)
      %dma_wait3A_413 = arith.constant 0 : i32
      %dma_wait3A_414 = arith.constant 0 : i32
      %dma_wait3A_415 = tpu.memref_slice %arg9[%arg0, %dma_wait3A_413, %dma_wait3A_414] : memref<2x10000x128xf32, #tpu.memory_space<hbm>> -> memref<1x10000x128xf32, #tpu.memory_space<hbm>>
      %dma_wait3A_416 = tpu.memref_squeeze %dma_wait3A_415 : memref<1x10000x128xf32, #tpu.memory_space<hbm>> -> memref<10000x128xf32, #tpu.memory_space<hbm>>
      %dma_wait3A_417 = arith.constant 0 : i32
      %dma_wait3A_418 = tpu.memref_slice %dma_wait3A_416[%mul3A_392, %dma_wait3A_417] : memref<10000x128xf32, #tpu.memory_space<hbm>> -> memref<624x128xf32, #tpu.memory_space<hbm>>
      %dma_wait3A_419 = arith.constant 0 : i32
      %dma_wait3A_420 = tpu.memref_slice %arg22[%mul3A_392, %dma_wait3A_419] : memref<10000x128xf32, #tpu.memory_space<vmem_shared>> -> memref<624x128xf32, #tpu.memory_space<vmem_shared>>
      tpu.wait_dma2 semaphore(%run_scoped3A : memref<!tpu.dma_semaphore, #tpu.memory_space<semaphore_mem>>) src(%dma_wait3A_420 : memref<624x128xf32, #tpu.memory_space<vmem_shared>>) dst(%dma_wait3A_418 : memref<624x128xf32, #tpu.memory_space<hbm>>)
      tpu.yield
    }) : () -> ()
    %eq3A_393 = arith.constant 15 : i32
    %eq3A_394 = arith.cmpi eq, %arg1, %eq3A_393 : i32
    %convert_element_type3A_395 = arith.extui %eq3A_394 : i1 to i32
    %cond3A_396 = arith.constant 0 : i32
    %cond3A_397 = arith.cmpi ne, %convert_element_type3A_395, %cond3A_396 : i32
    scf.if %cond3A_397 {
      "tpu.region"() ({
        %run_scoped3A = tpu.sem_alloc : memref<!tpu.dma_semaphore, #tpu.memory_space<semaphore_mem>>
        %dma_start3A_405 = arith.constant 0 : i32
        %dma_start3A_406 = arith.constant 0 : i32
        %dma_start3A_407 = tpu.memref_slice %arg9[%arg0, %dma_start3A_405, %dma_start3A_406] : memref<2x10000x128xf32, #tpu.memory_space<hbm>> -> memref<1x10000x128xf32, #tpu.memory_space<hbm>>
        %dma_start3A_408 = tpu.memref_squeeze %dma_start3A_407 : memref<1x10000x128xf32, #tpu.memory_space<hbm>> -> memref<10000x128xf32, #tpu.memory_space<hbm>>
        %dma_start3A_409 = arith.constant 9984 : i32
        %dma_start3A_410 = arith.constant 0 : i32
        %dma_start3A_411 = tpu.memref_slice %dma_start3A_408[%dma_start3A_409, %dma_start3A_410] : memref<10000x128xf32, #tpu.memory_space<hbm>> -> memref<16x128xf32, #tpu.memory_space<hbm>>
        %dma_start3A_412 = arith.constant 9984 : i32
        %dma_start3A_413 = arith.constant 0 : i32
        %dma_start3A_414 = tpu.memref_slice %arg22[%dma_start3A_412, %dma_start3A_413] : memref<10000x128xf32, #tpu.memory_space<vmem_shared>> -> memref<16x128xf32, #tpu.memory_space<vmem_shared>>
        tpu.enqueue_dma source(%dma_start3A_414 : memref<16x128xf32, #tpu.memory_space<vmem_shared>>) target(%dma_start3A_411 : memref<16x128xf32, #tpu.memory_space<hbm>>) target_semaphore(%run_scoped3A : memref<!tpu.dma_semaphore, #tpu.memory_space<semaphore_mem>>)
        %dma_wait3A_415 = arith.constant 0 : i32
        %dma_wait3A_416 = arith.constant 0 : i32
        %dma_wait3A_417 = tpu.memref_slice %arg9[%arg0, %dma_wait3A_415, %dma_wait3A_416] : memref<2x10000x128xf32, #tpu.memory_space<hbm>> -> memref<1x10000x128xf32, #tpu.memory_space<hbm>>
        %dma_wait3A_418 = tpu.memref_squeeze %dma_wait3A_417 : memref<1x10000x128xf32, #tpu.memory_space<hbm>> -> memref<10000x128xf32, #tpu.memory_space<hbm>>
        %dma_wait3A_419 = arith.constant 9984 : i32
        %dma_wait3A_420 = arith.constant 0 : i32
        %dma_wait3A_421 = tpu.memref_slice %dma_wait3A_418[%dma_wait3A_419, %dma_wait3A_420] : memref<10000x128xf32, #tpu.memory_space<hbm>> -> memref<16x128xf32, #tpu.memory_space<hbm>>
        %dma_wait3A_422 = arith.constant 9984 : i32
        %dma_wait3A_423 = arith.constant 0 : i32
        %dma_wait3A_424 = tpu.memref_slice %arg22[%dma_wait3A_422, %dma_wait3A_423] : memref<10000x128xf32, #tpu.memory_space<vmem_shared>> -> memref<16x128xf32, #tpu.memory_space<vmem_shared>>
        tpu.wait_dma2 semaphore(%run_scoped3A : memref<!tpu.dma_semaphore, #tpu.memory_space<semaphore_mem>>) src(%dma_wait3A_424 : memref<16x128xf32, #tpu.memory_space<vmem_shared>>) dst(%dma_wait3A_421 : memref<16x128xf32, #tpu.memory_space<hbm>>)
        tpu.yield
      }) : () -> ()
    } else {
    }
    %mul3A_398 = arith.constant 624 : i32
    %mul3A_399 = arith.muli %arg1, %mul3A_398 : i32
    "tpu.region"() ({
      %run_scoped3A = tpu.sem_alloc : memref<!tpu.dma_semaphore, #tpu.memory_space<semaphore_mem>>
      %dma_start3A_405 = arith.constant 0 : i32
      %dma_start3A_406 = arith.constant 0 : i32
      %dma_start3A_407 = tpu.memref_slice %arg10[%arg0, %dma_start3A_405, %dma_start3A_406] : memref<2x10000x16xf32, #tpu.memory_space<hbm>> -> memref<1x10000x16xf32, #tpu.memory_space<hbm>>
      %dma_start3A_408 = tpu.memref_squeeze %dma_start3A_407 : memref<1x10000x16xf32, #tpu.memory_space<hbm>> -> memref<10000x16xf32, #tpu.memory_space<hbm>>
      %dma_start3A_409 = arith.constant 0 : i32
      %dma_start3A_410 = tpu.memref_slice %dma_start3A_408[%mul3A_399, %dma_start3A_409] : memref<10000x16xf32, #tpu.memory_space<hbm>> -> memref<624x16xf32, #tpu.memory_space<hbm>>
      %dma_start3A_411 = arith.constant 0 : i32
      %dma_start3A_412 = tpu.memref_slice %arg23[%mul3A_399, %dma_start3A_411] : memref<10000x16xf32, #tpu.memory_space<vmem_shared>> -> memref<624x16xf32, #tpu.memory_space<vmem_shared>>
      tpu.enqueue_dma source(%dma_start3A_412 : memref<624x16xf32, #tpu.memory_space<vmem_shared>>) target(%dma_start3A_410 : memref<624x16xf32, #tpu.memory_space<hbm>>) target_semaphore(%run_scoped3A : memref<!tpu.dma_semaphore, #tpu.memory_space<semaphore_mem>>)
      %dma_wait3A_413 = arith.constant 0 : i32
      %dma_wait3A_414 = arith.constant 0 : i32
      %dma_wait3A_415 = tpu.memref_slice %arg10[%arg0, %dma_wait3A_413, %dma_wait3A_414] : memref<2x10000x16xf32, #tpu.memory_space<hbm>> -> memref<1x10000x16xf32, #tpu.memory_space<hbm>>
      %dma_wait3A_416 = tpu.memref_squeeze %dma_wait3A_415 : memref<1x10000x16xf32, #tpu.memory_space<hbm>> -> memref<10000x16xf32, #tpu.memory_space<hbm>>
      %dma_wait3A_417 = arith.constant 0 : i32
      %dma_wait3A_418 = tpu.memref_slice %dma_wait3A_416[%mul3A_399, %dma_wait3A_417] : memref<10000x16xf32, #tpu.memory_space<hbm>> -> memref<624x16xf32, #tpu.memory_space<hbm>>
      %dma_wait3A_419 = arith.constant 0 : i32
      %dma_wait3A_420 = tpu.memref_slice %arg23[%mul3A_399, %dma_wait3A_419] : memref<10000x16xf32, #tpu.memory_space<vmem_shared>> -> memref<624x16xf32, #tpu.memory_space<vmem_shared>>
      tpu.wait_dma2 semaphore(%run_scoped3A : memref<!tpu.dma_semaphore, #tpu.memory_space<semaphore_mem>>) src(%dma_wait3A_420 : memref<624x16xf32, #tpu.memory_space<vmem_shared>>) dst(%dma_wait3A_418 : memref<624x16xf32, #tpu.memory_space<hbm>>)
      tpu.yield
    }) : () -> ()
    %eq3A_400 = arith.constant 15 : i32
    %eq3A_401 = arith.cmpi eq, %arg1, %eq3A_400 : i32
    %convert_element_type3A_402 = arith.extui %eq3A_401 : i1 to i32
    %cond3A_403 = arith.constant 0 : i32
    %cond3A_404 = arith.cmpi ne, %convert_element_type3A_402, %cond3A_403 : i32
    scf.if %cond3A_404 {
      "tpu.region"() ({
        %run_scoped3A = tpu.sem_alloc : memref<!tpu.dma_semaphore, #tpu.memory_space<semaphore_mem>>
        %dma_start3A_405 = arith.constant 0 : i32
        %dma_start3A_406 = arith.constant 0 : i32
        %dma_start3A_407 = tpu.memref_slice %arg10[%arg0, %dma_start3A_405, %dma_start3A_406] : memref<2x10000x16xf32, #tpu.memory_space<hbm>> -> memref<1x10000x16xf32, #tpu.memory_space<hbm>>
        %dma_start3A_408 = tpu.memref_squeeze %dma_start3A_407 : memref<1x10000x16xf32, #tpu.memory_space<hbm>> -> memref<10000x16xf32, #tpu.memory_space<hbm>>
        %dma_start3A_409 = arith.constant 9984 : i32
        %dma_start3A_410 = arith.constant 0 : i32
        %dma_start3A_411 = tpu.memref_slice %dma_start3A_408[%dma_start3A_409, %dma_start3A_410] : memref<10000x16xf32, #tpu.memory_space<hbm>> -> memref<16x16xf32, #tpu.memory_space<hbm>>
        %dma_start3A_412 = arith.constant 9984 : i32
        %dma_start3A_413 = arith.constant 0 : i32
        %dma_start3A_414 = tpu.memref_slice %arg23[%dma_start3A_412, %dma_start3A_413] : memref<10000x16xf32, #tpu.memory_space<vmem_shared>> -> memref<16x16xf32, #tpu.memory_space<vmem_shared>>
        tpu.enqueue_dma source(%dma_start3A_414 : memref<16x16xf32, #tpu.memory_space<vmem_shared>>) target(%dma_start3A_411 : memref<16x16xf32, #tpu.memory_space<hbm>>) target_semaphore(%run_scoped3A : memref<!tpu.dma_semaphore, #tpu.memory_space<semaphore_mem>>)
        %dma_wait3A_415 = arith.constant 0 : i32
        %dma_wait3A_416 = arith.constant 0 : i32
        %dma_wait3A_417 = tpu.memref_slice %arg10[%arg0, %dma_wait3A_415, %dma_wait3A_416] : memref<2x10000x16xf32, #tpu.memory_space<hbm>> -> memref<1x10000x16xf32, #tpu.memory_space<hbm>>
        %dma_wait3A_418 = tpu.memref_squeeze %dma_wait3A_417 : memref<1x10000x16xf32, #tpu.memory_space<hbm>> -> memref<10000x16xf32, #tpu.memory_space<hbm>>
        %dma_wait3A_419 = arith.constant 9984 : i32
        %dma_wait3A_420 = arith.constant 0 : i32
        %dma_wait3A_421 = tpu.memref_slice %dma_wait3A_418[%dma_wait3A_419, %dma_wait3A_420] : memref<10000x16xf32, #tpu.memory_space<hbm>> -> memref<16x16xf32, #tpu.memory_space<hbm>>
        %dma_wait3A_422 = arith.constant 9984 : i32
        %dma_wait3A_423 = arith.constant 0 : i32
        %dma_wait3A_424 = tpu.memref_slice %arg23[%dma_wait3A_422, %dma_wait3A_423] : memref<10000x16xf32, #tpu.memory_space<vmem_shared>> -> memref<16x16xf32, #tpu.memory_space<vmem_shared>>
        tpu.wait_dma2 semaphore(%run_scoped3A : memref<!tpu.dma_semaphore, #tpu.memory_space<semaphore_mem>>) src(%dma_wait3A_424 : memref<16x16xf32, #tpu.memory_space<vmem_shared>>) dst(%dma_wait3A_421 : memref<16x16xf32, #tpu.memory_space<hbm>>)
        tpu.yield
      }) : () -> ()
    } else {
    }
    return
  }
}

#map = affine_map<(d0, d1) -> (0, 0)>
#map1 = affine_map<(d0, d1) -> (0, 0, 0)>
module attributes {stable_mosaic.version = 14 : i64} {
  func.func @sc_gin(%arg0: i32, %arg1: i32, %arg2: memref<10000x128xf32, #tpu.memory_space<hbm>>, %arg3: memref<32x125x80xi32, #tpu.memory_space<hbm>>, %arg4: memref<32x125x80xi32, #tpu.memory_space<hbm>>, %arg5: memref<10000x128xf32, #tpu.memory_space<hbm>>, %arg6: memref<2x10000x128xf32, #tpu.memory_space<hbm>>, %arg7: memref<125x80xi32, #tpu.memory_space<vmem>>, %arg8: memref<80xi32, #tpu.memory_space<vmem>>, %arg9: memref<80xi32, #tpu.memory_space<vmem>>, %arg10: memref<80xi32, #tpu.memory_space<vmem>>, %arg11: memref<80x128xf32, #tpu.memory_space<vmem>>, %arg12: memref<80x128xf32, #tpu.memory_space<vmem>>, %arg13: memref<80x128xf32, #tpu.memory_space<vmem>>, %arg14: memref<10000x128xf32, #tpu.memory_space<vmem_shared>>, %arg15: memref<!tpu.dma_semaphore, #tpu.memory_space<semaphore_mem>>, %arg16: memref<!tpu.dma_semaphore, #tpu.memory_space<semaphore_mem>>, %arg17: memref<!tpu.dma_semaphore, #tpu.memory_space<semaphore_mem>>, %arg18: memref<!tpu.dma_semaphore, #tpu.memory_space<semaphore_mem>>, %arg19: memref<!tpu.dma_semaphore, #tpu.memory_space<semaphore_mem>>, %arg20: memref<!tpu.dma_semaphore, #tpu.memory_space<semaphore_mem>>, %arg21: memref<!tpu.dma_semaphore, #tpu.memory_space<semaphore_mem>>, %arg22: memref<!tpu.dma_semaphore, #tpu.memory_space<semaphore_mem>>, %arg23: memref<!tpu.dma_semaphore, #tpu.memory_space<semaphore_mem>>) attributes {dimension_semantics = [#tpu.dimension_semantics<core_parallel>, #tpu.dimension_semantics<subcore_parallel>], iteration_bounds = array<i64: 2, 16>, scalar_prefetch = 0 : i64, scratch_operands = 17 : i64, tpu.core_type = #tpu.core_type<sc_vector_subcore>, window_params = [{transform_indices = #map}, {transform_indices = #map1}, {transform_indices = #map1}, {transform_indices = #map}, {transform_indices = #map1}]} {
    %mul3A = arith.constant 16 : i32
    %mul3A_0 = arith.muli %arg0, %mul3A : i32
    %add3A = arith.addi %mul3A_0, %arg1 : i32
    %mul3A_1 = arith.constant 624 : i32
    %mul3A_2 = arith.muli %arg1, %mul3A_1 : i32
    "tpu.region"() ({
      %run_scoped3A = tpu.sem_alloc : memref<!tpu.dma_semaphore, #tpu.memory_space<semaphore_mem>>
      %dma_start3A_313 = arith.constant 0 : i32
      %dma_start3A_314 = tpu.memref_slice %arg14[%mul3A_2, %dma_start3A_313] : memref<10000x128xf32, #tpu.memory_space<vmem_shared>> -> memref<624x128xf32, #tpu.memory_space<vmem_shared>>
      %dma_start3A_315 = arith.constant 0 : i32
      %dma_start3A_316 = tpu.memref_slice %arg5[%mul3A_2, %dma_start3A_315] : memref<10000x128xf32, #tpu.memory_space<hbm>> -> memref<624x128xf32, #tpu.memory_space<hbm>>
      tpu.enqueue_dma source(%dma_start3A_316 : memref<624x128xf32, #tpu.memory_space<hbm>>) target(%dma_start3A_314 : memref<624x128xf32, #tpu.memory_space<vmem_shared>>) target_semaphore(%run_scoped3A : memref<!tpu.dma_semaphore, #tpu.memory_space<semaphore_mem>>)
      %dma_wait3A_317 = arith.constant 0 : i32
      %dma_wait3A_318 = tpu.memref_slice %arg14[%mul3A_2, %dma_wait3A_317] : memref<10000x128xf32, #tpu.memory_space<vmem_shared>> -> memref<624x128xf32, #tpu.memory_space<vmem_shared>>
      %dma_wait3A_319 = arith.constant 0 : i32
      %dma_wait3A_320 = tpu.memref_slice %arg5[%mul3A_2, %dma_wait3A_319] : memref<10000x128xf32, #tpu.memory_space<hbm>> -> memref<624x128xf32, #tpu.memory_space<hbm>>
      tpu.wait_dma2 semaphore(%run_scoped3A : memref<!tpu.dma_semaphore, #tpu.memory_space<semaphore_mem>>) src(%dma_wait3A_320 : memref<624x128xf32, #tpu.memory_space<hbm>>) dst(%dma_wait3A_318 : memref<624x128xf32, #tpu.memory_space<vmem_shared>>)
      tpu.yield
    }) : () -> ()
    %eq3A = arith.constant 15 : i32
    %eq3A_3 = arith.cmpi eq, %arg1, %eq3A : i32
    %convert_element_type3A = arith.extui %eq3A_3 : i1 to i32
    %cond3A = arith.constant 0 : i32
    %cond3A_4 = arith.cmpi ne, %convert_element_type3A, %cond3A : i32
    scf.if %cond3A_4 {
      "tpu.region"() ({
        %run_scoped3A = tpu.sem_alloc : memref<!tpu.dma_semaphore, #tpu.memory_space<semaphore_mem>>
        %dma_start3A_313 = arith.constant 9984 : i32
        %dma_start3A_314 = arith.constant 0 : i32
        %dma_start3A_315 = tpu.memref_slice %arg14[%dma_start3A_313, %dma_start3A_314] : memref<10000x128xf32, #tpu.memory_space<vmem_shared>> -> memref<16x128xf32, #tpu.memory_space<vmem_shared>>
        %dma_start3A_316 = arith.constant 9984 : i32
        %dma_start3A_317 = arith.constant 0 : i32
        %dma_start3A_318 = tpu.memref_slice %arg5[%dma_start3A_316, %dma_start3A_317] : memref<10000x128xf32, #tpu.memory_space<hbm>> -> memref<16x128xf32, #tpu.memory_space<hbm>>
        tpu.enqueue_dma source(%dma_start3A_318 : memref<16x128xf32, #tpu.memory_space<hbm>>) target(%dma_start3A_315 : memref<16x128xf32, #tpu.memory_space<vmem_shared>>) target_semaphore(%run_scoped3A : memref<!tpu.dma_semaphore, #tpu.memory_space<semaphore_mem>>)
        %dma_wait3A_319 = arith.constant 9984 : i32
        %dma_wait3A_320 = arith.constant 0 : i32
        %dma_wait3A_321 = tpu.memref_slice %arg14[%dma_wait3A_319, %dma_wait3A_320] : memref<10000x128xf32, #tpu.memory_space<vmem_shared>> -> memref<16x128xf32, #tpu.memory_space<vmem_shared>>
        %dma_wait3A_322 = arith.constant 9984 : i32
        %dma_wait3A_323 = arith.constant 0 : i32
        %dma_wait3A_324 = tpu.memref_slice %arg5[%dma_wait3A_322, %dma_wait3A_323] : memref<10000x128xf32, #tpu.memory_space<hbm>> -> memref<16x128xf32, #tpu.memory_space<hbm>>
        tpu.wait_dma2 semaphore(%run_scoped3A : memref<!tpu.dma_semaphore, #tpu.memory_space<semaphore_mem>>) src(%dma_wait3A_324 : memref<16x128xf32, #tpu.memory_space<hbm>>) dst(%dma_wait3A_321 : memref<16x128xf32, #tpu.memory_space<vmem_shared>>)
        tpu.yield
      }) : () -> ()
    } else {
    }
    "tpu.region"() ({
      %run_scoped3A = tpu.sem_alloc : memref<!tpu.dma_semaphore, #tpu.memory_space<semaphore_mem>>
      %dma_start3A_313 = arith.constant 0 : i32
      %dma_start3A_314 = arith.constant 0 : i32
      %dma_start3A_315 = tpu.memref_slice %arg4[%add3A, %dma_start3A_313, %dma_start3A_314] : memref<32x125x80xi32, #tpu.memory_space<hbm>> -> memref<1x125x80xi32, #tpu.memory_space<hbm>>
      %dma_start3A_316 = tpu.memref_squeeze %dma_start3A_315 : memref<1x125x80xi32, #tpu.memory_space<hbm>> -> memref<125x80xi32, #tpu.memory_space<hbm>>
      %dma_start3A_317 = arith.constant 0 : i32
      %dma_start3A_318 = arith.constant 0 : i32
      %dma_start3A_319 = tpu.memref_slice %arg4[%add3A, %dma_start3A_317, %dma_start3A_318] : memref<32x125x80xi32, #tpu.memory_space<hbm>> -> memref<1x125x80xi32, #tpu.memory_space<hbm>>
      %dma_start3A_320 = tpu.memref_squeeze %dma_start3A_319 : memref<1x125x80xi32, #tpu.memory_space<hbm>> -> memref<125x80xi32, #tpu.memory_space<hbm>>
      tpu.enqueue_dma source(%dma_start3A_320 : memref<125x80xi32, #tpu.memory_space<hbm>>) target(%arg7 : memref<125x80xi32, #tpu.memory_space<vmem>>) target_semaphore(%run_scoped3A : memref<!tpu.dma_semaphore, #tpu.memory_space<semaphore_mem>>)
      %dma_wait3A_321 = arith.constant 0 : i32
      %dma_wait3A_322 = arith.constant 0 : i32
      %dma_wait3A_323 = tpu.memref_slice %arg4[%add3A, %dma_wait3A_321, %dma_wait3A_322] : memref<32x125x80xi32, #tpu.memory_space<hbm>> -> memref<1x125x80xi32, #tpu.memory_space<hbm>>
      %dma_wait3A_324 = tpu.memref_squeeze %dma_wait3A_323 : memref<1x125x80xi32, #tpu.memory_space<hbm>> -> memref<125x80xi32, #tpu.memory_space<hbm>>
      %dma_wait3A_325 = arith.constant 0 : i32
      %dma_wait3A_326 = arith.constant 0 : i32
      %dma_wait3A_327 = tpu.memref_slice %arg4[%add3A, %dma_wait3A_325, %dma_wait3A_326] : memref<32x125x80xi32, #tpu.memory_space<hbm>> -> memref<1x125x80xi32, #tpu.memory_space<hbm>>
      %dma_wait3A_328 = tpu.memref_squeeze %dma_wait3A_327 : memref<1x125x80xi32, #tpu.memory_space<hbm>> -> memref<125x80xi32, #tpu.memory_space<hbm>>
      tpu.wait_dma2 semaphore(%run_scoped3A : memref<!tpu.dma_semaphore, #tpu.memory_space<semaphore_mem>>) src(%dma_wait3A_328 : memref<125x80xi32, #tpu.memory_space<hbm>>) dst(%arg7 : memref<125x80xi32, #tpu.memory_space<vmem>>)
      tpu.yield
    }) : () -> ()
    %barrier3A = arith.constant 0 : index
    tpu.barrier barrier_id(%barrier3A)
    %dma_start3A = arith.constant 0 : i32
    %dma_start3A_5 = arith.constant 0 : i32
    %dma_start3A_6 = tpu.memref_slice %arg3[%add3A, %dma_start3A, %dma_start3A_5] : memref<32x125x80xi32, #tpu.memory_space<hbm>> -> memref<1x1x80xi32, #tpu.memory_space<hbm>>
    %dma_start3A_7 = tpu.memref_squeeze %dma_start3A_6 : memref<1x1x80xi32, #tpu.memory_space<hbm>> -> memref<80xi32, #tpu.memory_space<hbm>>
    %dma_start3A_8 = arith.constant 0 : i32
    %dma_start3A_9 = tpu.memref_slice %arg3[%add3A, %dma_start3A, %dma_start3A_8] : memref<32x125x80xi32, #tpu.memory_space<hbm>> -> memref<1x1x80xi32, #tpu.memory_space<hbm>>
    %dma_start3A_10 = tpu.memref_squeeze %dma_start3A_9 : memref<1x1x80xi32, #tpu.memory_space<hbm>> -> memref<80xi32, #tpu.memory_space<hbm>>
    tpu.enqueue_dma source(%dma_start3A_10 : memref<80xi32, #tpu.memory_space<hbm>>) target(%arg8 : memref<80xi32, #tpu.memory_space<vmem>>) target_semaphore(%arg15 : memref<!tpu.dma_semaphore, #tpu.memory_space<semaphore_mem>>)
    %dma_wait3A = arith.constant 0 : i32
    %dma_wait3A_11 = arith.constant 0 : i32
    %dma_wait3A_12 = arith.constant 0 : i32
    %dma_wait3A_13 = tpu.memref_slice %arg3[%dma_wait3A, %dma_wait3A_11, %dma_wait3A_12] : memref<32x125x80xi32, #tpu.memory_space<hbm>> -> memref<1x1x80xi32, #tpu.memory_space<hbm>>
    %dma_wait3A_14 = tpu.memref_squeeze %dma_wait3A_13 : memref<1x1x80xi32, #tpu.memory_space<hbm>> -> memref<80xi32, #tpu.memory_space<hbm>>
    %dma_wait3A_15 = arith.constant 0 : i32
    %dma_wait3A_16 = tpu.memref_slice %arg3[%dma_wait3A, %dma_wait3A_11, %dma_wait3A_15] : memref<32x125x80xi32, #tpu.memory_space<hbm>> -> memref<1x1x80xi32, #tpu.memory_space<hbm>>
    %dma_wait3A_17 = tpu.memref_squeeze %dma_wait3A_16 : memref<1x1x80xi32, #tpu.memory_space<hbm>> -> memref<80xi32, #tpu.memory_space<hbm>>
    tpu.wait_dma2 semaphore(%arg15 : memref<!tpu.dma_semaphore, #tpu.memory_space<semaphore_mem>>) src(%dma_wait3A_17 : memref<80xi32, #tpu.memory_space<hbm>>) dst(%arg8 : memref<80xi32, #tpu.memory_space<vmem>>)
    %dma_start3A_18 = arith.constant 0 : i32
    %dma_start3A_19 = arith.constant 0 : i32
    %dma_start3A_20 = tpu.memref_slice %arg2[%dma_start3A_18, %dma_start3A_19] : memref<10000x128xf32, #tpu.memory_space<hbm>> -> memref<10000x128xf32, #tpu.memory_space<hbm>>
    tpu.enqueue_indirect_dma source(%dma_start3A_20 : memref<10000x128xf32, #tpu.memory_space<hbm>>) target(%arg11 : memref<80x128xf32, #tpu.memory_space<vmem>>) offsets(%arg8 : memref<80xi32, #tpu.memory_space<vmem>>) semaphore(%arg18 : memref<!tpu.dma_semaphore, #tpu.memory_space<semaphore_mem>>)
    %dma_start3A_21 = arith.constant 1 : i32
    %dma_start3A_22 = arith.constant 0 : i32
    %dma_start3A_23 = tpu.memref_slice %arg3[%add3A, %dma_start3A_21, %dma_start3A_22] : memref<32x125x80xi32, #tpu.memory_space<hbm>> -> memref<1x1x80xi32, #tpu.memory_space<hbm>>
    %dma_start3A_24 = tpu.memref_squeeze %dma_start3A_23 : memref<1x1x80xi32, #tpu.memory_space<hbm>> -> memref<80xi32, #tpu.memory_space<hbm>>
    %dma_start3A_25 = arith.constant 0 : i32
    %dma_start3A_26 = tpu.memref_slice %arg3[%add3A, %dma_start3A_21, %dma_start3A_25] : memref<32x125x80xi32, #tpu.memory_space<hbm>> -> memref<1x1x80xi32, #tpu.memory_space<hbm>>
    %dma_start3A_27 = tpu.memref_squeeze %dma_start3A_26 : memref<1x1x80xi32, #tpu.memory_space<hbm>> -> memref<80xi32, #tpu.memory_space<hbm>>
    tpu.enqueue_dma source(%dma_start3A_27 : memref<80xi32, #tpu.memory_space<hbm>>) target(%arg9 : memref<80xi32, #tpu.memory_space<vmem>>) target_semaphore(%arg16 : memref<!tpu.dma_semaphore, #tpu.memory_space<semaphore_mem>>)
    %dma_start3A_28 = arith.constant 2 : i32
    %dma_start3A_29 = arith.constant 0 : i32
    %dma_start3A_30 = tpu.memref_slice %arg3[%add3A, %dma_start3A_28, %dma_start3A_29] : memref<32x125x80xi32, #tpu.memory_space<hbm>> -> memref<1x1x80xi32, #tpu.memory_space<hbm>>
    %dma_start3A_31 = tpu.memref_squeeze %dma_start3A_30 : memref<1x1x80xi32, #tpu.memory_space<hbm>> -> memref<80xi32, #tpu.memory_space<hbm>>
    %dma_start3A_32 = arith.constant 0 : i32
    %dma_start3A_33 = tpu.memref_slice %arg3[%add3A, %dma_start3A_28, %dma_start3A_32] : memref<32x125x80xi32, #tpu.memory_space<hbm>> -> memref<1x1x80xi32, #tpu.memory_space<hbm>>
    %dma_start3A_34 = tpu.memref_squeeze %dma_start3A_33 : memref<1x1x80xi32, #tpu.memory_space<hbm>> -> memref<80xi32, #tpu.memory_space<hbm>>
    tpu.enqueue_dma source(%dma_start3A_34 : memref<80xi32, #tpu.memory_space<hbm>>) target(%arg10 : memref<80xi32, #tpu.memory_space<vmem>>) target_semaphore(%arg17 : memref<!tpu.dma_semaphore, #tpu.memory_space<semaphore_mem>>)
    %dma_wait3A_35 = arith.constant 0 : i32
    %dma_wait3A_36 = arith.constant 0 : i32
    %dma_wait3A_37 = arith.constant 0 : i32
    %dma_wait3A_38 = tpu.memref_slice %arg3[%dma_wait3A_35, %dma_wait3A_36, %dma_wait3A_37] : memref<32x125x80xi32, #tpu.memory_space<hbm>> -> memref<1x1x80xi32, #tpu.memory_space<hbm>>
    %dma_wait3A_39 = tpu.memref_squeeze %dma_wait3A_38 : memref<1x1x80xi32, #tpu.memory_space<hbm>> -> memref<80xi32, #tpu.memory_space<hbm>>
    %dma_wait3A_40 = arith.constant 0 : i32
    %dma_wait3A_41 = tpu.memref_slice %arg3[%dma_wait3A_35, %dma_wait3A_36, %dma_wait3A_40] : memref<32x125x80xi32, #tpu.memory_space<hbm>> -> memref<1x1x80xi32, #tpu.memory_space<hbm>>
    %dma_wait3A_42 = tpu.memref_squeeze %dma_wait3A_41 : memref<1x1x80xi32, #tpu.memory_space<hbm>> -> memref<80xi32, #tpu.memory_space<hbm>>
    tpu.wait_dma2 semaphore(%arg16 : memref<!tpu.dma_semaphore, #tpu.memory_space<semaphore_mem>>) src(%dma_wait3A_42 : memref<80xi32, #tpu.memory_space<hbm>>) dst(%arg9 : memref<80xi32, #tpu.memory_space<vmem>>)
    %dma_wait3A_43 = arith.constant 0 : i32
    %dma_wait3A_44 = arith.constant 0 : i32
    %dma_wait3A_45 = tpu.memref_slice %arg5[%dma_wait3A_43, %dma_wait3A_44] : memref<10000x128xf32, #tpu.memory_space<hbm>> -> memref<80x128xf32, #tpu.memory_space<hbm>>
    %dma_wait3A_46 = arith.constant 0 : i32
    %dma_wait3A_47 = arith.constant 0 : i32
    %dma_wait3A_48 = tpu.memref_slice %arg5[%dma_wait3A_46, %dma_wait3A_47] : memref<10000x128xf32, #tpu.memory_space<hbm>> -> memref<80x128xf32, #tpu.memory_space<hbm>>
    tpu.wait_dma2 semaphore(%arg18 : memref<!tpu.dma_semaphore, #tpu.memory_space<semaphore_mem>>) src(%dma_wait3A_48 : memref<80x128xf32, #tpu.memory_space<hbm>>) dst(%arg11 : memref<80x128xf32, #tpu.memory_space<vmem>>)
    %dma_start3A_49 = arith.constant 0 : i32
    %dma_start3A_50 = arith.constant 0 : i32
    %dma_start3A_51 = tpu.memref_slice %arg7[%dma_start3A_49, %dma_start3A_50] : memref<125x80xi32, #tpu.memory_space<vmem>> -> memref<1x80xi32, #tpu.memory_space<vmem>>
    %dma_start3A_52 = tpu.memref_squeeze %dma_start3A_51 : memref<1x80xi32, #tpu.memory_space<vmem>> -> memref<80xi32, #tpu.memory_space<vmem>>
    %dma_start3A_53 = arith.constant 0 : i32
    %dma_start3A_54 = arith.constant 0 : i32
    %dma_start3A_55 = tpu.memref_slice %arg14[%dma_start3A_53, %dma_start3A_54] : memref<10000x128xf32, #tpu.memory_space<vmem_shared>> -> memref<10000x128xf32, #tpu.memory_space<vmem_shared>>
    tpu.enqueue_indirect_dma source(%arg11 : memref<80x128xf32, #tpu.memory_space<vmem>>) target(%dma_start3A_55 : memref<10000x128xf32, #tpu.memory_space<vmem_shared>>) offsets(%dma_start3A_52 : memref<80xi32, #tpu.memory_space<vmem>>) semaphore(%arg21 : memref<!tpu.dma_semaphore, #tpu.memory_space<semaphore_mem>>) {add = true}
    %dma_start3A_56 = arith.constant 0 : i32
    %dma_start3A_57 = arith.constant 0 : i32
    %dma_start3A_58 = tpu.memref_slice %arg2[%dma_start3A_56, %dma_start3A_57] : memref<10000x128xf32, #tpu.memory_space<hbm>> -> memref<10000x128xf32, #tpu.memory_space<hbm>>
    tpu.enqueue_indirect_dma source(%dma_start3A_58 : memref<10000x128xf32, #tpu.memory_space<hbm>>) target(%arg12 : memref<80x128xf32, #tpu.memory_space<vmem>>) offsets(%arg9 : memref<80xi32, #tpu.memory_space<vmem>>) semaphore(%arg19 : memref<!tpu.dma_semaphore, #tpu.memory_space<semaphore_mem>>)
    %dma_start3A_59 = arith.constant 3 : i32
    %dma_start3A_60 = arith.constant 0 : i32
    %dma_start3A_61 = tpu.memref_slice %arg3[%add3A, %dma_start3A_59, %dma_start3A_60] : memref<32x125x80xi32, #tpu.memory_space<hbm>> -> memref<1x1x80xi32, #tpu.memory_space<hbm>>
    %dma_start3A_62 = tpu.memref_squeeze %dma_start3A_61 : memref<1x1x80xi32, #tpu.memory_space<hbm>> -> memref<80xi32, #tpu.memory_space<hbm>>
    %dma_start3A_63 = arith.constant 0 : i32
    %dma_start3A_64 = tpu.memref_slice %arg3[%add3A, %dma_start3A_59, %dma_start3A_63] : memref<32x125x80xi32, #tpu.memory_space<hbm>> -> memref<1x1x80xi32, #tpu.memory_space<hbm>>
    %dma_start3A_65 = tpu.memref_squeeze %dma_start3A_64 : memref<1x1x80xi32, #tpu.memory_space<hbm>> -> memref<80xi32, #tpu.memory_space<hbm>>
    tpu.enqueue_dma source(%dma_start3A_65 : memref<80xi32, #tpu.memory_space<hbm>>) target(%arg8 : memref<80xi32, #tpu.memory_space<vmem>>) target_semaphore(%arg15 : memref<!tpu.dma_semaphore, #tpu.memory_space<semaphore_mem>>)
    %dma_wait3A_66 = arith.constant 0 : i32
    %dma_wait3A_67 = arith.constant 0 : i32
    %dma_wait3A_68 = arith.constant 0 : i32
    %dma_wait3A_69 = tpu.memref_slice %arg3[%dma_wait3A_66, %dma_wait3A_67, %dma_wait3A_68] : memref<32x125x80xi32, #tpu.memory_space<hbm>> -> memref<1x1x80xi32, #tpu.memory_space<hbm>>
    %dma_wait3A_70 = tpu.memref_squeeze %dma_wait3A_69 : memref<1x1x80xi32, #tpu.memory_space<hbm>> -> memref<80xi32, #tpu.memory_space<hbm>>
    %dma_wait3A_71 = arith.constant 0 : i32
    %dma_wait3A_72 = tpu.memref_slice %arg3[%dma_wait3A_66, %dma_wait3A_67, %dma_wait3A_71] : memref<32x125x80xi32, #tpu.memory_space<hbm>> -> memref<1x1x80xi32, #tpu.memory_space<hbm>>
    %dma_wait3A_73 = tpu.memref_squeeze %dma_wait3A_72 : memref<1x1x80xi32, #tpu.memory_space<hbm>> -> memref<80xi32, #tpu.memory_space<hbm>>
    tpu.wait_dma2 semaphore(%arg17 : memref<!tpu.dma_semaphore, #tpu.memory_space<semaphore_mem>>) src(%dma_wait3A_73 : memref<80xi32, #tpu.memory_space<hbm>>) dst(%arg10 : memref<80xi32, #tpu.memory_space<vmem>>)
    %dma_wait3A_74 = arith.constant 0 : i32
    %dma_wait3A_75 = arith.constant 0 : i32
    %dma_wait3A_76 = tpu.memref_slice %arg5[%dma_wait3A_74, %dma_wait3A_75] : memref<10000x128xf32, #tpu.memory_space<hbm>> -> memref<80x128xf32, #tpu.memory_space<hbm>>
    %dma_wait3A_77 = arith.constant 0 : i32
    %dma_wait3A_78 = arith.constant 0 : i32
    %dma_wait3A_79 = tpu.memref_slice %arg5[%dma_wait3A_77, %dma_wait3A_78] : memref<10000x128xf32, #tpu.memory_space<hbm>> -> memref<80x128xf32, #tpu.memory_space<hbm>>
    tpu.wait_dma2 semaphore(%arg19 : memref<!tpu.dma_semaphore, #tpu.memory_space<semaphore_mem>>) src(%dma_wait3A_79 : memref<80x128xf32, #tpu.memory_space<hbm>>) dst(%arg12 : memref<80x128xf32, #tpu.memory_space<vmem>>)
    %dma_start3A_80 = arith.constant 1 : i32
    %dma_start3A_81 = arith.constant 0 : i32
    %dma_start3A_82 = tpu.memref_slice %arg7[%dma_start3A_80, %dma_start3A_81] : memref<125x80xi32, #tpu.memory_space<vmem>> -> memref<1x80xi32, #tpu.memory_space<vmem>>
    %dma_start3A_83 = tpu.memref_squeeze %dma_start3A_82 : memref<1x80xi32, #tpu.memory_space<vmem>> -> memref<80xi32, #tpu.memory_space<vmem>>
    %dma_start3A_84 = arith.constant 0 : i32
    %dma_start3A_85 = arith.constant 0 : i32
    %dma_start3A_86 = tpu.memref_slice %arg14[%dma_start3A_84, %dma_start3A_85] : memref<10000x128xf32, #tpu.memory_space<vmem_shared>> -> memref<10000x128xf32, #tpu.memory_space<vmem_shared>>
    tpu.enqueue_indirect_dma source(%arg12 : memref<80x128xf32, #tpu.memory_space<vmem>>) target(%dma_start3A_86 : memref<10000x128xf32, #tpu.memory_space<vmem_shared>>) offsets(%dma_start3A_83 : memref<80xi32, #tpu.memory_space<vmem>>) semaphore(%arg22 : memref<!tpu.dma_semaphore, #tpu.memory_space<semaphore_mem>>) {add = true}
    %dma_start3A_87 = arith.constant 0 : i32
    %dma_start3A_88 = arith.constant 0 : i32
    %dma_start3A_89 = tpu.memref_slice %arg2[%dma_start3A_87, %dma_start3A_88] : memref<10000x128xf32, #tpu.memory_space<hbm>> -> memref<10000x128xf32, #tpu.memory_space<hbm>>
    tpu.enqueue_indirect_dma source(%dma_start3A_89 : memref<10000x128xf32, #tpu.memory_space<hbm>>) target(%arg13 : memref<80x128xf32, #tpu.memory_space<vmem>>) offsets(%arg10 : memref<80xi32, #tpu.memory_space<vmem>>) semaphore(%arg20 : memref<!tpu.dma_semaphore, #tpu.memory_space<semaphore_mem>>)
    %dma_start3A_90 = arith.constant 4 : i32
    %dma_start3A_91 = arith.constant 0 : i32
    %dma_start3A_92 = tpu.memref_slice %arg3[%add3A, %dma_start3A_90, %dma_start3A_91] : memref<32x125x80xi32, #tpu.memory_space<hbm>> -> memref<1x1x80xi32, #tpu.memory_space<hbm>>
    %dma_start3A_93 = tpu.memref_squeeze %dma_start3A_92 : memref<1x1x80xi32, #tpu.memory_space<hbm>> -> memref<80xi32, #tpu.memory_space<hbm>>
    %dma_start3A_94 = arith.constant 0 : i32
    %dma_start3A_95 = tpu.memref_slice %arg3[%add3A, %dma_start3A_90, %dma_start3A_94] : memref<32x125x80xi32, #tpu.memory_space<hbm>> -> memref<1x1x80xi32, #tpu.memory_space<hbm>>
    %dma_start3A_96 = tpu.memref_squeeze %dma_start3A_95 : memref<1x1x80xi32, #tpu.memory_space<hbm>> -> memref<80xi32, #tpu.memory_space<hbm>>
    tpu.enqueue_dma source(%dma_start3A_96 : memref<80xi32, #tpu.memory_space<hbm>>) target(%arg9 : memref<80xi32, #tpu.memory_space<vmem>>) target_semaphore(%arg16 : memref<!tpu.dma_semaphore, #tpu.memory_space<semaphore_mem>>)
    %dma_wait3A_97 = arith.constant 0 : i32
    %dma_wait3A_98 = arith.constant 0 : i32
    %dma_wait3A_99 = arith.constant 0 : i32
    %dma_wait3A_100 = tpu.memref_slice %arg3[%dma_wait3A_97, %dma_wait3A_98, %dma_wait3A_99] : memref<32x125x80xi32, #tpu.memory_space<hbm>> -> memref<1x1x80xi32, #tpu.memory_space<hbm>>
    %dma_wait3A_101 = tpu.memref_squeeze %dma_wait3A_100 : memref<1x1x80xi32, #tpu.memory_space<hbm>> -> memref<80xi32, #tpu.memory_space<hbm>>
    %dma_wait3A_102 = arith.constant 0 : i32
    %dma_wait3A_103 = tpu.memref_slice %arg3[%dma_wait3A_97, %dma_wait3A_98, %dma_wait3A_102] : memref<32x125x80xi32, #tpu.memory_space<hbm>> -> memref<1x1x80xi32, #tpu.memory_space<hbm>>
    %dma_wait3A_104 = tpu.memref_squeeze %dma_wait3A_103 : memref<1x1x80xi32, #tpu.memory_space<hbm>> -> memref<80xi32, #tpu.memory_space<hbm>>
    tpu.wait_dma2 semaphore(%arg15 : memref<!tpu.dma_semaphore, #tpu.memory_space<semaphore_mem>>) src(%dma_wait3A_104 : memref<80xi32, #tpu.memory_space<hbm>>) dst(%arg8 : memref<80xi32, #tpu.memory_space<vmem>>)
    %dma_wait3A_105 = arith.constant 0 : i32
    %dma_wait3A_106 = arith.constant 0 : i32
    %dma_wait3A_107 = tpu.memref_slice %arg5[%dma_wait3A_105, %dma_wait3A_106] : memref<10000x128xf32, #tpu.memory_space<hbm>> -> memref<80x128xf32, #tpu.memory_space<hbm>>
    %dma_wait3A_108 = arith.constant 0 : i32
    %dma_wait3A_109 = arith.constant 0 : i32
    %dma_wait3A_110 = tpu.memref_slice %arg5[%dma_wait3A_108, %dma_wait3A_109] : memref<10000x128xf32, #tpu.memory_space<hbm>> -> memref<80x128xf32, #tpu.memory_space<hbm>>
    tpu.wait_dma2 semaphore(%arg20 : memref<!tpu.dma_semaphore, #tpu.memory_space<semaphore_mem>>) src(%dma_wait3A_110 : memref<80x128xf32, #tpu.memory_space<hbm>>) dst(%arg13 : memref<80x128xf32, #tpu.memory_space<vmem>>)
    %dma_start3A_111 = arith.constant 2 : i32
    %dma_start3A_112 = arith.constant 0 : i32
    %dma_start3A_113 = tpu.memref_slice %arg7[%dma_start3A_111, %dma_start3A_112] : memref<125x80xi32, #tpu.memory_space<vmem>> -> memref<1x80xi32, #tpu.memory_space<vmem>>
    %dma_start3A_114 = tpu.memref_squeeze %dma_start3A_113 : memref<1x80xi32, #tpu.memory_space<vmem>> -> memref<80xi32, #tpu.memory_space<vmem>>
    %dma_start3A_115 = arith.constant 0 : i32
    %dma_start3A_116 = arith.constant 0 : i32
    %dma_start3A_117 = tpu.memref_slice %arg14[%dma_start3A_115, %dma_start3A_116] : memref<10000x128xf32, #tpu.memory_space<vmem_shared>> -> memref<10000x128xf32, #tpu.memory_space<vmem_shared>>
    tpu.enqueue_indirect_dma source(%arg13 : memref<80x128xf32, #tpu.memory_space<vmem>>) target(%dma_start3A_117 : memref<10000x128xf32, #tpu.memory_space<vmem_shared>>) offsets(%dma_start3A_114 : memref<80xi32, #tpu.memory_space<vmem>>) semaphore(%arg23 : memref<!tpu.dma_semaphore, #tpu.memory_space<semaphore_mem>>) {add = true}
    %dma_wait3A_118 = arith.constant 0 : i32
    %dma_wait3A_119 = arith.constant 0 : i32
    %dma_wait3A_120 = tpu.memref_slice %arg5[%dma_wait3A_118, %dma_wait3A_119] : memref<10000x128xf32, #tpu.memory_space<hbm>> -> memref<80x128xf32, #tpu.memory_space<hbm>>
    %dma_wait3A_121 = arith.constant 0 : i32
    %dma_wait3A_122 = arith.constant 0 : i32
    %dma_wait3A_123 = tpu.memref_slice %arg5[%dma_wait3A_121, %dma_wait3A_122] : memref<10000x128xf32, #tpu.memory_space<hbm>> -> memref<80x128xf32, #tpu.memory_space<hbm>>
    tpu.wait_dma2 semaphore(%arg21 : memref<!tpu.dma_semaphore, #tpu.memory_space<semaphore_mem>>) src(%dma_wait3A_123 : memref<80x128xf32, #tpu.memory_space<hbm>>) dst(%arg11 : memref<80x128xf32, #tpu.memory_space<vmem>>)
    %dma_start3A_124 = arith.constant 0 : i32
    %dma_start3A_125 = arith.constant 0 : i32
    %dma_start3A_126 = tpu.memref_slice %arg2[%dma_start3A_124, %dma_start3A_125] : memref<10000x128xf32, #tpu.memory_space<hbm>> -> memref<10000x128xf32, #tpu.memory_space<hbm>>
    tpu.enqueue_indirect_dma source(%dma_start3A_126 : memref<10000x128xf32, #tpu.memory_space<hbm>>) target(%arg11 : memref<80x128xf32, #tpu.memory_space<vmem>>) offsets(%arg8 : memref<80xi32, #tpu.memory_space<vmem>>) semaphore(%arg18 : memref<!tpu.dma_semaphore, #tpu.memory_space<semaphore_mem>>)
    %dma_start3A_127 = arith.constant 5 : i32
    %dma_start3A_128 = arith.constant 0 : i32
    %dma_start3A_129 = tpu.memref_slice %arg3[%add3A, %dma_start3A_127, %dma_start3A_128] : memref<32x125x80xi32, #tpu.memory_space<hbm>> -> memref<1x1x80xi32, #tpu.memory_space<hbm>>
    %dma_start3A_130 = tpu.memref_squeeze %dma_start3A_129 : memref<1x1x80xi32, #tpu.memory_space<hbm>> -> memref<80xi32, #tpu.memory_space<hbm>>
    %dma_start3A_131 = arith.constant 0 : i32
    %dma_start3A_132 = tpu.memref_slice %arg3[%add3A, %dma_start3A_127, %dma_start3A_131] : memref<32x125x80xi32, #tpu.memory_space<hbm>> -> memref<1x1x80xi32, #tpu.memory_space<hbm>>
    %dma_start3A_133 = tpu.memref_squeeze %dma_start3A_132 : memref<1x1x80xi32, #tpu.memory_space<hbm>> -> memref<80xi32, #tpu.memory_space<hbm>>
    tpu.enqueue_dma source(%dma_start3A_133 : memref<80xi32, #tpu.memory_space<hbm>>) target(%arg10 : memref<80xi32, #tpu.memory_space<vmem>>) target_semaphore(%arg17 : memref<!tpu.dma_semaphore, #tpu.memory_space<semaphore_mem>>)
    %scan3A = arith.constant 0 : i32
    %scan3A_134 = arith.constant 1 : i32
    %scan3A_135 = arith.constant 39 : i32
    %scan3A_136 = arith.addi %scan3A_134, %scan3A_135 : i32
    %scan3A_137 = arith.constant 1 : i32
    %scan3A_138 = scf.for %scan3A_313 = %scan3A_134 to %scan3A_136 step %scan3A_137 iter_args(%scan3A_314 = %scan3A) -> (i32)  : i32 {
      %mul3A_315 = arith.constant 3 : i32
      %mul3A_316 = arith.muli %scan3A_313, %mul3A_315 : i32
      %add3A_317 = arith.constant 0 : i32
      %add3A_318 = arith.addi %mul3A_316, %add3A_317 : i32
      %dma_wait3A_319 = arith.constant 0 : i32
      %dma_wait3A_320 = arith.constant 0 : i32
      %dma_wait3A_321 = arith.constant 0 : i32
      %dma_wait3A_322 = tpu.memref_slice %arg3[%dma_wait3A_319, %dma_wait3A_320, %dma_wait3A_321] : memref<32x125x80xi32, #tpu.memory_space<hbm>> -> memref<1x1x80xi32, #tpu.memory_space<hbm>>
      %dma_wait3A_323 = tpu.memref_squeeze %dma_wait3A_322 : memref<1x1x80xi32, #tpu.memory_space<hbm>> -> memref<80xi32, #tpu.memory_space<hbm>>
      %dma_wait3A_324 = arith.constant 0 : i32
      %dma_wait3A_325 = tpu.memref_slice %arg3[%dma_wait3A_319, %dma_wait3A_320, %dma_wait3A_324] : memref<32x125x80xi32, #tpu.memory_space<hbm>> -> memref<1x1x80xi32, #tpu.memory_space<hbm>>
      %dma_wait3A_326 = tpu.memref_squeeze %dma_wait3A_325 : memref<1x1x80xi32, #tpu.memory_space<hbm>> -> memref<80xi32, #tpu.memory_space<hbm>>
      tpu.wait_dma2 semaphore(%arg16 : memref<!tpu.dma_semaphore, #tpu.memory_space<semaphore_mem>>) src(%dma_wait3A_326 : memref<80xi32, #tpu.memory_space<hbm>>) dst(%arg9 : memref<80xi32, #tpu.memory_space<vmem>>)
      %dma_wait3A_327 = arith.constant 0 : i32
      %dma_wait3A_328 = arith.constant 0 : i32
      %dma_wait3A_329 = tpu.memref_slice %arg5[%dma_wait3A_327, %dma_wait3A_328] : memref<10000x128xf32, #tpu.memory_space<hbm>> -> memref<80x128xf32, #tpu.memory_space<hbm>>
      %dma_wait3A_330 = arith.constant 0 : i32
      %dma_wait3A_331 = arith.constant 0 : i32
      %dma_wait3A_332 = tpu.memref_slice %arg5[%dma_wait3A_330, %dma_wait3A_331] : memref<10000x128xf32, #tpu.memory_space<hbm>> -> memref<80x128xf32, #tpu.memory_space<hbm>>
      tpu.wait_dma2 semaphore(%arg18 : memref<!tpu.dma_semaphore, #tpu.memory_space<semaphore_mem>>) src(%dma_wait3A_332 : memref<80x128xf32, #tpu.memory_space<hbm>>) dst(%arg11 : memref<80x128xf32, #tpu.memory_space<vmem>>)
      %dma_start3A_333 = arith.constant 0 : i32
      %dma_start3A_334 = tpu.memref_slice %arg7[%add3A_318, %dma_start3A_333] : memref<125x80xi32, #tpu.memory_space<vmem>> -> memref<1x80xi32, #tpu.memory_space<vmem>>
      %dma_start3A_335 = tpu.memref_squeeze %dma_start3A_334 : memref<1x80xi32, #tpu.memory_space<vmem>> -> memref<80xi32, #tpu.memory_space<vmem>>
      %dma_start3A_336 = arith.constant 0 : i32
      %dma_start3A_337 = arith.constant 0 : i32
      %dma_start3A_338 = tpu.memref_slice %arg14[%dma_start3A_336, %dma_start3A_337] : memref<10000x128xf32, #tpu.memory_space<vmem_shared>> -> memref<10000x128xf32, #tpu.memory_space<vmem_shared>>
      tpu.enqueue_indirect_dma source(%arg11 : memref<80x128xf32, #tpu.memory_space<vmem>>) target(%dma_start3A_338 : memref<10000x128xf32, #tpu.memory_space<vmem_shared>>) offsets(%dma_start3A_335 : memref<80xi32, #tpu.memory_space<vmem>>) semaphore(%arg21 : memref<!tpu.dma_semaphore, #tpu.memory_space<semaphore_mem>>) {add = true}
      %dma_wait3A_339 = arith.constant 0 : i32
      %dma_wait3A_340 = arith.constant 0 : i32
      %dma_wait3A_341 = tpu.memref_slice %arg5[%dma_wait3A_339, %dma_wait3A_340] : memref<10000x128xf32, #tpu.memory_space<hbm>> -> memref<80x128xf32, #tpu.memory_space<hbm>>
      %dma_wait3A_342 = arith.constant 0 : i32
      %dma_wait3A_343 = arith.constant 0 : i32
      %dma_wait3A_344 = tpu.memref_slice %arg5[%dma_wait3A_342, %dma_wait3A_343] : memref<10000x128xf32, #tpu.memory_space<hbm>> -> memref<80x128xf32, #tpu.memory_space<hbm>>
      tpu.wait_dma2 semaphore(%arg22 : memref<!tpu.dma_semaphore, #tpu.memory_space<semaphore_mem>>) src(%dma_wait3A_344 : memref<80x128xf32, #tpu.memory_space<hbm>>) dst(%arg12 : memref<80x128xf32, #tpu.memory_space<vmem>>)
      %add3A_345 = arith.constant 1 : i32
      %add3A_346 = arith.addi %add3A_318, %add3A_345 : i32
      %dma_start3A_347 = arith.constant 0 : i32
      %dma_start3A_348 = arith.constant 0 : i32
      %dma_start3A_349 = tpu.memref_slice %arg2[%dma_start3A_347, %dma_start3A_348] : memref<10000x128xf32, #tpu.memory_space<hbm>> -> memref<10000x128xf32, #tpu.memory_space<hbm>>
      tpu.enqueue_indirect_dma source(%dma_start3A_349 : memref<10000x128xf32, #tpu.memory_space<hbm>>) target(%arg12 : memref<80x128xf32, #tpu.memory_space<vmem>>) offsets(%arg9 : memref<80xi32, #tpu.memory_space<vmem>>) semaphore(%arg19 : memref<!tpu.dma_semaphore, #tpu.memory_space<semaphore_mem>>)
      %add3A_350 = arith.constant 3 : i32
      %add3A_351 = arith.addi %add3A_318, %add3A_350 : i32
      %dma_start3A_352 = arith.constant 0 : i32
      %dma_start3A_353 = tpu.memref_slice %arg3[%add3A, %add3A_351, %dma_start3A_352] : memref<32x125x80xi32, #tpu.memory_space<hbm>> -> memref<1x1x80xi32, #tpu.memory_space<hbm>>
      %dma_start3A_354 = tpu.memref_squeeze %dma_start3A_353 : memref<1x1x80xi32, #tpu.memory_space<hbm>> -> memref<80xi32, #tpu.memory_space<hbm>>
      %dma_start3A_355 = arith.constant 0 : i32
      %dma_start3A_356 = tpu.memref_slice %arg3[%add3A, %add3A_351, %dma_start3A_355] : memref<32x125x80xi32, #tpu.memory_space<hbm>> -> memref<1x1x80xi32, #tpu.memory_space<hbm>>
      %dma_start3A_357 = tpu.memref_squeeze %dma_start3A_356 : memref<1x1x80xi32, #tpu.memory_space<hbm>> -> memref<80xi32, #tpu.memory_space<hbm>>
      tpu.enqueue_dma source(%dma_start3A_357 : memref<80xi32, #tpu.memory_space<hbm>>) target(%arg8 : memref<80xi32, #tpu.memory_space<vmem>>) target_semaphore(%arg15 : memref<!tpu.dma_semaphore, #tpu.memory_space<semaphore_mem>>)
      %mul3A_358 = arith.constant 3 : i32
      %mul3A_359 = arith.muli %scan3A_313, %mul3A_358 : i32
      %add3A_360 = arith.constant 1 : i32
      %add3A_361 = arith.addi %mul3A_359, %add3A_360 : i32
      %dma_wait3A_362 = arith.constant 0 : i32
      %dma_wait3A_363 = arith.constant 0 : i32
      %dma_wait3A_364 = arith.constant 0 : i32
      %dma_wait3A_365 = tpu.memref_slice %arg3[%dma_wait3A_362, %dma_wait3A_363, %dma_wait3A_364] : memref<32x125x80xi32, #tpu.memory_space<hbm>> -> memref<1x1x80xi32, #tpu.memory_space<hbm>>
      %dma_wait3A_366 = tpu.memref_squeeze %dma_wait3A_365 : memref<1x1x80xi32, #tpu.memory_space<hbm>> -> memref<80xi32, #tpu.memory_space<hbm>>
      %dma_wait3A_367 = arith.constant 0 : i32
      %dma_wait3A_368 = tpu.memref_slice %arg3[%dma_wait3A_362, %dma_wait3A_363, %dma_wait3A_367] : memref<32x125x80xi32, #tpu.memory_space<hbm>> -> memref<1x1x80xi32, #tpu.memory_space<hbm>>
      %dma_wait3A_369 = tpu.memref_squeeze %dma_wait3A_368 : memref<1x1x80xi32, #tpu.memory_space<hbm>> -> memref<80xi32, #tpu.memory_space<hbm>>
      tpu.wait_dma2 semaphore(%arg17 : memref<!tpu.dma_semaphore, #tpu.memory_space<semaphore_mem>>) src(%dma_wait3A_369 : memref<80xi32, #tpu.memory_space<hbm>>) dst(%arg10 : memref<80xi32, #tpu.memory_space<vmem>>)
      %dma_wait3A_370 = arith.constant 0 : i32
      %dma_wait3A_371 = arith.constant 0 : i32
      %dma_wait3A_372 = tpu.memref_slice %arg5[%dma_wait3A_370, %dma_wait3A_371] : memref<10000x128xf32, #tpu.memory_space<hbm>> -> memref<80x128xf32, #tpu.memory_space<hbm>>
      %dma_wait3A_373 = arith.constant 0 : i32
      %dma_wait3A_374 = arith.constant 0 : i32
      %dma_wait3A_375 = tpu.memref_slice %arg5[%dma_wait3A_373, %dma_wait3A_374] : memref<10000x128xf32, #tpu.memory_space<hbm>> -> memref<80x128xf32, #tpu.memory_space<hbm>>
      tpu.wait_dma2 semaphore(%arg19 : memref<!tpu.dma_semaphore, #tpu.memory_space<semaphore_mem>>) src(%dma_wait3A_375 : memref<80x128xf32, #tpu.memory_space<hbm>>) dst(%arg12 : memref<80x128xf32, #tpu.memory_space<vmem>>)
      %dma_start3A_376 = arith.constant 0 : i32
      %dma_start3A_377 = tpu.memref_slice %arg7[%add3A_361, %dma_start3A_376] : memref<125x80xi32, #tpu.memory_space<vmem>> -> memref<1x80xi32, #tpu.memory_space<vmem>>
      %dma_start3A_378 = tpu.memref_squeeze %dma_start3A_377 : memref<1x80xi32, #tpu.memory_space<vmem>> -> memref<80xi32, #tpu.memory_space<vmem>>
      %dma_start3A_379 = arith.constant 0 : i32
      %dma_start3A_380 = arith.constant 0 : i32
      %dma_start3A_381 = tpu.memref_slice %arg14[%dma_start3A_379, %dma_start3A_380] : memref<10000x128xf32, #tpu.memory_space<vmem_shared>> -> memref<10000x128xf32, #tpu.memory_space<vmem_shared>>
      tpu.enqueue_indirect_dma source(%arg12 : memref<80x128xf32, #tpu.memory_space<vmem>>) target(%dma_start3A_381 : memref<10000x128xf32, #tpu.memory_space<vmem_shared>>) offsets(%dma_start3A_378 : memref<80xi32, #tpu.memory_space<vmem>>) semaphore(%arg22 : memref<!tpu.dma_semaphore, #tpu.memory_space<semaphore_mem>>) {add = true}
      %dma_wait3A_382 = arith.constant 0 : i32
      %dma_wait3A_383 = arith.constant 0 : i32
      %dma_wait3A_384 = tpu.memref_slice %arg5[%dma_wait3A_382, %dma_wait3A_383] : memref<10000x128xf32, #tpu.memory_space<hbm>> -> memref<80x128xf32, #tpu.memory_space<hbm>>
      %dma_wait3A_385 = arith.constant 0 : i32
      %dma_wait3A_386 = arith.constant 0 : i32
      %dma_wait3A_387 = tpu.memref_slice %arg5[%dma_wait3A_385, %dma_wait3A_386] : memref<10000x128xf32, #tpu.memory_space<hbm>> -> memref<80x128xf32, #tpu.memory_space<hbm>>
      tpu.wait_dma2 semaphore(%arg23 : memref<!tpu.dma_semaphore, #tpu.memory_space<semaphore_mem>>) src(%dma_wait3A_387 : memref<80x128xf32, #tpu.memory_space<hbm>>) dst(%arg13 : memref<80x128xf32, #tpu.memory_space<vmem>>)
      %add3A_388 = arith.constant 1 : i32
      %add3A_389 = arith.addi %add3A_361, %add3A_388 : i32
      %dma_start3A_390 = arith.constant 0 : i32
      %dma_start3A_391 = arith.constant 0 : i32
      %dma_start3A_392 = tpu.memref_slice %arg2[%dma_start3A_390, %dma_start3A_391] : memref<10000x128xf32, #tpu.memory_space<hbm>> -> memref<10000x128xf32, #tpu.memory_space<hbm>>
      tpu.enqueue_indirect_dma source(%dma_start3A_392 : memref<10000x128xf32, #tpu.memory_space<hbm>>) target(%arg13 : memref<80x128xf32, #tpu.memory_space<vmem>>) offsets(%arg10 : memref<80xi32, #tpu.memory_space<vmem>>) semaphore(%arg20 : memref<!tpu.dma_semaphore, #tpu.memory_space<semaphore_mem>>)
      %add3A_393 = arith.constant 3 : i32
      %add3A_394 = arith.addi %add3A_361, %add3A_393 : i32
      %dma_start3A_395 = arith.constant 0 : i32
      %dma_start3A_396 = tpu.memref_slice %arg3[%add3A, %add3A_394, %dma_start3A_395] : memref<32x125x80xi32, #tpu.memory_space<hbm>> -> memref<1x1x80xi32, #tpu.memory_space<hbm>>
      %dma_start3A_397 = tpu.memref_squeeze %dma_start3A_396 : memref<1x1x80xi32, #tpu.memory_space<hbm>> -> memref<80xi32, #tpu.memory_space<hbm>>
      %dma_start3A_398 = arith.constant 0 : i32
      %dma_start3A_399 = tpu.memref_slice %arg3[%add3A, %add3A_394, %dma_start3A_398] : memref<32x125x80xi32, #tpu.memory_space<hbm>> -> memref<1x1x80xi32, #tpu.memory_space<hbm>>
      %dma_start3A_400 = tpu.memref_squeeze %dma_start3A_399 : memref<1x1x80xi32, #tpu.memory_space<hbm>> -> memref<80xi32, #tpu.memory_space<hbm>>
      tpu.enqueue_dma source(%dma_start3A_400 : memref<80xi32, #tpu.memory_space<hbm>>) target(%arg9 : memref<80xi32, #tpu.memory_space<vmem>>) target_semaphore(%arg16 : memref<!tpu.dma_semaphore, #tpu.memory_space<semaphore_mem>>)
      %mul3A_401 = arith.constant 3 : i32
      %mul3A_402 = arith.muli %scan3A_313, %mul3A_401 : i32
      %add3A_403 = arith.constant 2 : i32
      %add3A_404 = arith.addi %mul3A_402, %add3A_403 : i32
      %dma_wait3A_405 = arith.constant 0 : i32
      %dma_wait3A_406 = arith.constant 0 : i32
      %dma_wait3A_407 = arith.constant 0 : i32
      %dma_wait3A_408 = tpu.memref_slice %arg3[%dma_wait3A_405, %dma_wait3A_406, %dma_wait3A_407] : memref<32x125x80xi32, #tpu.memory_space<hbm>> -> memref<1x1x80xi32, #tpu.memory_space<hbm>>
      %dma_wait3A_409 = tpu.memref_squeeze %dma_wait3A_408 : memref<1x1x80xi32, #tpu.memory_space<hbm>> -> memref<80xi32, #tpu.memory_space<hbm>>
      %dma_wait3A_410 = arith.constant 0 : i32
      %dma_wait3A_411 = tpu.memref_slice %arg3[%dma_wait3A_405, %dma_wait3A_406, %dma_wait3A_410] : memref<32x125x80xi32, #tpu.memory_space<hbm>> -> memref<1x1x80xi32, #tpu.memory_space<hbm>>
      %dma_wait3A_412 = tpu.memref_squeeze %dma_wait3A_411 : memref<1x1x80xi32, #tpu.memory_space<hbm>> -> memref<80xi32, #tpu.memory_space<hbm>>
      tpu.wait_dma2 semaphore(%arg15 : memref<!tpu.dma_semaphore, #tpu.memory_space<semaphore_mem>>) src(%dma_wait3A_412 : memref<80xi32, #tpu.memory_space<hbm>>) dst(%arg8 : memref<80xi32, #tpu.memory_space<vmem>>)
      %dma_wait3A_413 = arith.constant 0 : i32
      %dma_wait3A_414 = arith.constant 0 : i32
      %dma_wait3A_415 = tpu.memref_slice %arg5[%dma_wait3A_413, %dma_wait3A_414] : memref<10000x128xf32, #tpu.memory_space<hbm>> -> memref<80x128xf32, #tpu.memory_space<hbm>>
      %dma_wait3A_416 = arith.constant 0 : i32
      %dma_wait3A_417 = arith.constant 0 : i32
      %dma_wait3A_418 = tpu.memref_slice %arg5[%dma_wait3A_416, %dma_wait3A_417] : memref<10000x128xf32, #tpu.memory_space<hbm>> -> memref<80x128xf32, #tpu.memory_space<hbm>>
      tpu.wait_dma2 semaphore(%arg20 : memref<!tpu.dma_semaphore, #tpu.memory_space<semaphore_mem>>) src(%dma_wait3A_418 : memref<80x128xf32, #tpu.memory_space<hbm>>) dst(%arg13 : memref<80x128xf32, #tpu.memory_space<vmem>>)
      %dma_start3A_419 = arith.constant 0 : i32
      %dma_start3A_420 = tpu.memref_slice %arg7[%add3A_404, %dma_start3A_419] : memref<125x80xi32, #tpu.memory_space<vmem>> -> memref<1x80xi32, #tpu.memory_space<vmem>>
      %dma_start3A_421 = tpu.memref_squeeze %dma_start3A_420 : memref<1x80xi32, #tpu.memory_space<vmem>> -> memref<80xi32, #tpu.memory_space<vmem>>
      %dma_start3A_422 = arith.constant 0 : i32
      %dma_start3A_423 = arith.constant 0 : i32
      %dma_start3A_424 = tpu.memref_slice %arg14[%dma_start3A_422, %dma_start3A_423] : memref<10000x128xf32, #tpu.memory_space<vmem_shared>> -> memref<10000x128xf32, #tpu.memory_space<vmem_shared>>
      tpu.enqueue_indirect_dma source(%arg13 : memref<80x128xf32, #tpu.memory_space<vmem>>) target(%dma_start3A_424 : memref<10000x128xf32, #tpu.memory_space<vmem_shared>>) offsets(%dma_start3A_421 : memref<80xi32, #tpu.memory_space<vmem>>) semaphore(%arg23 : memref<!tpu.dma_semaphore, #tpu.memory_space<semaphore_mem>>) {add = true}
      %dma_wait3A_425 = arith.constant 0 : i32
      %dma_wait3A_426 = arith.constant 0 : i32
      %dma_wait3A_427 = tpu.memref_slice %arg5[%dma_wait3A_425, %dma_wait3A_426] : memref<10000x128xf32, #tpu.memory_space<hbm>> -> memref<80x128xf32, #tpu.memory_space<hbm>>
      %dma_wait3A_428 = arith.constant 0 : i32
      %dma_wait3A_429 = arith.constant 0 : i32
      %dma_wait3A_430 = tpu.memref_slice %arg5[%dma_wait3A_428, %dma_wait3A_429] : memref<10000x128xf32, #tpu.memory_space<hbm>> -> memref<80x128xf32, #tpu.memory_space<hbm>>
      tpu.wait_dma2 semaphore(%arg21 : memref<!tpu.dma_semaphore, #tpu.memory_space<semaphore_mem>>) src(%dma_wait3A_430 : memref<80x128xf32, #tpu.memory_space<hbm>>) dst(%arg11 : memref<80x128xf32, #tpu.memory_space<vmem>>)
      %add3A_431 = arith.constant 1 : i32
      %add3A_432 = arith.addi %add3A_404, %add3A_431 : i32
      %dma_start3A_433 = arith.constant 0 : i32
      %dma_start3A_434 = arith.constant 0 : i32
      %dma_start3A_435 = tpu.memref_slice %arg2[%dma_start3A_433, %dma_start3A_434] : memref<10000x128xf32, #tpu.memory_space<hbm>> -> memref<10000x128xf32, #tpu.memory_space<hbm>>
      tpu.enqueue_indirect_dma source(%dma_start3A_435 : memref<10000x128xf32, #tpu.memory_space<hbm>>) target(%arg11 : memref<80x128xf32, #tpu.memory_space<vmem>>) offsets(%arg8 : memref<80xi32, #tpu.memory_space<vmem>>) semaphore(%arg18 : memref<!tpu.dma_semaphore, #tpu.memory_space<semaphore_mem>>)
      %add3A_436 = arith.constant 3 : i32
      %add3A_437 = arith.addi %add3A_404, %add3A_436 : i32
      %dma_start3A_438 = arith.constant 0 : i32
      %dma_start3A_439 = tpu.memref_slice %arg3[%add3A, %add3A_437, %dma_start3A_438] : memref<32x125x80xi32, #tpu.memory_space<hbm>> -> memref<1x1x80xi32, #tpu.memory_space<hbm>>
      %dma_start3A_440 = tpu.memref_squeeze %dma_start3A_439 : memref<1x1x80xi32, #tpu.memory_space<hbm>> -> memref<80xi32, #tpu.memory_space<hbm>>
      %dma_start3A_441 = arith.constant 0 : i32
      %dma_start3A_442 = tpu.memref_slice %arg3[%add3A, %add3A_437, %dma_start3A_441] : memref<32x125x80xi32, #tpu.memory_space<hbm>> -> memref<1x1x80xi32, #tpu.memory_space<hbm>>
      %dma_start3A_443 = tpu.memref_squeeze %dma_start3A_442 : memref<1x1x80xi32, #tpu.memory_space<hbm>> -> memref<80xi32, #tpu.memory_space<hbm>>
      tpu.enqueue_dma source(%dma_start3A_443 : memref<80xi32, #tpu.memory_space<hbm>>) target(%arg10 : memref<80xi32, #tpu.memory_space<vmem>>) target_semaphore(%arg17 : memref<!tpu.dma_semaphore, #tpu.memory_space<semaphore_mem>>)
      %scan3A_444 = arith.constant 0 : i32
      scf.yield %scan3A_444 : i32
    }
    %scan3A_139 = arith.constant 39 : i32
    %dma_wait3A_140 = arith.constant 0 : i32
    %dma_wait3A_141 = arith.constant 0 : i32
    %dma_wait3A_142 = arith.constant 0 : i32
    %dma_wait3A_143 = tpu.memref_slice %arg3[%dma_wait3A_140, %dma_wait3A_141, %dma_wait3A_142] : memref<32x125x80xi32, #tpu.memory_space<hbm>> -> memref<1x1x80xi32, #tpu.memory_space<hbm>>
    %dma_wait3A_144 = tpu.memref_squeeze %dma_wait3A_143 : memref<1x1x80xi32, #tpu.memory_space<hbm>> -> memref<80xi32, #tpu.memory_space<hbm>>
    %dma_wait3A_145 = arith.constant 0 : i32
    %dma_wait3A_146 = tpu.memref_slice %arg3[%dma_wait3A_140, %dma_wait3A_141, %dma_wait3A_145] : memref<32x125x80xi32, #tpu.memory_space<hbm>> -> memref<1x1x80xi32, #tpu.memory_space<hbm>>
    %dma_wait3A_147 = tpu.memref_squeeze %dma_wait3A_146 : memref<1x1x80xi32, #tpu.memory_space<hbm>> -> memref<80xi32, #tpu.memory_space<hbm>>
    tpu.wait_dma2 semaphore(%arg16 : memref<!tpu.dma_semaphore, #tpu.memory_space<semaphore_mem>>) src(%dma_wait3A_147 : memref<80xi32, #tpu.memory_space<hbm>>) dst(%arg9 : memref<80xi32, #tpu.memory_space<vmem>>)
    %dma_wait3A_148 = arith.constant 0 : i32
    %dma_wait3A_149 = arith.constant 0 : i32
    %dma_wait3A_150 = tpu.memref_slice %arg5[%dma_wait3A_148, %dma_wait3A_149] : memref<10000x128xf32, #tpu.memory_space<hbm>> -> memref<80x128xf32, #tpu.memory_space<hbm>>
    %dma_wait3A_151 = arith.constant 0 : i32
    %dma_wait3A_152 = arith.constant 0 : i32
    %dma_wait3A_153 = tpu.memref_slice %arg5[%dma_wait3A_151, %dma_wait3A_152] : memref<10000x128xf32, #tpu.memory_space<hbm>> -> memref<80x128xf32, #tpu.memory_space<hbm>>
    tpu.wait_dma2 semaphore(%arg18 : memref<!tpu.dma_semaphore, #tpu.memory_space<semaphore_mem>>) src(%dma_wait3A_153 : memref<80x128xf32, #tpu.memory_space<hbm>>) dst(%arg11 : memref<80x128xf32, #tpu.memory_space<vmem>>)
    %dma_start3A_154 = arith.constant 120 : i32
    %dma_start3A_155 = arith.constant 0 : i32
    %dma_start3A_156 = tpu.memref_slice %arg7[%dma_start3A_154, %dma_start3A_155] : memref<125x80xi32, #tpu.memory_space<vmem>> -> memref<1x80xi32, #tpu.memory_space<vmem>>
    %dma_start3A_157 = tpu.memref_squeeze %dma_start3A_156 : memref<1x80xi32, #tpu.memory_space<vmem>> -> memref<80xi32, #tpu.memory_space<vmem>>
    %dma_start3A_158 = arith.constant 0 : i32
    %dma_start3A_159 = arith.constant 0 : i32
    %dma_start3A_160 = tpu.memref_slice %arg14[%dma_start3A_158, %dma_start3A_159] : memref<10000x128xf32, #tpu.memory_space<vmem_shared>> -> memref<10000x128xf32, #tpu.memory_space<vmem_shared>>
    tpu.enqueue_indirect_dma source(%arg11 : memref<80x128xf32, #tpu.memory_space<vmem>>) target(%dma_start3A_160 : memref<10000x128xf32, #tpu.memory_space<vmem_shared>>) offsets(%dma_start3A_157 : memref<80xi32, #tpu.memory_space<vmem>>) semaphore(%arg21 : memref<!tpu.dma_semaphore, #tpu.memory_space<semaphore_mem>>) {add = true}
    %dma_wait3A_161 = arith.constant 0 : i32
    %dma_wait3A_162 = arith.constant 0 : i32
    %dma_wait3A_163 = tpu.memref_slice %arg5[%dma_wait3A_161, %dma_wait3A_162] : memref<10000x128xf32, #tpu.memory_space<hbm>> -> memref<80x128xf32, #tpu.memory_space<hbm>>
    %dma_wait3A_164 = arith.constant 0 : i32
    %dma_wait3A_165 = arith.constant 0 : i32
    %dma_wait3A_166 = tpu.memref_slice %arg5[%dma_wait3A_164, %dma_wait3A_165] : memref<10000x128xf32, #tpu.memory_space<hbm>> -> memref<80x128xf32, #tpu.memory_space<hbm>>
    tpu.wait_dma2 semaphore(%arg22 : memref<!tpu.dma_semaphore, #tpu.memory_space<semaphore_mem>>) src(%dma_wait3A_166 : memref<80x128xf32, #tpu.memory_space<hbm>>) dst(%arg12 : memref<80x128xf32, #tpu.memory_space<vmem>>)
    %dma_start3A_167 = arith.constant 0 : i32
    %dma_start3A_168 = arith.constant 0 : i32
    %dma_start3A_169 = tpu.memref_slice %arg2[%dma_start3A_167, %dma_start3A_168] : memref<10000x128xf32, #tpu.memory_space<hbm>> -> memref<10000x128xf32, #tpu.memory_space<hbm>>
    tpu.enqueue_indirect_dma source(%dma_start3A_169 : memref<10000x128xf32, #tpu.memory_space<hbm>>) target(%arg12 : memref<80x128xf32, #tpu.memory_space<vmem>>) offsets(%arg9 : memref<80xi32, #tpu.memory_space<vmem>>) semaphore(%arg19 : memref<!tpu.dma_semaphore, #tpu.memory_space<semaphore_mem>>)
    %dma_start3A_170 = arith.constant 123 : i32
    %dma_start3A_171 = arith.constant 0 : i32
    %dma_start3A_172 = tpu.memref_slice %arg3[%add3A, %dma_start3A_170, %dma_start3A_171] : memref<32x125x80xi32, #tpu.memory_space<hbm>> -> memref<1x1x80xi32, #tpu.memory_space<hbm>>
    %dma_start3A_173 = tpu.memref_squeeze %dma_start3A_172 : memref<1x1x80xi32, #tpu.memory_space<hbm>> -> memref<80xi32, #tpu.memory_space<hbm>>
    %dma_start3A_174 = arith.constant 0 : i32
    %dma_start3A_175 = tpu.memref_slice %arg3[%add3A, %dma_start3A_170, %dma_start3A_174] : memref<32x125x80xi32, #tpu.memory_space<hbm>> -> memref<1x1x80xi32, #tpu.memory_space<hbm>>
    %dma_start3A_176 = tpu.memref_squeeze %dma_start3A_175 : memref<1x1x80xi32, #tpu.memory_space<hbm>> -> memref<80xi32, #tpu.memory_space<hbm>>
    tpu.enqueue_dma source(%dma_start3A_176 : memref<80xi32, #tpu.memory_space<hbm>>) target(%arg8 : memref<80xi32, #tpu.memory_space<vmem>>) target_semaphore(%arg15 : memref<!tpu.dma_semaphore, #tpu.memory_space<semaphore_mem>>)
    %dma_wait3A_177 = arith.constant 0 : i32
    %dma_wait3A_178 = arith.constant 0 : i32
    %dma_wait3A_179 = arith.constant 0 : i32
    %dma_wait3A_180 = tpu.memref_slice %arg3[%dma_wait3A_177, %dma_wait3A_178, %dma_wait3A_179] : memref<32x125x80xi32, #tpu.memory_space<hbm>> -> memref<1x1x80xi32, #tpu.memory_space<hbm>>
    %dma_wait3A_181 = tpu.memref_squeeze %dma_wait3A_180 : memref<1x1x80xi32, #tpu.memory_space<hbm>> -> memref<80xi32, #tpu.memory_space<hbm>>
    %dma_wait3A_182 = arith.constant 0 : i32
    %dma_wait3A_183 = tpu.memref_slice %arg3[%dma_wait3A_177, %dma_wait3A_178, %dma_wait3A_182] : memref<32x125x80xi32, #tpu.memory_space<hbm>> -> memref<1x1x80xi32, #tpu.memory_space<hbm>>
    %dma_wait3A_184 = tpu.memref_squeeze %dma_wait3A_183 : memref<1x1x80xi32, #tpu.memory_space<hbm>> -> memref<80xi32, #tpu.memory_space<hbm>>
    tpu.wait_dma2 semaphore(%arg17 : memref<!tpu.dma_semaphore, #tpu.memory_space<semaphore_mem>>) src(%dma_wait3A_184 : memref<80xi32, #tpu.memory_space<hbm>>) dst(%arg10 : memref<80xi32, #tpu.memory_space<vmem>>)
    %dma_wait3A_185 = arith.constant 0 : i32
    %dma_wait3A_186 = arith.constant 0 : i32
    %dma_wait3A_187 = tpu.memref_slice %arg5[%dma_wait3A_185, %dma_wait3A_186] : memref<10000x128xf32, #tpu.memory_space<hbm>> -> memref<80x128xf32, #tpu.memory_space<hbm>>
    %dma_wait3A_188 = arith.constant 0 : i32
    %dma_wait3A_189 = arith.constant 0 : i32
    %dma_wait3A_190 = tpu.memref_slice %arg5[%dma_wait3A_188, %dma_wait3A_189] : memref<10000x128xf32, #tpu.memory_space<hbm>> -> memref<80x128xf32, #tpu.memory_space<hbm>>
    tpu.wait_dma2 semaphore(%arg19 : memref<!tpu.dma_semaphore, #tpu.memory_space<semaphore_mem>>) src(%dma_wait3A_190 : memref<80x128xf32, #tpu.memory_space<hbm>>) dst(%arg12 : memref<80x128xf32, #tpu.memory_space<vmem>>)
    %dma_start3A_191 = arith.constant 121 : i32
    %dma_start3A_192 = arith.constant 0 : i32
    %dma_start3A_193 = tpu.memref_slice %arg7[%dma_start3A_191, %dma_start3A_192] : memref<125x80xi32, #tpu.memory_space<vmem>> -> memref<1x80xi32, #tpu.memory_space<vmem>>
    %dma_start3A_194 = tpu.memref_squeeze %dma_start3A_193 : memref<1x80xi32, #tpu.memory_space<vmem>> -> memref<80xi32, #tpu.memory_space<vmem>>
    %dma_start3A_195 = arith.constant 0 : i32
    %dma_start3A_196 = arith.constant 0 : i32
    %dma_start3A_197 = tpu.memref_slice %arg14[%dma_start3A_195, %dma_start3A_196] : memref<10000x128xf32, #tpu.memory_space<vmem_shared>> -> memref<10000x128xf32, #tpu.memory_space<vmem_shared>>
    tpu.enqueue_indirect_dma source(%arg12 : memref<80x128xf32, #tpu.memory_space<vmem>>) target(%dma_start3A_197 : memref<10000x128xf32, #tpu.memory_space<vmem_shared>>) offsets(%dma_start3A_194 : memref<80xi32, #tpu.memory_space<vmem>>) semaphore(%arg22 : memref<!tpu.dma_semaphore, #tpu.memory_space<semaphore_mem>>) {add = true}
    %dma_wait3A_198 = arith.constant 0 : i32
    %dma_wait3A_199 = arith.constant 0 : i32
    %dma_wait3A_200 = tpu.memref_slice %arg5[%dma_wait3A_198, %dma_wait3A_199] : memref<10000x128xf32, #tpu.memory_space<hbm>> -> memref<80x128xf32, #tpu.memory_space<hbm>>
    %dma_wait3A_201 = arith.constant 0 : i32
    %dma_wait3A_202 = arith.constant 0 : i32
    %dma_wait3A_203 = tpu.memref_slice %arg5[%dma_wait3A_201, %dma_wait3A_202] : memref<10000x128xf32, #tpu.memory_space<hbm>> -> memref<80x128xf32, #tpu.memory_space<hbm>>
    tpu.wait_dma2 semaphore(%arg23 : memref<!tpu.dma_semaphore, #tpu.memory_space<semaphore_mem>>) src(%dma_wait3A_203 : memref<80x128xf32, #tpu.memory_space<hbm>>) dst(%arg13 : memref<80x128xf32, #tpu.memory_space<vmem>>)
    %dma_start3A_204 = arith.constant 0 : i32
    %dma_start3A_205 = arith.constant 0 : i32
    %dma_start3A_206 = tpu.memref_slice %arg2[%dma_start3A_204, %dma_start3A_205] : memref<10000x128xf32, #tpu.memory_space<hbm>> -> memref<10000x128xf32, #tpu.memory_space<hbm>>
    tpu.enqueue_indirect_dma source(%dma_start3A_206 : memref<10000x128xf32, #tpu.memory_space<hbm>>) target(%arg13 : memref<80x128xf32, #tpu.memory_space<vmem>>) offsets(%arg10 : memref<80xi32, #tpu.memory_space<vmem>>) semaphore(%arg20 : memref<!tpu.dma_semaphore, #tpu.memory_space<semaphore_mem>>)
    %dma_start3A_207 = arith.constant 124 : i32
    %dma_start3A_208 = arith.constant 0 : i32
    %dma_start3A_209 = tpu.memref_slice %arg3[%add3A, %dma_start3A_207, %dma_start3A_208] : memref<32x125x80xi32, #tpu.memory_space<hbm>> -> memref<1x1x80xi32, #tpu.memory_space<hbm>>
    %dma_start3A_210 = tpu.memref_squeeze %dma_start3A_209 : memref<1x1x80xi32, #tpu.memory_space<hbm>> -> memref<80xi32, #tpu.memory_space<hbm>>
    %dma_start3A_211 = arith.constant 0 : i32
    %dma_start3A_212 = tpu.memref_slice %arg3[%add3A, %dma_start3A_207, %dma_start3A_211] : memref<32x125x80xi32, #tpu.memory_space<hbm>> -> memref<1x1x80xi32, #tpu.memory_space<hbm>>
    %dma_start3A_213 = tpu.memref_squeeze %dma_start3A_212 : memref<1x1x80xi32, #tpu.memory_space<hbm>> -> memref<80xi32, #tpu.memory_space<hbm>>
    tpu.enqueue_dma source(%dma_start3A_213 : memref<80xi32, #tpu.memory_space<hbm>>) target(%arg9 : memref<80xi32, #tpu.memory_space<vmem>>) target_semaphore(%arg16 : memref<!tpu.dma_semaphore, #tpu.memory_space<semaphore_mem>>)
    %dma_wait3A_214 = arith.constant 0 : i32
    %dma_wait3A_215 = arith.constant 0 : i32
    %dma_wait3A_216 = arith.constant 0 : i32
    %dma_wait3A_217 = tpu.memref_slice %arg3[%dma_wait3A_214, %dma_wait3A_215, %dma_wait3A_216] : memref<32x125x80xi32, #tpu.memory_space<hbm>> -> memref<1x1x80xi32, #tpu.memory_space<hbm>>
    %dma_wait3A_218 = tpu.memref_squeeze %dma_wait3A_217 : memref<1x1x80xi32, #tpu.memory_space<hbm>> -> memref<80xi32, #tpu.memory_space<hbm>>
    %dma_wait3A_219 = arith.constant 0 : i32
    %dma_wait3A_220 = tpu.memref_slice %arg3[%dma_wait3A_214, %dma_wait3A_215, %dma_wait3A_219] : memref<32x125x80xi32, #tpu.memory_space<hbm>> -> memref<1x1x80xi32, #tpu.memory_space<hbm>>
    %dma_wait3A_221 = tpu.memref_squeeze %dma_wait3A_220 : memref<1x1x80xi32, #tpu.memory_space<hbm>> -> memref<80xi32, #tpu.memory_space<hbm>>
    tpu.wait_dma2 semaphore(%arg15 : memref<!tpu.dma_semaphore, #tpu.memory_space<semaphore_mem>>) src(%dma_wait3A_221 : memref<80xi32, #tpu.memory_space<hbm>>) dst(%arg8 : memref<80xi32, #tpu.memory_space<vmem>>)
    %dma_wait3A_222 = arith.constant 0 : i32
    %dma_wait3A_223 = arith.constant 0 : i32
    %dma_wait3A_224 = tpu.memref_slice %arg5[%dma_wait3A_222, %dma_wait3A_223] : memref<10000x128xf32, #tpu.memory_space<hbm>> -> memref<80x128xf32, #tpu.memory_space<hbm>>
    %dma_wait3A_225 = arith.constant 0 : i32
    %dma_wait3A_226 = arith.constant 0 : i32
    %dma_wait3A_227 = tpu.memref_slice %arg5[%dma_wait3A_225, %dma_wait3A_226] : memref<10000x128xf32, #tpu.memory_space<hbm>> -> memref<80x128xf32, #tpu.memory_space<hbm>>
    tpu.wait_dma2 semaphore(%arg20 : memref<!tpu.dma_semaphore, #tpu.memory_space<semaphore_mem>>) src(%dma_wait3A_227 : memref<80x128xf32, #tpu.memory_space<hbm>>) dst(%arg13 : memref<80x128xf32, #tpu.memory_space<vmem>>)
    %dma_start3A_228 = arith.constant 122 : i32
    %dma_start3A_229 = arith.constant 0 : i32
    %dma_start3A_230 = tpu.memref_slice %arg7[%dma_start3A_228, %dma_start3A_229] : memref<125x80xi32, #tpu.memory_space<vmem>> -> memref<1x80xi32, #tpu.memory_space<vmem>>
    %dma_start3A_231 = tpu.memref_squeeze %dma_start3A_230 : memref<1x80xi32, #tpu.memory_space<vmem>> -> memref<80xi32, #tpu.memory_space<vmem>>
    %dma_start3A_232 = arith.constant 0 : i32
    %dma_start3A_233 = arith.constant 0 : i32
    %dma_start3A_234 = tpu.memref_slice %arg14[%dma_start3A_232, %dma_start3A_233] : memref<10000x128xf32, #tpu.memory_space<vmem_shared>> -> memref<10000x128xf32, #tpu.memory_space<vmem_shared>>
    tpu.enqueue_indirect_dma source(%arg13 : memref<80x128xf32, #tpu.memory_space<vmem>>) target(%dma_start3A_234 : memref<10000x128xf32, #tpu.memory_space<vmem_shared>>) offsets(%dma_start3A_231 : memref<80xi32, #tpu.memory_space<vmem>>) semaphore(%arg23 : memref<!tpu.dma_semaphore, #tpu.memory_space<semaphore_mem>>) {add = true}
    %dma_wait3A_235 = arith.constant 0 : i32
    %dma_wait3A_236 = arith.constant 0 : i32
    %dma_wait3A_237 = tpu.memref_slice %arg5[%dma_wait3A_235, %dma_wait3A_236] : memref<10000x128xf32, #tpu.memory_space<hbm>> -> memref<80x128xf32, #tpu.memory_space<hbm>>
    %dma_wait3A_238 = arith.constant 0 : i32
    %dma_wait3A_239 = arith.constant 0 : i32
    %dma_wait3A_240 = tpu.memref_slice %arg5[%dma_wait3A_238, %dma_wait3A_239] : memref<10000x128xf32, #tpu.memory_space<hbm>> -> memref<80x128xf32, #tpu.memory_space<hbm>>
    tpu.wait_dma2 semaphore(%arg21 : memref<!tpu.dma_semaphore, #tpu.memory_space<semaphore_mem>>) src(%dma_wait3A_240 : memref<80x128xf32, #tpu.memory_space<hbm>>) dst(%arg11 : memref<80x128xf32, #tpu.memory_space<vmem>>)
    %dma_start3A_241 = arith.constant 0 : i32
    %dma_start3A_242 = arith.constant 0 : i32
    %dma_start3A_243 = tpu.memref_slice %arg2[%dma_start3A_241, %dma_start3A_242] : memref<10000x128xf32, #tpu.memory_space<hbm>> -> memref<10000x128xf32, #tpu.memory_space<hbm>>
    tpu.enqueue_indirect_dma source(%dma_start3A_243 : memref<10000x128xf32, #tpu.memory_space<hbm>>) target(%arg11 : memref<80x128xf32, #tpu.memory_space<vmem>>) offsets(%arg8 : memref<80xi32, #tpu.memory_space<vmem>>) semaphore(%arg18 : memref<!tpu.dma_semaphore, #tpu.memory_space<semaphore_mem>>)
    %dma_wait3A_244 = arith.constant 0 : i32
    %dma_wait3A_245 = arith.constant 0 : i32
    %dma_wait3A_246 = arith.constant 0 : i32
    %dma_wait3A_247 = tpu.memref_slice %arg3[%dma_wait3A_244, %dma_wait3A_245, %dma_wait3A_246] : memref<32x125x80xi32, #tpu.memory_space<hbm>> -> memref<1x1x80xi32, #tpu.memory_space<hbm>>
    %dma_wait3A_248 = tpu.memref_squeeze %dma_wait3A_247 : memref<1x1x80xi32, #tpu.memory_space<hbm>> -> memref<80xi32, #tpu.memory_space<hbm>>
    %dma_wait3A_249 = arith.constant 0 : i32
    %dma_wait3A_250 = tpu.memref_slice %arg3[%dma_wait3A_244, %dma_wait3A_245, %dma_wait3A_249] : memref<32x125x80xi32, #tpu.memory_space<hbm>> -> memref<1x1x80xi32, #tpu.memory_space<hbm>>
    %dma_wait3A_251 = tpu.memref_squeeze %dma_wait3A_250 : memref<1x1x80xi32, #tpu.memory_space<hbm>> -> memref<80xi32, #tpu.memory_space<hbm>>
    tpu.wait_dma2 semaphore(%arg16 : memref<!tpu.dma_semaphore, #tpu.memory_space<semaphore_mem>>) src(%dma_wait3A_251 : memref<80xi32, #tpu.memory_space<hbm>>) dst(%arg9 : memref<80xi32, #tpu.memory_space<vmem>>)
    %dma_wait3A_252 = arith.constant 0 : i32
    %dma_wait3A_253 = arith.constant 0 : i32
    %dma_wait3A_254 = tpu.memref_slice %arg5[%dma_wait3A_252, %dma_wait3A_253] : memref<10000x128xf32, #tpu.memory_space<hbm>> -> memref<80x128xf32, #tpu.memory_space<hbm>>
    %dma_wait3A_255 = arith.constant 0 : i32
    %dma_wait3A_256 = arith.constant 0 : i32
    %dma_wait3A_257 = tpu.memref_slice %arg5[%dma_wait3A_255, %dma_wait3A_256] : memref<10000x128xf32, #tpu.memory_space<hbm>> -> memref<80x128xf32, #tpu.memory_space<hbm>>
    tpu.wait_dma2 semaphore(%arg18 : memref<!tpu.dma_semaphore, #tpu.memory_space<semaphore_mem>>) src(%dma_wait3A_257 : memref<80x128xf32, #tpu.memory_space<hbm>>) dst(%arg11 : memref<80x128xf32, #tpu.memory_space<vmem>>)
    %dma_start3A_258 = arith.constant 123 : i32
    %dma_start3A_259 = arith.constant 0 : i32
    %dma_start3A_260 = tpu.memref_slice %arg7[%dma_start3A_258, %dma_start3A_259] : memref<125x80xi32, #tpu.memory_space<vmem>> -> memref<1x80xi32, #tpu.memory_space<vmem>>
    %dma_start3A_261 = tpu.memref_squeeze %dma_start3A_260 : memref<1x80xi32, #tpu.memory_space<vmem>> -> memref<80xi32, #tpu.memory_space<vmem>>
    %dma_start3A_262 = arith.constant 0 : i32
    %dma_start3A_263 = arith.constant 0 : i32
    %dma_start3A_264 = tpu.memref_slice %arg14[%dma_start3A_262, %dma_start3A_263] : memref<10000x128xf32, #tpu.memory_space<vmem_shared>> -> memref<10000x128xf32, #tpu.memory_space<vmem_shared>>
    tpu.enqueue_indirect_dma source(%arg11 : memref<80x128xf32, #tpu.memory_space<vmem>>) target(%dma_start3A_264 : memref<10000x128xf32, #tpu.memory_space<vmem_shared>>) offsets(%dma_start3A_261 : memref<80xi32, #tpu.memory_space<vmem>>) semaphore(%arg21 : memref<!tpu.dma_semaphore, #tpu.memory_space<semaphore_mem>>) {add = true}
    %dma_wait3A_265 = arith.constant 0 : i32
    %dma_wait3A_266 = arith.constant 0 : i32
    %dma_wait3A_267 = tpu.memref_slice %arg5[%dma_wait3A_265, %dma_wait3A_266] : memref<10000x128xf32, #tpu.memory_space<hbm>> -> memref<80x128xf32, #tpu.memory_space<hbm>>
    %dma_wait3A_268 = arith.constant 0 : i32
    %dma_wait3A_269 = arith.constant 0 : i32
    %dma_wait3A_270 = tpu.memref_slice %arg5[%dma_wait3A_268, %dma_wait3A_269] : memref<10000x128xf32, #tpu.memory_space<hbm>> -> memref<80x128xf32, #tpu.memory_space<hbm>>
    tpu.wait_dma2 semaphore(%arg22 : memref<!tpu.dma_semaphore, #tpu.memory_space<semaphore_mem>>) src(%dma_wait3A_270 : memref<80x128xf32, #tpu.memory_space<hbm>>) dst(%arg12 : memref<80x128xf32, #tpu.memory_space<vmem>>)
    %dma_start3A_271 = arith.constant 0 : i32
    %dma_start3A_272 = arith.constant 0 : i32
    %dma_start3A_273 = tpu.memref_slice %arg2[%dma_start3A_271, %dma_start3A_272] : memref<10000x128xf32, #tpu.memory_space<hbm>> -> memref<10000x128xf32, #tpu.memory_space<hbm>>
    tpu.enqueue_indirect_dma source(%dma_start3A_273 : memref<10000x128xf32, #tpu.memory_space<hbm>>) target(%arg12 : memref<80x128xf32, #tpu.memory_space<vmem>>) offsets(%arg9 : memref<80xi32, #tpu.memory_space<vmem>>) semaphore(%arg19 : memref<!tpu.dma_semaphore, #tpu.memory_space<semaphore_mem>>)
    %dma_wait3A_274 = arith.constant 0 : i32
    %dma_wait3A_275 = arith.constant 0 : i32
    %dma_wait3A_276 = tpu.memref_slice %arg5[%dma_wait3A_274, %dma_wait3A_275] : memref<10000x128xf32, #tpu.memory_space<hbm>> -> memref<80x128xf32, #tpu.memory_space<hbm>>
    %dma_wait3A_277 = arith.constant 0 : i32
    %dma_wait3A_278 = arith.constant 0 : i32
    %dma_wait3A_279 = tpu.memref_slice %arg5[%dma_wait3A_277, %dma_wait3A_278] : memref<10000x128xf32, #tpu.memory_space<hbm>> -> memref<80x128xf32, #tpu.memory_space<hbm>>
    tpu.wait_dma2 semaphore(%arg19 : memref<!tpu.dma_semaphore, #tpu.memory_space<semaphore_mem>>) src(%dma_wait3A_279 : memref<80x128xf32, #tpu.memory_space<hbm>>) dst(%arg12 : memref<80x128xf32, #tpu.memory_space<vmem>>)
    %dma_start3A_280 = arith.constant 124 : i32
    %dma_start3A_281 = arith.constant 0 : i32
    %dma_start3A_282 = tpu.memref_slice %arg7[%dma_start3A_280, %dma_start3A_281] : memref<125x80xi32, #tpu.memory_space<vmem>> -> memref<1x80xi32, #tpu.memory_space<vmem>>
    %dma_start3A_283 = tpu.memref_squeeze %dma_start3A_282 : memref<1x80xi32, #tpu.memory_space<vmem>> -> memref<80xi32, #tpu.memory_space<vmem>>
    %dma_start3A_284 = arith.constant 0 : i32
    %dma_start3A_285 = arith.constant 0 : i32
    %dma_start3A_286 = tpu.memref_slice %arg14[%dma_start3A_284, %dma_start3A_285] : memref<10000x128xf32, #tpu.memory_space<vmem_shared>> -> memref<10000x128xf32, #tpu.memory_space<vmem_shared>>
    tpu.enqueue_indirect_dma source(%arg12 : memref<80x128xf32, #tpu.memory_space<vmem>>) target(%dma_start3A_286 : memref<10000x128xf32, #tpu.memory_space<vmem_shared>>) offsets(%dma_start3A_283 : memref<80xi32, #tpu.memory_space<vmem>>) semaphore(%arg22 : memref<!tpu.dma_semaphore, #tpu.memory_space<semaphore_mem>>) {add = true}
    %dma_wait3A_287 = arith.constant 0 : i32
    %dma_wait3A_288 = arith.constant 0 : i32
    %dma_wait3A_289 = tpu.memref_slice %arg5[%dma_wait3A_287, %dma_wait3A_288] : memref<10000x128xf32, #tpu.memory_space<hbm>> -> memref<80x128xf32, #tpu.memory_space<hbm>>
    %dma_wait3A_290 = arith.constant 0 : i32
    %dma_wait3A_291 = arith.constant 0 : i32
    %dma_wait3A_292 = tpu.memref_slice %arg5[%dma_wait3A_290, %dma_wait3A_291] : memref<10000x128xf32, #tpu.memory_space<hbm>> -> memref<80x128xf32, #tpu.memory_space<hbm>>
    tpu.wait_dma2 semaphore(%arg23 : memref<!tpu.dma_semaphore, #tpu.memory_space<semaphore_mem>>) src(%dma_wait3A_292 : memref<80x128xf32, #tpu.memory_space<hbm>>) dst(%arg13 : memref<80x128xf32, #tpu.memory_space<vmem>>)
    %dma_wait3A_293 = arith.constant 0 : i32
    %dma_wait3A_294 = arith.constant 0 : i32
    %dma_wait3A_295 = tpu.memref_slice %arg5[%dma_wait3A_293, %dma_wait3A_294] : memref<10000x128xf32, #tpu.memory_space<hbm>> -> memref<80x128xf32, #tpu.memory_space<hbm>>
    %dma_wait3A_296 = arith.constant 0 : i32
    %dma_wait3A_297 = arith.constant 0 : i32
    %dma_wait3A_298 = tpu.memref_slice %arg5[%dma_wait3A_296, %dma_wait3A_297] : memref<10000x128xf32, #tpu.memory_space<hbm>> -> memref<80x128xf32, #tpu.memory_space<hbm>>
    tpu.wait_dma2 semaphore(%arg21 : memref<!tpu.dma_semaphore, #tpu.memory_space<semaphore_mem>>) src(%dma_wait3A_298 : memref<80x128xf32, #tpu.memory_space<hbm>>) dst(%arg11 : memref<80x128xf32, #tpu.memory_space<vmem>>)
    %dma_wait3A_299 = arith.constant 0 : i32
    %dma_wait3A_300 = arith.constant 0 : i32
    %dma_wait3A_301 = tpu.memref_slice %arg5[%dma_wait3A_299, %dma_wait3A_300] : memref<10000x128xf32, #tpu.memory_space<hbm>> -> memref<80x128xf32, #tpu.memory_space<hbm>>
    %dma_wait3A_302 = arith.constant 0 : i32
    %dma_wait3A_303 = arith.constant 0 : i32
    %dma_wait3A_304 = tpu.memref_slice %arg5[%dma_wait3A_302, %dma_wait3A_303] : memref<10000x128xf32, #tpu.memory_space<hbm>> -> memref<80x128xf32, #tpu.memory_space<hbm>>
    tpu.wait_dma2 semaphore(%arg22 : memref<!tpu.dma_semaphore, #tpu.memory_space<semaphore_mem>>) src(%dma_wait3A_304 : memref<80x128xf32, #tpu.memory_space<hbm>>) dst(%arg12 : memref<80x128xf32, #tpu.memory_space<vmem>>)
    %barrier3A_305 = arith.constant 0 : index
    tpu.barrier barrier_id(%barrier3A_305)
    %mul3A_306 = arith.constant 624 : i32
    %mul3A_307 = arith.muli %arg1, %mul3A_306 : i32
    "tpu.region"() ({
      %run_scoped3A = tpu.sem_alloc : memref<!tpu.dma_semaphore, #tpu.memory_space<semaphore_mem>>
      %dma_start3A_313 = arith.constant 0 : i32
      %dma_start3A_314 = arith.constant 0 : i32
      %dma_start3A_315 = tpu.memref_slice %arg6[%arg0, %dma_start3A_313, %dma_start3A_314] : memref<2x10000x128xf32, #tpu.memory_space<hbm>> -> memref<1x10000x128xf32, #tpu.memory_space<hbm>>
      %dma_start3A_316 = tpu.memref_squeeze %dma_start3A_315 : memref<1x10000x128xf32, #tpu.memory_space<hbm>> -> memref<10000x128xf32, #tpu.memory_space<hbm>>
      %dma_start3A_317 = arith.constant 0 : i32
      %dma_start3A_318 = tpu.memref_slice %dma_start3A_316[%mul3A_307, %dma_start3A_317] : memref<10000x128xf32, #tpu.memory_space<hbm>> -> memref<624x128xf32, #tpu.memory_space<hbm>>
      %dma_start3A_319 = arith.constant 0 : i32
      %dma_start3A_320 = tpu.memref_slice %arg14[%mul3A_307, %dma_start3A_319] : memref<10000x128xf32, #tpu.memory_space<vmem_shared>> -> memref<624x128xf32, #tpu.memory_space<vmem_shared>>
      tpu.enqueue_dma source(%dma_start3A_320 : memref<624x128xf32, #tpu.memory_space<vmem_shared>>) target(%dma_start3A_318 : memref<624x128xf32, #tpu.memory_space<hbm>>) target_semaphore(%run_scoped3A : memref<!tpu.dma_semaphore, #tpu.memory_space<semaphore_mem>>)
      %dma_wait3A_321 = arith.constant 0 : i32
      %dma_wait3A_322 = arith.constant 0 : i32
      %dma_wait3A_323 = tpu.memref_slice %arg6[%arg0, %dma_wait3A_321, %dma_wait3A_322] : memref<2x10000x128xf32, #tpu.memory_space<hbm>> -> memref<1x10000x128xf32, #tpu.memory_space<hbm>>
      %dma_wait3A_324 = tpu.memref_squeeze %dma_wait3A_323 : memref<1x10000x128xf32, #tpu.memory_space<hbm>> -> memref<10000x128xf32, #tpu.memory_space<hbm>>
      %dma_wait3A_325 = arith.constant 0 : i32
      %dma_wait3A_326 = tpu.memref_slice %dma_wait3A_324[%mul3A_307, %dma_wait3A_325] : memref<10000x128xf32, #tpu.memory_space<hbm>> -> memref<624x128xf32, #tpu.memory_space<hbm>>
      %dma_wait3A_327 = arith.constant 0 : i32
      %dma_wait3A_328 = tpu.memref_slice %arg14[%mul3A_307, %dma_wait3A_327] : memref<10000x128xf32, #tpu.memory_space<vmem_shared>> -> memref<624x128xf32, #tpu.memory_space<vmem_shared>>
      tpu.wait_dma2 semaphore(%run_scoped3A : memref<!tpu.dma_semaphore, #tpu.memory_space<semaphore_mem>>) src(%dma_wait3A_328 : memref<624x128xf32, #tpu.memory_space<vmem_shared>>) dst(%dma_wait3A_326 : memref<624x128xf32, #tpu.memory_space<hbm>>)
      tpu.yield
    }) : () -> ()
    %eq3A_308 = arith.constant 15 : i32
    %eq3A_309 = arith.cmpi eq, %arg1, %eq3A_308 : i32
    %convert_element_type3A_310 = arith.extui %eq3A_309 : i1 to i32
    %cond3A_311 = arith.constant 0 : i32
    %cond3A_312 = arith.cmpi ne, %convert_element_type3A_310, %cond3A_311 : i32
    scf.if %cond3A_312 {
      "tpu.region"() ({
        %run_scoped3A = tpu.sem_alloc : memref<!tpu.dma_semaphore, #tpu.memory_space<semaphore_mem>>
        %dma_start3A_313 = arith.constant 0 : i32
        %dma_start3A_314 = arith.constant 0 : i32
        %dma_start3A_315 = tpu.memref_slice %arg6[%arg0, %dma_start3A_313, %dma_start3A_314] : memref<2x10000x128xf32, #tpu.memory_space<hbm>> -> memref<1x10000x128xf32, #tpu.memory_space<hbm>>
        %dma_start3A_316 = tpu.memref_squeeze %dma_start3A_315 : memref<1x10000x128xf32, #tpu.memory_space<hbm>> -> memref<10000x128xf32, #tpu.memory_space<hbm>>
        %dma_start3A_317 = arith.constant 9984 : i32
        %dma_start3A_318 = arith.constant 0 : i32
        %dma_start3A_319 = tpu.memref_slice %dma_start3A_316[%dma_start3A_317, %dma_start3A_318] : memref<10000x128xf32, #tpu.memory_space<hbm>> -> memref<16x128xf32, #tpu.memory_space<hbm>>
        %dma_start3A_320 = arith.constant 9984 : i32
        %dma_start3A_321 = arith.constant 0 : i32
        %dma_start3A_322 = tpu.memref_slice %arg14[%dma_start3A_320, %dma_start3A_321] : memref<10000x128xf32, #tpu.memory_space<vmem_shared>> -> memref<16x128xf32, #tpu.memory_space<vmem_shared>>
        tpu.enqueue_dma source(%dma_start3A_322 : memref<16x128xf32, #tpu.memory_space<vmem_shared>>) target(%dma_start3A_319 : memref<16x128xf32, #tpu.memory_space<hbm>>) target_semaphore(%run_scoped3A : memref<!tpu.dma_semaphore, #tpu.memory_space<semaphore_mem>>)
        %dma_wait3A_323 = arith.constant 0 : i32
        %dma_wait3A_324 = arith.constant 0 : i32
        %dma_wait3A_325 = tpu.memref_slice %arg6[%arg0, %dma_wait3A_323, %dma_wait3A_324] : memref<2x10000x128xf32, #tpu.memory_space<hbm>> -> memref<1x10000x128xf32, #tpu.memory_space<hbm>>
        %dma_wait3A_326 = tpu.memref_squeeze %dma_wait3A_325 : memref<1x10000x128xf32, #tpu.memory_space<hbm>> -> memref<10000x128xf32, #tpu.memory_space<hbm>>
        %dma_wait3A_327 = arith.constant 9984 : i32
        %dma_wait3A_328 = arith.constant 0 : i32
        %dma_wait3A_329 = tpu.memref_slice %dma_wait3A_326[%dma_wait3A_327, %dma_wait3A_328] : memref<10000x128xf32, #tpu.memory_space<hbm>> -> memref<16x128xf32, #tpu.memory_space<hbm>>
        %dma_wait3A_330 = arith.constant 9984 : i32
        %dma_wait3A_331 = arith.constant 0 : i32
        %dma_wait3A_332 = tpu.memref_slice %arg14[%dma_wait3A_330, %dma_wait3A_331] : memref<10000x128xf32, #tpu.memory_space<vmem_shared>> -> memref<16x128xf32, #tpu.memory_space<vmem_shared>>
        tpu.wait_dma2 semaphore(%run_scoped3A : memref<!tpu.dma_semaphore, #tpu.memory_space<semaphore_mem>>) src(%dma_wait3A_332 : memref<16x128xf32, #tpu.memory_space<vmem_shared>>) dst(%dma_wait3A_329 : memref<16x128xf32, #tpu.memory_space<hbm>>)
        tpu.yield
      }) : () -> ()
    } else {
    }
    return
  }
}

module attributes {stable_mosaic.version = 14 : i64} {
  func.func @_tc_pre_body(%arg0: memref<10000x128xf32, #tpu.memory_space<vmem>>, %arg1: memref<128x128xf32, #tpu.memory_space<vmem>>, %arg2: memref<128x16xf32, #tpu.memory_space<vmem>>, %arg3: memref<128x16xf32, #tpu.memory_space<vmem>>, %arg4: memref<10000x128xf32, #tpu.memory_space<vmem>>, %arg5: memref<10000x16xf32, #tpu.memory_space<vmem>>, %arg6: memref<10000x16xf32, #tpu.memory_space<vmem>>) attributes {dimension_semantics = [], scalar_prefetch = 0 : i64, scratch_operands = 0 : i64, tpu.core_type = #tpu.core_type<tc>} {
    %get3A = arith.constant 0 : index
    %get3A_0 = arith.constant 0 : index
    %get3A_1 = vector.load %arg0[%get3A, %get3A_0] : memref<10000x128xf32, #tpu.memory_space<vmem>>, vector<10000x128xf32>
    %get3A_2 = arith.constant 0 : index
    %get3A_3 = arith.constant 0 : index
    %get3A_4 = vector.load %arg1[%get3A_2, %get3A_3] : memref<128x128xf32, #tpu.memory_space<vmem>>, vector<128x128xf32>
    %dot_general3A = arith.constant dense<0.000000e+00> : vector<10000x128xf32>
    %dot_general3A_5 = tpu.matmul %get3A_1, %get3A_4, %dot_general3A {dimension_numbers = #tpu.dot_dimension_numbers<[1], [0], [0], [1], [0, 0, 1, 1], [], []>, transpose_lhs_hint = false} : vector<10000x128xf32>, vector<128x128xf32>, vector<10000x128xf32> -> vector<10000x128xf32>
    %swap3A = arith.constant 0 : index
    %swap3A_6 = arith.constant 0 : index
    %swap3A_7 = vector.load %arg4[%swap3A, %swap3A_6] : memref<10000x128xf32, #tpu.memory_space<vmem>>, vector<10000x128xf32>
    tpu.vector_store %arg4[%swap3A, %swap3A_6], %dot_general3A_5 {strides = array<i32>} : memref<10000x128xf32, #tpu.memory_space<vmem>>, vector<10000x128xf32>,
    %get3A_8 = arith.constant 0 : index
    %get3A_9 = arith.constant 0 : index
    %get3A_10 = vector.load %arg2[%get3A_8, %get3A_9] : memref<128x16xf32, #tpu.memory_space<vmem>>, vector<128x16xf32>
    %dot_general3A_11 = arith.constant dense<0.000000e+00> : vector<10000x16xf32>
    %dot_general3A_12 = tpu.matmul %dot_general3A_5, %get3A_10, %dot_general3A_11 {dimension_numbers = #tpu.dot_dimension_numbers<[1], [0], [0], [1], [0, 0, 1, 1], [], []>, transpose_lhs_hint = false} : vector<10000x128xf32>, vector<128x16xf32>, vector<10000x16xf32> -> vector<10000x16xf32>
    %swap3A_13 = arith.constant 0 : index
    %swap3A_14 = arith.constant 0 : index
    %swap3A_15 = vector.load %arg5[%swap3A_13, %swap3A_14] : memref<10000x16xf32, #tpu.memory_space<vmem>>, vector<10000x16xf32>
    tpu.vector_store %arg5[%swap3A_13, %swap3A_14], %dot_general3A_12 {strides = array<i32>} : memref<10000x16xf32, #tpu.memory_space<vmem>>, vector<10000x16xf32>,
    %get3A_16 = arith.constant 0 : index
    %get3A_17 = arith.constant 0 : index
    %get3A_18 = vector.load %arg3[%get3A_16, %get3A_17] : memref<128x16xf32, #tpu.memory_space<vmem>>, vector<128x16xf32>
    %dot_general3A_19 = arith.constant dense<0.000000e+00> : vector<10000x16xf32>
    %dot_general3A_20 = tpu.matmul %dot_general3A_5, %get3A_18, %dot_general3A_19 {dimension_numbers = #tpu.dot_dimension_numbers<[1], [0], [0], [1], [0, 0, 1, 1], [], []>, transpose_lhs_hint = false} : vector<10000x128xf32>, vector<128x16xf32>, vector<10000x16xf32> -> vector<10000x16xf32>
    %swap3A_21 = arith.constant 0 : index
    %swap3A_22 = arith.constant 0 : index
    %swap3A_23 = vector.load %arg6[%swap3A_21, %swap3A_22] : memref<10000x16xf32, #tpu.memory_space<vmem>>, vector<10000x16xf32>
    tpu.vector_store %arg6[%swap3A_21, %swap3A_22], %dot_general3A_20 {strides = array<i32>} : memref<10000x16xf32, #tpu.memory_space<vmem>>, vector<10000x16xf32>,
    return
  }
}

module attributes {stable_mosaic.version = 14 : i64} {
  func.func @_tc_mid_body(%arg0: memref<10000x128xf32, #tpu.memory_space<vmem>>, %arg1: memref<10000x128xf32, #tpu.memory_space<vmem>>, %arg2: memref<10000x16xf32, #tpu.memory_space<vmem>>, %arg3: memref<10000x16xf32, #tpu.memory_space<vmem>>, %arg4: memref<10000x128xf32, #tpu.memory_space<vmem>>, %arg5: memref<10000x16xf32, #tpu.memory_space<vmem>>, %arg6: memref<16x128xf32, #tpu.memory_space<vmem>>, %arg7: memref<16x128xf32, #tpu.memory_space<vmem>>, %arg8: memref<1x128xf32, #tpu.memory_space<vmem>>, %arg9: memref<1x128xf32, #tpu.memory_space<vmem>>, %arg10: memref<1x128xf32, #tpu.memory_space<vmem>>, %arg11: memref<10000x128xf32, #tpu.memory_space<vmem>>) attributes {dimension_semantics = [], scalar_prefetch = 0 : i64, scratch_operands = 0 : i64, tpu.core_type = #tpu.core_type<tc>} {
    %get3A = arith.constant 0 : index
    %get3A_0 = arith.constant 0 : index
    %get3A_1 = vector.load %arg5[%get3A, %get3A_0] : memref<10000x16xf32, #tpu.memory_space<vmem>>, vector<10000x16xf32>
    %get3A_2 = arith.constant 0 : index
    %get3A_3 = arith.constant 0 : index
    %get3A_4 = vector.load %arg4[%get3A_2, %get3A_3] : memref<10000x128xf32, #tpu.memory_space<vmem>>, vector<10000x128xf32>
    %get3A_5 = arith.constant 0 : index
    %get3A_6 = arith.constant 0 : index
    %get3A_7 = vector.load %arg6[%get3A_5, %get3A_6] : memref<16x128xf32, #tpu.memory_space<vmem>>, vector<16x128xf32>
    %dot_general3A = arith.constant dense<0.000000e+00> : vector<10000x128xf32>
    %dot_general3A_8 = tpu.matmul %get3A_1, %get3A_7, %dot_general3A {dimension_numbers = #tpu.dot_dimension_numbers<[1], [0], [0], [1], [0, 0, 1, 1], [], []>, transpose_lhs_hint = false} : vector<10000x16xf32>, vector<16x128xf32>, vector<10000x128xf32> -> vector<10000x128xf32>
    %ge3A = arith.constant 0.000000e+00 : f32
    %ge3A_9 = vector.broadcast %ge3A : f32 to vector<10000x128xf32>
    %ge3A_10 = arith.cmpf oge, %dot_general3A_8, %ge3A_9 : vector<10000x128xf32>
    %mul3A = arith.constant 2.000000e-01 : f32
    %mul3A_11 = vector.broadcast %mul3A : f32 to vector<10000x128xf32>
    %mul3A_12 = arith.mulf %mul3A_11, %dot_general3A_8 : vector<10000x128xf32>
    %select_n3A = arith.select %ge3A_10, %dot_general3A_8, %mul3A_12 : vector<10000x128xi1>, vector<10000x128xf32>
    %exp3A = math.exp %select_n3A : vector<10000x128xf32>
    %get3A_13 = arith.constant 0 : index
    %get3A_14 = arith.constant 0 : index
    %get3A_15 = vector.load %arg2[%get3A_13, %get3A_14] : memref<10000x16xf32, #tpu.memory_space<vmem>>, vector<10000x16xf32>
    %get3A_16 = arith.constant 0 : index
    %get3A_17 = arith.constant 0 : index
    %get3A_18 = vector.load %arg3[%get3A_16, %get3A_17] : memref<10000x16xf32, #tpu.memory_space<vmem>>, vector<10000x16xf32>
    %add3A = arith.addf %get3A_15, %get3A_18 : vector<10000x16xf32>
    %get3A_19 = arith.constant 0 : index
    %get3A_20 = arith.constant 0 : index
    %get3A_21 = vector.load %arg7[%get3A_19, %get3A_20] : memref<16x128xf32, #tpu.memory_space<vmem>>, vector<16x128xf32>
    %dot_general3A_22 = arith.constant dense<0.000000e+00> : vector<10000x128xf32>
    %dot_general3A_23 = tpu.matmul %add3A, %get3A_21, %dot_general3A_22 {dimension_numbers = #tpu.dot_dimension_numbers<[1], [0], [0], [1], [0, 0, 1, 1], [], []>, transpose_lhs_hint = false} : vector<10000x16xf32>, vector<16x128xf32>, vector<10000x128xf32> -> vector<10000x128xf32>
    %add3A_24 = arith.addf %dot_general3A_23, %exp3A : vector<10000x128xf32>
    %get3A_25 = arith.constant 0 : index
    %get3A_26 = arith.constant 0 : index
    %get3A_27 = vector.load %arg0[%get3A_25, %get3A_26] : memref<10000x128xf32, #tpu.memory_space<vmem>>, vector<10000x128xf32>
    %get3A_28 = arith.constant 0 : index
    %get3A_29 = arith.constant 0 : index
    %get3A_30 = vector.load %arg1[%get3A_28, %get3A_29] : memref<10000x128xf32, #tpu.memory_space<vmem>>, vector<10000x128xf32>
    %add3A_31 = arith.addf %get3A_27, %get3A_30 : vector<10000x128xf32>
    %mul3A_32 = arith.mulf %exp3A, %get3A_4 : vector<10000x128xf32>
    %add3A_33 = arith.addf %add3A_31, %mul3A_32 : vector<10000x128xf32>
    %add3A_34 = arith.constant 1.000000e-16 : f32
    %add3A_35 = vector.broadcast %add3A_34 : f32 to vector<10000x128xf32>
    %add3A_36 = arith.addf %add3A_24, %add3A_35 : vector<10000x128xf32>
    %div3A = arith.divf %add3A_33, %add3A_36 : vector<10000x128xf32>
    %get3A_37 = arith.constant 0 : index
    %get3A_38 = arith.constant 0 : index
    %get3A_39 = vector.load %arg8[%get3A_37, %get3A_38] : memref<1x128xf32, #tpu.memory_space<vmem>>, vector<1x128xf32>
    %add3A_40 = vector.broadcast %get3A_39 : vector<1x128xf32> to vector<10000x128xf32>
    %add3A_41 = arith.addf %div3A, %add3A_40 : vector<10000x128xf32>
    %reduce_sum3A = arith.constant dense<0.000000e+00> : vector<128xf32>
    %reduce_sum3A_42 = vector.multi_reduction <add>, %add3A_41, %reduce_sum3A [0] : vector<10000x128xf32> to vector<128xf32>
    %broadcast_in_dim3A = vector.shape_cast %reduce_sum3A_42 : vector<128xf32> to vector<1x128xf32>
    %div3A_43 = arith.constant 1.000000e+04 : f32
    %div3A_44 = vector.broadcast %div3A_43 : f32 to vector<1x128xf32>
    %div3A_45 = arith.divf %broadcast_in_dim3A, %div3A_44 : vector<1x128xf32>
    %mul3A_46 = arith.mulf %add3A_41, %add3A_41 : vector<10000x128xf32>
    %reduce_sum3A_47 = arith.constant dense<0.000000e+00> : vector<128xf32>
    %reduce_sum3A_48 = vector.multi_reduction <add>, %mul3A_46, %reduce_sum3A_47 [0] : vector<10000x128xf32> to vector<128xf32>
    %broadcast_in_dim3A_49 = vector.shape_cast %reduce_sum3A_48 : vector<128xf32> to vector<1x128xf32>
    %div3A_50 = arith.constant 1.000000e+04 : f32
    %div3A_51 = vector.broadcast %div3A_50 : f32 to vector<1x128xf32>
    %div3A_52 = arith.divf %broadcast_in_dim3A_49, %div3A_51 : vector<1x128xf32>
    %mul3A_53 = arith.mulf %div3A_45, %div3A_45 : vector<1x128xf32>
    %sub3A = arith.subf %div3A_52, %mul3A_53 : vector<1x128xf32>
    %sub3A_54 = vector.broadcast %div3A_45 : vector<1x128xf32> to vector<10000x128xf32>
    %sub3A_55 = arith.subf %add3A_41, %sub3A_54 : vector<10000x128xf32>
    %add3A_56 = arith.constant 9.99999974E-6 : f32
    %add3A_57 = vector.broadcast %add3A_56 : f32 to vector<1x128xf32>
    %add3A_58 = arith.addf %sub3A, %add3A_57 : vector<1x128xf32>
    %sqrt3A = math.sqrt %add3A_58 : vector<1x128xf32>
    %div3A_59 = vector.broadcast %sqrt3A : vector<1x128xf32> to vector<10000x128xf32>
    %div3A_60 = arith.divf %sub3A_55, %div3A_59 : vector<10000x128xf32>
    %get3A_61 = arith.constant 0 : index
    %get3A_62 = arith.constant 0 : index
    %get3A_63 = vector.load %arg9[%get3A_61, %get3A_62] : memref<1x128xf32, #tpu.memory_space<vmem>>, vector<1x128xf32>
    %mul3A_64 = vector.broadcast %get3A_63 : vector<1x128xf32> to vector<10000x128xf32>
    %mul3A_65 = arith.mulf %div3A_60, %mul3A_64 : vector<10000x128xf32>
    %get3A_66 = arith.constant 0 : index
    %get3A_67 = arith.constant 0 : index
    %get3A_68 = vector.load %arg10[%get3A_66, %get3A_67] : memref<1x128xf32, #tpu.memory_space<vmem>>, vector<1x128xf32>
    %add3A_69 = vector.broadcast %get3A_68 : vector<1x128xf32> to vector<10000x128xf32>
    %add3A_70 = arith.addf %mul3A_65, %add3A_69 : vector<10000x128xf32>
    %gt3A = arith.constant 0.000000e+00 : f32
    %gt3A_71 = vector.broadcast %gt3A : f32 to vector<10000x128xf32>
    %gt3A_72 = arith.cmpf ogt, %add3A_70, %gt3A_71 : vector<10000x128xf32>
    %min3A = arith.constant 0.000000e+00 : f32
    %min3A_73 = vector.broadcast %min3A : f32 to vector<10000x128xf32>
    %min3A_74 = arith.minimumf %add3A_70, %min3A_73 : vector<10000x128xf32>
    %exp3A_75 = math.exp %min3A_74 : vector<10000x128xf32>
    %sub3A_76 = arith.constant 1.000000e+00 : f32
    %sub3A_77 = vector.broadcast %sub3A_76 : f32 to vector<10000x128xf32>
    %sub3A_78 = arith.subf %exp3A_75, %sub3A_77 : vector<10000x128xf32>
    %select_n3A_79 = arith.select %gt3A_72, %add3A_70, %sub3A_78 : vector<10000x128xi1>, vector<10000x128xf32>
    %swap3A = arith.constant 0 : index
    %swap3A_80 = arith.constant 0 : index
    %swap3A_81 = vector.load %arg11[%swap3A, %swap3A_80] : memref<10000x128xf32, #tpu.memory_space<vmem>>, vector<10000x128xf32>
    tpu.vector_store %arg11[%swap3A, %swap3A_80], %select_n3A_79 {strides = array<i32>} : memref<10000x128xf32, #tpu.memory_space<vmem>>, vector<10000x128xf32>,
    return
  }
}

module attributes {stable_mosaic.version = 14 : i64} {
  func.func @_tc_post_body(%arg0: memref<10000x128xf32, #tpu.memory_space<vmem>>, %arg1: memref<10000x128xf32, #tpu.memory_space<vmem>>, %arg2: memref<10000x128xf32, #tpu.memory_space<vmem>>, %arg3: memref<1x1xf32, #tpu.memory_space<vmem>>, %arg4: memref<128x128xf32, #tpu.memory_space<vmem>>, %arg5: memref<1x128xf32, #tpu.memory_space<vmem>>, %arg6: memref<1x128xf32, #tpu.memory_space<vmem>>, %arg7: memref<1x128xf32, #tpu.memory_space<vmem>>, %arg8: memref<10000x128xf32, #tpu.memory_space<vmem>>) attributes {dimension_semantics = [], scalar_prefetch = 0 : i64, scratch_operands = 0 : i64, tpu.core_type = #tpu.core_type<tc>} {
    %get3A = arith.constant 0 : index
    %get3A_0 = arith.constant 0 : index
    %get3A_1 = vector.load %arg3[%get3A, %get3A_0] : memref<1x1xf32, #tpu.memory_space<vmem>>, vector<1x1xf32>
    %get3A_2 = vector.extract %get3A_1[0, 0] : f32 from vector<1x1xf32>
    %add3A = arith.constant 1.000000e+00 : f32
    %add3A_3 = arith.addf %add3A, %get3A_2 : f32
    %get3A_4 = arith.constant 0 : index
    %get3A_5 = arith.constant 0 : index
    %get3A_6 = vector.load %arg0[%get3A_4, %get3A_5] : memref<10000x128xf32, #tpu.memory_space<vmem>>, vector<10000x128xf32>
    %mul3A = vector.broadcast %add3A_3 : f32 to vector<10000x128xf32>
    %mul3A_7 = arith.mulf %mul3A, %get3A_6 : vector<10000x128xf32>
    %get3A_8 = arith.constant 0 : index
    %get3A_9 = arith.constant 0 : index
    %get3A_10 = vector.load %arg1[%get3A_8, %get3A_9] : memref<10000x128xf32, #tpu.memory_space<vmem>>, vector<10000x128xf32>
    %add3A_11 = arith.addf %mul3A_7, %get3A_10 : vector<10000x128xf32>
    %get3A_12 = arith.constant 0 : index
    %get3A_13 = arith.constant 0 : index
    %get3A_14 = vector.load %arg2[%get3A_12, %get3A_13] : memref<10000x128xf32, #tpu.memory_space<vmem>>, vector<10000x128xf32>
    %add3A_15 = arith.addf %add3A_11, %get3A_14 : vector<10000x128xf32>
    %get3A_16 = arith.constant 0 : index
    %get3A_17 = arith.constant 0 : index
    %get3A_18 = vector.load %arg4[%get3A_16, %get3A_17] : memref<128x128xf32, #tpu.memory_space<vmem>>, vector<128x128xf32>
    %dot_general3A = arith.constant dense<0.000000e+00> : vector<10000x128xf32>
    %dot_general3A_19 = tpu.matmul %add3A_15, %get3A_18, %dot_general3A {dimension_numbers = #tpu.dot_dimension_numbers<[1], [0], [0], [1], [0, 0, 1, 1], [], []>, transpose_lhs_hint = false} : vector<10000x128xf32>, vector<128x128xf32>, vector<10000x128xf32> -> vector<10000x128xf32>
    %get3A_20 = arith.constant 0 : index
    %get3A_21 = arith.constant 0 : index
    %get3A_22 = vector.load %arg5[%get3A_20, %get3A_21] : memref<1x128xf32, #tpu.memory_space<vmem>>, vector<1x128xf32>
    %add3A_23 = vector.broadcast %get3A_22 : vector<1x128xf32> to vector<10000x128xf32>
    %add3A_24 = arith.addf %dot_general3A_19, %add3A_23 : vector<10000x128xf32>
    %reduce_sum3A = arith.constant dense<0.000000e+00> : vector<128xf32>
    %reduce_sum3A_25 = vector.multi_reduction <add>, %add3A_24, %reduce_sum3A [0] : vector<10000x128xf32> to vector<128xf32>
    %broadcast_in_dim3A = vector.shape_cast %reduce_sum3A_25 : vector<128xf32> to vector<1x128xf32>
    %div3A = arith.constant 1.000000e+04 : f32
    %div3A_26 = vector.broadcast %div3A : f32 to vector<1x128xf32>
    %div3A_27 = arith.divf %broadcast_in_dim3A, %div3A_26 : vector<1x128xf32>
    %mul3A_28 = arith.mulf %add3A_24, %add3A_24 : vector<10000x128xf32>
    %reduce_sum3A_29 = arith.constant dense<0.000000e+00> : vector<128xf32>
    %reduce_sum3A_30 = vector.multi_reduction <add>, %mul3A_28, %reduce_sum3A_29 [0] : vector<10000x128xf32> to vector<128xf32>
    %broadcast_in_dim3A_31 = vector.shape_cast %reduce_sum3A_30 : vector<128xf32> to vector<1x128xf32>
    %div3A_32 = arith.constant 1.000000e+04 : f32
    %div3A_33 = vector.broadcast %div3A_32 : f32 to vector<1x128xf32>
    %div3A_34 = arith.divf %broadcast_in_dim3A_31, %div3A_33 : vector<1x128xf32>
    %mul3A_35 = arith.mulf %div3A_27, %div3A_27 : vector<1x128xf32>
    %sub3A = arith.subf %div3A_34, %mul3A_35 : vector<1x128xf32>
    %sub3A_36 = vector.broadcast %div3A_27 : vector<1x128xf32> to vector<10000x128xf32>
    %sub3A_37 = arith.subf %add3A_24, %sub3A_36 : vector<10000x128xf32>
    %add3A_38 = arith.constant 9.99999974E-6 : f32
    %add3A_39 = vector.broadcast %add3A_38 : f32 to vector<1x128xf32>
    %add3A_40 = arith.addf %sub3A, %add3A_39 : vector<1x128xf32>
    %sqrt3A = math.sqrt %add3A_40 : vector<1x128xf32>
    %div3A_41 = vector.broadcast %sqrt3A : vector<1x128xf32> to vector<10000x128xf32>
    %div3A_42 = arith.divf %sub3A_37, %div3A_41 : vector<10000x128xf32>
    %get3A_43 = arith.constant 0 : index
    %get3A_44 = arith.constant 0 : index
    %get3A_45 = vector.load %arg6[%get3A_43, %get3A_44] : memref<1x128xf32, #tpu.memory_space<vmem>>, vector<1x128xf32>
    %mul3A_46 = vector.broadcast %get3A_45 : vector<1x128xf32> to vector<10000x128xf32>
    %mul3A_47 = arith.mulf %div3A_42, %mul3A_46 : vector<10000x128xf32>
    %get3A_48 = arith.constant 0 : index
    %get3A_49 = arith.constant 0 : index
    %get3A_50 = vector.load %arg7[%get3A_48, %get3A_49] : memref<1x128xf32, #tpu.memory_space<vmem>>, vector<1x128xf32>
    %add3A_51 = vector.broadcast %get3A_50 : vector<1x128xf32> to vector<10000x128xf32>
    %add3A_52 = arith.addf %mul3A_47, %add3A_51 : vector<10000x128xf32>
    %gt3A = arith.constant 0.000000e+00 : f32
    %gt3A_53 = vector.broadcast %gt3A : f32 to vector<10000x128xf32>
    %gt3A_54 = arith.cmpf ogt, %add3A_52, %gt3A_53 : vector<10000x128xf32>
    %min3A = arith.constant 0.000000e+00 : f32
    %min3A_55 = vector.broadcast %min3A : f32 to vector<10000x128xf32>
    %min3A_56 = arith.minimumf %add3A_52, %min3A_55 : vector<10000x128xf32>
    %exp3A = math.exp %min3A_56 : vector<10000x128xf32>
    %sub3A_57 = arith.constant 1.000000e+00 : f32
    %sub3A_58 = vector.broadcast %sub3A_57 : f32 to vector<10000x128xf32>
    %sub3A_59 = arith.subf %exp3A, %sub3A_58 : vector<10000x128xf32>
    %select_n3A = arith.select %gt3A_54, %add3A_52, %sub3A_59 : vector<10000x128xi1>, vector<10000x128xf32>
    %swap3A = arith.constant 0 : index
    %swap3A_60 = arith.constant 0 : index
    %swap3A_61 = vector.load %arg8[%swap3A, %swap3A_60] : memref<10000x128xf32, #tpu.memory_space<vmem>>, vector<10000x128xf32>
    tpu.vector_store %arg8[%swap3A, %swap3A_60], %select_n3A {strides = array<i32>} : memref<10000x128xf32, #tpu.memory_space<vmem>>, vector<10000x128xf32>,
    return
  }
}

</mosaic_0001>

<sc_bundles>
// kernel: kernel.10.cloned.1.call-start
scs
__scs_entry_jumppad:
0x0: {  	(pc) =	sbr.rel $0x88, $3  }
0x1: {  	(tag) =	ssettag $0x0;
	lr =	simm.s32 $0x1  }
0x2: {  	[smem:$0x3F94] =	sst lr;
	_ =	strace $0xD0000000  }
0x3: {  	_ = 	snop  }
0x4: {  	_ = 	snop  }
0x5: {  	_ = 	snop  }
0x6: {  	_ = 	snop  }
0x7: {  	_ = 	snop  }
__scs_overlays_trampoline_lowered:
0x8: {  	[smem:$0x3FA3] =	sst s0  }
0x9: {  	[smem:$0x3FA4] =	sst s1  }
0xa: {  	[smem:$0x3FA5] =	sst s2  }
0xb: {  	[smem:$0x3FA6] =	sst s3  }
0xc: {  	[smem:$0x3FA7] =	sst s4  }
0xd: {  	[smem:$0x3FA8] =	sst s5  }
0xe: {  	[smem:$0x3FA9] =	sst s6  }
0xf: {  	[smem:$0x3FAA] =	sst s7  }
0x10: {  	[smem:$0x3FAB] =	sst s8  }
0x11: {  	[smem:$0x3FAC] =	sst s9;
	s0 =	simm.s32 @!p0 $0x0  }
0x12: {  	s1 =	sld [smem:$0x3F92];
	s0 =	simm.s32 @p0 $0x1  }
0x13: {  	[smem:$0x3FAD] =	sst s0;
	s0 =	simm.s32 @!p1 $0x0  }
0x14: {  	s2 =	sld [smem:$0x3F91];
	s0 =	simm.s32 @p1 $0x1  }
0x15: {  	[smem:$0x3FAE] =	sst s0;
	s0 =	simm.s32 @!p2 $0x0  }
0x16: {  	s3 =	sld [smem:$0x3FDB];
	s0 =	simm.s32 @p2 $0x1  }
0x17: {  	s4 =	simm.s32 $0x1BF5;
	[smem:$0x3FB0] =	sst s0  }
0x18: {  	s0 =	sld [smem:$0x3F93];
	_ =	swait.ge [sflag:s4], $0x0  }
0x19: {  	s7 =	sld [smem:$0x3F94]  }
0x1a: {  	s8 =	sadd.s32 $0xFFFFE003, lr  }
0x1b: {  	s9 =	sadd.s32 $0xFFFFFEF7, lr;
	s5 =	simm.s32 $0xFFFFFFFF;
	p2 =	slt.u32 s8, $0xFFFFF086  }
0x1c: {  	p1 =	slt.u32 s9, $0xF7A;
	s5 =	simm.s32 @!p2 $0x0  }
0x1d: {  	s5 =	simm.s32 @p1 $0x1;
	p0 =	seq.s32 s7, s2  }
0x1e: {  	s7 =	smul.u32 @!p0 $0xF7A, s2;
	p2 =	seq.s32 @!p0 s5, $0x0  }
0x1f: {  	s9 =	smul.u32 $0xF7A, s1;
	s8 =	simm.s32 @!p0 $0x1BF5;
	p2 =	por !p2, p0  }
0x20: {  	[sflag:s8] =	ssyncset.s32 @!p0 $0xFFFFF086;
	s6 =	sadd.s32 @!p0 s3, s7;
	s7 =	simm.s32 @!p0 $0x108  }
0x21: {  	s3 =	sadd.s32 s3, s9;
	s6 =	sadd.s32 @!p0 $0x88, s6;
	s7 =	simm.s32 @p2 $0x1082  }
0x22: {  	[simem:s7], [sflag:s8] =	dma.local @!p0 [hbm:s6], $0xF7A  }
0x23: {  	s9 =	sor.u32 $0xD0000000, s2;
	s6 =	simm.s32 $0x108;
	_ =	swait.ge @!p0 [sflag:s8], $0x0  }
0x24: {  	s3 =	sadd.s32 $0x88, s3;
	s6 =	simm.s32 @!p1 $0x1082;
	[sflag:s4] =	ssyncset.s32 $0xFFFFF086  }
0x25: {  	[simem:s6], [sflag:s4] =	dma.local [hbm:s3], $0xF7A  }
0x26: {  	[smem:$0x3F94] =	sst s1;
	(tag) =	ssettag s2;
	_ =	strace s9  }
0x27: {  	s1 =	sld [smem:$0x3FA4]  }
0x28: {  	s2 =	sld [smem:$0x3FA5]  }
0x29: {  	s4 =	sld [smem:$0x3FA7]  }
0x2a: {  	p0 =	seq.s32 s5, $0x0;
	s5 =	sld [smem:$0x3FA8]  }
0x2b: {  	s6 =	sld [smem:$0x3FA9]  }
0x2c: {  	s7 =	sld [smem:$0x3FAA]  }
0x2d: {  	s3 =	simm.s32 $0x108;
	s8 =	sld [smem:$0x3FAB]  }
0x2e: {  	s3 =	simm.s32 @!p0 $0x1082;
	s9 =	sld [smem:$0x3FAC]  }
0x2f: {  	lr =	sadd.s32 s0, s3;
	s0 =	sld [smem:$0x3FA3]  }
0x30: {  	s3 =	sld [smem:$0x3FA6]  }
0x31: {  	[smem:$0x3FAF] =	sst s10  }
0x32: {  	s10 =	sld [smem:$0x3FAD];
	_ =	sdelay $0x3  }
0x33: {  	p0 =	seq.s32 s10, $0x1;
	s10 =	sld [smem:$0x3FAF];
	_ =	sdelay $0x3  }
0x34: {  	[smem:$0x3FAF] =	sst s10  }
0x35: {  	s10 =	sld [smem:$0x3FAE];
	_ =	sdelay $0x3  }
0x36: {  	p1 =	seq.s32 s10, $0x1;
	s10 =	sld [smem:$0x3FAF];
	_ =	sdelay $0x3  }
0x37: {  	[smem:$0x3FAF] =	sst s10  }
0x38: {  	s10 =	sld [smem:$0x3FB0]  }
0x39: {  	_ = 	snop;
	(pc) =	sbr.ind lr, $3  }
0x3a: {  	_ = 	snop  }
0x3b: {  	_ = 	snop  }
0x3c: {  	p2 =	seq.s32 s10, $0x1;
	s10 =	sld [smem:$0x3FAF]  }
0x3d: {  	_ =	shalt  }
0x3e: {  	_ =	shalt  }
0x3f: {  	_ =	shalt  }
0x40: {  	_ =	shalt  }
0x41: {  	_ =	shalt  }
0x42: {  	_ =	shalt  }
0x43: {  	_ =	shalt  }
0x44: {  	_ =	shalt  }
0x45: {  	_ =	shalt  }
0x46: {  	_ =	shalt  }
0x47: {  	_ =	shalt  }
0x48: {  	_ =	shalt  }
0x49: {  	_ =	shalt  }
0x4a: {  	_ =	shalt  }
0x4b: {  	_ =	shalt  }
0x4c: {  	_ =	shalt  }
0x4d: {  	_ =	shalt  }
0x4e: {  	_ =	shalt  }
0x4f: {  	_ =	shalt  }
0x50: {  	_ =	shalt  }
0x51: {  	_ =	shalt  }
0x52: {  	_ =	shalt  }
0x53: {  	_ =	shalt  }
0x54: {  	_ =	shalt  }
0x55: {  	_ =	shalt  }
0x56: {  	_ =	shalt  }
0x57: {  	_ =	shalt  }
0x58: {  	_ =	shalt  }
0x59: {  	_ =	shalt  }
0x5a: {  	_ =	shalt  }
0x5b: {  	_ =	shalt  }
0x5c: {  	_ =	shalt  }
0x5d: {  	_ =	shalt  }
0x5e: {  	_ =	shalt  }
0x5f: {  	_ =	shalt  }
0x60: {  	_ =	shalt  }
0x61: {  	_ =	shalt  }
0x62: {  	_ =	shalt  }
0x63: {  	_ =	shalt  }
0x64: {  	_ =	shalt  }
0x65: {  	_ =	shalt  }
0x66: {  	_ =	shalt  }
0x67: {  	_ =	shalt  }
0x68: {  	_ =	shalt  }
0x69: {  	_ =	shalt  }
0x6a: {  	_ =	shalt  }
0x6b: {  	_ =	shalt  }
0x6c: {  	_ =	shalt  }
0x6d: {  	_ =	shalt  }
0x6e: {  	_ =	shalt  }
0x6f: {  	_ =	shalt  }
0x70: {  	_ =	shalt  }
0x71: {  	_ =	shalt  }
0x72: {  	_ =	shalt  }
0x73: {  	_ =	shalt  }
0x74: {  	_ =	shalt  }
0x75: {  	_ =	shalt  }
0x76: {  	_ =	shalt  }
0x77: {  	_ =	shalt  }
0x78: {  	_ =	shalt  }
0x79: {  	_ =	shalt  }
0x7a: {  	_ =	shalt  }
0x7b: {  	_ =	shalt  }
0x7c: {  	_ =	shalt  }
0x7d: {  	_ =	shalt  }
0x7e: {  	_ =	shalt  }
0x7f: {  	_ =	shalt  }
0x80: {  	_ =	shalt  }
0x81: {  	_ =	shalt  }
0x82: {  	_ =	shalt  }
0x83: {  	_ =	shalt  }
0x84: {  	_ =	shalt  }
0x85: {  	_ =	shalt  }
0x86: {  	_ =	shalt  }
0x87: {  	_ =	shalt  }
.Lfunc_end0:
.L_simem_size_0:
called_computation.1_lowered:
.L_overlay_start_0:
0x88: {  	s2 =	sld [smem:$0x3FD9]  }
0x89: {  	s3 =	sld [smem:$0x3FFE];
	_ =	sdelay $0x1  }
0x8a: {  	s1 =	srdreg.scid  }
0x8b: {  	s0 =	sand.u32 $0x1, s1  }
0x8c: {  	s17 =	sshll.u32 s0, $0xA;
	s2 =	sadd.s32 s3, s2  }
0x8d: {  	s2 =	sadd.s32 s2, s17  }
0x8e: {  	[smem:$0x3FBB] =	sst s2  }
0x8f: {  	_ = 	snop  }
0x90: {  	s2 =	sld [smem:$0x3FD0];
	(tm) =	ssettm $0x1  }
0x91: {  	s18 =	sld [smem:$0x3FFB];
	_ =	sdelay $0x3  }
0x92: {  	_ =	strace s18  }
0x93: {  	s3 =	sld [smem:$0x3FFC];
	_ =	sdelay $0x3  }
0x94: {  	_ =	strace s3  }
0x95: {  	s3 =	sld [smem:$0x3FFD];
	_ =	sdelay $0x3  }
0x96: {  	_ =	strace s3  }
0x97: {  	_ =	strace $0x8FFFFFFF  }
0x98: {  	s19 =	sld [smem:$0x3FDB];
	_ =	sdelay $0x1  }
0x99: {  	s4 =	simm.s32 $_scs_section_size  }
0x9a: {  	s5 =	simm.s32 $_size__tile_overlayer_lowered;
	s6 =	simm.s32 $_tile_overlayer_lowered  }
0x9b: {  	s22 =	simm.s32 $0x1BFF;
	s21 =	sshll.u32 s6, $0x1;
	s3 =	sadd.s32 s4, s19  }
0x9c: {  	s7 =	simm.s32 $0x0;
	s20 =	sshll.u32 s5, $0x1;
	s5 =	sadd.s32 s21, s3  }
0x9d: {  	[timem:s7], [sflag:s22] =	dma.local [hbm:s5], s20  }
0x9e: {  	_ =	swait.ge [sflag:s22], s20  }
0x9f: {  	s4 =	ssub.s32 $0x0, s20;
	[sflag:s22] =	ssyncset.done $0x0  }
0xa0: {  	[sflag:s22] =	ssyncadd.s32 s4;
	_ =	sdelay $0x1  }
0xa1: {  	s23 =	simm.s32 $0x1B8B  }
0xa2: {  	_ =	swait.ge [sflag:s23], $0x1  }
0xa3: {  	[sflag:s23] =	ssyncset.done $0x0  }
0xa4: {  	s25 =	simm.s32 $0x1B8E;
	s24 =	sld [smem:$0x3FFE];
	[sflag:s23] =	ssyncadd.s32 $0xFFFFFFFF  }
0xa5: {  	s26 =	simm.s32 $execute0_lowered;
	[smem:$0x3FD2] =	sst s25  }
0xa6: {  	s5 =	sshll.u32 s26, $0x1;
	_ =	strace $0x80000049;
	[dreg:$0x1] =	wrdreg $0xFFFFFFFF  }
0xa7: {  	s28 =	simm.s32 $_size_execute0_lowered;
	s3 =	sadd.s32 s3, s5;
	[dreg:$0x0] =	wrdreg $0x0  }
0xa8: {  	s5 =	sshll.u32 s28, $0x1;
	[dreg:$0x2] =	wrdreg s3  }
0xa9: {  	[dreg:$0x3] =	wrdreg s5  }
0xaa: {  	[dreg:$0x4] =	wrdreg $0xC0  }
0xab: {  	_ =	task [dreg:s7], $0x5FFFF  }
0xac: {  	[dreg:$0x1] =	wrdreg $0xFFFFFFFF  }
0xad: {  	[dreg:$0x0] =	wrdreg $0x60  }
0xae: {  	[dreg:$0x2] =	wrdreg s2  }
0xaf: {  	[dreg:$0x3] =	wrdreg s24  }
0xb0: {  	[dreg:$0x4] =	wrdreg $0xA0000  }
0xb1: {  	[dreg:$0x5] =	wrdreg $0x9  }
0xb2: {  	_ =	task.clear_ibuf [dreg:s7], $0x6FFFF;
	_ =	strace $0x90000049  }
0xb3: {  	s29 =	simm.s32 $0x9;
	_ =	strace $0x8000004B  }
0xb4: {  	_ =	swait.ge [sflag:s29], $0x1  }
0xb5: {  	[sflag:s29] =	ssyncadd.s32 $0xFFFFFFFF  }
0xb6: {  	_ =	strace $0x9000004B  }
0xb7: {  	_ =	sfence  }
0xb8: {  	s30 =	sld [smem:$0x0];
	_ =	sdelay $0x2  }
0xb9: {  	s31 =	sshll.u32 s1, $0xD;
	s1 =	sshrl.u32 s1, $0x2  }
0xba: {  	s3 =	sand.u32 $0x4000, s31;
	s1 =	sadd.s32 s1, s30  }
0xbb: {  	s0 =	sor.u32 s3, s0;
	s1 =	sshll.u32 s1, $0x11  }
0xbc: {  	s0 =	sor.u32 s1, s0  }
0xbd: {  	s0 =	sadd.s32 $0x8F2B, s0  }
0xbe: {  	[sflag:s0] =	ssyncadd.remote.s32 $0x1  }
0xbf: {  	_ =	sfence.sel $0xFFFF  }
0xc0: {  	[dreg:$0x0] =	wrdreg $0xFFFFFFFF;
	(pc) =	sbr.abs _section_cstart, $3  }
0xc1: {  	[dreg:$0x1] =	wrdreg $0xFFFFFFFF  }
0xc2: {  	_ =	task.clear_ibuf [dreg:s7], $0x2FFFF;
	_ =	strace $0x9FFFFFFF  }
0xc3: {  	(tm) =	ssettm $0x7FFFFFFF  }
tec
execute0_lowered:
.L_overlay_start_1:
0x0: {  	(tag) =	ssettag $0x1  }
0x1: {  	s0 =	rddreg [dreg:$0x0]  }
0x2: {  	s1 =	srdreg.scid;
	s2 =	rddreg [dreg:$0x1]  }
0x3: {  	s3 =	rddreg [dreg:$0x2];
	s13 =	stileid.u32  }
0x4: {  	s4 =	simm.s32 $0x0;
	s28 =	simm.s32 $0x1;
	s29 =	simm.s32 $0x50  }
0x5: {  	s30 =	simm.s32 $0x2800;
	s31 =	simm.s32 $0x2760;
	s1 =	sand.u32 $0x1, s1  }
0x6: {  	[smem:$0x7FF] =	sst s4;
	s6 =	smul.u32 $0x13800, s13;
	s7 =	sadd.s32 $0x3E000, s2  }
0x7: {  	s14 =	sadd.s32 $0x138000, s3;
	s18 =	smul.u32 $0x2710, s13;
	p0 =	sne.s32 s13, $0xF  }
0x8: {  	s5 =	sshll.u32 s1, $0x4;
	_ =	strace $0x8000004A;
	s9 =	smul.u32 $0x27100, s1  }
0x9: {  	s1 =	ssub.s32 $0x2, s1;
	[dreg:$0x7] =	wrdreg s14;
	s5 =	sor.u32 s13, s5  }
0xa: {  	s8 =	sshrl.u32 s6, $0x3;
	s12 =	sshrl.u32 s1, $0x1;
	s6 =	sadd.s32 s6, s3  }
0xb: {  	s5 =	smul.u32 $0x2710, s5;
	[dreg:$0x4] =	wrdreg s8;
	s8 =	sadd.s32 s8, s2  }
0xc: {  	s11 =	sadd.s32 s9, s2;
	[dreg:$0x5] =	wrdreg s6;
	s8 =	sadd.s32 $0x47E00, s8  }
0xd: {  	s1 =	ssub.s32 s1, s12;
	s23 =	sadd.s32 $0x6F000, s11;
	[dreg:$0x6] =	wrdreg s8  }
0xe: {  	s1 =	smax.u32 s1, $0x1;
	s5 =	sshrl.u32 s5, $0x3;
	[dreg:$0x12] =	wrdreg s23  }
0xf: {  	[dreg:$0x13] =	wrdreg s1;
	s10 =	sadd.s32 s5, s2;
	s2 =	sadd.s32 $0x6EE00, s2  }
0x10: {  	s14 =	simm.s32 $0x8;
	s5 =	sadd.s32 s7, s5;
	[dreg:$0x8] =	wrdreg s2  }
0x11: {  	s12 =	sshll.u32 s13, $0x6;
	s15 =	sadd.s32 $0x34200, s10;
	[dreg:$0xa] =	wrdreg s5  }
0x12: {  	s6 =	simm.s32 $0x4;
	s16 =	sadd.s32 $0xA, s5;
	[dreg:$0x9] =	wrdreg s15  }
0x13: {  	s13 =	simm.s32 $0x7;
	s17 =	sadd.s32 $0x14, s5;
	[dreg:$0xb] =	wrdreg s16  }
0x14: {  	s11 =	simm.s32 $0x6;
	s19 =	sadd.s32 $0x1E, s5;
	[dreg:$0xc] =	wrdreg s17  }
0x15: {  	s8 =	sor.u32 $0x1C0A, s12;
	s20 =	sadd.s32 $0x28, s5;
	[dreg:$0xd] =	wrdreg s19  }
0x16: {  	s21 =	sadd.s32 $0x32, s5;
	s22 =	sadd.s32 $0x4CE, s5;
	[dreg:$0xe] =	wrdreg s20  }
0x17: {  	s5 =	sadd.s32 $0x4D8, s5;
	s2 =	sadd.s32 s18, s9;
	[dreg:$0xf] =	wrdreg s21  }
0x18: {  	s9 =	simm.s32 $0x3;
	s10 =	simm.s32 $0x7800;
	[dreg:$0x10] =	wrdreg s22  }
0x19: {  	[dreg:$0x11] =	wrdreg s5;
	s24 =	sadd.s32 $0x280, s2;
	s25 =	sadd.s32 $0x230, s2  }
0x1a: {  	s2 =	sadd.s32 $0x1E0, s2;
	s5 =	simm.s32 $0x5;
	s15 =	simm.s32 $0x9  }
0x1b: {  	s16 =	simm.s32 $0x0;
	s1 =	sshrl.u32 s24, $0x3;
	s26 =	sshrl.u32 s25, $0x3  }
0x1c: {  	s2 =	sshrl.u32 s2, $0x3;
	s25 =	simm.s32 $0xA;
	s22 =	sadd.s32 s1, s7  }
0x1d: {  	s23 =	sadd.s32 s26, s7;
	s24 =	sadd.s32 s2, s7;
	s26 =	simm.s32 $0x2710  }
0x1e: {  	s1 =	simm.s32 $0x27B0;
	s2 =	simm.s32 $0x2;
	s7 =	simm.s32 $0x5000  }
.LBB2_1:
0x1f: {  	s12 =	rddreg [dreg:$0x5]  }
0x20: {  	s20 =	rddreg [dreg:$0x6];
	s17 =	sshrl.u32 s12, $0x3  }
0x21: {  	[spmem:s17], [sflag:s8] =	dma.local [hbm:s20], $0x2700  }
0x22: {  	_ =	swait.ge [sflag:s25], $0x2700  }
0x23: {  	[sflag:s25] =	ssyncset.done $0x0;
	s12 =	rddreg [dreg:$0x7]  }
0x24: {  	[sflag:s25] =	ssyncadd.s32 $0xFFFFD900;
	s18 =	sshrl.u32 @!p0 s12, $0x3;
	s12 =	rddreg [dreg:$0x8]  }
0x25: {  	[spmem:s18], [sflag:s8] =	dma.local @!p0 [hbm:s12], $0x100  }
0x26: {  	s12 =	simm.s32 @!p0 $0xA  }
0x27: {  	_ =	swait.ge @!p0 [sflag:s12], $0x100  }
0x28: {  	[sflag:s12] =	ssyncset.done @!p0 $0x0  }
0x29: {  	s21 =	rddreg [dreg:$0x9];
	[sflag:s12] =	ssyncadd.s32 @!p0 $0xFFFFFF00  }
0x2a: {  	[tilespmem:s4], [sflag:$0xA] =	stream.linear.gather [hbm4b:s21+s4], $0x2710, $0x38;
	[tilespmem:$0x1D880] =	vst v63  }
0x2b: {  	_ =	swait.ge [sflag:s25], $0x2710  }
0x2c: {  	[sflag:s25] =	ssyncset.done $0x0  }
0x2d: {  	[sflag:s25] =	ssyncadd.s32 $0xFFFFD8F0  }
0x2e: {  	[bflag:$0x0] =	sbarrier.arrive $0xFFFF  }
0x2f: {  	s19 =	rddreg [dreg:$0xa]  }
0x30: {  	[tilespmem:s26], [sflag:$0x1] =	stream.linear.gather [hbm4b:s19+s4], $0x50, $0x38;
	[tilespmem:$0x1D880] =	vst v63  }
0x31: {  	_ =	swait.ge [sflag:s28], $0x50  }
0x32: {  	[sflag:s28] =	ssyncset.done $0x0  }
0x33: {  	[sflag:s28] =	ssyncadd.s32 $0xFFFFFFB0  }
0x34: {  	[tilespmem:s30], [sflag:$0x4] =	stream.indirect.gather [hbm4b:s0+s29], $0x80, s26, s29, $0xb8;
	[tilespmem:$0x1D880] =	vst v63  }
0x35: {  	s20 =	rddreg [dreg:$0xb]  }
0x36: {  	[tilespmem:s31], [sflag:$0x2] =	stream.linear.gather [hbm4b:s20+s4], $0x50, $0x38;
	[tilespmem:$0x1D880] =	vst v63  }
0x37: {  	s21 =	rddreg [dreg:$0xc]  }
0x38: {  	[tilespmem:s1], [sflag:$0x3] =	stream.linear.gather [hbm4b:s21+s4], $0x50, $0x38;
	[tilespmem:$0x1D880] =	vst v63  }
0x39: {  	_ =	swait.ge [sflag:s2], $0x50  }
0x3a: {  	[sflag:s2] =	ssyncset.done $0x0  }
0x3b: {  	[sflag:s2] =	ssyncadd.s32 $0xFFFFFFB0  }
0x3c: {  	_ =	swait.ge [sflag:s6], $0x2800  }
0x3d: {  	[sflag:s6] =	ssyncset.done $0x0  }
0x3e: {  	[sflag:s6] =	ssyncadd.s32 $0xFFFFD800  }
0x3f: {  	[spmem:s3] =	stream.indirect.scatter.add.f32 [tilespmem:s30], [sflag:$0x7], $0x80, s4, s29, $0xb8;
	[tilespmem:$0x1D880] =	vst v63  }
0x40: {  	_ = 	snop  }
0x41: {  	[tilespmem:s7], [sflag:$0x5] =	stream.indirect.gather [hbm4b:s0+s29], $0x80, s31, s29, $0xb8;
	[tilespmem:$0x1D880] =	vst v63  }
0x42: {  	s19 =	rddreg [dreg:$0xd]  }
0x43: {  	[tilespmem:s26], [sflag:$0x1] =	stream.linear.gather [hbm4b:s19+s4], $0x50, $0x38;
	[tilespmem:$0x1D880] =	vst v63  }
0x44: {  	_ =	swait.ge [sflag:s9], $0x50  }
0x45: {  	[sflag:s9] =	ssyncset.done $0x0  }
0x46: {  	[sflag:s9] =	ssyncadd.s32 $0xFFFFFFB0  }
0x47: {  	_ =	swait.ge [sflag:s5], $0x2800  }
0x48: {  	[sflag:s5] =	ssyncset.done $0x0  }
0x49: {  	[sflag:s5] =	ssyncadd.s32 $0xFFFFD800  }
0x4a: {  	[spmem:s3] =	stream.indirect.scatter.add.f32 [tilespmem:s7], [sflag:$0x8], $0x80, s29, s29, $0xb8;
	[tilespmem:$0x1D880] =	vst v63  }
0x4b: {  	_ = 	snop  }
0x4c: {  	[tilespmem:s10], [sflag:$0x6] =	stream.indirect.gather [hbm4b:s0+s29], $0x80, s1, s29, $0xb8;
	[tilespmem:$0x1D880] =	vst v63  }
0x4d: {  	s20 =	rddreg [dreg:$0xe]  }
0x4e: {  	[tilespmem:s31], [sflag:$0x2] =	stream.linear.gather [hbm4b:s20+s4], $0x50, $0x38;
	[tilespmem:$0x1D880] =	vst v63  }
0x4f: {  	_ =	swait.ge [sflag:s28], $0x50  }
0x50: {  	[sflag:s28] =	ssyncset.done $0x0  }
0x51: {  	[sflag:s28] =	ssyncadd.s32 $0xFFFFFFB0  }
0x52: {  	_ =	swait.ge [sflag:s11], $0x2800  }
0x53: {  	[sflag:s11] =	ssyncset.done $0x0  }
0x54: {  	s21 =	simm.s32 $0xA0;
	[sflag:s11] =	ssyncadd.s32 $0xFFFFD800  }
0x55: {  	[spmem:s3] =	stream.indirect.scatter.add.f32 [tilespmem:s10], [sflag:$0x9], $0x80, s21, s29, $0xb8;
	[tilespmem:$0x1D880] =	vst v63  }
0x56: {  	_ =	swait.ge [sflag:s13], $0x2800  }
0x57: {  	[sflag:s13] =	ssyncset.done $0x0  }
0x58: {  	[sflag:s13] =	ssyncadd.s32 $0xFFFFD800  }
0x59: {  	[tilespmem:s30], [sflag:$0x4] =	stream.indirect.gather [hbm4b:s0+s29], $0x80, s26, s29, $0xb8;
	[tilespmem:$0x1D880] =	vst v63  }
0x5a: {  	s19 =	rddreg [dreg:$0xf]  }
0x5b: {  	[tilespmem:s1], [sflag:$0x3] =	stream.linear.gather [hbm4b:s19+s4], $0x50, $0x38;
	[tilespmem:$0x1D880] =	vst v63  }
0x5c: {  	_ =	swait.ge [sflag:s2], $0x50  }
0x5d: {  	[sflag:s2] =	ssyncset.done $0x0  }
0x5e: {  	[sflag:s2] =	ssyncadd.s32 $0xFFFFFFB0  }
0x5f: {  	_ =	swait.ge [sflag:s6], $0x2800  }
0x60: {  	[sflag:s6] =	ssyncset.done $0x0  }
0x61: {  	s20 =	simm.s32 $0xF0;
	[sflag:s6] =	ssyncadd.s32 $0xFFFFD800  }
0x62: {  	[spmem:s3] =	stream.indirect.scatter.add.f32 [tilespmem:s30], [sflag:$0x7], $0x80, s20, s29, $0xb8;
	[tilespmem:$0x1D880] =	vst v63  }
0x63: {  	_ =	swait.ge [sflag:s14], $0x2800  }
0x64: {  	[sflag:s14] =	ssyncset.done $0x0  }
0x65: {  	[sflag:s14] =	ssyncadd.s32 $0xFFFFD800  }
0x66: {  	[tilespmem:s7], [sflag:$0x5] =	stream.indirect.gather [hbm4b:s0+s29], $0x80, s31, s29, $0xb8;
	[tilespmem:$0x1D880] =	vst v63  }
0x67: {  	s21 =	sadd.s32 $0x0, s24  }
0x68: {  	[tilespmem:s26], [sflag:$0x1] =	stream.linear.gather [hbm4b:s21+s4], $0x50, $0x38;
	[tilespmem:$0x1D880] =	vst v63  }
0x69: {  	_ =	swait.ge [sflag:s9], $0x50  }
0x6a: {  	[sflag:s9] =	ssyncset.done $0x0  }
0x6b: {  	[sflag:s9] =	ssyncadd.s32 $0xFFFFFFB0  }
0x6c: {  	_ =	swait.ge [sflag:s5], $0x2800  }
0x6d: {  	[sflag:s5] =	ssyncset.done $0x0  }
0x6e: {  	s19 =	simm.s32 $0x140;
	[sflag:s5] =	ssyncadd.s32 $0xFFFFD800  }
0x6f: {  	[spmem:s3] =	stream.indirect.scatter.add.f32 [tilespmem:s7], [sflag:$0x8], $0x80, s19, s29, $0xb8;
	[tilespmem:$0x1D880] =	vst v63  }
0x70: {  	_ =	swait.ge [sflag:s15], $0x2800  }
0x71: {  	[sflag:s15] =	ssyncset.done $0x0  }
0x72: {  	[sflag:s15] =	ssyncadd.s32 $0xFFFFD800  }
0x73: {  	[tilespmem:s10], [sflag:$0x6] =	stream.indirect.gather [hbm4b:s0+s29], $0x80, s1, s29, $0xb8;
	[tilespmem:$0x1D880] =	vst v63  }
0x74: {  	s20 =	sadd.s32 $0x0, s23  }
0x75: {  	[tilespmem:s31], [sflag:$0x2] =	stream.linear.gather [hbm4b:s20+s4], $0x50, $0x38;
	[tilespmem:$0x1D880] =	vst v63  }
0x76: {  	_ =	swait.ge [sflag:s28], $0x50  }
0x77: {  	[sflag:s28] =	ssyncset.done $0x0  }
0x78: {  	[sflag:s28] =	ssyncadd.s32 $0xFFFFFFB0  }
0x79: {  	_ =	swait.ge [sflag:s11], $0x2800  }
0x7a: {  	[sflag:s11] =	ssyncset.done $0x0  }
0x7b: {  	s21 =	simm.s32 $0x190;
	[sflag:s11] =	ssyncadd.s32 $0xFFFFD800  }
0x7c: {  	[spmem:s3] =	stream.indirect.scatter.add.f32 [tilespmem:s10], [sflag:$0x9], $0x80, s21, s29, $0xb8;
	[tilespmem:$0x1D880] =	vst v63  }
0x7d: {  	_ =	swait.ge [sflag:s13], $0x2800  }
0x7e: {  	s12 =	sadd.s32 $0x0, s22;
	[sflag:s13] =	ssyncset.done $0x0  }
0x7f: {  	s19 =	simm.s32 $0x1E;
	s21 =	simm.s32 $0x280;
	[sflag:s13] =	ssyncadd.s32 $0xFFFFD800  }
0x80: {  	[tilespmem:s30], [sflag:$0x4] =	stream.indirect.gather [hbm4b:s0+s29], $0x80, s26, s29, $0xb8;
	[tilespmem:$0x1D880] =	vst v63  }
.LBB2_2:
0x81: {  	[tilespmem:s1], [sflag:$0x3] =	stream.linear.gather [hbm4b:s12+s4], $0x50, $0x38;
	[tilespmem:$0x1D880] =	vst v63  }
0x82: {  	s12 =	smov.u32 s19  }
0x83: {  	p1 =	sne.s32 s19, $0x474;
	s19 =	sadd.s32 $0x1E, s19;
	_ =	swait.ge [sflag:s2], $0x50  }
0x84: {  	[sflag:s2] =	ssyncset.done $0x0  }
0x85: {  	[sflag:s2] =	ssyncadd.s32 $0xFFFFFFB0  }
0x86: {  	_ =	swait.ge [sflag:s6], $0x2800  }
0x87: {  	[sflag:s6] =	ssyncset.done $0x0  }
0x88: {  	s20 =	sadd.s32 $0xFFFFFF60, s21;
	[sflag:s6] =	ssyncadd.s32 $0xFFFFD800  }
0x89: {  	[spmem:s3] =	stream.indirect.scatter.add.f32 [tilespmem:s30], [sflag:$0x7], $0x80, s20, s29, $0xb8;
	[tilespmem:$0x1D880] =	vst v63  }
0x8a: {  	_ =	swait.ge [sflag:s14], $0x2800  }
0x8b: {  	[sflag:s14] =	ssyncset.done $0x0  }
0x8c: {  	[sflag:s14] =	ssyncadd.s32 $0xFFFFD800  }
0x8d: {  	[tilespmem:s7], [sflag:$0x5] =	stream.indirect.gather [hbm4b:s0+s29], $0x80, s31, s29, $0xb8;
	[tilespmem:$0x1D880] =	vst v63  }
0x8e: {  	s20 =	sadd.s32 s12, s24  }
0x8f: {  	[tilespmem:s26], [sflag:$0x1] =	stream.linear.gather [hbm4b:s20+s4], $0x50, $0x38;
	[tilespmem:$0x1D880] =	vst v63  }
0x90: {  	_ =	swait.ge [sflag:s9], $0x50  }
0x91: {  	[sflag:s9] =	ssyncset.done $0x0  }
0x92: {  	[sflag:s9] =	ssyncadd.s32 $0xFFFFFFB0  }
0x93: {  	_ =	swait.ge [sflag:s5], $0x2800  }
0x94: {  	[sflag:s5] =	ssyncset.done $0x0  }
0x95: {  	s20 =	sadd.s32 $0xFFFFFFB0, s21;
	[sflag:s5] =	ssyncadd.s32 $0xFFFFD800  }
0x96: {  	[spmem:s3] =	stream.indirect.scatter.add.f32 [tilespmem:s7], [sflag:$0x8], $0x80, s20, s29, $0xb8;
	[tilespmem:$0x1D880] =	vst v63  }
0x97: {  	_ =	swait.ge [sflag:s15], $0x2800  }
0x98: {  	[sflag:s15] =	ssyncset.done $0x0  }
0x99: {  	[sflag:s15] =	ssyncadd.s32 $0xFFFFD800  }
0x9a: {  	[tilespmem:s10], [sflag:$0x6] =	stream.indirect.gather [hbm4b:s0+s29], $0x80, s1, s29, $0xb8;
	[tilespmem:$0x1D880] =	vst v63  }
0x9b: {  	s20 =	sadd.s32 s12, s23  }
0x9c: {  	[tilespmem:s31], [sflag:$0x2] =	stream.linear.gather [hbm4b:s20+s4], $0x50, $0x38;
	[tilespmem:$0x1D880] =	vst v63  }
0x9d: {  	_ =	swait.ge [sflag:s28], $0x50  }
0x9e: {  	[sflag:s28] =	ssyncset.done $0x0  }
0x9f: {  	[sflag:s28] =	ssyncadd.s32 $0xFFFFFFB0  }
0xa0: {  	_ =	swait.ge [sflag:s11], $0x2800  }
0xa1: {  	[sflag:s11] =	ssyncset.done $0x0  }
0xa2: {  	[sflag:s11] =	ssyncadd.s32 $0xFFFFD800  }
0xa3: {  	[spmem:s3] =	stream.indirect.scatter.add.f32 [tilespmem:s10], [sflag:$0x9], $0x80, s21, s29, $0xb8;
	[tilespmem:$0x1D880] =	vst v63  }
.Ltmp0:
0xa4: {  	_ =	swait.ge [sflag:s13], $0x2800;
	(pc) =	sbr.rel @p1 .LBB2_2-.Ltmp0, $4  }
0xa5: {  	[sflag:s13] =	ssyncset.done $0x0  }
0xa6: {  	[sflag:s13] =	ssyncadd.s32 $0xFFFFD800  }
0xa7: {  	[tilespmem:s30], [sflag:$0x4] =	stream.indirect.gather [hbm4b:s0+s29], $0x80, s26, s29, $0xb8;
	[tilespmem:$0x1D880] =	vst v63  }
0xa8: {  	s12 =	sadd.s32 s12, s22;
	s21 =	sadd.s32 $0xF0, s21  }
0xa9: {  	[tilespmem:s1], [sflag:$0x3] =	stream.linear.gather [hbm4b:s12+s4], $0x50, $0x38;
	[tilespmem:$0x1D880] =	vst v63  }
0xaa: {  	_ =	swait.ge [sflag:s2], $0x50  }
0xab: {  	[sflag:s2] =	ssyncset.done $0x0  }
0xac: {  	[sflag:s2] =	ssyncadd.s32 $0xFFFFFFB0  }
0xad: {  	_ =	swait.ge [sflag:s6], $0x2800  }
0xae: {  	[sflag:s6] =	ssyncset.done $0x0  }
0xaf: {  	s19 =	simm.s32 $0x2580;
	[sflag:s6] =	ssyncadd.s32 $0xFFFFD800  }
0xb0: {  	[spmem:s3] =	stream.indirect.scatter.add.f32 [tilespmem:s30], [sflag:$0x7], $0x80, s19, s29, $0xb8;
	[tilespmem:$0x1D880] =	vst v63  }
0xb1: {  	_ =	swait.ge [sflag:s14], $0x2800  }
0xb2: {  	[sflag:s14] =	ssyncset.done $0x0  }
0xb3: {  	[sflag:s14] =	ssyncadd.s32 $0xFFFFD800  }
0xb4: {  	[tilespmem:s7], [sflag:$0x5] =	stream.indirect.gather [hbm4b:s0+s29], $0x80, s31, s29, $0xb8;
	[tilespmem:$0x1D880] =	vst v63  }
0xb5: {  	s20 =	rddreg [dreg:$0x10]  }
0xb6: {  	[tilespmem:s26], [sflag:$0x1] =	stream.linear.gather [hbm4b:s20+s4], $0x50, $0x38;
	[tilespmem:$0x1D880] =	vst v63  }
0xb7: {  	_ =	swait.ge [sflag:s9], $0x50  }
0xb8: {  	[sflag:s9] =	ssyncset.done $0x0  }
0xb9: {  	[sflag:s9] =	ssyncadd.s32 $0xFFFFFFB0  }
0xba: {  	_ =	swait.ge [sflag:s5], $0x2800  }
0xbb: {  	[sflag:s5] =	ssyncset.done $0x0  }
0xbc: {  	s21 =	simm.s32 $0x25D0;
	[sflag:s5] =	ssyncadd.s32 $0xFFFFD800  }
0xbd: {  	[spmem:s3] =	stream.indirect.scatter.add.f32 [tilespmem:s7], [sflag:$0x8], $0x80, s21, s29, $0xb8;
	[tilespmem:$0x1D880] =	vst v63  }
0xbe: {  	_ =	swait.ge [sflag:s15], $0x2800  }
0xbf: {  	[sflag:s15] =	ssyncset.done $0x0  }
0xc0: {  	[sflag:s15] =	ssyncadd.s32 $0xFFFFD800  }
0xc1: {  	[tilespmem:s10], [sflag:$0x6] =	stream.indirect.gather [hbm4b:s0+s29], $0x80, s1, s29, $0xb8;
	[tilespmem:$0x1D880] =	vst v63  }
0xc2: {  	s19 =	rddreg [dreg:$0x11]  }
0xc3: {  	[tilespmem:s31], [sflag:$0x2] =	stream.linear.gather [hbm4b:s19+s4], $0x50, $0x38;
	[tilespmem:$0x1D880] =	vst v63  }
0xc4: {  	_ =	swait.ge [sflag:s28], $0x50  }
0xc5: {  	[sflag:s28] =	ssyncset.done $0x0  }
0xc6: {  	[sflag:s28] =	ssyncadd.s32 $0xFFFFFFB0  }
0xc7: {  	_ =	swait.ge [sflag:s11], $0x2800  }
0xc8: {  	[sflag:s11] =	ssyncset.done $0x0  }
0xc9: {  	s20 =	simm.s32 $0x2620;
	[sflag:s11] =	ssyncadd.s32 $0xFFFFD800  }
0xca: {  	[spmem:s3] =	stream.indirect.scatter.add.f32 [tilespmem:s10], [sflag:$0x9], $0x80, s20, s29, $0xb8;
	[tilespmem:$0x1D880] =	vst v63  }
0xcb: {  	_ =	swait.ge [sflag:s13], $0x2800  }
0xcc: {  	[sflag:s13] =	ssyncset.done $0x0  }
0xcd: {  	[sflag:s13] =	ssyncadd.s32 $0xFFFFD800  }
0xce: {  	[tilespmem:s30], [sflag:$0x4] =	stream.indirect.gather [hbm4b:s0+s29], $0x80, s26, s29, $0xb8;
	[tilespmem:$0x1D880] =	vst v63  }
0xcf: {  	_ =	swait.ge [sflag:s2], $0x50  }
0xd0: {  	[sflag:s2] =	ssyncset.done $0x0  }
0xd1: {  	[sflag:s2] =	ssyncadd.s32 $0xFFFFFFB0  }
0xd2: {  	_ =	swait.ge [sflag:s6], $0x2800  }
0xd3: {  	[sflag:s6] =	ssyncset.done $0x0  }
0xd4: {  	s21 =	simm.s32 $0x2670;
	[sflag:s6] =	ssyncadd.s32 $0xFFFFD800  }
0xd5: {  	[spmem:s3] =	stream.indirect.scatter.add.f32 [tilespmem:s30], [sflag:$0x7], $0x80, s21, s29, $0xb8;
	[tilespmem:$0x1D880] =	vst v63  }
0xd6: {  	_ =	swait.ge [sflag:s14], $0x2800  }
0xd7: {  	[sflag:s14] =	ssyncset.done $0x0  }
0xd8: {  	[sflag:s14] =	ssyncadd.s32 $0xFFFFD800  }
0xd9: {  	[tilespmem:s7], [sflag:$0x5] =	stream.indirect.gather [hbm4b:s0+s29], $0x80, s31, s29, $0xb8;
	[tilespmem:$0x1D880] =	vst v63  }
0xda: {  	_ =	swait.ge [sflag:s5], $0x2800  }
0xdb: {  	[sflag:s5] =	ssyncset.done $0x0  }
0xdc: {  	s19 =	simm.s32 $0x26C0;
	[sflag:s5] =	ssyncadd.s32 $0xFFFFD800  }
0xdd: {  	[spmem:s3] =	stream.indirect.scatter.add.f32 [tilespmem:s7], [sflag:$0x8], $0x80, s19, s29, $0xb8;
	[tilespmem:$0x1D880] =	vst v63  }
0xde: {  	_ =	swait.ge [sflag:s15], $0x2800  }
0xdf: {  	[sflag:s15] =	ssyncset.done $0x0  }
0xe0: {  	[sflag:s15] =	ssyncadd.s32 $0xFFFFD800  }
0xe1: {  	_ =	swait.ge [sflag:s13], $0x2800  }
0xe2: {  	[sflag:s13] =	ssyncset.done $0x0  }
0xe3: {  	[sflag:s13] =	ssyncadd.s32 $0xFFFFD800  }
0xe4: {  	_ =	swait.ge [sflag:s14], $0x2800  }
0xe5: {  	[sflag:s14] =	ssyncset.done $0x0  }
0xe6: {  	[sflag:s14] =	ssyncadd.s32 $0xFFFFD800  }
0xe7: {  	[bflag:$0x0] =	sbarrier.arrive $0xFFFF  }
0xe8: {  	s20 =	rddreg [dreg:$0x4]  }
0xe9: {  	s19 =	rddreg [dreg:$0x12]  }
0xea: {  	s12 =	sadd.s32 s20, s19  }
0xeb: {  	[hbm:s12], [sflag:s8] =	dma.local [spmem:s17], $0x2700  }
0xec: {  	_ =	swait.ge [sflag:s25], $0x2700  }
0xed: {  	[sflag:s25] =	ssyncset.done $0x0  }
0xee: {  	s12 =	sadd.s32 @!p0 $0x27000, s19;
	[sflag:s25] =	ssyncadd.s32 $0xFFFFD900  }
0xef: {  	[hbm:s12], [sflag:s8] =	dma.local @!p0 [spmem:s18], $0x100  }
0xf0: {  	s12 =	simm.s32 @!p0 $0xA  }
0xf1: {  	_ =	swait.ge @!p0 [sflag:s12], $0x100  }
0xf2: {  	s16 =	sadd.s32 $0x1, s16;
	s21 =	rddreg [dreg:$0x13]  }
0xf3: {  	p1 =	sne.s32 s16, s21  }
.Ltmp1:
0xf4: {  	_ = 	snop;
	(pc) =	sbr.rel @p1 .LBB2_1-.Ltmp1, $3  }
0xf5: {  	_ =	sdelay $0x1  }
0xf6: {  	[sflag:s12] =	ssyncset.done @!p0 $0x0  }
0xf7: {  	[sflag:s12] =	ssyncadd.s32 @!p0 $0xFFFFFF00  }
0xf8: {  	_ =	sfence.sel $0x180000  }
0xf9: {  	[bflag:$0x0] =	sbarrier.arrive $0xFFFF  }
0xfa: {  	_ =	strace $0x9000004A  }
0xfb: {  	s0 =	stileid.u32;
	[bflag:$0x2] =	sbarrier.arrive $0xFFFF  }
0xfc: {  	p0 =	sne.s32 s0, $0x0;
	s0 =	rddreg [dreg:$0x3]  }
0xfd: {  	s0 =	sadd.s32 @!p0 $0x100000, s0  }
0xfe: {  	[sflag:s0] =	ssyncadd.tile.s32 @!p0 $0x1;
	_ =	shalt  }
.Lfunc_end2:
_tile_overlayer_lowered:
.L_overlay_start_2:
0xff: {  	(tag) =	ssettag $0x2  }
0x100: {  	s0 =	rddreg [dreg:$0x0];
	s2 =	stileid.u32  }
0x101: {  	s1 =	rddreg [dreg:$0x1];
	p0 =	sne.s32 s2, $0x0  }
0x102: {  	s3 =	rddreg [dreg:$0x2];
	[bflag:$0x3] =	sbarrier.arrive $0xFFFF;
	s2 =	simm.s32 @!p0 $0x1C0A  }
0x103: {  	[timem:s3], [sflag:s2] =	dma.local @!p0 [hbm:s0], s1  }
0x104: {  	s0 =	simm.s32 @!p0 $0xA  }
0x105: {  	_ =	swait.ge @!p0 [sflag:s0], s1  }
0x106: {  	s1 =	ssub.s32 @!p0 $0x0, s1;
	[sflag:s0] =	ssyncset.done @!p0 $0x0  }
0x107: {  	[sflag:s0] =	ssyncadd.s32 @!p0 s1  }
0x108: {  	[bflag:$0x3] =	sbarrier.arrive $0xFFFF  }
0x109: {  	_ =	shalt  }

// kernel: kernel.7.cloned.1.call-start
scs
__scs_entry_jumppad:
0x0: {  	(pc) =	sbr.rel $0x88, $3  }
0x1: {  	(tag) =	ssettag $0x0;
	lr =	simm.s32 $0x1  }
0x2: {  	[smem:$0x3F94] =	sst lr;
	_ =	strace $0xD0000000  }
0x3: {  	_ = 	snop  }
0x4: {  	_ = 	snop  }
0x5: {  	_ = 	snop  }
0x6: {  	_ = 	snop  }
0x7: {  	_ = 	snop  }
__scs_overlays_trampoline_lowered:
0x8: {  	[smem:$0x3FA3] =	sst s0  }
0x9: {  	[smem:$0x3FA4] =	sst s1  }
0xa: {  	[smem:$0x3FA5] =	sst s2  }
0xb: {  	[smem:$0x3FA6] =	sst s3  }
0xc: {  	[smem:$0x3FA7] =	sst s4  }
0xd: {  	[smem:$0x3FA8] =	sst s5  }
0xe: {  	[smem:$0x3FA9] =	sst s6  }
0xf: {  	[smem:$0x3FAA] =	sst s7  }
0x10: {  	[smem:$0x3FAB] =	sst s8  }
0x11: {  	[smem:$0x3FAC] =	sst s9;
	s0 =	simm.s32 @!p0 $0x0  }
0x12: {  	s1 =	sld [smem:$0x3F92];
	s0 =	simm.s32 @p0 $0x1  }
0x13: {  	[smem:$0x3FAD] =	sst s0;
	s0 =	simm.s32 @!p1 $0x0  }
0x14: {  	s2 =	sld [smem:$0x3F91];
	s0 =	simm.s32 @p1 $0x1  }
0x15: {  	[smem:$0x3FAE] =	sst s0;
	s0 =	simm.s32 @!p2 $0x0  }
0x16: {  	s3 =	sld [smem:$0x3FDB];
	s0 =	simm.s32 @p2 $0x1  }
0x17: {  	s4 =	simm.s32 $0x1BF5;
	[smem:$0x3FB0] =	sst s0  }
0x18: {  	s0 =	sld [smem:$0x3F93];
	_ =	swait.ge [sflag:s4], $0x0  }
0x19: {  	s7 =	sld [smem:$0x3F94]  }
0x1a: {  	s8 =	sadd.s32 $0xFFFFE003, lr  }
0x1b: {  	s9 =	sadd.s32 $0xFFFFFEF7, lr;
	s5 =	simm.s32 $0xFFFFFFFF;
	p2 =	slt.u32 s8, $0xFFFFF086  }
0x1c: {  	p1 =	slt.u32 s9, $0xF7A;
	s5 =	simm.s32 @!p2 $0x0  }
0x1d: {  	s5 =	simm.s32 @p1 $0x1;
	p0 =	seq.s32 s7, s2  }
0x1e: {  	s7 =	smul.u32 @!p0 $0xF7A, s2;
	p2 =	seq.s32 @!p0 s5, $0x0  }
0x1f: {  	s9 =	smul.u32 $0xF7A, s1;
	s8 =	simm.s32 @!p0 $0x1BF5;
	p2 =	por !p2, p0  }
0x20: {  	[sflag:s8] =	ssyncset.s32 @!p0 $0xFFFFF086;
	s6 =	sadd.s32 @!p0 s3, s7;
	s7 =	simm.s32 @!p0 $0x108  }
0x21: {  	s3 =	sadd.s32 s3, s9;
	s6 =	sadd.s32 @!p0 $0x88, s6;
	s7 =	simm.s32 @p2 $0x1082  }
0x22: {  	[simem:s7], [sflag:s8] =	dma.local @!p0 [hbm:s6], $0xF7A  }
0x23: {  	s9 =	sor.u32 $0xD0000000, s2;
	s6 =	simm.s32 $0x108;
	_ =	swait.ge @!p0 [sflag:s8], $0x0  }
0x24: {  	s3 =	sadd.s32 $0x88, s3;
	s6 =	simm.s32 @!p1 $0x1082;
	[sflag:s4] =	ssyncset.s32 $0xFFFFF086  }
0x25: {  	[simem:s6], [sflag:s4] =	dma.local [hbm:s3], $0xF7A  }
0x26: {  	[smem:$0x3F94] =	sst s1;
	(tag) =	ssettag s2;
	_ =	strace s9  }
0x27: {  	s1 =	sld [smem:$0x3FA4]  }
0x28: {  	s2 =	sld [smem:$0x3FA5]  }
0x29: {  	s4 =	sld [smem:$0x3FA7]  }
0x2a: {  	p0 =	seq.s32 s5, $0x0;
	s5 =	sld [smem:$0x3FA8]  }
0x2b: {  	s6 =	sld [smem:$0x3FA9]  }
0x2c: {  	s7 =	sld [smem:$0x3FAA]  }
0x2d: {  	s3 =	simm.s32 $0x108;
	s8 =	sld [smem:$0x3FAB]  }
0x2e: {  	s3 =	simm.s32 @!p0 $0x1082;
	s9 =	sld [smem:$0x3FAC]  }
0x2f: {  	lr =	sadd.s32 s0, s3;
	s0 =	sld [smem:$0x3FA3]  }
0x30: {  	s3 =	sld [smem:$0x3FA6]  }
0x31: {  	[smem:$0x3FAF] =	sst s10  }
0x32: {  	s10 =	sld [smem:$0x3FAD];
	_ =	sdelay $0x3  }
0x33: {  	p0 =	seq.s32 s10, $0x1;
	s10 =	sld [smem:$0x3FAF];
	_ =	sdelay $0x3  }
0x34: {  	[smem:$0x3FAF] =	sst s10  }
0x35: {  	s10 =	sld [smem:$0x3FAE];
	_ =	sdelay $0x3  }
0x36: {  	p1 =	seq.s32 s10, $0x1;
	s10 =	sld [smem:$0x3FAF];
	_ =	sdelay $0x3  }
0x37: {  	[smem:$0x3FAF] =	sst s10  }
0x38: {  	s10 =	sld [smem:$0x3FB0]  }
0x39: {  	_ = 	snop;
	(pc) =	sbr.ind lr, $3  }
0x3a: {  	_ = 	snop  }
0x3b: {  	_ = 	snop  }
0x3c: {  	p2 =	seq.s32 s10, $0x1;
	s10 =	sld [smem:$0x3FAF]  }
0x3d: {  	_ =	shalt  }
0x3e: {  	_ =	shalt  }
0x3f: {  	_ =	shalt  }
0x40: {  	_ =	shalt  }
0x41: {  	_ =	shalt  }
0x42: {  	_ =	shalt  }
0x43: {  	_ =	shalt  }
0x44: {  	_ =	shalt  }
0x45: {  	_ =	shalt  }
0x46: {  	_ =	shalt  }
0x47: {  	_ =	shalt  }
0x48: {  	_ =	shalt  }
0x49: {  	_ =	shalt  }
0x4a: {  	_ =	shalt  }
0x4b: {  	_ =	shalt  }
0x4c: {  	_ =	shalt  }
0x4d: {  	_ =	shalt  }
0x4e: {  	_ =	shalt  }
0x4f: {  	_ =	shalt  }
0x50: {  	_ =	shalt  }
0x51: {  	_ =	shalt  }
0x52: {  	_ =	shalt  }
0x53: {  	_ =	shalt  }
0x54: {  	_ =	shalt  }
0x55: {  	_ =	shalt  }
0x56: {  	_ =	shalt  }
0x57: {  	_ =	shalt  }
0x58: {  	_ =	shalt  }
0x59: {  	_ =	shalt  }
0x5a: {  	_ =	shalt  }
0x5b: {  	_ =	shalt  }
0x5c: {  	_ =	shalt  }
0x5d: {  	_ =	shalt  }
0x5e: {  	_ =	shalt  }
0x5f: {  	_ =	shalt  }
0x60: {  	_ =	shalt  }
0x61: {  	_ =	shalt  }
0x62: {  	_ =	shalt  }
0x63: {  	_ =	shalt  }
0x64: {  	_ =	shalt  }
0x65: {  	_ =	shalt  }
0x66: {  	_ =	shalt  }
0x67: {  	_ =	shalt  }
0x68: {  	_ =	shalt  }
0x69: {  	_ =	shalt  }
0x6a: {  	_ =	shalt  }
0x6b: {  	_ =	shalt  }
0x6c: {  	_ =	shalt  }
0x6d: {  	_ =	shalt  }
0x6e: {  	_ =	shalt  }
0x6f: {  	_ =	shalt  }
0x70: {  	_ =	shalt  }
0x71: {  	_ =	shalt  }
0x72: {  	_ =	shalt  }
0x73: {  	_ =	shalt  }
0x74: {  	_ =	shalt  }
0x75: {  	_ =	shalt  }
0x76: {  	_ =	shalt  }
0x77: {  	_ =	shalt  }
0x78: {  	_ =	shalt  }
0x79: {  	_ =	shalt  }
0x7a: {  	_ =	shalt  }
0x7b: {  	_ =	shalt  }
0x7c: {  	_ =	shalt  }
0x7d: {  	_ =	shalt  }
0x7e: {  	_ =	shalt  }
0x7f: {  	_ =	shalt  }
0x80: {  	_ =	shalt  }
0x81: {  	_ =	shalt  }
0x82: {  	_ =	shalt  }
0x83: {  	_ =	shalt  }
0x84: {  	_ =	shalt  }
0x85: {  	_ =	shalt  }
0x86: {  	_ =	shalt  }
0x87: {  	_ =	shalt  }
.Lfunc_end0:
.L_simem_size_0:
called_computation_lowered:
.L_overlay_start_0:
0x88: {  	s2 =	sld [smem:$0x3FD9]  }
0x89: {  	s3 =	sld [smem:$0x3FFE];
	_ =	sdelay $0x1  }
0x8a: {  	s1 =	srdreg.scid  }
0x8b: {  	s0 =	sand.u32 $0x1, s1  }
0x8c: {  	s17 =	sshll.u32 s0, $0xA;
	s2 =	sadd.s32 s3, s2  }
0x8d: {  	s2 =	sadd.s32 s2, s17  }
0x8e: {  	[smem:$0x3FBB] =	sst s2  }
0x8f: {  	_ = 	snop  }
0x90: {  	s2 =	sld [smem:$0x3FD0];
	(tm) =	ssettm $0x1  }
0x91: {  	s18 =	sld [smem:$0x3FFB];
	_ =	sdelay $0x3  }
0x92: {  	_ =	strace s18  }
0x93: {  	s3 =	sld [smem:$0x3FFC];
	_ =	sdelay $0x3  }
0x94: {  	_ =	strace s3  }
0x95: {  	s3 =	sld [smem:$0x3FFD];
	_ =	sdelay $0x3  }
0x96: {  	_ =	strace s3  }
0x97: {  	_ =	strace $0x8FFFFFFF  }
0x98: {  	s19 =	sld [smem:$0x3FDB];
	_ =	sdelay $0x1  }
0x99: {  	s4 =	simm.s32 $_scs_section_size  }
0x9a: {  	s5 =	simm.s32 $_size__tile_overlayer_lowered;
	s6 =	simm.s32 $_tile_overlayer_lowered  }
0x9b: {  	s22 =	simm.s32 $0x1BFF;
	s21 =	sshll.u32 s6, $0x1;
	s3 =	sadd.s32 s4, s19  }
0x9c: {  	s7 =	simm.s32 $0x0;
	s20 =	sshll.u32 s5, $0x1;
	s5 =	sadd.s32 s21, s3  }
0x9d: {  	[timem:s7], [sflag:s22] =	dma.local [hbm:s5], s20  }
0x9e: {  	_ =	swait.ge [sflag:s22], s20  }
0x9f: {  	s4 =	ssub.s32 $0x0, s20;
	[sflag:s22] =	ssyncset.done $0x0  }
0xa0: {  	[sflag:s22] =	ssyncadd.s32 s4;
	_ =	sdelay $0x1  }
0xa1: {  	s23 =	simm.s32 $0x1B8B  }
0xa2: {  	_ =	swait.ge [sflag:s23], $0x1  }
0xa3: {  	[sflag:s23] =	ssyncset.done $0x0  }
0xa4: {  	s25 =	simm.s32 $0x1B8E;
	s24 =	sld [smem:$0x3FFE];
	[sflag:s23] =	ssyncadd.s32 $0xFFFFFFFF  }
0xa5: {  	s26 =	simm.s32 $execute0_lowered;
	[smem:$0x3FD2] =	sst s25  }
0xa6: {  	s5 =	sshll.u32 s26, $0x1;
	_ =	strace $0x80000046;
	[dreg:$0x1] =	wrdreg $0xFFFFFFFF  }
0xa7: {  	s28 =	simm.s32 $_size_execute0_lowered;
	s3 =	sadd.s32 s3, s5;
	[dreg:$0x0] =	wrdreg $0x0  }
0xa8: {  	s5 =	sshll.u32 s28, $0x1;
	[dreg:$0x2] =	wrdreg s3  }
0xa9: {  	[dreg:$0x3] =	wrdreg s5  }
0xaa: {  	[dreg:$0x4] =	wrdreg $0xC0  }
0xab: {  	_ =	task [dreg:s7], $0x5FFFF  }
0xac: {  	[dreg:$0x1] =	wrdreg $0xFFFFFFFF  }
0xad: {  	[dreg:$0x0] =	wrdreg $0x60  }
0xae: {  	[dreg:$0x2] =	wrdreg s2  }
0xaf: {  	[dreg:$0x3] =	wrdreg s24  }
0xb0: {  	[dreg:$0x4] =	wrdreg $0x95B00  }
0xb1: {  	[dreg:$0x5] =	wrdreg $0x1CE300  }
0xb2: {  	[dreg:$0x6] =	wrdreg $0x9  }
0xb3: {  	_ =	task.clear_ibuf [dreg:s7], $0x7FFFF;
	_ =	strace $0x90000046  }
0xb4: {  	s29 =	simm.s32 $0x9;
	_ =	strace $0x80000048  }
0xb5: {  	_ =	swait.ge [sflag:s29], $0x1  }
0xb6: {  	[sflag:s29] =	ssyncadd.s32 $0xFFFFFFFF  }
0xb7: {  	_ =	strace $0x90000048  }
0xb8: {  	_ =	sfence  }
0xb9: {  	s30 =	sld [smem:$0x0];
	_ =	sdelay $0x2  }
0xba: {  	s31 =	sshll.u32 s1, $0xD;
	s1 =	sshrl.u32 s1, $0x2  }
0xbb: {  	s3 =	sand.u32 $0x4000, s31;
	s1 =	sadd.s32 s1, s30  }
0xbc: {  	s0 =	sor.u32 s3, s0;
	s1 =	sshll.u32 s1, $0x11  }
0xbd: {  	s0 =	sor.u32 s1, s0  }
0xbe: {  	s0 =	sadd.s32 $0x8F2B, s0  }
0xbf: {  	[sflag:s0] =	ssyncadd.remote.s32 $0x1  }
0xc0: {  	_ =	sfence.sel $0xFFFF  }
0xc1: {  	[dreg:$0x0] =	wrdreg $0xFFFFFFFF;
	(pc) =	sbr.abs _section_cstart, $3  }
0xc2: {  	[dreg:$0x1] =	wrdreg $0xFFFFFFFF  }
0xc3: {  	_ =	task.clear_ibuf [dreg:s7], $0x2FFFF;
	_ =	strace $0x9FFFFFFF  }
0xc4: {  	(tm) =	ssettm $0x7FFFFFFF  }
0xc5: {  	_ =	shalt  }
tec
execute0_lowered:
.L_overlay_start_1:
0x0: {  	(tag) =	ssettag $0x1  }
0x1: {  	s1 =	rddreg [dreg:$0x0]  }
0x2: {  	s0 =	rddreg [dreg:$0x1]  }
0x3: {  	s2 =	rddreg [dreg:$0x2]  }
0x4: {  	s3 =	rddreg [dreg:$0x3];
	s4 =	srdreg.scid  }
0x5: {  	s5 =	simm.s32 $0x0;
	s20 =	stileid.u32;
	s31 =	simm.s32 $0x63B0  }
0x6: {  	s4 =	sand.u32 $0x1, s4;
	[smem:$0x7FF] =	sst s5;
	s7 =	sadd.s32 $0x2A200, s0  }
0x7: {  	s8 =	sadd.s32 $0x2F200, s0;
	s10 =	smul.u32 $0x13800, s20;
	s9 =	sadd.s32 $0x3E000, s0  }
0x8: {  	s12 =	smul.u32 $0x2700, s20;
	s28 =	sshll.u32 s20, $0x6;
	s29 =	sadd.s32 $0x6EE00, s0  }
0x9: {  	p0 =	sne.s32 s20, $0xF;
	s25 =	sadd.s32 $0x138000, s2;
	s6 =	sshll.u32 s4, $0x4  }
0xa: {  	_ =	strace $0x80000047;
	s14 =	smul.u32 $0x27100, s4;
	[dreg:$0xa] =	wrdreg s29  }
0xb: {  	s15 =	smul.u32 $0x4E20, s4;
	s4 =	ssub.s32 $0x2, s4;
	[dreg:$0x14] =	wrdreg s25  }
0xc: {  	s25 =	simm.s32 $0x2;
	s6 =	sor.u32 s20, s6;
	s16 =	sshrl.u32 s10, $0x3  }
0xd: {  	s17 =	sshrl.u32 s12, $0x3;
	s18 =	sshrl.u32 s4, $0x1;
	s10 =	sadd.s32 s10, s2  }
0xe: {  	s30 =	sadd.s32 s12, s3;
	s20 =	simm.s32 $0x3BB0;
	[dreg:$0x5] =	wrdreg s16  }
0xf: {  	s6 =	smul.u32 $0x2710, s6;
	s16 =	sadd.s32 s16, s0;
	[dreg:$0x6] =	wrdreg s17  }
0x10: {  	s17 =	sadd.s32 s17, s0;
	s14 =	sadd.s32 s14, s0;
	[dreg:$0x7] =	wrdreg s10  }
0x11: {  	s4 =	ssub.s32 s4, s18;
	s18 =	sor.u32 $0x1C07, s28;
	[dreg:$0xb] =	wrdreg s30  }
0x12: {  	s15 =	sadd.s32 s15, s0;
	s26 =	sadd.s32 $0x47E00, s16;
	[dreg:$0x9] =	wrdreg s18  }
0x13: {  	s10 =	simm.s32 $0x4;
	s12 =	sadd.s32 $0x6F000, s17;
	[dreg:$0x8] =	wrdreg s26  }
0x14: {  	s22 =	sadd.s32 $0x74000, s14;
	s23 =	sadd.s32 $0xC2200, s15;
	[dreg:$0xc] =	wrdreg s12  }
0x15: {  	s24 =	smax.u32 s4, $0x1;
	s4 =	simm.s32 $0x2710;
	[dreg:$0x11] =	wrdreg s22  }
0x16: {  	s14 =	simm.s32 $0x0;
	s11 =	sshrl.u32 s6, $0x3;
	[dreg:$0x12] =	wrdreg s23  }
0x17: {  	s19 =	sadd.s32 $0xF0, s6;
	[dreg:$0x13] =	wrdreg s24;
	s26 =	sadd.s32 $0x27000, s3  }
0x18: {  	s13 =	sadd.s32 s11, s0;
	s0 =	sadd.s32 $0x73E00, s0;
	[dreg:$0x15] =	wrdreg s26  }
0x19: {  	s12 =	simm.s32 $0x1;
	s17 =	sadd.s32 s9, s11;
	[dreg:$0xd] =	wrdreg s0  }
0x1a: {  	s21 =	sshrl.u32 s19, $0x3;
	s16 =	sadd.s32 $0x34200, s13;
	[dreg:$0xf] =	wrdreg s17  }
0x1b: {  	s22 =	simm.s32 $0x2760;
	s0 =	sadd.s32 s9, s21;
	[dreg:$0xe] =	wrdreg s16  }
0x1c: {  	s26 =	simm.s32 $0x3;
	s28 =	sadd.s32 $0xA, s17;
	[dreg:$0x10] =	wrdreg s0  }
0x1d: {  	v0 =	vimm.s32 $0x0;
	v3 =	vimm.s32 $0x1;
	s29 =	sadd.s32 $0x14, s17;
	s30 =	sadd.s32 $0x4D8, s17;
	[dreg:$0x16] =	wrdreg s28  }
0x1e: {  	v4 =	vimm.s32 $0x2;
	v5 =	vimm.s32 $0x3;
	v6 =	vimm.s32 $0x4;
	s21 =	simm.s32 $0x7;
	s13 =	simm.s32 $0x50;
	[dreg:$0x17] =	wrdreg s29  }
0x1f: {  	v7 =	vimm.s32 $0x5;
	v1 =	vimm.s32 $0x6;
	v2 =	vimm.s32 $0x7;
	s17 =	simm.s32 $0x6;
	[dreg:$0x18] =	wrdreg s30;
	s16 =	simm.s32 $0x5  }
.LBB2_1:
0x20: {  	[dreg:$0x19] =	wrdreg s14  }
0x21: {  	s0 =	rddreg [dreg:$0x7]  }
0x22: {  	s30 =	rddreg [dreg:$0x8];
	s11 =	sshrl.u32 s0, $0x3  }
0x23: {  	[dreg:$0x1a] =	wrdreg s11  }
0x24: {  	[spmem:s11], [sflag:s18] =	dma.local [hbm:s30], $0x2700  }
0x25: {  	_ =	swait.ge [sflag:s21], $0x2700  }
0x26: {  	s11 =	rddreg [dreg:$0xb]  }
0x27: {  	[sflag:s21] =	ssyncset.done $0x0;
	s14 =	rddreg [dreg:$0xc];
	s0 =	sshrl.u32 @p0 s11, $0x3  }
0x28: {  	[sflag:s21] =	ssyncadd.s32 $0xFFFFD900;
	[dreg:$0x1b] =	wrdreg s0  }
0x29: {  	[spmem:s0], [sflag:s18] =	dma.local @p0 [hbm:s14], $0x4E0  }
0x2a: {  	s0 =	simm.s32 @p0 $0x7  }
0x2b: {  	_ =	swait.ge @p0 [sflag:s0], $0x4E0  }
0x2c: {  	[sflag:s0] =	ssyncset.done @p0 $0x0  }
0x2d: {  	[sflag:s0] =	ssyncadd.s32 @p0 $0xFFFFFB20;
	s0 =	rddreg [dreg:$0x14]  }
0x2e: {  	s15 =	sshrl.u32 @!p0 s0, $0x3;
	s0 =	rddreg [dreg:$0xa]  }
0x2f: {  	[dreg:$0x1c] =	wrdreg s15  }
0x30: {  	[spmem:s15], [sflag:s18] =	dma.local @!p0 [hbm:s0], $0x100  }
0x31: {  	s0 =	simm.s32 @!p0 $0x7  }
0x32: {  	_ =	swait.ge @!p0 [sflag:s0], $0x100  }
0x33: {  	s11 =	sshrl.u32 @!p0 s11, $0x3;
	[sflag:s0] =	ssyncset.done @!p0 $0x0  }
0x34: {  	[dreg:$0x1d] =	wrdreg s11;
	[sflag:s0] =	ssyncadd.s32 @!p0 $0xFFFFFF00  }
0x35: {  	[spmem:s11], [sflag:s18] =	dma.local @!p0 [hbm:s14], $0x4E0  }
0x36: {  	_ =	swait.ge @!p0 [sflag:s0], $0x4E0  }
0x37: {  	s11 =	rddreg [dreg:$0x15]  }
0x38: {  	[sflag:s0] =	ssyncset.done @!p0 $0x0;
	s14 =	sshrl.u32 @!p0 s11, $0x3;
	s11 =	rddreg [dreg:$0xd]  }
0x39: {  	[sflag:s0] =	ssyncadd.s32 @!p0 $0xFFFFFB20;
	[dreg:$0x1e] =	wrdreg s14  }
0x3a: {  	[spmem:s14], [sflag:s18] =	dma.local @!p0 [hbm:s11], $0x20  }
0x3b: {  	_ =	swait.ge @!p0 [sflag:s0], $0x20  }
0x3c: {  	[sflag:s0] =	ssyncset.done @!p0 $0x0  }
0x3d: {  	s14 =	rddreg [dreg:$0xe];
	[sflag:s0] =	ssyncadd.s32 @!p0 $0xFFFFFFE0  }
0x3e: {  	[tilespmem:s5], [sflag:$0x7] =	stream.linear.gather [hbm4b:s14+s5], $0x2710, $0x38;
	[tilespmem:$0x1F540] =	vst v63  }
0x3f: {  	_ =	swait.ge [sflag:s21], $0x2710  }
0x40: {  	[sflag:s21] =	ssyncset.done $0x0  }
0x41: {  	[sflag:s21] =	ssyncadd.s32 $0xFFFFD8F0  }
0x42: {  	[bflag:$0x0] =	sbarrier.arrive $0xFFFF  }
0x43: {  	s15 =	rddreg [dreg:$0xf]  }
0x44: {  	[tilespmem:s4], [sflag:$0x1] =	stream.linear.gather [hbm4b:s15+s5], $0x50, $0x38;
	[tilespmem:$0x1F540] =	vst v63  }
0x45: {  	_ =	swait.ge [sflag:s12], $0x50  }
0x46: {  	[sflag:s12] =	ssyncset.done $0x0  }
0x47: {  	s18 =	simm.s32 $0x27B0;
	[sflag:s12] =	ssyncadd.s32 $0xFFFFFFB0  }
0x48: {  	[tilespmem:s18], [sflag:$0x3] =	stream.indirect.gather [hbm4b:s7+s13], $0x10, s4, s13, $0xb8;
	[tilespmem:$0x1F540] =	vst v63  }
0x49: {  	s21 =	simm.s32 $0x31B0  }
0x4a: {  	[tilespmem:s21], [sflag:$0x3] =	stream.indirect.gather [hbm4b:s8+s13], $0x10, s5, s13, $0xb8;
	[tilespmem:$0x1F540] =	vst v63  }
0x4b: {  	_ = 	snop  }
0x4c: {  	[tilespmem:s20], [sflag:$0x3] =	stream.indirect.gather [hbm4b:s1+s13], $0x80, s4, s13, $0xb8;
	[tilespmem:$0x1F540] =	vst v63  }
0x4d: {  	s23 =	rddreg [dreg:$0x16]  }
0x4e: {  	[tilespmem:s22], [sflag:$0x2] =	stream.linear.gather [hbm4b:s23+s5], $0x50, $0x38;
	[tilespmem:$0x1F540] =	vst v63  }
0x4f: {  	_ =	swait.ge [sflag:s25], $0x50  }
0x50: {  	[sflag:s25] =	ssyncset.done $0x0  }
0x51: {  	[sflag:s25] =	ssyncadd.s32 $0xFFFFFFB0  }
0x52: {  	_ =	swait.ge [sflag:s26], $0x500  }
0x53: {  	[sflag:s26] =	ssyncset.done $0x0  }
0x54: {  	[sflag:s26] =	ssyncadd.s32 $0xFFFFFB00  }
0x55: {  	_ =	swait.ge [sflag:s26], $0x500  }
0x56: {  	[sflag:s26] =	ssyncset.done $0x0  }
0x57: {  	[sflag:s26] =	ssyncadd.s32 $0xFFFFFB00  }
0x58: {  	_ =	swait.ge [sflag:s26], $0x2800  }
0x59: {  	[sflag:s26] =	ssyncset.done $0x0  }
0x5a: {  	s24 =	simm.s32 $0x27D0;
	[sflag:s26] =	ssyncadd.s32 $0xFFFFD800  }
0x5b: {  	s28 =	simm.s32 $0x31D0;
	v8 =	vld [tilespmem:s24+$0x10]  }
0x5c: {  	v9 =	vld [tilespmem:s28+$0x10]  }
0x5d: {  	v10 =	vld [tilespmem:s28+$0xFFFFFFE0]  }
0x5e: {  	v11 =	vld [tilespmem:s24+$0xFFFFFFF0]  }
0x5f: {  	v12 =	vld [tilespmem:s28+$0xFFFFFFF0]  }
0x60: {  	v13 =	vld [tilespmem:s24+$0x0]  }
0x61: {  	v14 =	vld [tilespmem:s28+$0x0]  }
0x62: {  	v8 =	vadd.f32 v9, v8;
	v9 =	vld [tilespmem:s24+$0xFFFFFFE0];
	_ =	sdelay $0x1  }
0x63: {  	v15 =	vmul.f32 $2.000000030e-01, v8  }
0x64: {  	v11 =	vadd.f32 v12, v11;
	vm0 =	vge.f32 v8, $0.0e+00  }
0x65: {  	v12 =	vadd.f32 v14, v13;
	v8 =	vsel vm0, v8, v15  }
0x66: {  	v13 =	vmul.f32 $2.000000030e-01, v11;
	v8 =	vmul.f32 $1.442695020e+00, v8;
	v9 =	vadd.f32 v10, v9  }
0x67: {  	vm11 =	vge.f32 v11, $0.0e+00;
	vm1 =	vge.f32 v12, $0.0e+00;
	v10 =	vmul.f32 $2.000000030e-01, v12  }
0x68: {  	v11 =	vsel vm11, v11, v13;
	(erf) = vpow2.f32 v8;
	v8 =	vmul.f32 $2.000000030e-01, v9  }
0x69: {  	v11 =	vmul.f32 $1.442695020e+00, v11;
	vm12 =	vge.f32 v9, $0.0e+00;
	v10 =	vsel vm1, v12, v10  }
0x6a: {  	v8 =	vsel vm12, v9, v8;
	v9 =	vmul.f32 $1.442695020e+00, v10  }
0x6b: {  	(erf) = vpow2.f32 v11;
	v8 =	vmul.f32 $1.442695020e+00, v8  }
0x6c: {  	(erf) = vpow2.f32 v9  }
0x6d: {  	(erf) = vpow2.f32 v8;
	_ =	sdelay $0x3  }
0x6e: {  	s29 =	simm.s32 $0x8BD0;
	v12 =	vpop (erf)  }
0x6f: {  	s0 =	simm.s32 $0x3CB0;
	[tilespmem:s29+$0x10] =	vst v12  }
0x70: {  	v13 =	vld [tilespmem:s0+$0xF0]  }
0x71: {  	v16 =	vpop (erf);
	v14 =	vld [tilespmem:s0+$0x80]  }
0x72: {  	v15 =	vld [tilespmem:s0+$0x90];
	v18 =	vpop (erf)  }
0x73: {  	v8 =	vperm.xlane v12, v5;
	[tilespmem:s29+$0xFFFFFFF0] =	vst v16;
	v17 =	vld [tilespmem:s0+$0xA0];
	v21 =	vpop (erf)  }
0x74: {  	v20 =	vld [tilespmem:s0+$0xFFFFFF80];
	[tilespmem:s29+$0xFFFFFFE0] =	vst v21  }
0x75: {  	v19 =	vperm.xlane v12, v0;
	v24 =	vld [tilespmem:s0+$0xFFFFFF90];
	[tilespmem:$0x1FFE0] =	vst v8;
	v8 =	vperm.xlane v12, v6  }
0x76: {  	v22 =	vperm.xlane v12, v3;
	v23 =	vperm.xlane v12, v4  }
0x77: {  	v11 =	vperm.xlane v12, v7;
	v10 =	vperm.xlane v12, v1;
	[tilespmem:$0x1FFF0] =	vst v8  }
0x78: {  	v27 =	vperm.xlane v16, v0;
	v29 =	vperm.xlane v16, v3;
	v25 =	vld [tilespmem:s0+$0xFFFFFF00]  }
0x79: {  	v30 =	vperm.xlane v16, v4;
	v43 =	vperm.xlane v16, v5;
	v26 =	vld [tilespmem:s0+$0xFFFFFF10]  }
0x7a: {  	v1 =	vimm.s32 $0x6;
	v45 =	vperm.xlane v16, v6;
	v46 =	vperm.xlane v16, v7;
	v28 =	vld [tilespmem:s0+$0xFFFFFF20]  }
0x7b: {  	v48 =	vperm.xlane v16, v1;
	v16 =	vperm.xlane v16, v2;
	v31 =	vld [tilespmem:s0+$0xFFFFFF30]  }
0x7c: {  	v50 =	vperm.xlane v18, v0;
	v51 =	vperm.xlane v18, v3;
	v33 =	vld [tilespmem:s0+$0xFFFFFF40]  }
0x7d: {  	v53 =	vperm.xlane v18, v4;
	v54 =	vperm.xlane v18, v5;
	v36 =	vld [tilespmem:s0+$0xFFFFFF50]  }
0x7e: {  	v56 =	vperm.xlane v18, v6;
	v57 =	vperm.xlane v18, v7;
	v39 =	vld [tilespmem:s0+$0xFFFFFF60]  }
0x7f: {  	v59 =	vperm.xlane v18, v1;
	v32 =	vperm.xlane v21, v0;
	v42 =	vld [tilespmem:s0+$0xFFFFFF70]  }
0x80: {  	v34 =	vperm.xlane v21, v3;
	v35 =	vperm.xlane v21, v4;
	v44 =	vld [tilespmem:s0+$0xFFFFFFA0]  }
0x81: {  	s30 =	simm.s32 $0x2810;
	v37 =	vperm.xlane v21, v5;
	v38 =	vperm.xlane v21, v6;
	v47 =	vld [tilespmem:s0+$0xFFFFFFB0]  }
0x82: {  	s11 =	simm.s32 $0x3210;
	v40 =	vperm.xlane v21, v7;
	v12 =	vperm.xlane v12, v2;
	v49 =	vld [tilespmem:s30+$0x10]  }
0x83: {  	v41 =	vperm.xlane v21, v1;
	v21 =	vperm.xlane v21, v2;
	v52 =	vld [tilespmem:s11+$0x10]  }
0x84: {  	v15 =	vmul.f32 v15, v22;
	v13 =	vmul.f32 v13, v12;
	v55 =	vld [tilespmem:s11+$0xFFFFFFE0]  }
0x85: {  	v17 =	vmul.f32 v17, v23;
	v20 =	vmul.f32 v20, v27;
	v58 =	vld [tilespmem:s30+$0xFFFFFFF0]  }
0x86: {  	v12 =	vperm.xlane v18, v2;
	v60 =	vld [tilespmem:s11+$0xFFFFFFF0];
	[tilespmem:s0+$0xF0] =	vst v13;
	v13 =	vmul.f32 v14, v19  }
0x87: {  	v61 =	vld [tilespmem:s11+$0x0];
	v25 =	vmul.f32 v25, v32;
	v26 =	vmul.f32 v26, v34  }
0x88: {  	v63 =	vld [tilespmem:s30+$0xFFFFFFE0];
	v28 =	vmul.f32 v28, v35;
	v31 =	vmul.f32 v31, v37;
	v27 =	vadd.f32 v52, v49  }
0x89: {  	[tilespmem:s29+$0x0] =	vst v18;
	v14 =	vld [tilespmem:s0+$0xFFFFFFE0];
	v18 =	vmul.f32 v42, v21;
	v21 =	vmul.f32 v24, v29  }
0x8a: {  	[tilespmem:s0+$0xFFFFFF80] =	vst v20;
	v32 =	vld [tilespmem:s30+$0x0];
	v29 =	vmul.f32 v44, v30;
	v30 =	vmul.f32 $2.000000030e-01, v27  }
0x8b: {  	v23 =	vld [tilespmem:s0+$0xFFFFFFF0];
	[tilespmem:s0+$0x90] =	vst v15;
	v33 =	vmul.f32 v33, v38;
	v62 =	vmul.f32 v36, v40;
	vm13 =	vge.f32 v27, $0.0e+00  }
0x8c: {  	v40 =	vmul.f32 v39, v41;
	v41 =	vld [tilespmem:s0+$0xFFFFFFC0];
	v19 =	vadd.f32 v60, v58;
	[tilespmem:s0+$0xFFFFFF90] =	vst v21;
	v22 =	vsel vm13, v27, v30  }
0x8d: {  	v24 =	vld [tilespmem:s0+$0xFFFFFFD0];
	v20 =	vmul.f32 v47, v43;
	[tilespmem:s0+$0xFFFFFF00] =	vst v25;
	v22 =	vmul.f32 $1.442695020e+00, v22  }
0x8e: {  	v52 =	vld [tilespmem:s0+$0x60];
	v49 =	vmul.f32 v14, v48;
	[tilespmem:s0+$0xFFFFFF10] =	vst v26;
	v25 =	vmul.f32 $2.000000030e-01, v19;
	v26 =	vadd.f32 v55, v63  }
0x8f: {  	vm14 =	vge.f32 v19, $0.0e+00;
	[tilespmem:s0+$0xFFFFFF30] =	vst v31;
	v31 =	vld [tilespmem:s0+$0x30];
	v21 =	vadd.f32 v61, v32;
	(erf) = vpow2.f32 v22  }
0x90: {  	[tilespmem:s0+$0xA0] =	vst v17;
	v55 =	vmul.f32 v23, v16;
	v27 =	vld [tilespmem:s0+$0x0];
	v30 =	vmul.f32 $2.000000030e-01, v26;
	v19 =	vsel vm14, v19, v25  }
0x91: {  	[tilespmem:s0+$0xFFFFFF20] =	vst v28;
	vm2 =	vge.f32 v26, $0.0e+00;
	v25 =	vld [tilespmem:s0+$0x20];
	v19 =	vmul.f32 $1.442695020e+00, v19;
	v28 =	vmul.f32 $2.000000030e-01, v21  }
0x92: {  	[tilespmem:s0+$0x80] =	vst v13;
	v26 =	vsel vm2, v26, v30;
	v30 =	vmul.f32 v24, v46;
	v24 =	vld [tilespmem:s0+$0x40];
	vm15 =	vge.f32 v21, $0.0e+00  }
0x93: {  	[tilespmem:s0+$0xFFFFFF40] =	vst v33;
	v63 =	vmul.f32 v52, v59;
	v22 =	vld [tilespmem:s0+$0x10];
	(erf) = vpow2.f32 v19;
	v21 =	vsel vm15, v21, v28  }
0x94: {  	[tilespmem:s0+$0xFFFFFF60] =	vst v40;
	v13 =	vmul.f32 $1.442695020e+00, v26;
	v19 =	vld [tilespmem:s0+$0x50];
	v21 =	vmul.f32 $1.442695020e+00, v21  }
0x95: {  	v15 =	vld [tilespmem:s0+$0xD0];
	[tilespmem:s0+$0xFFFFFF70] =	vst v18;
	v31 =	vmul.f32 v31, v54;
	v28 =	vmul.f32 v41, v45  }
0x96: {  	v14 =	vld [tilespmem:s0+$0xB0];
	[tilespmem:s0+$0xFFFFFFA0] =	vst v29;
	v36 =	vmul.f32 v27, v50;
	(erf) = vpow2.f32 v21  }
0x97: {  	v16 =	vld [tilespmem:s0+$0xE0];
	[tilespmem:s0+$0xFFFFFFB0] =	vst v20;
	v25 =	vmul.f32 v25, v53;
	(erf) = vpow2.f32 v13  }
0x98: {  	s21 =	simm.s32 $0x8C10;
	[tilespmem:s0+$0xFFFFFFF0] =	vst v55;
	v45 =	vmul.f32 v24, v56;
	v21 =	vld [tilespmem:s0+$0x70];
	v37 =	vmul.f32 v22, v51;
	v29 =	vpop (erf)  }
0x99: {  	s14 =	simm.s32 $0x3EB0;
	v13 =	vld [tilespmem:s0+$0xC0];
	v46 =	vmul.f32 v19, v57;
	[tilespmem:s21+$0x10] =	vst v29;
	v24 =	vperm.xlane v29, v0  }
0x9a: {  	[tilespmem:s0+$0x60] =	vst v63;
	v23 =	vperm.xlane v29, v3;
	v22 =	vperm.xlane v29, v4;
	v58 =	vld [tilespmem:s14+$0xF0]  }
0x9b: {  	[tilespmem:s0+$0xFFFFFFD0] =	vst v30;
	v19 =	vperm.xlane v29, v5;
	v20 =	vperm.xlane v29, v6;
	v26 =	vld [tilespmem:s14+$0x80]  }
0x9c: {  	[tilespmem:s0+$0xFFFFFFC0] =	vst v28;
	v17 =	vperm.xlane v29, v7;
	v18 =	vperm.xlane v29, v1;
	v28 =	vpop (erf);
	v27 =	vld [tilespmem:s14+$0x90]  }
0x9d: {  	v29 =	vperm.xlane v29, v2;
	[tilespmem:s21+$0xFFFFFFF0] =	vst v28;
	v40 =	vperm.xlane v28, v0;
	v34 =	vld [tilespmem:s14+$0xA0]  }
0x9e: {  	[tilespmem:s0+$0x0] =	vst v36;
	v41 =	vperm.xlane v28, v3;
	v39 =	vperm.xlane v28, v4;
	v42 =	vld [tilespmem:s14+$0xFFFFFF80]  }
0x9f: {  	[tilespmem:s0+$0x10] =	vst v37;
	v48 =	vperm.xlane v28, v5;
	v38 =	vperm.xlane v28, v6;
	v47 =	vld [tilespmem:s14+$0xFFFFFF90];
	v43 =	vpop (erf)  }
0xa0: {  	[tilespmem:s0+$0x50] =	vst v46;
	v37 =	vperm.xlane v28, v7;
	v36 =	vperm.xlane v28, v1;
	v46 =	vld [tilespmem:s14+$0xFFFFFFA0];
	v30 =	vpop (erf)  }
0xa1: {  	v35 =	vperm.xlane v28, v2;
	v63 =	vld [tilespmem:s14+$0xFFFFFFB0];
	v28 =	vperm.xlane v43, v3;
	[tilespmem:s21+$0xFFFFFFE0] =	vst v30  }
0xa2: {  	[tilespmem:s0+$0x30] =	vst v31;
	v31 =	vperm.xlane v43, v4;
	v33 =	vperm.xlane v43, v6;
	v55 =	vld [tilespmem:s14+$0xFFFFFF00]  }
0xa3: {  	[tilespmem:s0+$0xFFFFFFE0] =	vst v49;
	v32 =	vperm.xlane v43, v7;
	v29 =	vmul.f32 v58, v29;
	v58 =	vld [tilespmem:s14+$0xFFFFFF10]  }
0xa4: {  	[tilespmem:s0+$0x20] =	vst v25;
	v25 =	vperm.xlane v43, v1;
	v49 =	vperm.xlane v30, v0;
	v59 =	vld [tilespmem:s14+$0xFFFFFF20]  }
0xa5: {  	v56 =	vperm.xlane v30, v3;
	v53 =	vperm.xlane v30, v4;
	v60 =	vld [tilespmem:s14+$0xFFFFFF30]  }
0xa6: {  	[tilespmem:s0+$0xFFFFFF50] =	vst v62;
	v57 =	vperm.xlane v30, v5;
	v52 =	vperm.xlane v30, v6;
	v61 =	vld [tilespmem:s14+$0xFFFFFF40]  }
0xa7: {  	[tilespmem:s0+$0x40] =	vst v45;
	v54 =	vperm.xlane v30, v7;
	v50 =	vperm.xlane v30, v1;
	v44 =	vld [tilespmem:s14+$0xFFFFFF50]  }
0xa8: {  	[tilespmem:s21+$0x0] =	vst v43;
	v51 =	vperm.xlane v30, v2;
	v30 =	vperm.xlane v43, v0;
	v45 =	vld [tilespmem:s14+$0xFFFFFF60]  }
0xa9: {  	s15 =	simm.s32 $0x4;
	s18 =	simm.s32 $0x2850;
	s23 =	simm.s32 $0x3EB0;
	v62 =	vld [tilespmem:s14+$0xFFFFFF70];
	[tilespmem:s14+$0xF0] =	vst v29;
	v29 =	vperm.xlane v43, v5;
	v43 =	vperm.xlane v43, v2  }
.LBB2_2:
0xaa: {  	v8 =	vld [tilespmem:s18+$0x10];
	s11 =	sadd.s32 $0x40, s11;
	v49 =	vmul.f32 v55, v49  }
0xab: {  	v55 =	vmul.f32 v58, v56;
	v56 =	vld [tilespmem:s11+$0x10]  }
0xac: {  	v53 =	vmul.f32 v59, v53;
	v58 =	vld [tilespmem:s11+$0xFFFFFFE0];
	[tilespmem:s14+$0xFFFFFF00] =	vst v49  }
0xad: {  	v9 =	vld [tilespmem:$0x1FFE0];
	v57 =	vmul.f32 v60, v57;
	[tilespmem:s14+$0xFFFFFF10] =	vst v55  }
0xae: {  	v61 =	vmul.f32 v61, v52;
	v52 =	vld [tilespmem:s18+$0xFFFFFFF0];
	[tilespmem:s14+$0xFFFFFF20] =	vst v53  }
0xaf: {  	v44 =	vmul.f32 v44, v54;
	v54 =	vld [tilespmem:s11+$0xFFFFFFF0];
	v40 =	vmul.f32 v42, v40;
	[tilespmem:s14+$0xFFFFFF30] =	vst v57  }
0xb0: {  	v21 =	vmul.f32 v21, v12;
	v12 =	vmov v43;
	v43 =	vmul.f32 v16, v10;
	v60 =	vld [tilespmem:s11+$0x0];
	[tilespmem:s14+$0xFFFFFF40] =	vst v61  }
0xb1: {  	v41 =	vmul.f32 v47, v41;
	v39 =	vmul.f32 v46, v39;
	v55 =	vld [tilespmem:s18+$0x0];
	[tilespmem:s14+$0xFFFFFF80] =	vst v40;
	v8 =	vadd.f32 v56, v8  }
0xb2: {  	v24 =	vmul.f32 v26, v24;
	v26 =	vld [tilespmem:s18+$0xFFFFFFE0];
	[tilespmem:s14+$0xFFFFFF50] =	vst v44;
	v44 =	vmul.f32 v14, v9;
	v9 =	vmov v19  }
0xb3: {  	v23 =	vmul.f32 v27, v23;
	[tilespmem:$0x1FFE0] =	vst v9;
	v9 =	vld [tilespmem:$0x1FFF0];
	v27 =	vmul.f32 $2.000000030e-01, v8  }
0xb4: {  	v10 =	vmovc v18;
	v45 =	vmul.f32 v45, v50;
	v62 =	vmul.f32 v62, v51;
	v61 =	vld [tilespmem:s14+$0xFFFFFFC0];
	[tilespmem:s14+$0xFFFFFF90] =	vst v41;
	vm0 =	vge.f32 v8, $0.0e+00  }
0xb5: {  	v18 =	vld [tilespmem:s14+$0x0];
	v59 =	vmul.f32 v63, v48;
	[tilespmem:s14+$0xFFFFFFA0] =	vst v39;
	v14 =	vadd.f32 v54, v52;
	v8 =	vsel vm0, v8, v27  }
0xb6: {  	v22 =	vmul.f32 v34, v22;
	[tilespmem:s0+$0x70] =	vst v21;
	v19 =	vld [tilespmem:s14+$0xFFFFFFD0];
	v8 =	vmul.f32 $1.442695020e+00, v8  }
0xb7: {  	v46 =	vmul.f32 v15, v11;
	[tilespmem:s14+$0x80] =	vst v24;
	v24 =	vld [tilespmem:s14+$0x40];
	v15 =	vmul.f32 $2.000000030e-01, v14;
	v16 =	vadd.f32 v60, v55  }
0xb8: {  	v11 =	vmovc v17;
	[tilespmem:s14+$0xFFFFFF60] =	vst v45;
	v17 =	vadd.f32 v58, v26;
	v45 =	vmul.f32 v13, v9;
	v13 =	vld [tilespmem:s14+$0xFFFFFFE0];
	(erf) = vpow2.f32 v8  }
0xb9: {  	[tilespmem:s14+$0xFFFFFFB0] =	vst v59;
	vm15 =	vge.f32 v14, $0.0e+00;
	v21 =	vmul.f32 v61, v38;
	v9 =	vmovc v20;
	v20 =	vld [tilespmem:s14+$0xFFFFFFF0];
	v26 =	vmul.f32 $2.000000030e-01, v16  }
0xba: {  	[tilespmem:s14+$0x90] =	vst v23;
	vm1 =	vge.f32 v16, $0.0e+00;
	v14 =	vsel vm15, v14, v15;
	v15 =	vld [tilespmem:s14+$0x20];
	v27 =	vmul.f32 $2.000000030e-01, v17  }
0xbb: {  	[tilespmem:s14+$0xA0] =	vst v22;
	vm2 =	vge.f32 v17, $0.0e+00;
	v14 =	vmul.f32 $1.442695020e+00, v14;
	v16 =	vsel vm1, v16, v26;
	v26 =	vld [tilespmem:s14+$0x30]  }
0xbc: {  	[tilespmem:s14+$0xFFFFFF70] =	vst v62;
	v19 =	vmul.f32 v19, v37;
	v8 =	vld [tilespmem:s14+$0x10];
	v17 =	vsel vm2, v17, v27;
	v16 =	vmul.f32 $1.442695020e+00, v16  }
0xbd: {  	v62 =	vld [tilespmem:s14+$0x60];
	[tilespmem:s14+$0xFFFFFFC0] =	vst v21;
	v17 =	vmul.f32 $1.442695020e+00, v17;
	(erf) = vpow2.f32 v14  }
0xbe: {  	v23 =	vld [tilespmem:s14+$0x50];
	[tilespmem:$0x1FFF0] =	vst v9;
	(erf) = vpow2.f32 v16;
	v13 =	vmul.f32 v13, v36  }
0xbf: {  	v21 =	vld [tilespmem:s14+$0x70];
	[tilespmem:s14+$0xFFFFFFD0] =	vst v19;
	v16 =	vmul.f32 v20, v35;
	(erf) = vpow2.f32 v17  }
0xc0: {  	v14 =	vld [tilespmem:s14+$0xB0];
	v17 =	vmul.f32 v18, v30;
	v18 =	vmul.f32 v15, v31;
	[tilespmem:s14+$0xFFFFFFE0] =	vst v13  }
0xc1: {  	s21 =	sadd.s32 $0x40, s21;
	v15 =	vld [tilespmem:s14+$0xD0];
	[tilespmem:s14+$0xFFFFFFF0] =	vst v16;
	v8 =	vmul.f32 v8, v28;
	v28 =	vmul.f32 v26, v29;
	v29 =	vpop (erf)  }
0xc2: {  	v25 =	vmul.f32 v62, v25;
	v30 =	vmul.f32 v24, v33;
	v13 =	vld [tilespmem:s14+$0xC0];
	[tilespmem:s21+$0x10] =	vst v29  }
0xc3: {  	v31 =	vmul.f32 v23, v32;
	[tilespmem:s14+$0x0] =	vst v17;
	s14 =	sadd.s32 $0x200, s14;
	v24 =	vperm.xlane v29, v0;
	v16 =	vld [tilespmem:s23+$0xE0]  }
0xc4: {  	[tilespmem:s23+$0x20] =	vst v18;
	v23 =	vperm.xlane v29, v3;
	v22 =	vperm.xlane v29, v4;
	v63 =	vld [tilespmem:s14+$0xF0]  }
0xc5: {  	[tilespmem:s23+$0x10] =	vst v8;
	v19 =	vperm.xlane v29, v5;
	v20 =	vperm.xlane v29, v6;
	v26 =	vld [tilespmem:s14+$0x80]  }
0xc6: {  	[tilespmem:s23+$0x30] =	vst v28;
	v17 =	vperm.xlane v29, v7;
	v18 =	vperm.xlane v29, v1;
	v8 =	vpop (erf);
	v27 =	vld [tilespmem:s14+$0x90]  }
0xc7: {  	v28 =	vperm.xlane v29, v2;
	[tilespmem:s21+$0xFFFFFFF0] =	vst v8;
	v40 =	vperm.xlane v8, v0;
	v34 =	vld [tilespmem:s14+$0xA0];
	v9 =	vpop (erf)  }
0xc8: {  	v41 =	vperm.xlane v8, v3;
	v39 =	vperm.xlane v8, v4;
	v42 =	vld [tilespmem:s14+$0xFFFFFF80];
	v29 =	vpop (erf)  }
0xc9: {  	v48 =	vperm.xlane v8, v5;
	v38 =	vperm.xlane v8, v6;
	v47 =	vld [tilespmem:s14+$0xFFFFFF90];
	[tilespmem:s21+$0xFFFFFFE0] =	vst v29  }
0xca: {  	v37 =	vperm.xlane v8, v7;
	v36 =	vperm.xlane v8, v1;
	v55 =	vld [tilespmem:s14+$0xFFFFFF00]  }
0xcb: {  	[tilespmem:s0+$0xB0] =	vst v44;
	v35 =	vperm.xlane v8, v2;
	v33 =	vperm.xlane v9, v6;
	v58 =	vld [tilespmem:s14+$0xFFFFFF10]  }
0xcc: {  	[tilespmem:s21+$0x0] =	vst v9;
	v32 =	vperm.xlane v9, v7;
	v49 =	vperm.xlane v29, v0;
	v59 =	vld [tilespmem:s14+$0xFFFFFF20]  }
0xcd: {  	s15 =	sadd.s32 $0x4, s15;
	v56 =	vperm.xlane v29, v3;
	v53 =	vperm.xlane v29, v4;
	[tilespmem:s23+$0x40] =	vst v30;
	v60 =	vld [tilespmem:s14+$0xFFFFFF30]  }
0xce: {  	p1 =	slt.u32 s15, $0x4C;
	v57 =	vperm.xlane v29, v5;
	[tilespmem:s23+$0x50] =	vst v31;
	v61 =	vld [tilespmem:s14+$0xFFFFFF40];
	v28 =	vmul.f32 v63, v28  }
.Ltmp0:
0xcf: {  	v52 =	vperm.xlane v29, v6;
	v54 =	vperm.xlane v29, v7;
	[tilespmem:s23+$0x60] =	vst v25;
	v44 =	vld [tilespmem:s14+$0xFFFFFF50];
	(pc) =	sbr.rel @p1 .LBB2_2-.Ltmp0, $4  }
0xd0: {  	v50 =	vperm.xlane v29, v1;
	v51 =	vperm.xlane v29, v2;
	v62 =	vld [tilespmem:s14+$0xFFFFFF70];
	[tilespmem:s14+$0xF0] =	vst v28  }
0xd1: {  	v30 =	vperm.xlane v9, v0;
	v31 =	vperm.xlane v9, v4;
	v63 =	vld [tilespmem:s14+$0xFFFFFFB0];
	[tilespmem:s0+$0xC0] =	vst v45  }
0xd2: {  	v29 =	vperm.xlane v9, v5;
	v25 =	vperm.xlane v9, v1;
	v45 =	vld [tilespmem:s14+$0xFFFFFF60];
	[tilespmem:s0+$0xD0] =	vst v46  }
0xd3: {  	s18 =	sadd.s32 $0x40, s18;
	v28 =	vperm.xlane v9, v3;
	[tilespmem:s0+$0xE0] =	vst v43;
	s0 =	smov.u32 s23;
	s23 =	smov.u32 s14;
	v46 =	vld [tilespmem:s14+$0xFFFFFFA0];
	v43 =	vperm.xlane v9, v2  }
0xd4: {  	v8 =	vmul.f32 v55, v49  }
0xd5: {  	v9 =	vmul.f32 v58, v56  }
0xd6: {  	v56 =	vmul.f32 v59, v53;
	[tilespmem:s14+$0xFFFFFF00] =	vst v8  }
0xd7: {  	v44 =	vmul.f32 v44, v54;
	[tilespmem:s14+$0xFFFFFF10] =	vst v9  }
0xd8: {  	v41 =	vmul.f32 v47, v41;
	[tilespmem:s14+$0xFFFFFF20] =	vst v56  }
0xd9: {  	v12 =	vmul.f32 v21, v12;
	[tilespmem:s14+$0xFFFFFF50] =	vst v44  }
0xda: {  	v21 =	vmul.f32 v26, v24;
	[tilespmem:s14+$0xFFFFFF90] =	vst v41  }
0xdb: {  	v23 =	vmul.f32 v27, v23;
	[tilespmem:s0+$0x70] =	vst v12  }
0xdc: {  	v22 =	vmul.f32 v34, v22;
	[tilespmem:s14+$0x80] =	vst v21  }
0xdd: {  	v8 =	vmul.f32 v60, v57;
	[tilespmem:s14+$0x90] =	vst v23  }
0xde: {  	v9 =	vmul.f32 v61, v52;
	[tilespmem:s14+$0xA0] =	vst v22  }
0xdf: {  	v58 =	vld [tilespmem:s14+$0xFFFFFFD0];
	[tilespmem:s14+$0xFFFFFF30] =	vst v8;
	v8 =	vmul.f32 v42, v40  }
0xe0: {  	v60 =	vmul.f32 v63, v48;
	[tilespmem:s14+$0xFFFFFF40] =	vst v9;
	v9 =	vld [tilespmem:s14+$0xFFFFFFC0]  }
0xe1: {  	v24 =	vld [tilespmem:s14+$0x0];
	[tilespmem:s14+$0xFFFFFF80] =	vst v8;
	v8 =	vmul.f32 v62, v51  }
0xe2: {  	v59 =	vld [tilespmem:s14+$0xFFFFFFE0];
	v57 =	vmul.f32 v45, v50;
	[tilespmem:s14+$0xFFFFFFB0] =	vst v60  }
0xe3: {  	v39 =	vmul.f32 v46, v39;
	[tilespmem:s14+$0xFFFFFF70] =	vst v8;
	v8 =	vld [tilespmem:s14+$0xFFFFFFF0]  }
0xe4: {  	v12 =	vld [tilespmem:s14+$0x10];
	[tilespmem:s14+$0xFFFFFF60] =	vst v57;
	v26 =	vmul.f32 v58, v37  }
0xe5: {  	v21 =	vld [tilespmem:s14+$0x20];
	[tilespmem:s14+$0xFFFFFFA0] =	vst v39;
	v9 =	vmul.f32 v9, v38  }
0xe6: {  	v23 =	vld [tilespmem:s14+$0x30];
	v24 =	vmul.f32 v24, v30;
	[tilespmem:s14+$0xFFFFFFD0] =	vst v26  }
0xe7: {  	v26 =	vmul.f32 v59, v36;
	[tilespmem:s14+$0xFFFFFFC0] =	vst v9;
	v9 =	vld [tilespmem:s14+$0x40]  }
0xe8: {  	[tilespmem:s14+$0x0] =	vst v24;
	v8 =	vmul.f32 v8, v35  }
0xe9: {  	v27 =	vld [tilespmem:s14+$0x50];
	v12 =	vmul.f32 v12, v28;
	[tilespmem:s14+$0xFFFFFFE0] =	vst v26  }
0xea: {  	v22 =	vld [tilespmem:s14+$0x60];
	[tilespmem:s14+$0xFFFFFFF0] =	vst v8;
	v8 =	vmul.f32 v21, v31  }
0xeb: {  	v26 =	vld [tilespmem:s14+$0x70];
	[tilespmem:s23+$0x10] =	vst v12;
	v21 =	vmul.f32 v23, v29  }
0xec: {  	v9 =	vmul.f32 v9, v33;
	[tilespmem:s23+$0x20] =	vst v8  }
0xed: {  	[tilespmem:s23+$0x30] =	vst v21  }
0xee: {  	v8 =	vmul.f32 v27, v32;
	[tilespmem:s23+$0x40] =	vst v9  }
0xef: {  	v9 =	vld [tilespmem:$0x1FFE0]  }
0xf0: {  	[tilespmem:s23+$0x50] =	vst v8  }
0xf1: {  	v8 =	vld [tilespmem:$0x1FFF0];
	_ =	sdelay $0x1  }
0xf2: {  	v12 =	vmul.f32 v22, v25  }
0xf3: {  	v11 =	vmul.f32 v15, v11;
	v9 =	vmul.f32 v14, v9;
	v14 =	vld [tilespmem:s14+$0xB0]  }
0xf4: {  	[tilespmem:s23+$0x60] =	vst v12;
	v12 =	vld [tilespmem:s14+$0xD0]  }
0xf5: {  	[tilespmem:s0+$0xD0] =	vst v11;
	v8 =	vmul.f32 v13, v8;
	v13 =	vld [tilespmem:s14+$0xC0]  }
0xf6: {  	[tilespmem:s0+$0xB0] =	vst v9;
	v9 =	vmul.f32 v16, v10;
	v10 =	vld [tilespmem:s23+$0xE0]  }
0xf7: {  	[tilespmem:s0+$0xC0] =	vst v8;
	v8 =	vmul.f32 v26, v43  }
0xf8: {  	[tilespmem:s0+$0xE0] =	vst v9;
	v9 =	vmul.f32 v14, v19  }
0xf9: {  	[tilespmem:s23+$0x70] =	vst v8;
	v8 =	vmul.f32 v12, v17  }
0xfa: {  	v11 =	vmul.f32 v13, v20;
	[tilespmem:s23+$0xB0] =	vst v9  }
0xfb: {  	v9 =	vmul.f32 v10, v18;
	[tilespmem:s23+$0xD0] =	vst v8  }
0xfc: {  	[tilespmem:s23+$0xC0] =	vst v11  }
0xfd: {  	s21 =	simm.s32 $0x8BB0;
	[tilespmem:s23+$0xE0] =	vst v9  }
0xfe: {  	[spmem:s3] =	stream.indirect.scatter.add.f32 [tilespmem:s21], [sflag:$0x5], $0x10, s5, s13, $0xb8;
	[tilespmem:$0x1F540] =	vst v63  }
0xff: {  	_ = 	snop  }
0x100: {  	[spmem:s2] =	stream.indirect.scatter.add.f32 [tilespmem:s20], [sflag:$0x5], $0x80, s5, s13, $0xb8;
	[tilespmem:$0x1F540] =	vst v63  }
0x101: {  	s23 =	simm.s32 $0x2CB0  }
0x102: {  	[tilespmem:s23], [sflag:$0x4] =	stream.indirect.gather [hbm4b:s7+s13], $0x10, s22, s13, $0xb8;
	[tilespmem:$0x1F540] =	vst v63  }
0x103: {  	s24 =	simm.s32 $0x36B0  }
0x104: {  	[tilespmem:s24], [sflag:$0x4] =	stream.indirect.gather [hbm4b:s8+s13], $0x10, s13, s13, $0xb8;
	[tilespmem:$0x1F540] =	vst v63  }
0x105: {  	_ = 	snop  }
0x106: {  	[tilespmem:s31], [sflag:$0x4] =	stream.indirect.gather [hbm4b:s1+s13], $0x80, s22, s13, $0xb8;
	[tilespmem:$0x1F540] =	vst v63  }
0x107: {  	s28 =	rddreg [dreg:$0x17]  }
0x108: {  	[tilespmem:s4], [sflag:$0x1] =	stream.linear.gather [hbm4b:s28+s5], $0x50, $0x38;
	[tilespmem:$0x1F540] =	vst v63  }
0x109: {  	_ =	swait.ge [sflag:s12], $0x50  }
0x10a: {  	[sflag:s12] =	ssyncset.done $0x0  }
0x10b: {  	[sflag:s12] =	ssyncadd.s32 $0xFFFFFFB0  }
0x10c: {  	_ =	swait.ge [sflag:s10], $0x500  }
0x10d: {  	[sflag:s10] =	ssyncset.done $0x0  }
0x10e: {  	[sflag:s10] =	ssyncadd.s32 $0xFFFFFB00  }
0x10f: {  	_ =	swait.ge [sflag:s10], $0x500  }
0x110: {  	[sflag:s10] =	ssyncset.done $0x0  }
0x111: {  	[sflag:s10] =	ssyncadd.s32 $0xFFFFFB00  }
0x112: {  	_ =	swait.ge [sflag:s10], $0x2800  }
0x113: {  	[sflag:s10] =	ssyncset.done $0x0  }
0x114: {  	s29 =	simm.s32 $0x2CD0;
	[sflag:s10] =	ssyncadd.s32 $0xFFFFD800  }
0x115: {  	s11 =	simm.s32 $0x36D0;
	v8 =	vld [tilespmem:s29+$0x10]  }
0x116: {  	v9 =	vld [tilespmem:s11+$0x10]  }
0x117: {  	v10 =	vld [tilespmem:s11+$0xFFFFFFE0]  }
0x118: {  	v11 =	vld [tilespmem:s29+$0xFFFFFFF0]  }
0x119: {  	v12 =	vld [tilespmem:s11+$0xFFFFFFF0]  }
0x11a: {  	v13 =	vld [tilespmem:s29+$0x0]  }
0x11b: {  	v14 =	vld [tilespmem:s11+$0x0]  }
0x11c: {  	v8 =	vadd.f32 v9, v8;
	v9 =	vld [tilespmem:s29+$0xFFFFFFE0];
	_ =	sdelay $0x1  }
0x11d: {  	v15 =	vmul.f32 $2.000000030e-01, v8  }
0x11e: {  	v11 =	vadd.f32 v12, v11;
	vm0 =	vge.f32 v8, $0.0e+00  }
0x11f: {  	v12 =	vadd.f32 v14, v13;
	v8 =	vsel vm0, v8, v15  }
0x120: {  	v13 =	vmul.f32 $2.000000030e-01, v11;
	v8 =	vmul.f32 $1.442695020e+00, v8;
	v9 =	vadd.f32 v10, v9  }
0x121: {  	vm11 =	vge.f32 v11, $0.0e+00;
	vm1 =	vge.f32 v12, $0.0e+00;
	v10 =	vmul.f32 $2.000000030e-01, v12  }
0x122: {  	v11 =	vsel vm11, v11, v13;
	(erf) = vpow2.f32 v8;
	v8 =	vmul.f32 $2.000000030e-01, v9  }
0x123: {  	v11 =	vmul.f32 $1.442695020e+00, v11;
	vm12 =	vge.f32 v9, $0.0e+00;
	v10 =	vsel vm1, v12, v10  }
0x124: {  	v8 =	vsel vm12, v9, v8;
	v9 =	vmul.f32 $1.442695020e+00, v10  }
0x125: {  	(erf) = vpow2.f32 v11;
	v8 =	vmul.f32 $1.442695020e+00, v8  }
0x126: {  	(erf) = vpow2.f32 v9  }
0x127: {  	(erf) = vpow2.f32 v8;
	_ =	sdelay $0x3  }
0x128: {  	s30 =	simm.s32 $0x90D0;
	v12 =	vpop (erf)  }
0x129: {  	s0 =	simm.s32 $0x64B0;
	[tilespmem:s30+$0x10] =	vst v12  }
0x12a: {  	v13 =	vld [tilespmem:s0+$0xF0]  }
0x12b: {  	v16 =	vpop (erf);
	v14 =	vld [tilespmem:s0+$0x80]  }
0x12c: {  	v15 =	vld [tilespmem:s0+$0x90];
	v18 =	vpop (erf)  }
0x12d: {  	v8 =	vperm.xlane v12, v5;
	[tilespmem:s30+$0xFFFFFFF0] =	vst v16;
	v17 =	vld [tilespmem:s0+$0xA0];
	v21 =	vpop (erf)  }
0x12e: {  	v20 =	vld [tilespmem:s0+$0xFFFFFF80];
	[tilespmem:s30+$0xFFFFFFE0] =	vst v21  }
0x12f: {  	v19 =	vperm.xlane v12, v0;
	v24 =	vld [tilespmem:s0+$0xFFFFFF90];
	[tilespmem:$0x1FFC0] =	vst v8;
	v8 =	vperm.xlane v12, v6  }
0x130: {  	v22 =	vperm.xlane v12, v3;
	v23 =	vperm.xlane v12, v4  }
0x131: {  	v11 =	vperm.xlane v12, v7;
	v10 =	vperm.xlane v12, v1;
	[tilespmem:$0x1FFD0] =	vst v8  }
0x132: {  	v27 =	vperm.xlane v16, v0;
	v29 =	vperm.xlane v16, v3;
	v25 =	vld [tilespmem:s0+$0xFFFFFF00]  }
0x133: {  	v30 =	vperm.xlane v16, v4;
	v43 =	vperm.xlane v16, v5;
	v26 =	vld [tilespmem:s0+$0xFFFFFF10]  }
0x134: {  	v45 =	vperm.xlane v16, v6;
	v46 =	vperm.xlane v16, v7;
	v28 =	vld [tilespmem:s0+$0xFFFFFF20]  }
0x135: {  	v48 =	vperm.xlane v16, v1;
	v16 =	vperm.xlane v16, v2;
	v31 =	vld [tilespmem:s0+$0xFFFFFF30]  }
0x136: {  	v50 =	vperm.xlane v18, v0;
	v51 =	vperm.xlane v18, v3;
	v33 =	vld [tilespmem:s0+$0xFFFFFF40]  }
0x137: {  	v53 =	vperm.xlane v18, v4;
	v54 =	vperm.xlane v18, v5;
	v36 =	vld [tilespmem:s0+$0xFFFFFF50]  }
0x138: {  	v56 =	vperm.xlane v18, v6;
	v57 =	vperm.xlane v18, v7;
	v39 =	vld [tilespmem:s0+$0xFFFFFF60]  }
0x139: {  	v59 =	vperm.xlane v18, v1;
	v32 =	vperm.xlane v21, v0;
	v42 =	vld [tilespmem:s0+$0xFFFFFF70]  }
0x13a: {  	v34 =	vperm.xlane v21, v3;
	v35 =	vperm.xlane v21, v4;
	v44 =	vld [tilespmem:s0+$0xFFFFFFA0]  }
0x13b: {  	s15 =	simm.s32 $0x2D10;
	v37 =	vperm.xlane v21, v5;
	v38 =	vperm.xlane v21, v6;
	v47 =	vld [tilespmem:s0+$0xFFFFFFB0]  }
0x13c: {  	s11 =	simm.s32 $0x3710;
	v40 =	vperm.xlane v21, v7;
	v12 =	vperm.xlane v12, v2;
	v49 =	vld [tilespmem:s15+$0x10]  }
0x13d: {  	v41 =	vperm.xlane v21, v1;
	v21 =	vperm.xlane v21, v2;
	v52 =	vld [tilespmem:s11+$0x10]  }
0x13e: {  	v15 =	vmul.f32 v15, v22;
	v13 =	vmul.f32 v13, v12;
	v55 =	vld [tilespmem:s11+$0xFFFFFFE0]  }
0x13f: {  	v17 =	vmul.f32 v17, v23;
	v20 =	vmul.f32 v20, v27;
	v58 =	vld [tilespmem:s15+$0xFFFFFFF0]  }
0x140: {  	v12 =	vperm.xlane v18, v2;
	v60 =	vld [tilespmem:s11+$0xFFFFFFF0];
	[tilespmem:s0+$0xF0] =	vst v13;
	v13 =	vmul.f32 v14, v19  }
0x141: {  	v61 =	vld [tilespmem:s11+$0x0];
	v25 =	vmul.f32 v25, v32;
	v26 =	vmul.f32 v26, v34  }
0x142: {  	v63 =	vld [tilespmem:s15+$0xFFFFFFE0];
	v28 =	vmul.f32 v28, v35;
	v31 =	vmul.f32 v31, v37;
	v27 =	vadd.f32 v52, v49  }
0x143: {  	[tilespmem:s30+$0x0] =	vst v18;
	v14 =	vld [tilespmem:s0+$0xFFFFFFE0];
	v18 =	vmul.f32 v42, v21;
	v21 =	vmul.f32 v24, v29  }
0x144: {  	[tilespmem:s0+$0xFFFFFF80] =	vst v20;
	v32 =	vld [tilespmem:s15+$0x0];
	v29 =	vmul.f32 v44, v30;
	v30 =	vmul.f32 $2.000000030e-01, v27  }
0x145: {  	v23 =	vld [tilespmem:s0+$0xFFFFFFF0];
	[tilespmem:s0+$0x90] =	vst v15;
	v33 =	vmul.f32 v33, v38;
	v62 =	vmul.f32 v36, v40;
	vm13 =	vge.f32 v27, $0.0e+00  }
0x146: {  	v40 =	vmul.f32 v39, v41;
	v41 =	vld [tilespmem:s0+$0xFFFFFFC0];
	v19 =	vadd.f32 v60, v58;
	[tilespmem:s0+$0xFFFFFF90] =	vst v21;
	v22 =	vsel vm13, v27, v30  }
0x147: {  	v24 =	vld [tilespmem:s0+$0xFFFFFFD0];
	v20 =	vmul.f32 v47, v43;
	[tilespmem:s0+$0xFFFFFF00] =	vst v25;
	v22 =	vmul.f32 $1.442695020e+00, v22  }
0x148: {  	v52 =	vld [tilespmem:s0+$0x60];
	v49 =	vmul.f32 v14, v48;
	[tilespmem:s0+$0xFFFFFF10] =	vst v26;
	v25 =	vmul.f32 $2.000000030e-01, v19;
	v26 =	vadd.f32 v55, v63  }
0x149: {  	vm14 =	vge.f32 v19, $0.0e+00;
	[tilespmem:s0+$0xFFFFFF30] =	vst v31;
	v31 =	vld [tilespmem:s0+$0x30];
	v21 =	vadd.f32 v61, v32;
	(erf) = vpow2.f32 v22  }
0x14a: {  	[tilespmem:s0+$0xA0] =	vst v17;
	v55 =	vmul.f32 v23, v16;
	v27 =	vld [tilespmem:s0+$0x0];
	v30 =	vmul.f32 $2.000000030e-01, v26;
	v19 =	vsel vm14, v19, v25  }
0x14b: {  	[tilespmem:s0+$0xFFFFFF20] =	vst v28;
	vm2 =	vge.f32 v26, $0.0e+00;
	v25 =	vld [tilespmem:s0+$0x20];
	v19 =	vmul.f32 $1.442695020e+00, v19;
	v28 =	vmul.f32 $2.000000030e-01, v21  }
0x14c: {  	[tilespmem:s0+$0x80] =	vst v13;
	v26 =	vsel vm2, v26, v30;
	v30 =	vmul.f32 v24, v46;
	v24 =	vld [tilespmem:s0+$0x40];
	vm15 =	vge.f32 v21, $0.0e+00  }
0x14d: {  	[tilespmem:s0+$0xFFFFFF40] =	vst v33;
	v63 =	vmul.f32 v52, v59;
	v22 =	vld [tilespmem:s0+$0x10];
	(erf) = vpow2.f32 v19;
	v21 =	vsel vm15, v21, v28  }
0x14e: {  	[tilespmem:s0+$0xFFFFFF60] =	vst v40;
	v13 =	vmul.f32 $1.442695020e+00, v26;
	v19 =	vld [tilespmem:s0+$0x50];
	v21 =	vmul.f32 $1.442695020e+00, v21  }
0x14f: {  	v15 =	vld [tilespmem:s0+$0xD0];
	[tilespmem:s0+$0xFFFFFF70] =	vst v18;
	v31 =	vmul.f32 v31, v54;
	v28 =	vmul.f32 v41, v45  }
0x150: {  	v14 =	vld [tilespmem:s0+$0xB0];
	[tilespmem:s0+$0xFFFFFFA0] =	vst v29;
	v36 =	vmul.f32 v27, v50;
	(erf) = vpow2.f32 v21  }
0x151: {  	v16 =	vld [tilespmem:s0+$0xE0];
	[tilespmem:s0+$0xFFFFFFB0] =	vst v20;
	v25 =	vmul.f32 v25, v53;
	(erf) = vpow2.f32 v13  }
0x152: {  	s21 =	simm.s32 $0x9110;
	[tilespmem:s0+$0xFFFFFFF0] =	vst v55;
	v45 =	vmul.f32 v24, v56;
	v21 =	vld [tilespmem:s0+$0x70];
	v37 =	vmul.f32 v22, v51;
	v29 =	vpop (erf)  }
0x153: {  	s14 =	simm.s32 $0x66B0;
	v13 =	vld [tilespmem:s0+$0xC0];
	v46 =	vmul.f32 v19, v57;
	[tilespmem:s21+$0x10] =	vst v29;
	v24 =	vperm.xlane v29, v0  }
0x154: {  	[tilespmem:s0+$0x60] =	vst v63;
	v23 =	vperm.xlane v29, v3;
	v22 =	vperm.xlane v29, v4;
	v58 =	vld [tilespmem:s14+$0xF0]  }
0x155: {  	[tilespmem:s0+$0xFFFFFFD0] =	vst v30;
	v19 =	vperm.xlane v29, v5;
	v20 =	vperm.xlane v29, v6;
	v26 =	vld [tilespmem:s14+$0x80]  }
0x156: {  	[tilespmem:s0+$0xFFFFFFC0] =	vst v28;
	v17 =	vperm.xlane v29, v7;
	v18 =	vperm.xlane v29, v1;
	v28 =	vpop (erf);
	v27 =	vld [tilespmem:s14+$0x90]  }
0x157: {  	v29 =	vperm.xlane v29, v2;
	[tilespmem:s21+$0xFFFFFFF0] =	vst v28;
	v40 =	vperm.xlane v28, v0;
	v34 =	vld [tilespmem:s14+$0xA0]  }
0x158: {  	[tilespmem:s0+$0x0] =	vst v36;
	v41 =	vperm.xlane v28, v3;
	v39 =	vperm.xlane v28, v4;
	v42 =	vld [tilespmem:s14+$0xFFFFFF80]  }
0x159: {  	[tilespmem:s0+$0x10] =	vst v37;
	v48 =	vperm.xlane v28, v5;
	v38 =	vperm.xlane v28, v6;
	v47 =	vld [tilespmem:s14+$0xFFFFFF90];
	v43 =	vpop (erf)  }
0x15a: {  	[tilespmem:s0+$0x50] =	vst v46;
	v37 =	vperm.xlane v28, v7;
	v36 =	vperm.xlane v28, v1;
	v46 =	vld [tilespmem:s14+$0xFFFFFFA0];
	v30 =	vpop (erf)  }
0x15b: {  	v35 =	vperm.xlane v28, v2;
	v63 =	vld [tilespmem:s14+$0xFFFFFFB0];
	v28 =	vperm.xlane v43, v3;
	[tilespmem:s21+$0xFFFFFFE0] =	vst v30  }
0x15c: {  	[tilespmem:s0+$0x30] =	vst v31;
	v31 =	vperm.xlane v43, v4;
	v33 =	vperm.xlane v43, v6;
	v55 =	vld [tilespmem:s14+$0xFFFFFF00]  }
0x15d: {  	[tilespmem:s0+$0xFFFFFFE0] =	vst v49;
	v32 =	vperm.xlane v43, v7;
	v29 =	vmul.f32 v58, v29;
	v58 =	vld [tilespmem:s14+$0xFFFFFF10]  }
0x15e: {  	[tilespmem:s0+$0x20] =	vst v25;
	v25 =	vperm.xlane v43, v1;
	v49 =	vperm.xlane v30, v0;
	v59 =	vld [tilespmem:s14+$0xFFFFFF20]  }
0x15f: {  	v56 =	vperm.xlane v30, v3;
	v53 =	vperm.xlane v30, v4;
	v60 =	vld [tilespmem:s14+$0xFFFFFF30]  }
0x160: {  	[tilespmem:s0+$0xFFFFFF50] =	vst v62;
	v57 =	vperm.xlane v30, v5;
	v52 =	vperm.xlane v30, v6;
	v61 =	vld [tilespmem:s14+$0xFFFFFF40]  }
0x161: {  	[tilespmem:s0+$0x40] =	vst v45;
	v54 =	vperm.xlane v30, v7;
	v50 =	vperm.xlane v30, v1;
	v44 =	vld [tilespmem:s14+$0xFFFFFF50]  }
0x162: {  	[tilespmem:s21+$0x0] =	vst v43;
	v51 =	vperm.xlane v30, v2;
	v30 =	vperm.xlane v43, v0;
	v45 =	vld [tilespmem:s14+$0xFFFFFF60]  }
0x163: {  	s18 =	simm.s32 $0x2D50;
	s23 =	simm.s32 $0x66B0;
	s15 =	simm.s32 $0x4;
	v62 =	vld [tilespmem:s14+$0xFFFFFF70];
	[tilespmem:s14+$0xF0] =	vst v29;
	v29 =	vperm.xlane v43, v5;
	v43 =	vperm.xlane v43, v2  }
.LBB2_4:
0x164: {  	v8 =	vld [tilespmem:s18+$0x10];
	s11 =	sadd.s32 $0x40, s11;
	v49 =	vmul.f32 v55, v49  }
0x165: {  	v55 =	vmul.f32 v58, v56;
	v56 =	vld [tilespmem:s11+$0x10]  }
0x166: {  	v53 =	vmul.f32 v59, v53;
	v58 =	vld [tilespmem:s11+$0xFFFFFFE0];
	[tilespmem:s14+$0xFFFFFF00] =	vst v49  }
0x167: {  	v9 =	vld [tilespmem:$0x1FFC0];
	v57 =	vmul.f32 v60, v57;
	[tilespmem:s14+$0xFFFFFF10] =	vst v55  }
0x168: {  	v61 =	vmul.f32 v61, v52;
	v52 =	vld [tilespmem:s18+$0xFFFFFFF0];
	[tilespmem:s14+$0xFFFFFF20] =	vst v53  }
0x169: {  	v44 =	vmul.f32 v44, v54;
	v54 =	vld [tilespmem:s11+$0xFFFFFFF0];
	v40 =	vmul.f32 v42, v40;
	[tilespmem:s14+$0xFFFFFF30] =	vst v57  }
0x16a: {  	v21 =	vmul.f32 v21, v12;
	v12 =	vmov v43;
	v43 =	vmul.f32 v16, v10;
	v60 =	vld [tilespmem:s11+$0x0];
	[tilespmem:s14+$0xFFFFFF40] =	vst v61  }
0x16b: {  	v41 =	vmul.f32 v47, v41;
	v39 =	vmul.f32 v46, v39;
	v55 =	vld [tilespmem:s18+$0x0];
	[tilespmem:s14+$0xFFFFFF80] =	vst v40;
	v8 =	vadd.f32 v56, v8  }
0x16c: {  	v24 =	vmul.f32 v26, v24;
	v26 =	vld [tilespmem:s18+$0xFFFFFFE0];
	[tilespmem:s14+$0xFFFFFF50] =	vst v44;
	v44 =	vmul.f32 v14, v9;
	v9 =	vmov v19  }
0x16d: {  	v23 =	vmul.f32 v27, v23;
	[tilespmem:$0x1FFC0] =	vst v9;
	v9 =	vld [tilespmem:$0x1FFD0];
	v27 =	vmul.f32 $2.000000030e-01, v8  }
0x16e: {  	v10 =	vmovc v18;
	v45 =	vmul.f32 v45, v50;
	v62 =	vmul.f32 v62, v51;
	v61 =	vld [tilespmem:s14+$0xFFFFFFC0];
	[tilespmem:s14+$0xFFFFFF90] =	vst v41;
	vm0 =	vge.f32 v8, $0.0e+00  }
0x16f: {  	v18 =	vld [tilespmem:s14+$0x0];
	v59 =	vmul.f32 v63, v48;
	[tilespmem:s14+$0xFFFFFFA0] =	vst v39;
	v14 =	vadd.f32 v54, v52;
	v8 =	vsel vm0, v8, v27  }
0x170: {  	v22 =	vmul.f32 v34, v22;
	[tilespmem:s0+$0x70] =	vst v21;
	v19 =	vld [tilespmem:s14+$0xFFFFFFD0];
	v8 =	vmul.f32 $1.442695020e+00, v8  }
0x171: {  	v46 =	vmul.f32 v15, v11;
	[tilespmem:s14+$0x80] =	vst v24;
	v24 =	vld [tilespmem:s14+$0x40];
	v15 =	vmul.f32 $2.000000030e-01, v14;
	v16 =	vadd.f32 v60, v55  }
0x172: {  	v11 =	vmovc v17;
	[tilespmem:s14+$0xFFFFFF60] =	vst v45;
	v17 =	vadd.f32 v58, v26;
	v45 =	vmul.f32 v13, v9;
	v13 =	vld [tilespmem:s14+$0xFFFFFFE0];
	(erf) = vpow2.f32 v8  }
0x173: {  	[tilespmem:s14+$0xFFFFFFB0] =	vst v59;
	vm15 =	vge.f32 v14, $0.0e+00;
	v21 =	vmul.f32 v61, v38;
	v9 =	vmovc v20;
	v20 =	vld [tilespmem:s14+$0xFFFFFFF0];
	v26 =	vmul.f32 $2.000000030e-01, v16  }
0x174: {  	[tilespmem:s14+$0x90] =	vst v23;
	vm1 =	vge.f32 v16, $0.0e+00;
	v14 =	vsel vm15, v14, v15;
	v15 =	vld [tilespmem:s14+$0x20];
	v27 =	vmul.f32 $2.000000030e-01, v17  }
0x175: {  	[tilespmem:s14+$0xA0] =	vst v22;
	vm2 =	vge.f32 v17, $0.0e+00;
	v14 =	vmul.f32 $1.442695020e+00, v14;
	v16 =	vsel vm1, v16, v26;
	v26 =	vld [tilespmem:s14+$0x30]  }
0x176: {  	[tilespmem:s14+$0xFFFFFF70] =	vst v62;
	v19 =	vmul.f32 v19, v37;
	v8 =	vld [tilespmem:s14+$0x10];
	v17 =	vsel vm2, v17, v27;
	v16 =	vmul.f32 $1.442695020e+00, v16  }
0x177: {  	v62 =	vld [tilespmem:s14+$0x60];
	[tilespmem:s14+$0xFFFFFFC0] =	vst v21;
	v17 =	vmul.f32 $1.442695020e+00, v17;
	(erf) = vpow2.f32 v14  }
0x178: {  	v23 =	vld [tilespmem:s14+$0x50];
	[tilespmem:$0x1FFD0] =	vst v9;
	(erf) = vpow2.f32 v16;
	v13 =	vmul.f32 v13, v36  }
0x179: {  	v21 =	vld [tilespmem:s14+$0x70];
	[tilespmem:s14+$0xFFFFFFD0] =	vst v19;
	v16 =	vmul.f32 v20, v35;
	(erf) = vpow2.f32 v17  }
0x17a: {  	v14 =	vld [tilespmem:s14+$0xB0];
	v17 =	vmul.f32 v18, v30;
	v18 =	vmul.f32 v15, v31;
	[tilespmem:s14+$0xFFFFFFE0] =	vst v13  }
0x17b: {  	s21 =	sadd.s32 $0x40, s21;
	v15 =	vld [tilespmem:s14+$0xD0];
	[tilespmem:s14+$0xFFFFFFF0] =	vst v16;
	v8 =	vmul.f32 v8, v28;
	v28 =	vmul.f32 v26, v29;
	v29 =	vpop (erf)  }
0x17c: {  	v25 =	vmul.f32 v62, v25;
	v30 =	vmul.f32 v24, v33;
	v13 =	vld [tilespmem:s14+$0xC0];
	[tilespmem:s21+$0x10] =	vst v29  }
0x17d: {  	v31 =	vmul.f32 v23, v32;
	[tilespmem:s14+$0x0] =	vst v17;
	s14 =	sadd.s32 $0x200, s14;
	v24 =	vperm.xlane v29, v0;
	v16 =	vld [tilespmem:s23+$0xE0]  }
0x17e: {  	[tilespmem:s23+$0x20] =	vst v18;
	v23 =	vperm.xlane v29, v3;
	v22 =	vperm.xlane v29, v4;
	v63 =	vld [tilespmem:s14+$0xF0]  }
0x17f: {  	[tilespmem:s23+$0x10] =	vst v8;
	v19 =	vperm.xlane v29, v5;
	v20 =	vperm.xlane v29, v6;
	v26 =	vld [tilespmem:s14+$0x80]  }
0x180: {  	[tilespmem:s23+$0x30] =	vst v28;
	v17 =	vperm.xlane v29, v7;
	v18 =	vperm.xlane v29, v1;
	v8 =	vpop (erf);
	v27 =	vld [tilespmem:s14+$0x90]  }
0x181: {  	v28 =	vperm.xlane v29, v2;
	[tilespmem:s21+$0xFFFFFFF0] =	vst v8;
	v40 =	vperm.xlane v8, v0;
	v34 =	vld [tilespmem:s14+$0xA0];
	v9 =	vpop (erf)  }
0x182: {  	v41 =	vperm.xlane v8, v3;
	v39 =	vperm.xlane v8, v4;
	v42 =	vld [tilespmem:s14+$0xFFFFFF80];
	v29 =	vpop (erf)  }
0x183: {  	v48 =	vperm.xlane v8, v5;
	v38 =	vperm.xlane v8, v6;
	v47 =	vld [tilespmem:s14+$0xFFFFFF90];
	[tilespmem:s21+$0xFFFFFFE0] =	vst v29  }
0x184: {  	v37 =	vperm.xlane v8, v7;
	v36 =	vperm.xlane v8, v1;
	v55 =	vld [tilespmem:s14+$0xFFFFFF00]  }
0x185: {  	[tilespmem:s0+$0xB0] =	vst v44;
	v35 =	vperm.xlane v8, v2;
	v33 =	vperm.xlane v9, v6;
	v58 =	vld [tilespmem:s14+$0xFFFFFF10]  }
0x186: {  	[tilespmem:s21+$0x0] =	vst v9;
	v32 =	vperm.xlane v9, v7;
	v49 =	vperm.xlane v29, v0;
	v59 =	vld [tilespmem:s14+$0xFFFFFF20]  }
0x187: {  	s15 =	sadd.s32 $0x4, s15;
	v56 =	vperm.xlane v29, v3;
	v53 =	vperm.xlane v29, v4;
	[tilespmem:s23+$0x40] =	vst v30;
	v60 =	vld [tilespmem:s14+$0xFFFFFF30]  }
0x188: {  	p1 =	slt.u32 s15, $0x4C;
	v57 =	vperm.xlane v29, v5;
	[tilespmem:s23+$0x50] =	vst v31;
	v61 =	vld [tilespmem:s14+$0xFFFFFF40];
	v28 =	vmul.f32 v63, v28  }
.Ltmp1:
0x189: {  	v52 =	vperm.xlane v29, v6;
	v54 =	vperm.xlane v29, v7;
	[tilespmem:s23+$0x60] =	vst v25;
	v44 =	vld [tilespmem:s14+$0xFFFFFF50];
	(pc) =	sbr.rel @p1 .LBB2_4-.Ltmp1, $4  }
0x18a: {  	v50 =	vperm.xlane v29, v1;
	v51 =	vperm.xlane v29, v2;
	v62 =	vld [tilespmem:s14+$0xFFFFFF70];
	[tilespmem:s14+$0xF0] =	vst v28  }
0x18b: {  	v30 =	vperm.xlane v9, v0;
	v31 =	vperm.xlane v9, v4;
	v63 =	vld [tilespmem:s14+$0xFFFFFFB0];
	[tilespmem:s0+$0xC0] =	vst v45  }
0x18c: {  	v29 =	vperm.xlane v9, v5;
	v25 =	vperm.xlane v9, v1;
	v45 =	vld [tilespmem:s14+$0xFFFFFF60];
	[tilespmem:s0+$0xD0] =	vst v46  }
0x18d: {  	s18 =	sadd.s32 $0x40, s18;
	v28 =	vperm.xlane v9, v3;
	[tilespmem:s0+$0xE0] =	vst v43;
	s0 =	smov.u32 s23;
	s23 =	smov.u32 s14;
	v46 =	vld [tilespmem:s14+$0xFFFFFFA0];
	v43 =	vperm.xlane v9, v2  }
0x18e: {  	v8 =	vmul.f32 v55, v49  }
0x18f: {  	v9 =	vmul.f32 v58, v56  }
0x190: {  	v56 =	vmul.f32 v59, v53;
	[tilespmem:s14+$0xFFFFFF00] =	vst v8  }
0x191: {  	v58 =	vmul.f32 v61, v52;
	[tilespmem:s14+$0xFFFFFF10] =	vst v9  }
0x192: {  	v44 =	vmul.f32 v44, v54;
	[tilespmem:s14+$0xFFFFFF20] =	vst v56  }
0x193: {  	v41 =	vmul.f32 v47, v41;
	[tilespmem:s14+$0xFFFFFF40] =	vst v58  }
0x194: {  	v12 =	vmul.f32 v21, v12;
	[tilespmem:s14+$0xFFFFFF50] =	vst v44  }
0x195: {  	v23 =	vmul.f32 v27, v23;
	[tilespmem:s14+$0xFFFFFF90] =	vst v41  }
0x196: {  	v22 =	vmul.f32 v34, v22;
	[tilespmem:s0+$0x70] =	vst v12  }
0x197: {  	v59 =	vld [tilespmem:s14+$0xFFFFFFC0];
	v8 =	vmul.f32 v60, v57;
	[tilespmem:s14+$0x90] =	vst v23  }
0x198: {  	v63 =	vmul.f32 v63, v48;
	[tilespmem:s14+$0xA0] =	vst v22  }
0x199: {  	v61 =	vld [tilespmem:s14+$0xFFFFFFD0];
	v60 =	vmul.f32 v45, v50;
	[tilespmem:s14+$0xFFFFFF30] =	vst v8  }
0x19a: {  	v47 =	vld [tilespmem:s14+$0x30];
	v8 =	vmul.f32 v42, v40;
	[tilespmem:s14+$0xFFFFFFB0] =	vst v63  }
0x19b: {  	v41 =	vld [tilespmem:s14+$0x0];
	v39 =	vmul.f32 v46, v39;
	[tilespmem:s14+$0xFFFFFF60] =	vst v60  }
0x19c: {  	v44 =	vld [tilespmem:s14+$0x10];
	v9 =	vmul.f32 v59, v38;
	[tilespmem:s14+$0xFFFFFF80] =	vst v8  }
0x19d: {  	v52 =	vld [tilespmem:s14+$0x70];
	v8 =	vmul.f32 v62, v51;
	[tilespmem:s14+$0xFFFFFFA0] =	vst v39  }
0x19e: {  	v48 =	vld [tilespmem:s14+$0x40];
	v46 =	vmul.f32 v61, v37;
	[tilespmem:s14+$0xFFFFFFC0] =	vst v9  }
0x19f: {  	v39 =	vmul.f32 v26, v24;
	[tilespmem:s14+$0xFFFFFF70] =	vst v8;
	v8 =	vld [tilespmem:s14+$0xFFFFFFF0]  }
0x1a0: {  	v62 =	vld [tilespmem:s14+$0xFFFFFFE0];
	[tilespmem:s14+$0xFFFFFFD0] =	vst v46;
	v24 =	vmul.f32 v41, v30  }
0x1a1: {  	v45 =	vld [tilespmem:s14+$0x20];
	v12 =	vmul.f32 v44, v28;
	[tilespmem:s14+$0x80] =	vst v39  }
0x1a2: {  	v50 =	vld [tilespmem:s14+$0x50];
	v53 =	vmul.f32 v47, v29;
	[tilespmem:s14+$0x0] =	vst v24  }
0x1a3: {  	v51 =	vld [tilespmem:s14+$0x60];
	v9 =	vmul.f32 v48, v33;
	[tilespmem:s23+$0x10] =	vst v12  }
0x1a4: {  	[tilespmem:s23+$0x30] =	vst v53;
	v8 =	vmul.f32 v8, v35  }
0x1a5: {  	[tilespmem:s23+$0x40] =	vst v9;
	v49 =	vmul.f32 v62, v36  }
0x1a6: {  	[tilespmem:s14+$0xFFFFFFF0] =	vst v8;
	v8 =	vmul.f32 v45, v31  }
0x1a7: {  	[tilespmem:s14+$0xFFFFFFE0] =	vst v49  }
0x1a8: {  	[tilespmem:s23+$0x20] =	vst v8  }
0x1a9: {  	v0 =	vld [tilespmem:$0x1FFC0];
	_ =	sdelay $0x1  }
0x1aa: {  	v8 =	vmul.f32 v50, v32  }
0x1ab: {  	v56 =	vld [tilespmem:s14+$0xB0]  }
0x1ac: {  	v57 =	vld [tilespmem:s14+$0xC0];
	[tilespmem:s23+$0x50] =	vst v8  }
0x1ad: {  	v54 =	vmul.f32 v51, v25;
	v55 =	vmul.f32 v14, v0;
	v0 =	vld [tilespmem:$0x1FFD0]  }
0x1ae: {  	v11 =	vmul.f32 v15, v11;
	v60 =	vld [tilespmem:s23+$0xE0]  }
0x1af: {  	v59 =	vmul.f32 v16, v10;
	[tilespmem:s23+$0x60] =	vst v54  }
0x1b0: {  	v61 =	vmul.f32 v56, v19;
	[tilespmem:s0+$0xD0] =	vst v11  }
0x1b1: {  	v58 =	vld [tilespmem:s14+$0xD0];
	v62 =	vmul.f32 v57, v20;
	[tilespmem:s0+$0xE0] =	vst v59  }
0x1b2: {  	[tilespmem:s23+$0xB0] =	vst v61;
	v8 =	vmul.f32 v13, v0  }
0x1b3: {  	v63 =	vmul.f32 v60, v18;
	[tilespmem:s23+$0xC0] =	vst v62  }
0x1b4: {  	[tilespmem:s0+$0xC0] =	vst v8;
	v8 =	vmul.f32 v52, v43  }
0x1b5: {  	[tilespmem:s23+$0xE0] =	vst v63  }
0x1b6: {  	[tilespmem:s23+$0x70] =	vst v8;
	v8 =	vmul.f32 v58, v17  }
0x1b7: {  	[tilespmem:s0+$0xB0] =	vst v55  }
0x1b8: {  	s24 =	simm.s32 $0x90B0;
	[tilespmem:s23+$0xD0] =	vst v8  }
0x1b9: {  	[spmem:s3] =	stream.indirect.scatter.add.f32 [tilespmem:s24], [sflag:$0x6], $0x10, s13, s13, $0xb8;
	[tilespmem:$0x1F540] =	vst v63  }
0x1ba: {  	_ = 	snop  }
0x1bb: {  	[spmem:s2] =	stream.indirect.scatter.add.f32 [tilespmem:s31], [sflag:$0x6], $0x80, s13, s13, $0xb8;
	[tilespmem:$0x1F540] =	vst v63  }
0x1bc: {  	_ =	swait.ge [sflag:s16], $0x500  }
0x1bd: {  	[sflag:s16] =	ssyncset.done $0x0  }
0x1be: {  	[sflag:s16] =	ssyncadd.s32 $0xFFFFFB00  }
0x1bf: {  	_ =	swait.ge [sflag:s16], $0x2800  }
0x1c0: {  	[sflag:s16] =	ssyncset.done $0x0  }
0x1c1: {  	s28 =	simm.s32 $0x27B0;
	[sflag:s16] =	ssyncadd.s32 $0xFFFFD800  }
0x1c2: {  	[tilespmem:s28], [sflag:$0x3] =	stream.indirect.gather [hbm4b:s7+s13], $0x10, s4, s13, $0xb8;
	[tilespmem:$0x1F540] =	vst v63  }
0x1c3: {  	s29 =	simm.s32 $0x31B0;
	s11 =	simm.s32 $0xA0  }
0x1c4: {  	[tilespmem:s29], [sflag:$0x3] =	stream.indirect.gather [hbm4b:s8+s13], $0x10, s11, s13, $0xb8;
	[tilespmem:$0x1F540] =	vst v63  }
0x1c5: {  	_ = 	snop  }
0x1c6: {  	[tilespmem:s20], [sflag:$0x3] =	stream.indirect.gather [hbm4b:s1+s13], $0x80, s4, s13, $0xb8;
	[tilespmem:$0x1F540] =	vst v63  }
0x1c7: {  	s30 =	rddreg [dreg:$0x10];
	s11 =	simm.s32 $0x1  }
0x1c8: {  	[tilespmem:s22], [sflag:$0x2] =	stream.linear.gather [hbm4b:s30+s5], $0x50, $0x38;
	[tilespmem:$0x1F540] =	vst v63  }
.LBB2_6:
0x1c9: {  	_ =	swait.ge [sflag:s25], $0x50  }
0x1ca: {  	[sflag:s25] =	ssyncset.done $0x0  }
0x1cb: {  	[sflag:s25] =	ssyncadd.s32 $0xFFFFFFB0  }
0x1cc: {  	_ =	swait.ge [sflag:s26], $0x500  }
0x1cd: {  	[sflag:s26] =	ssyncset.done $0x0  }
0x1ce: {  	[sflag:s26] =	ssyncadd.s32 $0xFFFFFB00  }
0x1cf: {  	_ =	swait.ge [sflag:s26], $0x500  }
0x1d0: {  	[sflag:s26] =	ssyncset.done $0x0  }
0x1d1: {  	[sflag:s26] =	ssyncadd.s32 $0xFFFFFB00  }
0x1d2: {  	_ =	swait.ge [sflag:s26], $0x2800  }
0x1d3: {  	[sflag:s26] =	ssyncset.done $0x0  }
0x1d4: {  	s0 =	simm.s32 $0x27D0;
	[sflag:s26] =	ssyncadd.s32 $0xFFFFD800  }
0x1d5: {  	s14 =	simm.s32 $0x31D0;
	v8 =	vld [tilespmem:s0+$0x10]  }
0x1d6: {  	v9 =	vld [tilespmem:s14+$0x10];
	_ =	sdelay $0x3  }
0x1d7: {  	v11 =	vld [tilespmem:s0+$0xFFFFFFF0]  }
0x1d8: {  	v12 =	vld [tilespmem:s14+$0xFFFFFFF0];
	v8 =	vadd.f32 v9, v8  }
0x1d9: {  	v13 =	vld [tilespmem:s0+$0x0]  }
0x1da: {  	v14 =	vld [tilespmem:s14+$0x0];
	v15 =	vmul.f32 $2.000000030e-01, v8  }
0x1db: {  	vm0 =	vge.f32 v8, $0.0e+00  }
0x1dc: {  	v10 =	vld [tilespmem:s14+$0xFFFFFFE0];
	v8 =	vsel vm0, v8, v15  }
0x1dd: {  	v9 =	vld [tilespmem:s0+$0xFFFFFFE0];
	v11 =	vadd.f32 v12, v11;
	v8 =	vmul.f32 $1.442695020e+00, v8;
	_ =	sdelay $0x1  }
0x1de: {  	v12 =	vadd.f32 v14, v13;
	v13 =	vmul.f32 $2.000000030e-01, v11;
	(erf) = vpow2.f32 v8  }
0x1df: {  	vm11 =	vge.f32 v11, $0.0e+00  }
0x1e0: {  	v11 =	vsel vm11, v11, v13  }
0x1e1: {  	v9 =	vadd.f32 v10, v9;
	v11 =	vmul.f32 $1.442695020e+00, v11  }
0x1e2: {  	v10 =	vmul.f32 $2.000000030e-01, v12  }
0x1e3: {  	vm1 =	vge.f32 v12, $0.0e+00;
	v8 =	vmul.f32 $2.000000030e-01, v9;
	(erf) = vpow2.f32 v11  }
0x1e4: {  	vm12 =	vge.f32 v9, $0.0e+00;
	v10 =	vsel vm1, v12, v10  }
0x1e5: {  	s18 =	simm.s32 $0x2810;
	v8 =	vsel vm12, v9, v8;
	v9 =	vmul.f32 $1.442695020e+00, v10  }
0x1e6: {  	v49 =	vld [tilespmem:s18+$0x10];
	v8 =	vmul.f32 $1.442695020e+00, v8  }
0x1e7: {  	v1 =	vimm.s32 $0x0;
	v58 =	vld [tilespmem:s18+$0xFFFFFFF0];
	(erf) = vpow2.f32 v9;
	v12 =	vpop (erf)  }
0x1e8: {  	s14 =	simm.s32 $0x3210;
	v63 =	vld [tilespmem:s18+$0xFFFFFFE0];
	(erf) = vpow2.f32 v8;
	v19 =	vperm.xlane v12, v1  }
0x1e9: {  	v52 =	vld [tilespmem:s14+$0x10];
	v22 =	vperm.xlane v12, v3;
	v23 =	vperm.xlane v12, v4  }
0x1ea: {  	v0 =	vimm.s32 $0x6;
	v55 =	vld [tilespmem:s14+$0xFFFFFFE0];
	v9 =	vperm.xlane v12, v5;
	v8 =	vperm.xlane v12, v6  }
0x1eb: {  	s15 =	simm.s32 $0x8BD0;
	v60 =	vld [tilespmem:s14+$0xFFFFFFF0];
	v11 =	vperm.xlane v12, v7;
	v10 =	vperm.xlane v12, v0  }
0x1ec: {  	v61 =	vld [tilespmem:s14+$0x0];
	s0 =	simm.s32 $0x3CB0;
	[tilespmem:s15+$0x10] =	vst v12;
	v16 =	vpop (erf);
	v7 =	vimm.s32 $0x3;
	v5 =	vimm.s32 $0x2;
	v3 =	vimm.s32 $0x7  }
0x1ed: {  	v6 =	vimm.s32 $0x1;
	v13 =	vld [tilespmem:s0+$0xF0];
	v27 =	vperm.xlane v16, v1;
	v12 =	vperm.xlane v12, v3  }
0x1ee: {  	v4 =	vimm.s32 $0x4;
	v14 =	vld [tilespmem:s0+$0x80];
	v29 =	vperm.xlane v16, v6;
	v30 =	vperm.xlane v16, v5  }
0x1ef: {  	v2 =	vimm.s32 $0x5;
	v15 =	vld [tilespmem:s0+$0x90];
	v43 =	vperm.xlane v16, v7;
	v45 =	vperm.xlane v16, v4  }
0x1f0: {  	[tilespmem:s15+$0xFFFFFFF0] =	vst v16;
	v17 =	vld [tilespmem:s0+$0xA0];
	v46 =	vperm.xlane v16, v2;
	v48 =	vperm.xlane v16, v0;
	v18 =	vpop (erf)  }
0x1f1: {  	v16 =	vperm.xlane v16, v3;
	v20 =	vld [tilespmem:s0+$0xFFFFFF80];
	v50 =	vperm.xlane v18, v1  }
0x1f2: {  	v24 =	vld [tilespmem:s0+$0xFFFFFF90];
	v51 =	vperm.xlane v18, v6;
	v53 =	vperm.xlane v18, v5  }
0x1f3: {  	v44 =	vld [tilespmem:s0+$0xFFFFFFA0];
	v21 =	vpop (erf);
	v54 =	vperm.xlane v18, v7;
	v56 =	vperm.xlane v18, v4  }
0x1f4: {  	v47 =	vld [tilespmem:s0+$0xFFFFFFB0];
	v57 =	vperm.xlane v18, v2;
	v59 =	vperm.xlane v18, v0;
	[tilespmem:s15+$0xFFFFFFE0] =	vst v21  }
0x1f5: {  	v32 =	vperm.xlane v21, v1;
	v34 =	vperm.xlane v21, v6;
	v25 =	vld [tilespmem:s0+$0xFFFFFF00]  }
0x1f6: {  	v35 =	vperm.xlane v21, v5;
	v37 =	vperm.xlane v21, v7;
	v26 =	vld [tilespmem:s0+$0xFFFFFF10]  }
0x1f7: {  	v38 =	vperm.xlane v21, v4;
	v40 =	vperm.xlane v21, v2;
	v28 =	vld [tilespmem:s0+$0xFFFFFF20]  }
0x1f8: {  	v41 =	vperm.xlane v21, v0;
	v21 =	vperm.xlane v21, v3;
	v31 =	vld [tilespmem:s0+$0xFFFFFF30]  }
0x1f9: {  	v13 =	vmul.f32 v13, v12;
	v42 =	vld [tilespmem:s0+$0xFFFFFF70];
	v12 =	vperm.xlane v18, v3  }
0x1fa: {  	v33 =	vld [tilespmem:s0+$0xFFFFFF40];
	v15 =	vmul.f32 v15, v22;
	v20 =	vmul.f32 v20, v27  }
0x1fb: {  	v36 =	vld [tilespmem:s0+$0xFFFFFF50];
	v17 =	vmul.f32 v17, v23;
	[tilespmem:s0+$0xF0] =	vst v13;
	v13 =	vmul.f32 v14, v19  }
0x1fc: {  	v39 =	vld [tilespmem:s0+$0xFFFFFF60];
	[tilespmem:s0+$0xFFFFFF80] =	vst v20;
	v20 =	vmul.f32 v47, v43;
	v25 =	vmul.f32 v25, v32  }
0x1fd: {  	v27 =	vadd.f32 v52, v49;
	v14 =	vld [tilespmem:s0+$0xFFFFFFE0];
	v26 =	vmul.f32 v26, v34;
	v28 =	vmul.f32 v28, v35  }
0x1fe: {  	[tilespmem:s15+$0x0] =	vst v18;
	v32 =	vld [tilespmem:s18+$0x0];
	v18 =	vmul.f32 v42, v21;
	v21 =	vmul.f32 v24, v29  }
0x1ff: {  	v23 =	vld [tilespmem:s0+$0xFFFFFFF0];
	v19 =	vadd.f32 v60, v58;
	v29 =	vmul.f32 v44, v30;
	v30 =	vmul.f32 $2.000000030e-01, v27  }
0x200: {  	vm13 =	vge.f32 v27, $0.0e+00;
	v31 =	vmul.f32 v31, v37;
	v33 =	vmul.f32 v33, v38  }
0x201: {  	v52 =	vld [tilespmem:s0+$0x60];
	v62 =	vmul.f32 v36, v40;
	v40 =	vmul.f32 v39, v41;
	v22 =	vsel vm13, v27, v30;
	[tilespmem:s0+$0xFFFFFF90] =	vst v21  }
0x202: {  	v24 =	vld [tilespmem:s0+$0xFFFFFFD0];
	[tilespmem:s0+$0xFFFFFF00] =	vst v25;
	v25 =	vmul.f32 $2.000000030e-01, v19;
	v22 =	vmul.f32 $1.442695020e+00, v22  }
0x203: {  	v41 =	vld [tilespmem:s0+$0xFFFFFFC0];
	[tilespmem:s0+$0xFFFFFF10] =	vst v26;
	v26 =	vadd.f32 v55, v63;
	v49 =	vmul.f32 v14, v48;
	v21 =	vadd.f32 v61, v32  }
0x204: {  	vm14 =	vge.f32 v19, $0.0e+00;
	v27 =	vld [tilespmem:s0+$0x0];
	[tilespmem:s0+$0xFFFFFF20] =	vst v28;
	v55 =	vmul.f32 v23, v16;
	(erf) = vpow2.f32 v22  }
0x205: {  	[tilespmem:s0+$0xFFFFFF30] =	vst v31;
	v31 =	vld [tilespmem:s0+$0x30];
	v30 =	vmul.f32 $2.000000030e-01, v26;
	v19 =	vsel vm14, v19, v25;
	v28 =	vmul.f32 $2.000000030e-01, v21  }
0x206: {  	[tilespmem:s0+$0x90] =	vst v15;
	vm2 =	vge.f32 v26, $0.0e+00;
	v25 =	vld [tilespmem:s0+$0x20];
	v19 =	vmul.f32 $1.442695020e+00, v19;
	vm15 =	vge.f32 v21, $0.0e+00  }
0x207: {  	[tilespmem:s0+$0xA0] =	vst v17;
	v22 =	vld [tilespmem:s0+$0x10];
	v26 =	vsel vm2, v26, v30;
	v30 =	vmul.f32 v24, v46;
	v21 =	vsel vm15, v21, v28  }
0x208: {  	[tilespmem:s0+$0x80] =	vst v13;
	v24 =	vld [tilespmem:s0+$0x40];
	(erf) = vpow2.f32 v19;
	v21 =	vmul.f32 $1.442695020e+00, v21  }
0x209: {  	[tilespmem:s0+$0xFFFFFFB0] =	vst v20;
	v63 =	vmul.f32 v52, v59;
	v13 =	vmul.f32 $1.442695020e+00, v26;
	v19 =	vld [tilespmem:s0+$0x50]  }
0x20a: {  	v15 =	vld [tilespmem:s0+$0xD0];
	[tilespmem:s0+$0xFFFFFF40] =	vst v33;
	v36 =	vmul.f32 v27, v50;
	(erf) = vpow2.f32 v21  }
0x20b: {  	[tilespmem:s0+$0xFFFFFF60] =	vst v40;
	v14 =	vld [tilespmem:s0+$0xB0];
	v31 =	vmul.f32 v31, v54;
	(erf) = vpow2.f32 v13  }
0x20c: {  	[tilespmem:s0+$0xFFFFFF70] =	vst v18;
	v16 =	vld [tilespmem:s0+$0xE0];
	v28 =	vmul.f32 v41, v45;
	v25 =	vmul.f32 v25, v53  }
0x20d: {  	s21 =	simm.s32 $0x8C10;
	[tilespmem:s0+$0xFFFFFFA0] =	vst v29;
	v37 =	vmul.f32 v22, v51;
	v45 =	vmul.f32 v24, v56;
	v21 =	vld [tilespmem:s0+$0x70];
	v29 =	vpop (erf)  }
0x20e: {  	s23 =	simm.s32 $0x3EB0;
	v46 =	vmul.f32 v19, v57;
	v13 =	vld [tilespmem:s0+$0xC0];
	[tilespmem:s21+$0x10] =	vst v29;
	v24 =	vperm.xlane v29, v1  }
0x20f: {  	[tilespmem:s0+$0xFFFFFFD0] =	vst v30;
	v23 =	vperm.xlane v29, v6;
	v22 =	vperm.xlane v29, v5;
	v58 =	vld [tilespmem:s23+$0xF0]  }
0x210: {  	[tilespmem:s0+$0x0] =	vst v36;
	v19 =	vperm.xlane v29, v7;
	v20 =	vperm.xlane v29, v4;
	v26 =	vld [tilespmem:s23+$0x80]  }
0x211: {  	[tilespmem:s0+$0xFFFFFFC0] =	vst v28;
	v17 =	vperm.xlane v29, v2;
	v18 =	vperm.xlane v29, v0;
	v27 =	vld [tilespmem:s23+$0x90];
	v28 =	vpop (erf)  }
0x212: {  	v29 =	vperm.xlane v29, v3;
	v34 =	vld [tilespmem:s23+$0xA0];
	[tilespmem:s21+$0xFFFFFFF0] =	vst v28;
	v40 =	vperm.xlane v28, v1  }
0x213: {  	[tilespmem:s0+$0x10] =	vst v37;
	v41 =	vperm.xlane v28, v6;
	v39 =	vperm.xlane v28, v5;
	v42 =	vld [tilespmem:s23+$0xFFFFFF80];
	v43 =	vpop (erf)  }
0x214: {  	[tilespmem:s0+$0x50] =	vst v46;
	v48 =	vperm.xlane v28, v7;
	v38 =	vperm.xlane v28, v4;
	v47 =	vld [tilespmem:s23+$0xFFFFFF90];
	v30 =	vpop (erf)  }
0x215: {  	v37 =	vperm.xlane v28, v2;
	v36 =	vperm.xlane v28, v0;
	v46 =	vld [tilespmem:s23+$0xFFFFFFA0];
	[tilespmem:s21+$0xFFFFFFE0] =	vst v30  }
0x216: {  	[tilespmem:s0+$0xFFFFFFF0] =	vst v55;
	v35 =	vperm.xlane v28, v3;
	v29 =	vmul.f32 v58, v29;
	v55 =	vld [tilespmem:s23+$0xFFFFFF00]  }
0x217: {  	[tilespmem:s0+$0x30] =	vst v31;
	v28 =	vperm.xlane v43, v6;
	v31 =	vperm.xlane v43, v5;
	v58 =	vld [tilespmem:s23+$0xFFFFFF10]  }
0x218: {  	[tilespmem:s0+$0xFFFFFFE0] =	vst v49;
	v33 =	vperm.xlane v43, v4;
	v32 =	vperm.xlane v43, v2;
	v59 =	vld [tilespmem:s23+$0xFFFFFF20]  }
0x219: {  	[tilespmem:s0+$0x20] =	vst v25;
	v25 =	vperm.xlane v43, v0;
	v49 =	vperm.xlane v30, v1;
	v60 =	vld [tilespmem:s23+$0xFFFFFF30]  }
0x21a: {  	[tilespmem:s0+$0xFFFFFF50] =	vst v62;
	v56 =	vperm.xlane v30, v6;
	v53 =	vperm.xlane v30, v5;
	v61 =	vld [tilespmem:s23+$0xFFFFFF40]  }
0x21b: {  	[tilespmem:s0+$0x60] =	vst v63;
	v57 =	vperm.xlane v30, v7;
	v52 =	vperm.xlane v30, v4;
	v44 =	vld [tilespmem:s23+$0xFFFFFF50]  }
0x21c: {  	[tilespmem:s0+$0x40] =	vst v45;
	v54 =	vperm.xlane v30, v2;
	v50 =	vperm.xlane v30, v0;
	v45 =	vld [tilespmem:s23+$0xFFFFFF60]  }
0x21d: {  	[tilespmem:s21+$0x0] =	vst v43;
	v51 =	vperm.xlane v30, v3;
	v30 =	vperm.xlane v43, v1;
	v62 =	vld [tilespmem:s23+$0xFFFFFF70]  }
0x21e: {  	s24 =	simm.s32 $0x3EB0;
	s15 =	simm.s32 $0x4;
	s18 =	simm.s32 $0x2850;
	v63 =	vld [tilespmem:s23+$0xFFFFFFB0];
	[tilespmem:s23+$0xF0] =	vst v29;
	v29 =	vperm.xlane v43, v7;
	v43 =	vperm.xlane v43, v3  }
.LBB2_7:
0x21f: {  	v0 =	vld [tilespmem:s18+$0x10];
	v49 =	vmul.f32 v55, v49;
	v55 =	vmul.f32 v58, v56;
	s14 =	sadd.s32 $0x40, s14  }
0x220: {  	s15 =	sadd.s32 $0x4, s15;
	v53 =	vmul.f32 v59, v53;
	v57 =	vmul.f32 v60, v57;
	v56 =	vld [tilespmem:s14+$0x10]  }
0x221: {  	v44 =	vmul.f32 v44, v54;
	p1 =	slt.u32 s15, $0x4C;
	v58 =	vld [tilespmem:s14+$0xFFFFFFE0];
	[tilespmem:s23+$0xFFFFFF00] =	vst v49;
	v49 =	vmul.f32 v61, v52  }
0x222: {  	v45 =	vmul.f32 v45, v50;
	v50 =	vmul.f32 v62, v51;
	v52 =	vld [tilespmem:s18+$0xFFFFFFF0];
	[tilespmem:s23+$0xFFFFFF10] =	vst v55  }
0x223: {  	v40 =	vmul.f32 v42, v40;
	v41 =	vmul.f32 v47, v41;
	v51 =	vld [tilespmem:s14+$0xFFFFFFF0];
	[tilespmem:s23+$0xFFFFFF20] =	vst v53  }
0x224: {  	v39 =	vmul.f32 v46, v39;
	v47 =	vmul.f32 v63, v48;
	v42 =	vld [tilespmem:s18+$0x0];
	[tilespmem:s23+$0xFFFFFF30] =	vst v57  }
0x225: {  	v24 =	vmul.f32 v26, v24;
	v21 =	vmul.f32 v21, v12;
	v48 =	vld [tilespmem:s14+$0x0];
	v0 =	vadd.f32 v56, v0;
	[tilespmem:s23+$0xFFFFFF40] =	vst v49  }
0x226: {  	v23 =	vmul.f32 v27, v23;
	v22 =	vmul.f32 v34, v22;
	v12 =	vmov v43;
	v26 =	vld [tilespmem:s18+$0xFFFFFFE0];
	[tilespmem:s23+$0xFFFFFF50] =	vst v44  }
0x227: {  	v44 =	vmul.f32 v14, v9;
	v9 =	vmov v19;
	v27 =	vmul.f32 $2.000000030e-01, v0;
	[tilespmem:s23+$0xFFFFFF60] =	vst v45;
	v34 =	vld [tilespmem:s23+$0xFFFFFFC0]  }
0x228: {  	vm0 =	vge.f32 v0, $0.0e+00;
	v45 =	vmul.f32 v13, v8;
	v8 =	vmovc v20;
	v14 =	vadd.f32 v51, v52;
	[tilespmem:s23+$0xFFFFFF70] =	vst v50;
	v19 =	vld [tilespmem:s23+$0xFFFFFFD0]  }
0x229: {  	v43 =	vmul.f32 v16, v10;
	v46 =	vmul.f32 v15, v11;
	v0 =	vsel vm0, v0, v27;
	[tilespmem:s23+$0xFFFFFF80] =	vst v40;
	v13 =	vld [tilespmem:s23+$0xFFFFFFE0]  }
0x22a: {  	v10 =	vmovc v18;
	v11 =	vmovc v17;
	v15 =	vmul.f32 $2.000000030e-01, v14;
	v16 =	vadd.f32 v48, v42;
	v0 =	vmul.f32 $1.442695020e+00, v0;
	[tilespmem:s23+$0xFFFFFF90] =	vst v41;
	v20 =	vld [tilespmem:s23+$0xFFFFFFF0]  }
0x22b: {  	vm0 =	vge.f32 v14, $0.0e+00;
	v17 =	vadd.f32 v58, v26;
	[tilespmem:s23+$0xFFFFFFA0] =	vst v39;
	v18 =	vld [tilespmem:s23+$0x0]  }
0x22c: {  	vm1 =	vge.f32 v16, $0.0e+00;
	v26 =	vmul.f32 $2.000000030e-01, v16;
	(erf) = vpow2.f32 v0;
	[tilespmem:s23+$0xFFFFFFB0] =	vst v47;
	v0 =	vld [tilespmem:s23+$0x10]  }
0x22d: {  	v14 =	vsel vm0, v14, v15;
	vm2 =	vge.f32 v17, $0.0e+00;
	v27 =	vmul.f32 $2.000000030e-01, v17;
	v15 =	vld [tilespmem:s23+$0x20];
	[tilespmem:s0+$0x70] =	vst v21  }
0x22e: {  	v14 =	vmul.f32 $1.442695020e+00, v14;
	v21 =	vmul.f32 v34, v38;
	v16 =	vsel vm1, v16, v26;
	v26 =	vld [tilespmem:s23+$0x30];
	[tilespmem:s23+$0x80] =	vst v24  }
0x22f: {  	v19 =	vmul.f32 v19, v37;
	v17 =	vsel vm2, v17, v27;
	v16 =	vmul.f32 $1.442695020e+00, v16;
	v24 =	vld [tilespmem:s23+$0x40];
	[tilespmem:s23+$0x90] =	vst v23  }
0x230: {  	v17 =	vmul.f32 $1.442695020e+00, v17;
	(erf) = vpow2.f32 v14;
	[tilespmem:s23+$0xFFFFFFC0] =	vst v21;
	v23 =	vld [tilespmem:s23+$0x50]  }
0x231: {  	v13 =	vmul.f32 v13, v36;
	(erf) = vpow2.f32 v16;
	[tilespmem:s23+$0xFFFFFFD0] =	vst v19;
	v34 =	vld [tilespmem:s23+$0x60]  }
0x232: {  	v16 =	vmul.f32 v20, v35;
	(erf) = vpow2.f32 v17;
	v21 =	vld [tilespmem:s23+$0x70];
	[tilespmem:s23+$0xA0] =	vst v22  }
0x233: {  	v0 =	vmul.f32 v0, v28;
	v17 =	vmul.f32 v18, v30;
	[tilespmem:s23+$0xFFFFFFE0] =	vst v13;
	v14 =	vld [tilespmem:s23+$0xB0]  }
0x234: {  	v18 =	vmul.f32 v15, v31;
	v28 =	vmul.f32 v26, v29;
	[tilespmem:s23+$0xFFFFFFF0] =	vst v16;
	v13 =	vld [tilespmem:s23+$0xC0]  }
0x235: {  	s21 =	sadd.s32 $0x40, s21;
	v30 =	vmul.f32 v24, v33;
	v33 =	vimm.s32 $0x0;
	v29 =	vpop (erf);
	[tilespmem:s23+$0x0] =	vst v17;
	v31 =	vmul.f32 v23, v32;
	v15 =	vld [tilespmem:s23+$0xD0]  }
0x236: {  	s23 =	sadd.s32 $0x200, s23;
	[tilespmem:s21+$0x10] =	vst v29;
	v24 =	vperm.xlane v29, v33;
	v23 =	vperm.xlane v29, v6;
	v16 =	vld [tilespmem:s24+$0xE0]  }
0x237: {  	v63 =	vimm.s32 $0x5;
	v22 =	vperm.xlane v29, v5;
	v19 =	vperm.xlane v29, v7;
	v32 =	vld [tilespmem:s23+$0xF0];
	[tilespmem:s24+$0x10] =	vst v0  }
0x238: {  	v3 =	vimm.s32 $0x6;
	v20 =	vperm.xlane v29, v4;
	v17 =	vperm.xlane v29, v63;
	v26 =	vld [tilespmem:s23+$0x80];
	[tilespmem:s24+$0x20] =	vst v18  }
0x239: {  	v2 =	vimm.s32 $0x7;
	v25 =	vmul.f32 v34, v25;
	v18 =	vperm.xlane v29, v3;
	v27 =	vld [tilespmem:s23+$0x90];
	v0 =	vpop (erf);
	[tilespmem:s24+$0x30] =	vst v28  }
0x23a: {  	v28 =	vperm.xlane v29, v2;
	[tilespmem:s21+$0xFFFFFFF0] =	vst v0;
	v40 =	vperm.xlane v0, v33;
	v34 =	vld [tilespmem:s23+$0xA0];
	v1 =	vpop (erf)  }
0x23b: {  	v41 =	vperm.xlane v0, v6;
	v39 =	vperm.xlane v0, v5;
	v42 =	vld [tilespmem:s23+$0xFFFFFF80];
	[tilespmem:s21+$0x0] =	vst v1;
	v29 =	vpop (erf)  }
0x23c: {  	[tilespmem:s21+$0xFFFFFFE0] =	vst v29;
	v49 =	vperm.xlane v29, v33;
	v47 =	vld [tilespmem:s23+$0xFFFFFF90];
	v28 =	vmul.f32 v32, v28  }
0x23d: {  	v56 =	vperm.xlane v29, v6;
	v53 =	vperm.xlane v29, v5;
	v55 =	vld [tilespmem:s23+$0xFFFFFF00];
	[tilespmem:s24+$0x40] =	vst v30  }
0x23e: {  	v57 =	vperm.xlane v29, v7;
	v52 =	vperm.xlane v29, v4;
	v58 =	vld [tilespmem:s23+$0xFFFFFF10];
	[tilespmem:s23+$0xF0] =	vst v28  }
0x23f: {  	v54 =	vperm.xlane v29, v63;
	v50 =	vperm.xlane v29, v3;
	v59 =	vld [tilespmem:s23+$0xFFFFFF20];
	[tilespmem:s24+$0x50] =	vst v31  }
0x240: {  	v48 =	vperm.xlane v0, v7;
	v51 =	vperm.xlane v29, v2;
	v60 =	vld [tilespmem:s23+$0xFFFFFF30];
	[tilespmem:s24+$0x60] =	vst v25  }
0x241: {  	v38 =	vperm.xlane v0, v4;
	v37 =	vperm.xlane v0, v63;
	v61 =	vld [tilespmem:s23+$0xFFFFFF40];
	[tilespmem:s0+$0xB0] =	vst v44  }
.Ltmp2:
0x242: {  	v36 =	vperm.xlane v0, v3;
	v35 =	vperm.xlane v0, v2;
	v44 =	vld [tilespmem:s23+$0xFFFFFF50];
	[tilespmem:s0+$0xC0] =	vst v45;
	(pc) =	sbr.rel @p1 .LBB2_7-.Ltmp2, $4  }
0x243: {  	v30 =	vperm.xlane v1, v33;
	v28 =	vperm.xlane v1, v6;
	v45 =	vld [tilespmem:s23+$0xFFFFFF60];
	[tilespmem:s0+$0xD0] =	vst v46  }
0x244: {  	v29 =	vperm.xlane v1, v7;
	v31 =	vperm.xlane v1, v5;
	v62 =	vld [tilespmem:s23+$0xFFFFFF70];
	[tilespmem:s0+$0xE0] =	vst v43;
	s0 =	smov.u32 s24;
	s24 =	smov.u32 s23  }
0x245: {  	v32 =	vperm.xlane v1, v63;
	v33 =	vperm.xlane v1, v4;
	v46 =	vld [tilespmem:s23+$0xFFFFFFA0]  }
0x246: {  	s18 =	sadd.s32 $0x40, s18;
	v25 =	vperm.xlane v1, v3;
	v43 =	vperm.xlane v1, v2;
	v63 =	vld [tilespmem:s23+$0xFFFFFFB0]  }
0x247: {  	v0 =	vmul.f32 v55, v49  }
0x248: {  	v1 =	vmul.f32 v58, v56  }
0x249: {  	v58 =	vmul.f32 v59, v53;
	[tilespmem:s23+$0xFFFFFF00] =	vst v0  }
0x24a: {  	v44 =	vmul.f32 v44, v54;
	[tilespmem:s23+$0xFFFFFF10] =	vst v1  }
0x24b: {  	v41 =	vmul.f32 v47, v41;
	[tilespmem:s23+$0xFFFFFF20] =	vst v58  }
0x24c: {  	v12 =	vmul.f32 v21, v12;
	[tilespmem:s23+$0xFFFFFF50] =	vst v44  }
0x24d: {  	v21 =	vmul.f32 v26, v24;
	[tilespmem:s23+$0xFFFFFF90] =	vst v41  }
0x24e: {  	v23 =	vmul.f32 v27, v23;
	[tilespmem:s0+$0x70] =	vst v12  }
0x24f: {  	v22 =	vmul.f32 v34, v22;
	[tilespmem:s23+$0x80] =	vst v21  }
0x250: {  	v11 =	vmul.f32 v15, v11;
	[tilespmem:s23+$0x90] =	vst v23  }
0x251: {  	v0 =	vmul.f32 v60, v57;
	[tilespmem:s23+$0xA0] =	vst v22  }
0x252: {  	v24 =	vld [tilespmem:s23+$0x0];
	v1 =	vmul.f32 v61, v52;
	[tilespmem:s0+$0xD0] =	vst v11  }
0x253: {  	v59 =	vmul.f32 v45, v50;
	v60 =	vld [tilespmem:s23+$0xFFFFFFD0];
	[tilespmem:s23+$0xFFFFFF30] =	vst v0  }
0x254: {  	v0 =	vmul.f32 v42, v40;
	[tilespmem:s23+$0xFFFFFF40] =	vst v1;
	v1 =	vld [tilespmem:s23+$0xFFFFFFC0]  }
0x255: {  	[tilespmem:s23+$0xFFFFFF60] =	vst v59;
	v39 =	vmul.f32 v46, v39  }
0x256: {  	v61 =	vld [tilespmem:s23+$0xFFFFFFE0];
	[tilespmem:s23+$0xFFFFFF80] =	vst v0;
	v0 =	vmul.f32 v62, v51  }
0x257: {  	v12 =	vld [tilespmem:s23+$0x10];
	[tilespmem:s23+$0xFFFFFFA0] =	vst v39;
	v24 =	vmul.f32 v24, v30  }
0x258: {  	v26 =	vmul.f32 v60, v37;
	[tilespmem:s23+$0xFFFFFF70] =	vst v0;
	v0 =	vld [tilespmem:s23+$0xFFFFFFF0]  }
0x259: {  	v22 =	vld [tilespmem:s23+$0x60];
	[tilespmem:s23+$0x0] =	vst v24;
	v1 =	vmul.f32 v1, v38  }
0x25a: {  	v21 =	vld [tilespmem:s23+$0x20];
	v62 =	vmul.f32 v63, v48;
	[tilespmem:s23+$0xFFFFFFD0] =	vst v26  }
0x25b: {  	v26 =	vmul.f32 v61, v36;
	[tilespmem:s23+$0xFFFFFFC0] =	vst v1;
	v1 =	vld [tilespmem:s23+$0x40]  }
0x25c: {  	v23 =	vld [tilespmem:s23+$0x30];
	v12 =	vmul.f32 v12, v28;
	[tilespmem:s23+$0xFFFFFFB0] =	vst v62  }
0x25d: {  	v27 =	vld [tilespmem:s23+$0x50];
	[tilespmem:s23+$0xFFFFFFE0] =	vst v26;
	v0 =	vmul.f32 v0, v35  }
0x25e: {  	v26 =	vld [tilespmem:s23+$0x70];
	[tilespmem:s24+$0x10] =	vst v12;
	v12 =	vmul.f32 v22, v25  }
0x25f: {  	[tilespmem:s23+$0xFFFFFFF0] =	vst v0;
	v0 =	vmul.f32 v21, v31  }
0x260: {  	[tilespmem:s24+$0x60] =	vst v12;
	v1 =	vmul.f32 v1, v33  }
0x261: {  	v21 =	vmul.f32 v23, v29;
	[tilespmem:s24+$0x20] =	vst v0  }
0x262: {  	v0 =	vmul.f32 v27, v32;
	[tilespmem:s24+$0x40] =	vst v1;
	v1 =	vmul.f32 v14, v9;
	v9 =	vld [tilespmem:s23+$0xB0]  }
0x263: {  	v12 =	vld [tilespmem:s23+$0xD0];
	[tilespmem:s24+$0x30] =	vst v21  }
0x264: {  	[tilespmem:s24+$0x50] =	vst v0;
	v0 =	vmul.f32 v13, v8;
	v8 =	vld [tilespmem:s23+$0xC0]  }
0x265: {  	[tilespmem:s0+$0xB0] =	vst v1;
	v1 =	vmul.f32 v16, v10;
	v10 =	vld [tilespmem:s24+$0xE0]  }
0x266: {  	[tilespmem:s0+$0xC0] =	vst v0;
	v0 =	vmul.f32 v26, v43  }
0x267: {  	[tilespmem:s0+$0xE0] =	vst v1;
	v1 =	vmul.f32 v9, v19  }
0x268: {  	[tilespmem:s24+$0x70] =	vst v0;
	v0 =	vmul.f32 v12, v17  }
0x269: {  	v8 =	vmul.f32 v8, v20;
	[tilespmem:s24+$0xB0] =	vst v1  }
0x26a: {  	s23 =	smul.u32 $0x280, s11;
	v1 =	vmul.f32 v10, v18;
	[tilespmem:s24+$0xD0] =	vst v0  }
0x26b: {  	[tilespmem:s24+$0xC0] =	vst v8  }
0x26c: {  	s14 =	simm.s32 $0x8BB0;
	s0 =	sshra.s32 s23, $0x2;
	[tilespmem:s24+$0xE0] =	vst v1  }
0x26d: {  	[spmem:s3] =	stream.indirect.scatter.add.f32 [tilespmem:s14], [sflag:$0x5], $0x10, s0, s13, $0xb8;
	[tilespmem:$0x1F540] =	vst v63  }
0x26e: {  	_ = 	snop  }
0x26f: {  	[spmem:s2] =	stream.indirect.scatter.add.f32 [tilespmem:s20], [sflag:$0x5], $0x80, s0, s13, $0xb8;
	[tilespmem:$0x1F540] =	vst v63  }
0x270: {  	_ =	swait.ge [sflag:s17], $0x500  }
0x271: {  	[sflag:s17] =	ssyncset.done $0x0  }
0x272: {  	[sflag:s17] =	ssyncadd.s32 $0xFFFFFB00  }
0x273: {  	_ =	swait.ge [sflag:s17], $0x2800  }
0x274: {  	[sflag:s17] =	ssyncset.done $0x0  }
0x275: {  	s24 =	simm.s32 $0x2CB0;
	[sflag:s17] =	ssyncadd.s32 $0xFFFFD800  }
0x276: {  	[tilespmem:s24], [sflag:$0x4] =	stream.indirect.gather [hbm4b:s7+s13], $0x10, s22, s13, $0xb8;
	[tilespmem:$0x1F540] =	vst v63  }
0x277: {  	s23 =	sadd.s32 $0x50, s0;
	s14 =	simm.s32 $0x36B0;
	s24 =	smul.u32 $0xA0, s11  }
0x278: {  	[tilespmem:s14], [sflag:$0x4] =	stream.indirect.gather [hbm4b:s8+s13], $0x10, s23, s13, $0xb8;
	[tilespmem:$0x1F540] =	vst v63  }
0x279: {  	s0 =	sadd.s32 $0xA0, s24  }
0x27a: {  	s15 =	sadd.s32 s6, s0  }
0x27b: {  	[tilespmem:s31], [sflag:$0x4] =	stream.indirect.gather [hbm4b:s1+s13], $0x80, s22, s13, $0xb8;
	[tilespmem:$0x1F540] =	vst v63  }
0x27c: {  	s14 =	sshrl.u32 s15, $0x3  }
0x27d: {  	s14 =	sadd.s32 s9, s14  }
0x27e: {  	[tilespmem:s4], [sflag:$0x1] =	stream.linear.gather [hbm4b:s14+s5], $0x50, $0x38;
	[tilespmem:$0x1F540] =	vst v63  }
0x27f: {  	_ =	swait.ge [sflag:s12], $0x50  }
0x280: {  	[sflag:s12] =	ssyncset.done $0x0  }
0x281: {  	[sflag:s12] =	ssyncadd.s32 $0xFFFFFFB0  }
0x282: {  	_ =	swait.ge [sflag:s10], $0x500  }
0x283: {  	[sflag:s10] =	ssyncset.done $0x0  }
0x284: {  	[sflag:s10] =	ssyncadd.s32 $0xFFFFFB00  }
0x285: {  	_ =	swait.ge [sflag:s10], $0x500  }
0x286: {  	[sflag:s10] =	ssyncset.done $0x0  }
0x287: {  	[sflag:s10] =	ssyncadd.s32 $0xFFFFFB00  }
0x288: {  	_ =	swait.ge [sflag:s10], $0x2800  }
0x289: {  	[sflag:s10] =	ssyncset.done $0x0  }
0x28a: {  	s18 =	simm.s32 $0x2CD0;
	[sflag:s10] =	ssyncadd.s32 $0xFFFFD800  }
0x28b: {  	s15 =	simm.s32 $0x36D0;
	v0 =	vld [tilespmem:s18+$0x10]  }
0x28c: {  	v1 =	vld [tilespmem:s15+$0x10]  }
0x28d: {  	v8 =	vld [tilespmem:s15+$0xFFFFFFE0]  }
0x28e: {  	v9 =	vld [tilespmem:s18+$0xFFFFFFF0]  }
0x28f: {  	v10 =	vld [tilespmem:s15+$0xFFFFFFF0]  }
0x290: {  	v11 =	vld [tilespmem:s18+$0x0]  }
0x291: {  	v12 =	vld [tilespmem:s15+$0x0];
	v0 =	vadd.f32 v1, v0  }
0x292: {  	v1 =	vld [tilespmem:s18+$0xFFFFFFE0]  }
0x293: {  	v13 =	vmul.f32 $2.000000030e-01, v0  }
0x294: {  	vm0 =	vge.f32 v0, $0.0e+00  }
0x295: {  	v9 =	vadd.f32 v10, v9;
	v0 =	vsel vm0, v0, v13  }
0x296: {  	v10 =	vadd.f32 v12, v11;
	v0 =	vmul.f32 $1.442695020e+00, v0  }
0x297: {  	v11 =	vmul.f32 $2.000000030e-01, v9;
	v1 =	vadd.f32 v8, v1  }
0x298: {  	vm11 =	vge.f32 v9, $0.0e+00;
	v8 =	vmul.f32 $2.000000030e-01, v10;
	(erf) = vpow2.f32 v0  }
0x299: {  	vm1 =	vge.f32 v10, $0.0e+00;
	v9 =	vsel vm11, v9, v11;
	v0 =	vmul.f32 $2.000000030e-01, v1  }
0x29a: {  	v9 =	vmul.f32 $1.442695020e+00, v9;
	vm12 =	vge.f32 v1, $0.0e+00;
	v8 =	vsel vm1, v10, v8  }
0x29b: {  	v0 =	vsel vm12, v1, v0;
	v1 =	vmul.f32 $1.442695020e+00, v8  }
0x29c: {  	(erf) = vpow2.f32 v9;
	v0 =	vmul.f32 $1.442695020e+00, v0  }
0x29d: {  	(erf) = vpow2.f32 v1  }
0x29e: {  	(erf) = vpow2.f32 v0;
	_ =	sdelay $0x2  }
0x29f: {  	s21 =	simm.s32 $0x90D0;
	v0 =	vpop (erf)  }
0x2a0: {  	s14 =	simm.s32 $0x64B0;
	[tilespmem:s21+$0x10] =	vst v0  }
0x2a1: {  	v1 =	vld [tilespmem:s14+$0xF0]  }
0x2a2: {  	v13 =	vld [tilespmem:s14+$0x80]  }
0x2a3: {  	v12 =	vpop (erf);
	v14 =	vld [tilespmem:s14+$0x90]  }
0x2a4: {  	v2 =	vimm.s32 $0x5;
	[tilespmem:s21+$0xFFFFFFF0] =	vst v12;
	v15 =	vld [tilespmem:s14+$0xA0];
	v16 =	vpop (erf)  }
0x2a5: {  	v8 =	vperm.xlane v0, v2;
	v18 =	vld [tilespmem:s14+$0xFFFFFF80];
	v19 =	vpop (erf)  }
0x2a6: {  	v3 =	vimm.s32 $0x0;
	v22 =	vld [tilespmem:s14+$0xFFFFFF90];
	[tilespmem:s21+$0xFFFFFFE0] =	vst v19  }
0x2a7: {  	v17 =	vperm.xlane v0, v3;
	v23 =	vld [tilespmem:s14+$0xFFFFFF00];
	[tilespmem:$0x1FFA0] =	vst v8;
	v8 =	vimm.s32 $0x6  }
0x2a8: {  	v20 =	vperm.xlane v0, v6;
	v9 =	vperm.xlane v0, v8  }
0x2a9: {  	v21 =	vperm.xlane v0, v5;
	v11 =	vperm.xlane v0, v7  }
0x2aa: {  	v10 =	vperm.xlane v0, v4;
	v25 =	vperm.xlane v12, v3;
	[tilespmem:$0x1FFB0] =	vst v9  }
0x2ab: {  	v27 =	vperm.xlane v12, v6;
	v28 =	vperm.xlane v12, v5;
	v24 =	vld [tilespmem:s14+$0xFFFFFF10]  }
0x2ac: {  	v40 =	vperm.xlane v12, v7;
	v42 =	vperm.xlane v12, v4;
	v26 =	vld [tilespmem:s14+$0xFFFFFF20]  }
0x2ad: {  	v43 =	vperm.xlane v12, v2;
	v48 =	vperm.xlane v16, v3;
	v29 =	vld [tilespmem:s14+$0xFFFFFF30]  }
0x2ae: {  	v49 =	vperm.xlane v16, v6;
	v51 =	vperm.xlane v16, v5;
	v33 =	vld [tilespmem:s14+$0xFFFFFF50]  }
0x2af: {  	v52 =	vperm.xlane v16, v7;
	v54 =	vperm.xlane v16, v4;
	v36 =	vld [tilespmem:s14+$0xFFFFFF60]  }
0x2b0: {  	v55 =	vperm.xlane v16, v2;
	v30 =	vperm.xlane v19, v3;
	v39 =	vld [tilespmem:s14+$0xFFFFFF70]  }
0x2b1: {  	v31 =	vperm.xlane v19, v6;
	v32 =	vperm.xlane v19, v5;
	v41 =	vld [tilespmem:s14+$0xFFFFFFA0]  }
0x2b2: {  	s18 =	simm.s32 $0x2D10;
	v34 =	vperm.xlane v19, v7;
	v35 =	vperm.xlane v19, v4;
	v44 =	vld [tilespmem:s14+$0xFFFFFFB0]  }
0x2b3: {  	s29 =	simm.s32 $0x3710;
	v63 =	vperm.xlane v19, v2;
	v13 =	vmul.f32 v13, v17;
	v47 =	vld [tilespmem:s18+$0x10]  }
0x2b4: {  	v14 =	vmul.f32 v14, v20;
	v15 =	vmul.f32 v15, v21;
	v50 =	vld [tilespmem:s29+$0x10]  }
0x2b5: {  	v38 =	vperm.xlane v19, v8;
	v45 =	vperm.xlane v12, v8;
	v53 =	vld [tilespmem:s29+$0xFFFFFFE0]  }
0x2b6: {  	v61 =	vperm.xlane v16, v8;
	v18 =	vmul.f32 v18, v25;
	v9 =	vimm.s32 $0x7;
	v60 =	vld [tilespmem:s18+$0xFFFFFFF0]  }
0x2b7: {  	v0 =	vperm.xlane v0, v9;
	v19 =	vperm.xlane v19, v9;
	v62 =	vld [tilespmem:s29+$0xFFFFFFF0]  }
0x2b8: {  	v46 =	vperm.xlane v12, v9;
	v12 =	vperm.xlane v16, v9;
	v37 =	vld [tilespmem:s18+$0xFFFFFFE0];
	[tilespmem:s21+$0x0] =	vst v16  }
0x2b9: {  	[tilespmem:s14+$0xFFFFFF80] =	vst v18;
	v17 =	vld [tilespmem:s14+$0xFFFFFFE0];
	v23 =	vmul.f32 v23, v30;
	v0 =	vmul.f32 v1, v0  }
0x2ba: {  	v21 =	vld [tilespmem:s14+$0xFFFFFFF0];
	[tilespmem:s14+$0x80] =	vst v13;
	v24 =	vmul.f32 v24, v31;
	v26 =	vmul.f32 v26, v32;
	v25 =	vadd.f32 v50, v47  }
0x2bb: {  	[tilespmem:s14+$0x90] =	vst v14;
	v1 =	vld [tilespmem:s14+$0xFFFFFF40];
	v16 =	vmul.f32 v39, v19;
	v19 =	vmul.f32 v22, v27  }
0x2bc: {  	[tilespmem:s14+$0xA0] =	vst v15;
	v30 =	vld [tilespmem:s18+$0x0];
	v27 =	vmul.f32 v41, v28;
	v28 =	vmul.f32 $2.000000030e-01, v25  }
0x2bd: {  	[tilespmem:s14+$0xFFFFFF00] =	vst v23;
	v29 =	vmul.f32 v29, v34;
	v31 =	vld [tilespmem:s29+$0x0];
	v18 =	vadd.f32 v62, v60;
	vm13 =	vge.f32 v25, $0.0e+00  }
0x2be: {  	[tilespmem:s14+$0xF0] =	vst v0;
	v63 =	vmul.f32 v33, v63;
	v38 =	vmul.f32 v36, v38;
	v22 =	vld [tilespmem:s14+$0xFFFFFFD0];
	v20 =	vsel vm13, v25, v28  }
0x2bf: {  	v50 =	vld [tilespmem:s14+$0xFFFFFFC0];
	[tilespmem:s14+$0xFFFFFF10] =	vst v24;
	v23 =	vmul.f32 $2.000000030e-01, v18;
	v24 =	vadd.f32 v53, v37;
	v20 =	vmul.f32 $1.442695020e+00, v20  }
0x2c0: {  	v0 =	vmul.f32 v44, v40;
	v1 =	vmul.f32 v1, v35;
	[tilespmem:s14+$0xFFFFFF90] =	vst v19;
	vm14 =	vge.f32 v18, $0.0e+00;
	v25 =	vld [tilespmem:s14+$0x0]  }
0x2c1: {  	[tilespmem:s14+$0xFFFFFF20] =	vst v26;
	v28 =	vmul.f32 $2.000000030e-01, v24;
	v18 =	vsel vm14, v18, v23;
	v23 =	vld [tilespmem:s14+$0x20];
	(erf) = vpow2.f32 v20  }
0x2c2: {  	[tilespmem:s14+$0xFFFFFF30] =	vst v29;
	v29 =	vmul.f32 v17, v45;
	vm2 =	vge.f32 v24, $0.0e+00;
	v19 =	vadd.f32 v31, v30;
	v30 =	vld [tilespmem:s14+$0x60]  }
0x2c3: {  	[tilespmem:s14+$0xFFFFFF40] =	vst v1;
	v1 =	vmul.f32 $1.442695020e+00, v18;
	v24 =	vsel vm2, v24, v28;
	v28 =	vmul.f32 v22, v43;
	v22 =	vld [tilespmem:s14+$0x40]  }
0x2c4: {  	[tilespmem:s14+$0xFFFFFF50] =	vst v63;
	v31 =	vmul.f32 v21, v46;
	v26 =	vmul.f32 $2.000000030e-01, v19;
	v20 =	vld [tilespmem:s14+$0x10]  }
0x2c5: {  	[tilespmem:s14+$0xFFFFFF60] =	vst v38;
	vm15 =	vge.f32 v19, $0.0e+00;
	v13 =	vmul.f32 $1.442695020e+00, v24;
	(erf) = vpow2.f32 v1;
	v1 =	vld [tilespmem:s14+$0x50]  }
0x2c6: {  	[tilespmem:s14+$0xFFFFFF70] =	vst v16;
	v18 =	vsel vm15, v19, v26;
	v26 =	vmul.f32 v50, v42;
	v19 =	vld [tilespmem:s14+$0x30];
	v25 =	vmul.f32 v25, v48  }
0x2c7: {  	[tilespmem:s14+$0xFFFFFFA0] =	vst v27;
	v33 =	vmul.f32 v23, v51;
	v18 =	vmul.f32 $1.442695020e+00, v18  }
0x2c8: {  	[tilespmem:s14+$0xFFFFFFB0] =	vst v0;
	v63 =	vmul.f32 v30, v61;
	v43 =	vmul.f32 v22, v54  }
0x2c9: {  	v14 =	vld [tilespmem:s14+$0xB0];
	[tilespmem:s14+$0xFFFFFFE0] =	vst v29;
	(erf) = vpow2.f32 v18;
	v32 =	vmul.f32 v20, v49  }
0x2ca: {  	v15 =	vld [tilespmem:s14+$0xD0];
	[tilespmem:s14+$0xFFFFFFF0] =	vst v31;
	(erf) = vpow2.f32 v13;
	v46 =	vmul.f32 v1, v55;
	v59 =	vpop (erf)  }
0x2cb: {  	v16 =	vld [tilespmem:s14+$0xE0];
	[tilespmem:s14+$0xFFFFFFD0] =	vst v28;
	v35 =	vmul.f32 v19, v52;
	v24 =	vperm.xlane v59, v3  }
0x2cc: {  	s15 =	simm.s32 $0x9110;
	v21 =	vld [tilespmem:s14+$0x70];
	[tilespmem:s14+$0xFFFFFFC0] =	vst v26;
	v23 =	vperm.xlane v59, v6;
	v22 =	vperm.xlane v59, v5  }
0x2cd: {  	s30 =	simm.s32 $0x66B0;
	v13 =	vld [tilespmem:s14+$0xC0];
	[tilespmem:s15+$0x10] =	vst v59;
	v19 =	vperm.xlane v59, v7;
	v20 =	vperm.xlane v59, v4  }
0x2ce: {  	[tilespmem:s14+$0x0] =	vst v25;
	v17 =	vperm.xlane v59, v2;
	v18 =	vperm.xlane v59, v8;
	v28 =	vpop (erf);
	v0 =	vld [tilespmem:s30+$0xF0]  }
0x2cf: {  	[tilespmem:s14+$0x20] =	vst v33;
	v30 =	vperm.xlane v59, v9;
	v26 =	vld [tilespmem:s30+$0x80];
	v40 =	vperm.xlane v28, v3  }
0x2d0: {  	[tilespmem:s14+$0x60] =	vst v63;
	v27 =	vld [tilespmem:s30+$0x90];
	v41 =	vperm.xlane v28, v6;
	v39 =	vperm.xlane v28, v5  }
0x2d1: {  	[tilespmem:s15+$0xFFFFFFF0] =	vst v28;
	v34 =	vld [tilespmem:s30+$0xA0];
	v48 =	vperm.xlane v28, v7;
	v38 =	vperm.xlane v28, v4  }
0x2d2: {  	[tilespmem:s14+$0x10] =	vst v32;
	v37 =	vperm.xlane v28, v2;
	v36 =	vperm.xlane v28, v8;
	v42 =	vld [tilespmem:s30+$0xFFFFFF80];
	v1 =	vpop (erf)  }
0x2d3: {  	[tilespmem:s14+$0x30] =	vst v35;
	v35 =	vperm.xlane v28, v9;
	v47 =	vld [tilespmem:s30+$0xFFFFFF90];
	v28 =	vperm.xlane v1, v6  }
0x2d4: {  	[tilespmem:s14+$0x50] =	vst v46;
	v46 =	vld [tilespmem:s30+$0xFFFFFFA0];
	v29 =	vpop (erf);
	v31 =	vperm.xlane v1, v5;
	v33 =	vperm.xlane v1, v4  }
0x2d5: {  	v63 =	vld [tilespmem:s30+$0xFFFFFFB0];
	v32 =	vperm.xlane v1, v2;
	v25 =	vperm.xlane v1, v8;
	[tilespmem:s15+$0xFFFFFFE0] =	vst v29  }
0x2d6: {  	[tilespmem:s14+$0x40] =	vst v43;
	v43 =	vperm.xlane v1, v9;
	v49 =	vperm.xlane v29, v3;
	v55 =	vld [tilespmem:s30+$0xFFFFFF00]  }
0x2d7: {  	v0 =	vmul.f32 v0, v30;
	v56 =	vperm.xlane v29, v6;
	v58 =	vld [tilespmem:s30+$0xFFFFFF10]  }
0x2d8: {  	v53 =	vperm.xlane v29, v5;
	v57 =	vperm.xlane v29, v7;
	v59 =	vld [tilespmem:s30+$0xFFFFFF20]  }
0x2d9: {  	v52 =	vperm.xlane v29, v4;
	v54 =	vperm.xlane v29, v2;
	v60 =	vld [tilespmem:s30+$0xFFFFFF30]  }
0x2da: {  	v50 =	vperm.xlane v29, v8;
	v51 =	vperm.xlane v29, v9;
	v61 =	vld [tilespmem:s30+$0xFFFFFF40]  }
0x2db: {  	v30 =	vperm.xlane v1, v3;
	v29 =	vperm.xlane v1, v7;
	v44 =	vld [tilespmem:s30+$0xFFFFFF50]  }
0x2dc: {  	[tilespmem:s15+$0x0] =	vst v1;
	v8 =	vimm.s32 $0x5;
	v7 =	vimm.s32 $0x4;
	v6 =	vimm.s32 $0x3;
	v45 =	vld [tilespmem:s30+$0xFFFFFF60]  }
0x2dd: {  	s28 =	simm.s32 $0x2D50;
	s21 =	simm.s32 $0x66B0;
	s18 =	simm.s32 $0x4;
	v5 =	vimm.s32 $0x2;
	v3 =	vimm.s32 $0x0;
	v2 =	vimm.s32 $0x7;
	v62 =	vld [tilespmem:s30+$0xFFFFFF70];
	[tilespmem:s30+$0xF0] =	vst v0  }
.LBB2_9:
0x2de: {  	v0 =	vld [tilespmem:s28+$0x10]  }
0x2df: {  	s29 =	sadd.s32 $0x40, s29;
	v9 =	vld [tilespmem:$0x1FFA0]  }
0x2e0: {  	v1 =	vmul.f32 v55, v49;
	v55 =	vld [tilespmem:s29+$0x10]  }
0x2e1: {  	v49 =	vmul.f32 v58, v56;
	v60 =	vmul.f32 v60, v57;
	v57 =	vld [tilespmem:s29+$0xFFFFFFE0]  }
0x2e2: {  	v53 =	vmul.f32 v59, v53;
	v58 =	vld [tilespmem:s29+$0xFFFFFFF0];
	[tilespmem:s30+$0xFFFFFF00] =	vst v1  }
0x2e3: {  	v40 =	vmul.f32 v42, v40;
	v59 =	vld [tilespmem:s28+$0x0];
	[tilespmem:s30+$0xFFFFFF10] =	vst v49  }
0x2e4: {  	v39 =	vmul.f32 v46, v39;
	v23 =	vmul.f32 v27, v23;
	v27 =	vld [tilespmem:s30+$0xFFFFFFC0];
	[tilespmem:s30+$0xFFFFFF20] =	vst v53  }
0x2e5: {  	v46 =	vmul.f32 v15, v9;
	v9 =	vld [tilespmem:$0x1FFB0];
	v1 =	vmul.f32 v61, v52;
	[tilespmem:s30+$0xFFFFFF30] =	vst v60  }
0x2e6: {  	v21 =	vmul.f32 v21, v12;
	v41 =	vmul.f32 v47, v41;
	v52 =	vld [tilespmem:s28+$0xFFFFFFF0];
	[tilespmem:s30+$0xFFFFFF80] =	vst v40;
	v0 =	vadd.f32 v55, v0  }
0x2e7: {  	v44 =	vmul.f32 v44, v54;
	v45 =	vmul.f32 v45, v50;
	v61 =	vld [tilespmem:s29+$0x0];
	[tilespmem:s30+$0xFFFFFF40] =	vst v1  }
0x2e8: {  	[tilespmem:s30+$0xFFFFFF90] =	vst v41;
	v1 =	vmul.f32 v26, v24;
	v24 =	vld [tilespmem:s28+$0xFFFFFFE0];
	v26 =	vmul.f32 $2.000000030e-01, v0  }
0x2e9: {  	v12 =	vmovc v43;
	v54 =	vmul.f32 v62, v51;
	v22 =	vmul.f32 v34, v22;
	[tilespmem:s14+$0x70] =	vst v21;
	vm0 =	vge.f32 v0, $0.0e+00  }
0x2ea: {  	v60 =	vmul.f32 v63, v48;
	[tilespmem:s30+$0xFFFFFF60] =	vst v45;
	v45 =	vmul.f32 v13, v10;
	v13 =	vld [tilespmem:s30+$0xFFFFFFE0];
	v0 =	vsel vm0, v0, v26  }
0x2eb: {  	v4 =	vmovc v19;
	v19 =	vld [tilespmem:s30+$0xFFFFFFD0];
	[tilespmem:s30+$0xFFFFFF50] =	vst v44;
	v44 =	vmul.f32 v14, v11;
	v14 =	vadd.f32 v58, v52;
	v0 =	vmul.f32 $1.442695020e+00, v0  }
0x2ec: {  	[tilespmem:s30+$0x90] =	vst v23;
	v23 =	vld [tilespmem:s30+$0x50];
	v21 =	vmul.f32 v27, v38;
	v43 =	vmul.f32 v16, v9;
	v16 =	vadd.f32 v61, v59  }
0x2ed: {  	[tilespmem:s30+$0xFFFFFFA0] =	vst v39;
	v11 =	vmovc v20;
	v20 =	vld [tilespmem:s30+$0xFFFFFFF0];
	v10 =	vmovc v17;
	v15 =	vmul.f32 $2.000000030e-01, v14;
	v17 =	vadd.f32 v57, v24;
	(erf) = vpow2.f32 v0  }
0x2ee: {  	[tilespmem:s30+$0xA0] =	vst v22;
	v9 =	vmovc v18;
	v18 =	vld [tilespmem:s30+$0x0];
	vm15 =	vge.f32 v14, $0.0e+00;
	vm1 =	vge.f32 v16, $0.0e+00;
	v24 =	vmul.f32 $2.000000030e-01, v16  }
0x2ef: {  	[tilespmem:s30+$0xFFFFFFB0] =	vst v60;
	v13 =	vmul.f32 v13, v36;
	v14 =	vsel vm15, v14, v15;
	v15 =	vld [tilespmem:s30+$0x20];
	v26 =	vmul.f32 $2.000000030e-01, v17  }
0x2f0: {  	[tilespmem:s30+$0xFFFFFF70] =	vst v54;
	v0 =	vld [tilespmem:s30+$0x10];
	vm2 =	vge.f32 v17, $0.0e+00;
	v14 =	vmul.f32 $1.442695020e+00, v14;
	v16 =	vsel vm1, v16, v24  }
0x2f1: {  	[tilespmem:s30+$0x80] =	vst v1;
	v24 =	vld [tilespmem:s30+$0x30];
	v16 =	vmul.f32 $1.442695020e+00, v16;
	v1 =	vsel vm2, v17, v26;
	v17 =	vmul.f32 v19, v37  }
0x2f2: {  	[tilespmem:s30+$0xFFFFFFC0] =	vst v21;
	v19 =	vld [tilespmem:s30+$0x40];
	(erf) = vpow2.f32 v14;
	v1 =	vmul.f32 $1.442695020e+00, v1  }
0x2f3: {  	v62 =	vld [tilespmem:s30+$0x60];
	[tilespmem:s30+$0xFFFFFFE0] =	vst v13;
	(erf) = vpow2.f32 v16;
	v16 =	vmul.f32 v18, v30  }
0x2f4: {  	v21 =	vld [tilespmem:s30+$0x70];
	[tilespmem:s30+$0xFFFFFFD0] =	vst v17;
	(erf) = vpow2.f32 v1;
	v1 =	vmul.f32 v20, v35  }
0x2f5: {  	v13 =	vld [tilespmem:s30+$0xC0];
	v0 =	vmul.f32 v0, v28;
	[tilespmem:s30+$0x0] =	vst v16  }
0x2f6: {  	s15 =	sadd.s32 $0x40, s15;
	v14 =	vld [tilespmem:s30+$0xB0];
	v28 =	vmul.f32 v24, v29;
	[tilespmem:s30+$0xFFFFFFF0] =	vst v1;
	v1 =	vmul.f32 v15, v31;
	v29 =	vpop (erf)  }
0x2f7: {  	v30 =	vmul.f32 v19, v33;
	v31 =	vmul.f32 v23, v32;
	v15 =	vld [tilespmem:s30+$0xD0];
	[tilespmem:s15+$0x10] =	vst v29  }
0x2f8: {  	v33 =	vimm.s32 $0x1;
	s30 =	sadd.s32 $0x200, s30;
	[tilespmem:s21+$0x20] =	vst v1;
	v1 =	vmul.f32 v62, v25;
	v24 =	vperm.xlane v29, v3;
	v16 =	vld [tilespmem:s21+$0xE0]  }
0x2f9: {  	v23 =	vperm.xlane v29, v33;
	v22 =	vperm.xlane v29, v5;
	v63 =	vld [tilespmem:s30+$0xF0]  }
0x2fa: {  	[tilespmem:$0x1FFA0] =	vst v10;
	v10 =	vimm.s32 $0x6;
	v19 =	vperm.xlane v29, v6;
	v20 =	vperm.xlane v29, v7;
	v26 =	vld [tilespmem:s30+$0x80]  }
0x2fb: {  	[tilespmem:s21+$0x10] =	vst v0;
	v17 =	vperm.xlane v29, v8;
	v18 =	vperm.xlane v29, v10;
	v27 =	vld [tilespmem:s30+$0x90];
	v0 =	vpop (erf)  }
0x2fc: {  	v25 =	vperm.xlane v29, v2;
	v34 =	vld [tilespmem:s30+$0xA0];
	[tilespmem:s15+$0xFFFFFFF0] =	vst v0;
	v40 =	vperm.xlane v0, v3;
	v2 =	vpop (erf)  }
0x2fd: {  	[tilespmem:s21+$0x30] =	vst v28;
	v41 =	vperm.xlane v0, v33;
	v39 =	vperm.xlane v0, v5;
	v42 =	vld [tilespmem:s30+$0xFFFFFF80];
	v28 =	vpop (erf)  }
0x2fe: {  	v48 =	vperm.xlane v0, v6;
	v38 =	vperm.xlane v0, v7;
	v47 =	vld [tilespmem:s30+$0xFFFFFF90];
	[tilespmem:s15+$0xFFFFFFE0] =	vst v28  }
0x2ff: {  	[tilespmem:$0x1FFB0] =	vst v9;
	v9 =	vimm.s32 $0x7;
	v37 =	vperm.xlane v0, v8;
	v36 =	vperm.xlane v0, v10;
	v55 =	vld [tilespmem:s30+$0xFFFFFF00]  }
0x300: {  	v35 =	vperm.xlane v0, v9;
	[tilespmem:s15+$0x0] =	vst v2;
	v29 =	vperm.xlane v2, v6;
	v58 =	vld [tilespmem:s30+$0xFFFFFF10]  }
0x301: {  	v32 =	vperm.xlane v2, v8;
	[tilespmem:s21+$0x40] =	vst v30;
	v30 =	vperm.xlane v2, v3;
	v59 =	vld [tilespmem:s30+$0xFFFFFF20]  }
0x302: {  	s18 =	sadd.s32 $0x4, s18;
	[tilespmem:s21+$0x50] =	vst v31;
	v31 =	vperm.xlane v2, v5;
	v49 =	vperm.xlane v28, v3;
	v60 =	vld [tilespmem:s30+$0xFFFFFF30]  }
0x303: {  	p1 =	slt.u32 s18, $0x4C;
	[tilespmem:s14+$0xB0] =	vst v44;
	v56 =	vperm.xlane v28, v33;
	v25 =	vmul.f32 v63, v25;
	v61 =	vld [tilespmem:s30+$0xFFFFFF40]  }
.Ltmp3:
0x304: {  	[tilespmem:s21+$0x60] =	vst v1;
	v53 =	vperm.xlane v28, v5;
	v57 =	vperm.xlane v28, v6;
	v44 =	vld [tilespmem:s30+$0xFFFFFF50];
	(pc) =	sbr.rel @p1 .LBB2_9-.Ltmp3, $4  }
0x305: {  	v52 =	vperm.xlane v28, v7;
	v54 =	vperm.xlane v28, v8;
	v62 =	vld [tilespmem:s30+$0xFFFFFF70];
	[tilespmem:s30+$0xF0] =	vst v25  }
0x306: {  	v50 =	vperm.xlane v28, v10;
	v51 =	vperm.xlane v28, v9;
	v63 =	vld [tilespmem:s30+$0xFFFFFFB0];
	[tilespmem:s14+$0xC0] =	vst v45  }
0x307: {  	v28 =	vperm.xlane v2, v33;
	v33 =	vperm.xlane v2, v7;
	v45 =	vld [tilespmem:s30+$0xFFFFFF60];
	[tilespmem:s14+$0xD0] =	vst v46  }
0x308: {  	s28 =	sadd.s32 $0x40, s28;
	v25 =	vperm.xlane v2, v10;
	v10 =	vmovc v11;
	v11 =	vmovc v4;
	[tilespmem:s14+$0xE0] =	vst v43;
	s14 =	smov.u32 s21;
	s21 =	smov.u32 s30;
	v46 =	vld [tilespmem:s30+$0xFFFFFFA0];
	v43 =	vperm.xlane v2, v9;
	v2 =	vimm.s32 $0x7  }
0x309: {  	v0 =	vmul.f32 v55, v49  }
0x30a: {  	v1 =	vmul.f32 v58, v56  }
0x30b: {  	v2 =	vmul.f32 v59, v53;
	[tilespmem:s30+$0xFFFFFF00] =	vst v0  }
0x30c: {  	v41 =	vmul.f32 v47, v41;
	[tilespmem:s30+$0xFFFFFF10] =	vst v1  }
0x30d: {  	v12 =	vmul.f32 v21, v12;
	[tilespmem:s30+$0xFFFFFF20] =	vst v2  }
0x30e: {  	v23 =	vmul.f32 v27, v23;
	[tilespmem:s30+$0xFFFFFF90] =	vst v41  }
0x30f: {  	v22 =	vmul.f32 v34, v22;
	[tilespmem:s14+$0x70] =	vst v12  }
0x310: {  	v0 =	vmul.f32 v60, v57;
	[tilespmem:s30+$0x90] =	vst v23  }
0x311: {  	v1 =	vmul.f32 v61, v52;
	[tilespmem:s30+$0xA0] =	vst v22  }
0x312: {  	v2 =	vmul.f32 v44, v54;
	[tilespmem:s30+$0xFFFFFF30] =	vst v0  }
0x313: {  	v0 =	vmul.f32 v42, v40;
	[tilespmem:s30+$0xFFFFFF40] =	vst v1  }
0x314: {  	v53 =	vmul.f32 v63, v48;
	[tilespmem:s30+$0xFFFFFF50] =	vst v2;
	v2 =	vld [tilespmem:s30+$0xFFFFFFD0]  }
0x315: {  	v1 =	vld [tilespmem:s30+$0xFFFFFFC0];
	[tilespmem:s30+$0xFFFFFF80] =	vst v0;
	v0 =	vmul.f32 v62, v51  }
0x316: {  	v52 =	vld [tilespmem:s30+$0xFFFFFFE0];
	v54 =	vmul.f32 v26, v24;
	[tilespmem:s30+$0xFFFFFFB0] =	vst v53  }
0x317: {  	v50 =	vmul.f32 v45, v50;
	[tilespmem:s30+$0xFFFFFF70] =	vst v0;
	v0 =	vld [tilespmem:s30+$0xFFFFFFF0]  }
0x318: {  	v55 =	vld [tilespmem:s30+$0x0];
	v39 =	vmul.f32 v46, v39;
	[tilespmem:s30+$0x80] =	vst v54  }
0x319: {  	v56 =	vld [tilespmem:s30+$0x10];
	[tilespmem:s30+$0xFFFFFF60] =	vst v50;
	v2 =	vmul.f32 v2, v37  }
0x31a: {  	v57 =	vld [tilespmem:s30+$0x20];
	[tilespmem:s30+$0xFFFFFFA0] =	vst v39;
	v1 =	vmul.f32 v1, v38  }
0x31b: {  	v58 =	vld [tilespmem:s30+$0x30];
	[tilespmem:s30+$0xFFFFFFD0] =	vst v2;
	v2 =	vmul.f32 v52, v36  }
0x31c: {  	[tilespmem:s30+$0xFFFFFFC0] =	vst v1;
	v1 =	vld [tilespmem:s30+$0x40];
	v0 =	vmul.f32 v0, v35  }
0x31d: {  	v59 =	vld [tilespmem:s30+$0x50];
	[tilespmem:s30+$0xFFFFFFE0] =	vst v2;
	v2 =	vmul.f32 v55, v30  }
0x31e: {  	v60 =	vld [tilespmem:s30+$0x60];
	v12 =	vmul.f32 v56, v28;
	[tilespmem:s30+$0xFFFFFFF0] =	vst v0  }
0x31f: {  	v0 =	vmul.f32 v57, v31;
	[tilespmem:s30+$0x0] =	vst v2  }
0x320: {  	v61 =	vld [tilespmem:s30+$0x70];
	v2 =	vmul.f32 v58, v29;
	[tilespmem:s21+$0x10] =	vst v12  }
0x321: {  	v1 =	vmul.f32 v1, v33;
	[tilespmem:s21+$0x20] =	vst v0  }
0x322: {  	v0 =	vmul.f32 v59, v32;
	[tilespmem:s21+$0x30] =	vst v2  }
0x323: {  	v2 =	vmul.f32 v60, v25;
	[tilespmem:s21+$0x40] =	vst v1  }
0x324: {  	v1 =	vmul.f32 v14, v11;
	[tilespmem:s21+$0x50] =	vst v0  }
0x325: {  	v62 =	vld [tilespmem:s30+$0xD0];
	[tilespmem:s21+$0x60] =	vst v2  }
0x326: {  	v2 =	vld [tilespmem:$0x1FFA0];
	[tilespmem:s14+$0xB0] =	vst v1  }
0x327: {  	v0 =	vmul.f32 v13, v10;
	v1 =	vld [tilespmem:$0x1FFB0];
	_ =	sdelay $0x1  }
0x328: {  	v9 =	vld [tilespmem:s30+$0xB0];
	[tilespmem:s14+$0xC0] =	vst v0;
	v0 =	vmul.f32 v61, v43  }
0x329: {  	v8 =	vld [tilespmem:s30+$0xC0]  }
0x32a: {  	v63 =	vld [tilespmem:s21+$0xE0];
	[tilespmem:s21+$0x70] =	vst v0;
	v0 =	vmul.f32 v62, v17  }
0x32b: {  	v1 =	vmul.f32 v16, v1  }
0x32c: {  	v2 =	vmul.f32 v15, v2;
	[tilespmem:s21+$0xD0] =	vst v0  }
0x32d: {  	[tilespmem:s14+$0xE0] =	vst v1;
	v1 =	vmul.f32 v9, v19  }
0x32e: {  	[tilespmem:s14+$0xD0] =	vst v2;
	v2 =	vmul.f32 v8, v20  }
0x32f: {  	[tilespmem:s21+$0xB0] =	vst v1;
	v1 =	vmul.f32 v63, v18  }
0x330: {  	[tilespmem:s21+$0xC0] =	vst v2  }
0x331: {  	[tilespmem:s21+$0xE0] =	vst v1;
	s21 =	simm.s32 $0x90B0  }
0x332: {  	[spmem:s3] =	stream.indirect.scatter.add.f32 [tilespmem:s21], [sflag:$0x6], $0x10, s23, s13, $0xb8;
	[tilespmem:$0x1F540] =	vst v63  }
0x333: {  	_ = 	snop  }
0x334: {  	[spmem:s2] =	stream.indirect.scatter.add.f32 [tilespmem:s31], [sflag:$0x6], $0x80, s23, s13, $0xb8;
	[tilespmem:$0x1F540] =	vst v63  }
0x335: {  	_ =	swait.ge [sflag:s16], $0x500  }
0x336: {  	[sflag:s16] =	ssyncset.done $0x0  }
0x337: {  	[sflag:s16] =	ssyncadd.s32 $0xFFFFFB00  }
0x338: {  	_ =	swait.ge [sflag:s16], $0x2800  }
0x339: {  	[sflag:s16] =	ssyncset.done $0x0  }
0x33a: {  	s28 =	simm.s32 $0x27B0;
	s11 =	sadd.s32 $0x1, s11;
	[sflag:s16] =	ssyncadd.s32 $0xFFFFD800  }
0x33b: {  	[tilespmem:s28], [sflag:$0x3] =	stream.indirect.gather [hbm4b:s7+s13], $0x10, s4, s13, $0xb8;
	[tilespmem:$0x1F540] =	vst v63  }
0x33c: {  	s29 =	simm.s32 $0x31B0;
	p1 =	sne.s32 s11, $0x3D  }
0x33d: {  	[tilespmem:s29], [sflag:$0x3] =	stream.indirect.gather [hbm4b:s8+s13], $0x10, s0, s13, $0xb8;
	[tilespmem:$0x1F540] =	vst v63  }
.Ltmp4:
0x33e: {  	s30 =	sadd.s32 s24, s19;
	(pc) =	sbr.rel @p1 .LBB2_6-.Ltmp4, $4  }
0x33f: {  	s0 =	sshrl.u32 s30, $0x3  }
0x340: {  	[tilespmem:s20], [sflag:$0x3] =	stream.indirect.gather [hbm4b:s1+s13], $0x80, s4, s13, $0xb8;
	[tilespmem:$0x1F540] =	vst v63  }
0x341: {  	v3 =	vimm.s32 $0x1;
	v4 =	vimm.s32 $0x2;
	s0 =	sadd.s32 s9, s0  }
0x342: {  	v5 =	vimm.s32 $0x3;
	v6 =	vimm.s32 $0x4;
	v7 =	vimm.s32 $0x5;
	[tilespmem:s22], [sflag:$0x2] =	stream.linear.gather [hbm4b:s0+s5], $0x50, $0x38;
	[tilespmem:$0x1F540] =	vst v63  }
0x343: {  	_ =	swait.ge [sflag:s25], $0x50  }
0x344: {  	[sflag:s25] =	ssyncset.done $0x0  }
0x345: {  	[sflag:s25] =	ssyncadd.s32 $0xFFFFFFB0  }
0x346: {  	_ =	swait.ge [sflag:s26], $0x500  }
0x347: {  	[sflag:s26] =	ssyncset.done $0x0  }
0x348: {  	[sflag:s26] =	ssyncadd.s32 $0xFFFFFB00  }
0x349: {  	_ =	swait.ge [sflag:s26], $0x500  }
0x34a: {  	[sflag:s26] =	ssyncset.done $0x0  }
0x34b: {  	[sflag:s26] =	ssyncadd.s32 $0xFFFFFB00  }
0x34c: {  	_ =	swait.ge [sflag:s26], $0x2800  }
0x34d: {  	[sflag:s26] =	ssyncset.done $0x0  }
0x34e: {  	s0 =	simm.s32 $0x27D0;
	[sflag:s26] =	ssyncadd.s32 $0xFFFFD800  }
0x34f: {  	s11 =	simm.s32 $0x31D0;
	v0 =	vld [tilespmem:s0+$0x10]  }
0x350: {  	v1 =	vld [tilespmem:s11+$0x10]  }
0x351: {  	v2 =	vld [tilespmem:s11+$0xFFFFFFE0]  }
0x352: {  	v8 =	vld [tilespmem:s0+$0xFFFFFFF0]  }
0x353: {  	v9 =	vld [tilespmem:s11+$0xFFFFFFF0]  }
0x354: {  	v10 =	vld [tilespmem:s0+$0x0]  }
0x355: {  	v11 =	vld [tilespmem:s11+$0x0]  }
0x356: {  	v0 =	vadd.f32 v1, v0;
	v1 =	vld [tilespmem:s0+$0xFFFFFFE0];
	_ =	sdelay $0x1  }
0x357: {  	v12 =	vmul.f32 $2.000000030e-01, v0  }
0x358: {  	v8 =	vadd.f32 v9, v8;
	vm0 =	vge.f32 v0, $0.0e+00  }
0x359: {  	v9 =	vadd.f32 v11, v10;
	v0 =	vsel vm0, v0, v12  }
0x35a: {  	v10 =	vmul.f32 $2.000000030e-01, v8;
	v0 =	vmul.f32 $1.442695020e+00, v0;
	v1 =	vadd.f32 v2, v1  }
0x35b: {  	vm11 =	vge.f32 v8, $0.0e+00;
	vm1 =	vge.f32 v9, $0.0e+00;
	v2 =	vmul.f32 $2.000000030e-01, v9  }
0x35c: {  	v8 =	vsel vm11, v8, v10;
	(erf) = vpow2.f32 v0;
	v0 =	vmul.f32 $2.000000030e-01, v1  }
0x35d: {  	v8 =	vmul.f32 $1.442695020e+00, v8;
	vm12 =	vge.f32 v1, $0.0e+00;
	v2 =	vsel vm1, v9, v2  }
0x35e: {  	v0 =	vsel vm12, v1, v0;
	v1 =	vmul.f32 $1.442695020e+00, v2  }
0x35f: {  	(erf) = vpow2.f32 v8;
	v0 =	vmul.f32 $1.442695020e+00, v0  }
0x360: {  	(erf) = vpow2.f32 v1  }
0x361: {  	(erf) = vpow2.f32 v0;
	_ =	sdelay $0x3  }
0x362: {  	s14 =	simm.s32 $0x8BD0;
	v0 =	vpop (erf)  }
0x363: {  	s0 =	simm.s32 $0x3CB0;
	[tilespmem:s14+$0x10] =	vst v0  }
0x364: {  	v1 =	vld [tilespmem:s0+$0xF0]  }
0x365: {  	v12 =	vpop (erf);
	v2 =	vld [tilespmem:s0+$0x80]  }
0x366: {  	v62 =	vimm.s32 $0x0;
	v13 =	vld [tilespmem:s0+$0x90];
	v15 =	vpop (erf)  }
0x367: {  	v16 =	vperm.xlane v0, v62;
	v10 =	vperm.xlane v0, v6;
	[tilespmem:s14+$0xFFFFFFF0] =	vst v12;
	v14 =	vld [tilespmem:s0+$0xA0];
	v18 =	vpop (erf)  }
0x368: {  	v19 =	vperm.xlane v0, v3;
	v20 =	vperm.xlane v0, v4;
	v17 =	vld [tilespmem:s0+$0xFFFFFF80];
	[tilespmem:s14+$0xFFFFFFE0] =	vst v18  }
0x369: {  	v9 =	vperm.xlane v0, v5;
	v11 =	vperm.xlane v0, v7;
	v21 =	vld [tilespmem:s0+$0xFFFFFF90];
	[tilespmem:$0x1FF90] =	vst v10  }
0x36a: {  	v25 =	vimm.s32 $0x7;
	v24 =	vperm.xlane v12, v62;
	v26 =	vperm.xlane v12, v3;
	v22 =	vld [tilespmem:s0+$0xFFFFFF00]  }
0x36b: {  	v27 =	vperm.xlane v12, v4;
	v39 =	vperm.xlane v12, v5;
	v10 =	vimm.s32 $0x6;
	v23 =	vld [tilespmem:s0+$0xFFFFFF10]  }
0x36c: {  	v58 =	vimm.s32 $0x6;
	v10 =	vperm.xlane v0, v10;
	v0 =	vperm.xlane v0, v25;
	v25 =	vld [tilespmem:s0+$0xFFFFFF20]  }
0x36d: {  	v57 =	vimm.s32 $0x7;
	v41 =	vperm.xlane v12, v6;
	v42 =	vperm.xlane v12, v7;
	v28 =	vld [tilespmem:s0+$0xFFFFFF30]  }
0x36e: {  	v44 =	vperm.xlane v12, v58;
	v45 =	vperm.xlane v12, v57;
	v32 =	vld [tilespmem:s0+$0xFFFFFF50]  }
0x36f: {  	v47 =	vperm.xlane v15, v62;
	v48 =	vperm.xlane v15, v3;
	v35 =	vld [tilespmem:s0+$0xFFFFFF60]  }
0x370: {  	v50 =	vperm.xlane v15, v4;
	v51 =	vperm.xlane v15, v5;
	v38 =	vld [tilespmem:s0+$0xFFFFFF70]  }
0x371: {  	v53 =	vperm.xlane v15, v6;
	v54 =	vperm.xlane v15, v7;
	v40 =	vld [tilespmem:s0+$0xFFFFFFA0]  }
0x372: {  	s15 =	simm.s32 $0x2810;
	v56 =	vperm.xlane v15, v58;
	v12 =	vperm.xlane v15, v57;
	v43 =	vld [tilespmem:s0+$0xFFFFFFB0]  }
0x373: {  	s11 =	simm.s32 $0x3210;
	v29 =	vperm.xlane v18, v62;
	v30 =	vperm.xlane v18, v3;
	v46 =	vld [tilespmem:s15+$0x10]  }
0x374: {  	v31 =	vperm.xlane v18, v4;
	v33 =	vperm.xlane v18, v5;
	v49 =	vld [tilespmem:s11+$0x10]  }
0x375: {  	v34 =	vperm.xlane v18, v6;
	v36 =	vperm.xlane v18, v7;
	v52 =	vld [tilespmem:s11+$0xFFFFFFE0]  }
0x376: {  	v37 =	vperm.xlane v18, v58;
	v18 =	vperm.xlane v18, v57;
	v55 =	vld [tilespmem:s15+$0xFFFFFFF0]  }
0x377: {  	v2 =	vmul.f32 v2, v16;
	v13 =	vmul.f32 v13, v19;
	v63 =	vld [tilespmem:s11+$0xFFFFFFF0]  }
0x378: {  	v17 =	vmul.f32 v17, v24;
	[tilespmem:s14+$0x0] =	vst v15;
	v16 =	vld [tilespmem:s0+$0xFFFFFFE0];
	v0 =	vmul.f32 v1, v0  }
0x379: {  	[tilespmem:s0+$0x80] =	vst v2;
	v1 =	vld [tilespmem:s0+$0xFFFFFF40];
	v22 =	vmul.f32 v22, v29;
	v23 =	vmul.f32 v23, v30  }
0x37a: {  	[tilespmem:s0+$0x90] =	vst v13;
	v29 =	vld [tilespmem:s15+$0x0];
	v25 =	vmul.f32 v25, v31;
	v31 =	vmul.f32 v32, v36;
	v24 =	vadd.f32 v49, v46  }
0x37b: {  	[tilespmem:s0+$0xFFFFFF80] =	vst v17;
	v30 =	vld [tilespmem:s11+$0x0];
	v15 =	vmul.f32 v38, v18;
	v18 =	vmul.f32 v21, v26  }
0x37c: {  	[tilespmem:s0+$0xF0] =	vst v0;
	v36 =	vld [tilespmem:s15+$0xFFFFFFE0];
	v26 =	vmul.f32 v40, v27;
	v17 =	vadd.f32 v63, v55;
	v27 =	vmul.f32 $2.000000030e-01, v24  }
0x37d: {  	v14 =	vmul.f32 v14, v20;
	v20 =	vld [tilespmem:s0+$0xFFFFFFF0];
	v28 =	vmul.f32 v28, v33;
	vm13 =	vge.f32 v24, $0.0e+00;
	[tilespmem:s0+$0xFFFFFF90] =	vst v18  }
0x37e: {  	v37 =	vmul.f32 v35, v37;
	v49 =	vld [tilespmem:s0+$0xFFFFFFC0];
	[tilespmem:s0+$0xFFFFFF00] =	vst v22;
	v22 =	vmul.f32 $2.000000030e-01, v17;
	v19 =	vsel vm13, v24, v27  }
0x37f: {  	v1 =	vmul.f32 v1, v34;
	vm14 =	vge.f32 v17, $0.0e+00;
	[tilespmem:s0+$0xFFFFFF30] =	vst v28;
	v28 =	vld [tilespmem:s0+$0x40];
	v19 =	vmul.f32 $1.442695020e+00, v19  }
0x380: {  	v21 =	vld [tilespmem:s0+$0xFFFFFFD0];
	v0 =	vmul.f32 v43, v39;
	[tilespmem:s0+$0xFFFFFF10] =	vst v23;
	v17 =	vsel vm14, v17, v22;
	v18 =	vadd.f32 v30, v29  }
0x381: {  	v24 =	vld [tilespmem:s0+$0x0];
	[tilespmem:s0+$0xFFFFFF40] =	vst v1;
	v23 =	vadd.f32 v52, v36;
	v1 =	vmul.f32 $1.442695020e+00, v17;
	(erf) = vpow2.f32 v19  }
0x382: {  	[tilespmem:s0+$0xFFFFFF20] =	vst v25;
	v22 =	vld [tilespmem:s0+$0x20];
	v29 =	vmul.f32 v16, v44;
	v25 =	vmul.f32 $2.000000030e-01, v18  }
0x383: {  	[tilespmem:s0+$0xA0] =	vst v14;
	v30 =	vld [tilespmem:s0+$0x60];
	vm15 =	vge.f32 v18, $0.0e+00;
	vm2 =	vge.f32 v23, $0.0e+00;
	v27 =	vmul.f32 $2.000000030e-01, v23  }
0x384: {  	[tilespmem:s0+$0xFFFFFF50] =	vst v31;
	v19 =	vld [tilespmem:s0+$0x10];
	v28 =	vmul.f32 v28, v53;
	(erf) = vpow2.f32 v1;
	v17 =	vsel vm15, v18, v25  }
0x385: {  	[tilespmem:s0+$0xFFFFFF60] =	vst v37;
	v1 =	vld [tilespmem:s0+$0x50];
	v18 =	vmul.f32 v49, v41;
	v23 =	vsel vm2, v23, v27;
	v27 =	vmul.f32 v21, v42  }
0x386: {  	[tilespmem:s0+$0xFFFFFF70] =	vst v15;
	v25 =	vld [tilespmem:s0+$0x30];
	v31 =	vmul.f32 v24, v47;
	v17 =	vmul.f32 $1.442695020e+00, v17  }
0x387: {  	v14 =	vld [tilespmem:s0+$0xB0];
	[tilespmem:s0+$0xFFFFFFA0] =	vst v26;
	v33 =	vmul.f32 v22, v50;
	v2 =	vmul.f32 $1.442695020e+00, v23  }
0x388: {  	v13 =	vld [tilespmem:s0+$0xC0];
	[tilespmem:s0+$0xFFFFFFB0] =	vst v0;
	v63 =	vmul.f32 v30, v56;
	(erf) = vpow2.f32 v17  }
0x389: {  	v15 =	vld [tilespmem:s0+$0xD0];
	[tilespmem:s0+$0xFFFFFFE0] =	vst v29;
	v32 =	vmul.f32 v19, v48;
	(erf) = vpow2.f32 v2  }
0x38a: {  	s15 =	simm.s32 $0x8C10;
	v16 =	vld [tilespmem:s0+$0xE0];
	[tilespmem:s0+$0x40] =	vst v28;
	v2 =	vmul.f32 v20, v45;
	v46 =	vmul.f32 v1, v54;
	v59 =	vpop (erf)  }
0x38b: {  	s14 =	simm.s32 $0x3EB0;
	v21 =	vld [tilespmem:s0+$0x70];
	v25 =	vmul.f32 v25, v51;
	[tilespmem:s15+$0x10] =	vst v59;
	v24 =	vperm.xlane v59, v62  }
0x38c: {  	[tilespmem:s0+$0xFFFFFFC0] =	vst v18;
	v23 =	vperm.xlane v59, v3;
	v22 =	vperm.xlane v59, v4;
	v0 =	vld [tilespmem:s14+$0xF0]  }
0x38d: {  	[tilespmem:s0+$0xFFFFFFD0] =	vst v27;
	v19 =	vperm.xlane v59, v5;
	v20 =	vperm.xlane v59, v6;
	v26 =	vld [tilespmem:s14+$0x80]  }
0x38e: {  	v36 =	vimm.s32 $0x7;
	[tilespmem:s0+$0x0] =	vst v31;
	v17 =	vperm.xlane v59, v7;
	v18 =	vperm.xlane v59, v58;
	v43 =	vpop (erf);
	v27 =	vld [tilespmem:s14+$0x90]  }
0x38f: {  	v30 =	vperm.xlane v59, v36;
	[tilespmem:s15+$0xFFFFFFF0] =	vst v43;
	v40 =	vperm.xlane v43, v62;
	v34 =	vld [tilespmem:s14+$0xA0]  }
0x390: {  	[tilespmem:s0+$0x20] =	vst v33;
	v41 =	vperm.xlane v43, v3;
	v39 =	vperm.xlane v43, v4;
	v42 =	vld [tilespmem:s14+$0xFFFFFF80]  }
0x391: {  	v8 =	vimm.s32 $0x7;
	[tilespmem:s0+$0x60] =	vst v63;
	v48 =	vperm.xlane v43, v5;
	v38 =	vperm.xlane v43, v6;
	v47 =	vld [tilespmem:s14+$0xFFFFFF90];
	v1 =	vpop (erf)  }
0x392: {  	[tilespmem:s0+$0x50] =	vst v46;
	v37 =	vperm.xlane v43, v7;
	v35 =	vperm.xlane v43, v8;
	v46 =	vld [tilespmem:s14+$0xFFFFFFA0];
	v29 =	vpop (erf)  }
0x393: {  	v63 =	vld [tilespmem:s14+$0xFFFFFFB0];
	v28 =	vperm.xlane v1, v3;
	v31 =	vperm.xlane v1, v4;
	[tilespmem:s15+$0xFFFFFFE0] =	vst v29  }
0x394: {  	[tilespmem:s0+$0x10] =	vst v32;
	v33 =	vperm.xlane v1, v6;
	v32 =	vperm.xlane v1, v7;
	v55 =	vld [tilespmem:s14+$0xFFFFFF00]  }
0x395: {  	v49 =	vperm.xlane v29, v62;
	v0 =	vmul.f32 v0, v30;
	v58 =	vld [tilespmem:s14+$0xFFFFFF10]  }
0x396: {  	v56 =	vperm.xlane v29, v3;
	v53 =	vperm.xlane v29, v4;
	v59 =	vld [tilespmem:s14+$0xFFFFFF20]  }
0x397: {  	[tilespmem:s0+$0xFFFFFFF0] =	vst v2;
	v2 =	vimm.s32 $0x6;
	v57 =	vperm.xlane v29, v5;
	v52 =	vperm.xlane v29, v6;
	v60 =	vld [tilespmem:s14+$0xFFFFFF30]  }
0x398: {  	v54 =	vperm.xlane v29, v7;
	v50 =	vperm.xlane v29, v2;
	v61 =	vld [tilespmem:s14+$0xFFFFFF40]  }
0x399: {  	[tilespmem:s0+$0x30] =	vst v25;
	v51 =	vperm.xlane v29, v36;
	v36 =	vperm.xlane v43, v2;
	v44 =	vld [tilespmem:s14+$0xFFFFFF50]  }
0x39a: {  	[tilespmem:s15+$0x0] =	vst v1;
	v2 =	vimm.s32 $0x6;
	v30 =	vperm.xlane v1, v62;
	v29 =	vperm.xlane v1, v5;
	v45 =	vld [tilespmem:s14+$0xFFFFFF60]  }
0x39b: {  	s18 =	simm.s32 $0x4;
	s23 =	simm.s32 $0x2850;
	s21 =	simm.s32 $0x3EB0;
	v43 =	vperm.xlane v1, v8;
	v62 =	vld [tilespmem:s14+$0xFFFFFF70];
	v25 =	vperm.xlane v1, v2;
	[tilespmem:s14+$0xF0] =	vst v0  }
.LBB2_12:
0x39c: {  	v0 =	vld [tilespmem:s23+$0x10]  }
0x39d: {  	s11 =	sadd.s32 $0x40, s11;
	v8 =	vld [tilespmem:$0x1FF90];
	v1 =	vmul.f32 v55, v49  }
0x39e: {  	v21 =	vmul.f32 v21, v12;
	v2 =	vmul.f32 v58, v56;
	v49 =	vld [tilespmem:s11+$0x10]  }
0x39f: {  	v12 =	vmov v43;
	v43 =	vmul.f32 v16, v10;
	v53 =	vmul.f32 v59, v53;
	v56 =	vld [tilespmem:s11+$0xFFFFFFE0];
	[tilespmem:s14+$0xFFFFFF00] =	vst v1  }
0x3a0: {  	v55 =	vmul.f32 v60, v57;
	v44 =	vmul.f32 v44, v54;
	v57 =	vld [tilespmem:s23+$0xFFFFFFF0];
	[tilespmem:s14+$0xFFFFFF10] =	vst v2  }
0x3a1: {  	v58 =	vmul.f32 v62, v51;
	v59 =	vld [tilespmem:s11+$0xFFFFFFF0];
	v1 =	vmul.f32 v61, v52;
	[tilespmem:s14+$0xFFFFFF20] =	vst v53  }
0x3a2: {  	v40 =	vmul.f32 v42, v40;
	v41 =	vmul.f32 v47, v41;
	v60 =	vld [tilespmem:s23+$0x0];
	[tilespmem:s14+$0xFFFFFF30] =	vst v55  }
0x3a3: {  	v39 =	vmul.f32 v46, v39;
	v62 =	vld [tilespmem:s11+$0x0];
	v23 =	vmul.f32 v27, v23;
	[tilespmem:s14+$0xFFFFFF40] =	vst v1  }
0x3a4: {  	v22 =	vmul.f32 v34, v22;
	v1 =	vmul.f32 v26, v24;
	v0 =	vadd.f32 v49, v0;
	v24 =	vld [tilespmem:s23+$0xFFFFFFE0]  }
0x3a5: {  	[tilespmem:s0+$0x70] =	vst v21;
	v2 =	vmul.f32 v45, v50;
	v45 =	vmul.f32 v13, v8;
	v13 =	vld [tilespmem:s14+$0xFFFFFFE0]  }
0x3a6: {  	[tilespmem:s14+$0xFFFFFF50] =	vst v44;
	v44 =	vmul.f32 v14, v9;
	v14 =	vadd.f32 v59, v57;
	v26 =	vmul.f32 $2.000000030e-01, v0  }
0x3a7: {  	v10 =	vmovc v18;
	v18 =	vld [tilespmem:s14+$0x0];
	v46 =	vmul.f32 v15, v11;
	v61 =	vmul.f32 v63, v48;
	[tilespmem:s14+$0xFFFFFF80] =	vst v40;
	vm0 =	vge.f32 v0, $0.0e+00  }
0x3a8: {  	[tilespmem:s14+$0xFFFFFF60] =	vst v2;
	v2 =	vld [tilespmem:s14+$0xFFFFFFC0];
	v16 =	vadd.f32 v62, v60;
	v15 =	vmul.f32 $2.000000030e-01, v14;
	v0 =	vsel vm0, v0, v26  }
0x3a9: {  	v11 =	vmovc v17;
	v8 =	vmovc v20;
	[tilespmem:s14+$0xFFFFFF90] =	vst v41;
	v20 =	vld [tilespmem:s14+$0xFFFFFFF0];
	vm15 =	vge.f32 v14, $0.0e+00;
	v0 =	vmul.f32 $1.442695020e+00, v0;
	v17 =	vadd.f32 v56, v24  }
0x3aa: {  	[tilespmem:s14+$0xFFFFFFA0] =	vst v39;
	v9 =	vmovc v19;
	v19 =	vld [tilespmem:s14+$0xFFFFFFD0];
	vm1 =	vge.f32 v16, $0.0e+00;
	v13 =	vmul.f32 v13, v36;
	v24 =	vmul.f32 $2.000000030e-01, v16  }
0x3ab: {  	[tilespmem:s14+$0x90] =	vst v23;
	v63 =	vld [tilespmem:s14+$0x60];
	v14 =	vsel vm15, v14, v15;
	(erf) = vpow2.f32 v0;
	v26 =	vmul.f32 $2.000000030e-01, v17  }
0x3ac: {  	[tilespmem:s14+$0xA0] =	vst v22;
	v15 =	vld [tilespmem:s14+$0x20];
	v14 =	vmul.f32 $1.442695020e+00, v14;
	vm2 =	vge.f32 v17, $0.0e+00;
	v16 =	vsel vm1, v16, v24  }
0x3ad: {  	[tilespmem:s14+$0x80] =	vst v1;
	v2 =	vmul.f32 v2, v38;
	v0 =	vld [tilespmem:s14+$0x10];
	v16 =	vmul.f32 $1.442695020e+00, v16;
	v1 =	vsel vm2, v17, v26  }
0x3ae: {  	[tilespmem:s14+$0xFFFFFFB0] =	vst v61;
	v24 =	vld [tilespmem:s14+$0x30];
	(erf) = vpow2.f32 v14;
	v1 =	vmul.f32 $1.442695020e+00, v1  }
0x3af: {  	[tilespmem:s14+$0xFFFFFFC0] =	vst v2;
	v2 =	vld [tilespmem:s14+$0x50];
	v17 =	vmul.f32 v19, v37;
	(erf) = vpow2.f32 v16  }
0x3b0: {  	[tilespmem:s14+$0xFFFFFF70] =	vst v58;
	v19 =	vld [tilespmem:s14+$0x40];
	(erf) = vpow2.f32 v1;
	v1 =	vmul.f32 v20, v35  }
0x3b1: {  	[tilespmem:s14+$0xFFFFFFE0] =	vst v13;
	v16 =	vmul.f32 v18, v30  }
0x3b2: {  	v21 =	vld [tilespmem:s14+$0x70];
	[tilespmem:s14+$0xFFFFFFF0] =	vst v1;
	v1 =	vmul.f32 v15, v31  }
0x3b3: {  	v13 =	vld [tilespmem:s14+$0xC0];
	v0 =	vmul.f32 v0, v28;
	[tilespmem:s14+$0x0] =	vst v16  }
0x3b4: {  	s15 =	sadd.s32 $0x40, s15;
	v14 =	vld [tilespmem:s14+$0xB0];
	v28 =	vmul.f32 v24, v29;
	v2 =	vmul.f32 v2, v32;
	v29 =	vpop (erf);
	[tilespmem:s21+$0x20] =	vst v1  }
0x3b5: {  	v32 =	vimm.s32 $0x0;
	v30 =	vmul.f32 v19, v33;
	v15 =	vld [tilespmem:s14+$0xD0];
	v1 =	vmul.f32 v63, v25;
	[tilespmem:s15+$0x10] =	vst v29  }
0x3b6: {  	[tilespmem:s14+$0xFFFFFFD0] =	vst v17;
	s14 =	sadd.s32 $0x200, s14;
	v24 =	vperm.xlane v29, v32;
	v23 =	vperm.xlane v29, v3;
	v16 =	vld [tilespmem:s21+$0xE0]  }
0x3b7: {  	v33 =	vimm.s32 $0x1;
	v22 =	vperm.xlane v29, v4;
	v19 =	vperm.xlane v29, v5;
	v31 =	vld [tilespmem:s14+$0xF0]  }
0x3b8: {  	[tilespmem:s21+$0x10] =	vst v0;
	v20 =	vperm.xlane v29, v6;
	v17 =	vperm.xlane v29, v7;
	v3 =	vimm.s32 $0x6;
	v0 =	vpop (erf);
	v26 =	vld [tilespmem:s14+$0x80]  }
0x3b9: {  	v5 =	vimm.s32 $0x7;
	v27 =	vld [tilespmem:s14+$0x90];
	v18 =	vperm.xlane v29, v3;
	v40 =	vperm.xlane v0, v32  }
0x3ba: {  	v63 =	vimm.s32 $0x3;
	[tilespmem:s15+$0xFFFFFFF0] =	vst v0;
	v34 =	vld [tilespmem:s14+$0xA0];
	v25 =	vperm.xlane v29, v5;
	v41 =	vperm.xlane v0, v33  }
0x3bb: {  	[tilespmem:$0x1FF90] =	vst v8;
	v39 =	vperm.xlane v0, v4;
	v48 =	vperm.xlane v0, v63;
	v8 =	vpop (erf);
	v42 =	vld [tilespmem:s14+$0xFFFFFF80]  }
0x3bc: {  	[tilespmem:s21+$0x30] =	vst v28;
	v38 =	vperm.xlane v0, v6;
	v37 =	vperm.xlane v0, v7;
	v47 =	vld [tilespmem:s14+$0xFFFFFF90];
	v28 =	vpop (erf)  }
0x3bd: {  	v29 =	vperm.xlane v8, v63;
	[tilespmem:s15+$0xFFFFFFE0] =	vst v28;
	v57 =	vperm.xlane v28, v63;
	v63 =	vld [tilespmem:s14+$0xFFFFFFB0]  }
0x3be: {  	v36 =	vperm.xlane v0, v3;
	v35 =	vperm.xlane v0, v5;
	[tilespmem:s15+$0x0] =	vst v8;
	v55 =	vld [tilespmem:s14+$0xFFFFFF00]  }
0x3bf: {  	[tilespmem:s21+$0x40] =	vst v30;
	v30 =	vperm.xlane v8, v32;
	v49 =	vperm.xlane v28, v32;
	v58 =	vld [tilespmem:s14+$0xFFFFFF10]  }
0x3c0: {  	s18 =	sadd.s32 $0x4, s18;
	[tilespmem:s0+$0xB0] =	vst v44;
	v56 =	vperm.xlane v28, v33;
	v53 =	vperm.xlane v28, v4;
	v59 =	vld [tilespmem:s14+$0xFFFFFF20]  }
0x3c1: {  	p1 =	slt.u32 s18, $0x4C;
	[tilespmem:s21+$0x50] =	vst v2;
	v52 =	vperm.xlane v28, v6;
	v25 =	vmul.f32 v31, v25;
	v60 =	vld [tilespmem:s14+$0xFFFFFF30]  }
.Ltmp5:
0x3c2: {  	[tilespmem:s21+$0x60] =	vst v1;
	v54 =	vperm.xlane v28, v7;
	v50 =	vperm.xlane v28, v3;
	v61 =	vld [tilespmem:s14+$0xFFFFFF40];
	(pc) =	sbr.rel @p1 .LBB2_12-.Ltmp5, $4  }
0x3c3: {  	v51 =	vperm.xlane v28, v5;
	v28 =	vperm.xlane v8, v33;
	v44 =	vld [tilespmem:s14+$0xFFFFFF50];
	[tilespmem:s14+$0xF0] =	vst v25  }
0x3c4: {  	v33 =	vperm.xlane v8, v6;
	v32 =	vperm.xlane v8, v7;
	v62 =	vld [tilespmem:s14+$0xFFFFFF70];
	[tilespmem:s0+$0xC0] =	vst v45  }
0x3c5: {  	v31 =	vperm.xlane v8, v4;
	v25 =	vperm.xlane v8, v3;
	v45 =	vld [tilespmem:s14+$0xFFFFFF60];
	[tilespmem:s0+$0xD0] =	vst v46  }
0x3c6: {  	s23 =	sadd.s32 $0x40, s23;
	v3 =	vimm.s32 $0x1;
	[tilespmem:s0+$0xE0] =	vst v43;
	s0 =	smov.u32 s21;
	s21 =	smov.u32 s14;
	v46 =	vld [tilespmem:s14+$0xFFFFFFA0];
	v43 =	vperm.xlane v8, v5;
	v5 =	vimm.s32 $0x3  }
0x3c7: {  	v0 =	vmul.f32 v55, v49  }
0x3c8: {  	v1 =	vmul.f32 v58, v56  }
0x3c9: {  	v2 =	vmul.f32 v59, v53;
	[tilespmem:s14+$0xFFFFFF00] =	vst v0  }
0x3ca: {  	v12 =	vmul.f32 v21, v12;
	[tilespmem:s14+$0xFFFFFF10] =	vst v1  }
0x3cb: {  	v21 =	vmul.f32 v26, v24;
	[tilespmem:s14+$0xFFFFFF20] =	vst v2  }
0x3cc: {  	v23 =	vmul.f32 v27, v23;
	[tilespmem:s0+$0x70] =	vst v12  }
0x3cd: {  	v22 =	vmul.f32 v34, v22;
	[tilespmem:s14+$0x80] =	vst v21  }
0x3ce: {  	v0 =	vmul.f32 v60, v57;
	[tilespmem:s14+$0x90] =	vst v23  }
0x3cf: {  	v1 =	vmul.f32 v61, v52;
	[tilespmem:s14+$0xA0] =	vst v22  }
0x3d0: {  	v2 =	vmul.f32 v44, v54;
	[tilespmem:s14+$0xFFFFFF30] =	vst v0  }
0x3d1: {  	v0 =	vmul.f32 v42, v40;
	[tilespmem:s14+$0xFFFFFF40] =	vst v1  }
0x3d2: {  	v8 =	vmul.f32 v45, v50;
	[tilespmem:s14+$0xFFFFFF50] =	vst v2;
	v2 =	vld [tilespmem:s14+$0xFFFFFFD0]  }
0x3d3: {  	v1 =	vld [tilespmem:s14+$0xFFFFFFC0];
	[tilespmem:s14+$0xFFFFFF80] =	vst v0;
	v0 =	vmul.f32 v62, v51  }
0x3d4: {  	v61 =	vmul.f32 v47, v41;
	[tilespmem:s14+$0xFFFFFF60] =	vst v8;
	v8 =	vld [tilespmem:s14+$0xFFFFFFE0]  }
0x3d5: {  	v39 =	vmul.f32 v46, v39;
	[tilespmem:s14+$0xFFFFFF70] =	vst v0;
	v0 =	vld [tilespmem:s14+$0xFFFFFFF0]  }
0x3d6: {  	v24 =	vld [tilespmem:s14+$0x0];
	[tilespmem:s14+$0xFFFFFF90] =	vst v61;
	v62 =	vmul.f32 v63, v48  }
0x3d7: {  	v12 =	vld [tilespmem:s14+$0x10];
	[tilespmem:s14+$0xFFFFFFA0] =	vst v39;
	v2 =	vmul.f32 v2, v37  }
0x3d8: {  	v21 =	vld [tilespmem:s14+$0x20];
	[tilespmem:s14+$0xFFFFFFB0] =	vst v62;
	v1 =	vmul.f32 v1, v38  }
0x3d9: {  	v23 =	vld [tilespmem:s14+$0x30];
	[tilespmem:s14+$0xFFFFFFD0] =	vst v2;
	v2 =	vmul.f32 v8, v36  }
0x3da: {  	[tilespmem:s14+$0xFFFFFFC0] =	vst v1;
	v1 =	vld [tilespmem:s14+$0x40];
	v0 =	vmul.f32 v0, v35  }
0x3db: {  	v8 =	vld [tilespmem:s14+$0x50];
	[tilespmem:s14+$0xFFFFFFE0] =	vst v2;
	v2 =	vmul.f32 v24, v30  }
0x3dc: {  	v12 =	vmul.f32 v12, v28;
	[tilespmem:s14+$0xFFFFFFF0] =	vst v0  }
0x3dd: {  	v22 =	vld [tilespmem:s14+$0x60];
	v0 =	vmul.f32 v21, v31;
	[tilespmem:s14+$0x0] =	vst v2  }
0x3de: {  	v24 =	vld [tilespmem:s14+$0x70];
	v2 =	vmul.f32 v23, v29;
	[tilespmem:s21+$0x10] =	vst v12  }
0x3df: {  	v1 =	vmul.f32 v1, v33;
	[tilespmem:s21+$0x20] =	vst v0  }
0x3e0: {  	v0 =	vmul.f32 v8, v32;
	[tilespmem:s21+$0x30] =	vst v2  }
0x3e1: {  	[tilespmem:s21+$0x40] =	vst v1  }
0x3e2: {  	v8 =	vld [tilespmem:s14+$0xB0];
	[tilespmem:s21+$0x50] =	vst v0  }
0x3e3: {  	v1 =	vmul.f32 v14, v9;
	v0 =	vld [tilespmem:$0x1FF90]  }
0x3e4: {  	v2 =	vmul.f32 v22, v25;
	v9 =	vld [tilespmem:s14+$0xC0]  }
0x3e5: {  	[tilespmem:s0+$0xB0] =	vst v1;
	v1 =	vmul.f32 v16, v10  }
0x3e6: {  	[tilespmem:s21+$0x60] =	vst v2;
	v2 =	vmul.f32 v15, v11;
	v10 =	vld [tilespmem:s21+$0xE0]  }
0x3e7: {  	v11 =	vld [tilespmem:s14+$0xD0];
	[tilespmem:s0+$0xE0] =	vst v1;
	v1 =	vmul.f32 v8, v19  }
0x3e8: {  	[tilespmem:s0+$0xD0] =	vst v2;
	v0 =	vmul.f32 v13, v0  }
0x3e9: {  	v2 =	vmul.f32 v9, v20;
	[tilespmem:s21+$0xB0] =	vst v1  }
0x3ea: {  	[tilespmem:s0+$0xC0] =	vst v0;
	v0 =	vmul.f32 v24, v43  }
0x3eb: {  	v1 =	vmul.f32 v10, v18;
	[tilespmem:s21+$0xC0] =	vst v2  }
0x3ec: {  	[tilespmem:s21+$0x70] =	vst v0;
	v0 =	vmul.f32 v11, v17  }
0x3ed: {  	[tilespmem:s21+$0xE0] =	vst v1  }
0x3ee: {  	s15 =	simm.s32 $0x8BB0;
	s11 =	simm.s32 $0x2620;
	[tilespmem:s21+$0xD0] =	vst v0  }
0x3ef: {  	[spmem:s3] =	stream.indirect.scatter.add.f32 [tilespmem:s15], [sflag:$0x5], $0x10, s11, s13, $0xb8;
	[tilespmem:$0x1F540] =	vst v63  }
0x3f0: {  	_ = 	snop  }
0x3f1: {  	[spmem:s2] =	stream.indirect.scatter.add.f32 [tilespmem:s20], [sflag:$0x5], $0x80, s11, s13, $0xb8;
	[tilespmem:$0x1F540] =	vst v63  }
0x3f2: {  	_ =	swait.ge [sflag:s17], $0x500  }
0x3f3: {  	[sflag:s17] =	ssyncset.done $0x0  }
0x3f4: {  	[sflag:s17] =	ssyncadd.s32 $0xFFFFFB00  }
0x3f5: {  	_ =	swait.ge [sflag:s17], $0x2800  }
0x3f6: {  	[sflag:s17] =	ssyncset.done $0x0  }
0x3f7: {  	s18 =	simm.s32 $0x2CB0;
	[sflag:s17] =	ssyncadd.s32 $0xFFFFD800  }
0x3f8: {  	[tilespmem:s18], [sflag:$0x4] =	stream.indirect.gather [hbm4b:s7+s13], $0x10, s22, s13, $0xb8;
	[tilespmem:$0x1F540] =	vst v63  }
0x3f9: {  	s24 =	simm.s32 $0x2670;
	s21 =	simm.s32 $0x36B0  }
0x3fa: {  	[tilespmem:s21], [sflag:$0x4] =	stream.indirect.gather [hbm4b:s8+s13], $0x10, s24, s13, $0xb8;
	[tilespmem:$0x1F540] =	vst v63  }
0x3fb: {  	_ = 	snop  }
0x3fc: {  	[tilespmem:s31], [sflag:$0x4] =	stream.indirect.gather [hbm4b:s1+s13], $0x80, s22, s13, $0xb8;
	[tilespmem:$0x1F540] =	vst v63  }
0x3fd: {  	s23 =	rddreg [dreg:$0x18]  }
0x3fe: {  	[tilespmem:s4], [sflag:$0x1] =	stream.linear.gather [hbm4b:s23+s5], $0x50, $0x38;
	[tilespmem:$0x1F540] =	vst v63  }
0x3ff: {  	_ =	swait.ge [sflag:s12], $0x50  }
0x400: {  	[sflag:s12] =	ssyncset.done $0x0  }
0x401: {  	[sflag:s12] =	ssyncadd.s32 $0xFFFFFFB0  }
0x402: {  	_ =	swait.ge [sflag:s10], $0x500  }
0x403: {  	[sflag:s10] =	ssyncset.done $0x0  }
0x404: {  	[sflag:s10] =	ssyncadd.s32 $0xFFFFFB00  }
0x405: {  	_ =	swait.ge [sflag:s10], $0x500  }
0x406: {  	[sflag:s10] =	ssyncset.done $0x0  }
0x407: {  	[sflag:s10] =	ssyncadd.s32 $0xFFFFFB00  }
0x408: {  	_ =	swait.ge [sflag:s10], $0x2800  }
0x409: {  	[sflag:s10] =	ssyncset.done $0x0  }
0x40a: {  	s28 =	simm.s32 $0x2CD0;
	[sflag:s10] =	ssyncadd.s32 $0xFFFFD800  }
0x40b: {  	s29 =	simm.s32 $0x36D0;
	v0 =	vld [tilespmem:s28+$0x10]  }
0x40c: {  	v1 =	vld [tilespmem:s29+$0x10]  }
0x40d: {  	v2 =	vld [tilespmem:s29+$0xFFFFFFE0]  }
0x40e: {  	v8 =	vld [tilespmem:s28+$0xFFFFFFF0]  }
0x40f: {  	v9 =	vld [tilespmem:s29+$0xFFFFFFF0]  }
0x410: {  	v10 =	vld [tilespmem:s28+$0x0]  }
0x411: {  	v11 =	vld [tilespmem:s29+$0x0]  }
0x412: {  	v0 =	vadd.f32 v1, v0;
	v1 =	vld [tilespmem:s28+$0xFFFFFFE0];
	_ =	sdelay $0x1  }
0x413: {  	v12 =	vmul.f32 $2.000000030e-01, v0  }
0x414: {  	v8 =	vadd.f32 v9, v8;
	vm0 =	vge.f32 v0, $0.0e+00  }
0x415: {  	v9 =	vadd.f32 v11, v10;
	v0 =	vsel vm0, v0, v12  }
0x416: {  	v10 =	vmul.f32 $2.000000030e-01, v8;
	v0 =	vmul.f32 $1.442695020e+00, v0;
	v1 =	vadd.f32 v2, v1  }
0x417: {  	vm11 =	vge.f32 v8, $0.0e+00;
	vm1 =	vge.f32 v9, $0.0e+00;
	v2 =	vmul.f32 $2.000000030e-01, v9  }
0x418: {  	v8 =	vsel vm11, v8, v10;
	(erf) = vpow2.f32 v0;
	v0 =	vmul.f32 $2.000000030e-01, v1  }
0x419: {  	v8 =	vmul.f32 $1.442695020e+00, v8;
	vm12 =	vge.f32 v1, $0.0e+00;
	v2 =	vsel vm1, v9, v2  }
0x41a: {  	v0 =	vsel vm12, v1, v0;
	v1 =	vmul.f32 $1.442695020e+00, v2  }
0x41b: {  	(erf) = vpow2.f32 v8;
	v0 =	vmul.f32 $1.442695020e+00, v0  }
0x41c: {  	(erf) = vpow2.f32 v1  }
0x41d: {  	(erf) = vpow2.f32 v0;
	_ =	sdelay $0x3  }
0x41e: {  	s30 =	simm.s32 $0x90D0;
	v0 =	vpop (erf)  }
0x41f: {  	s0 =	simm.s32 $0x64B0;
	[tilespmem:s30+$0x10] =	vst v0  }
0x420: {  	v1 =	vld [tilespmem:s0+$0xF0]  }
0x421: {  	v12 =	vpop (erf);
	v2 =	vld [tilespmem:s0+$0x80]  }
0x422: {  	v62 =	vimm.s32 $0x0;
	v13 =	vld [tilespmem:s0+$0x90];
	v15 =	vpop (erf)  }
0x423: {  	v16 =	vperm.xlane v0, v62;
	v10 =	vperm.xlane v0, v6;
	[tilespmem:s30+$0xFFFFFFF0] =	vst v12;
	v14 =	vld [tilespmem:s0+$0xA0];
	v18 =	vpop (erf)  }
0x424: {  	v19 =	vperm.xlane v0, v3;
	v20 =	vperm.xlane v0, v4;
	v17 =	vld [tilespmem:s0+$0xFFFFFF80];
	[tilespmem:s30+$0xFFFFFFE0] =	vst v18  }
0x425: {  	v9 =	vperm.xlane v0, v5;
	v11 =	vperm.xlane v0, v7;
	v21 =	vld [tilespmem:s0+$0xFFFFFF90];
	[tilespmem:$0x1FF80] =	vst v10  }
0x426: {  	v25 =	vimm.s32 $0x7;
	v24 =	vperm.xlane v12, v62;
	v26 =	vperm.xlane v12, v3;
	v22 =	vld [tilespmem:s0+$0xFFFFFF00]  }
0x427: {  	v27 =	vperm.xlane v12, v4;
	v39 =	vperm.xlane v12, v5;
	v10 =	vimm.s32 $0x6;
	v23 =	vld [tilespmem:s0+$0xFFFFFF10]  }
0x428: {  	v58 =	vimm.s32 $0x6;
	v10 =	vperm.xlane v0, v10;
	v0 =	vperm.xlane v0, v25;
	v25 =	vld [tilespmem:s0+$0xFFFFFF20]  }
0x429: {  	v63 =	vimm.s32 $0x7;
	v41 =	vperm.xlane v12, v6;
	v42 =	vperm.xlane v12, v7;
	v28 =	vld [tilespmem:s0+$0xFFFFFF30]  }
0x42a: {  	v44 =	vperm.xlane v12, v58;
	v45 =	vperm.xlane v12, v63;
	v32 =	vld [tilespmem:s0+$0xFFFFFF50]  }
0x42b: {  	v47 =	vperm.xlane v15, v62;
	v48 =	vperm.xlane v15, v3;
	v35 =	vld [tilespmem:s0+$0xFFFFFF60]  }
0x42c: {  	v50 =	vperm.xlane v15, v4;
	v51 =	vperm.xlane v15, v5;
	v38 =	vld [tilespmem:s0+$0xFFFFFF70]  }
0x42d: {  	v53 =	vperm.xlane v15, v6;
	v54 =	vperm.xlane v15, v7;
	v40 =	vld [tilespmem:s0+$0xFFFFFFA0]  }
0x42e: {  	s15 =	simm.s32 $0x2D10;
	v61 =	vperm.xlane v15, v58;
	v12 =	vperm.xlane v15, v63;
	v43 =	vld [tilespmem:s0+$0xFFFFFFB0]  }
0x42f: {  	s11 =	simm.s32 $0x3710;
	v29 =	vperm.xlane v18, v62;
	v30 =	vperm.xlane v18, v3;
	v46 =	vld [tilespmem:s15+$0x10]  }
0x430: {  	v31 =	vperm.xlane v18, v4;
	v33 =	vperm.xlane v18, v5;
	v49 =	vld [tilespmem:s11+$0x10]  }
0x431: {  	v34 =	vperm.xlane v18, v6;
	v36 =	vperm.xlane v18, v7;
	v52 =	vld [tilespmem:s11+$0xFFFFFFE0]  }
0x432: {  	v37 =	vperm.xlane v18, v58;
	v18 =	vperm.xlane v18, v63;
	v60 =	vld [tilespmem:s15+$0xFFFFFFF0]  }
0x433: {  	v2 =	vmul.f32 v2, v16;
	v13 =	vmul.f32 v13, v19;
	v63 =	vld [tilespmem:s11+$0xFFFFFFF0]  }
0x434: {  	v17 =	vmul.f32 v17, v24;
	[tilespmem:s30+$0x0] =	vst v15;
	v16 =	vld [tilespmem:s0+$0xFFFFFFE0];
	v0 =	vmul.f32 v1, v0  }
0x435: {  	[tilespmem:s0+$0x80] =	vst v2;
	v1 =	vld [tilespmem:s0+$0xFFFFFF40];
	v22 =	vmul.f32 v22, v29;
	v23 =	vmul.f32 v23, v30  }
0x436: {  	[tilespmem:s0+$0x90] =	vst v13;
	v29 =	vld [tilespmem:s15+$0x0];
	v25 =	vmul.f32 v25, v31;
	v31 =	vmul.f32 v32, v36;
	v24 =	vadd.f32 v49, v46  }
0x437: {  	[tilespmem:s0+$0xFFFFFF80] =	vst v17;
	v30 =	vld [tilespmem:s11+$0x0];
	v15 =	vmul.f32 v38, v18;
	v18 =	vmul.f32 v21, v26  }
0x438: {  	[tilespmem:s0+$0xF0] =	vst v0;
	v36 =	vld [tilespmem:s15+$0xFFFFFFE0];
	v26 =	vmul.f32 v40, v27;
	v17 =	vadd.f32 v63, v60;
	v27 =	vmul.f32 $2.000000030e-01, v24  }
0x439: {  	v14 =	vmul.f32 v14, v20;
	v20 =	vld [tilespmem:s0+$0xFFFFFFF0];
	v28 =	vmul.f32 v28, v33;
	vm13 =	vge.f32 v24, $0.0e+00;
	[tilespmem:s0+$0xFFFFFF90] =	vst v18  }
0x43a: {  	v37 =	vmul.f32 v35, v37;
	v49 =	vld [tilespmem:s0+$0xFFFFFFC0];
	[tilespmem:s0+$0xFFFFFF00] =	vst v22;
	v22 =	vmul.f32 $2.000000030e-01, v17;
	v19 =	vsel vm13, v24, v27  }
0x43b: {  	v1 =	vmul.f32 v1, v34;
	vm14 =	vge.f32 v17, $0.0e+00;
	[tilespmem:s0+$0xFFFFFF30] =	vst v28;
	v28 =	vld [tilespmem:s0+$0x40];
	v19 =	vmul.f32 $1.442695020e+00, v19  }
0x43c: {  	v21 =	vld [tilespmem:s0+$0xFFFFFFD0];
	v0 =	vmul.f32 v43, v39;
	[tilespmem:s0+$0xFFFFFF10] =	vst v23;
	v17 =	vsel vm14, v17, v22;
	v18 =	vadd.f32 v30, v29  }
0x43d: {  	v24 =	vld [tilespmem:s0+$0x0];
	[tilespmem:s0+$0xFFFFFF40] =	vst v1;
	v23 =	vadd.f32 v52, v36;
	v1 =	vmul.f32 $1.442695020e+00, v17;
	(erf) = vpow2.f32 v19  }
0x43e: {  	[tilespmem:s0+$0xFFFFFF20] =	vst v25;
	v22 =	vld [tilespmem:s0+$0x20];
	v29 =	vmul.f32 v16, v44;
	v25 =	vmul.f32 $2.000000030e-01, v18  }
0x43f: {  	[tilespmem:s0+$0xA0] =	vst v14;
	v30 =	vld [tilespmem:s0+$0x60];
	vm15 =	vge.f32 v18, $0.0e+00;
	vm2 =	vge.f32 v23, $0.0e+00;
	v27 =	vmul.f32 $2.000000030e-01, v23  }
0x440: {  	[tilespmem:s0+$0xFFFFFF50] =	vst v31;
	v19 =	vld [tilespmem:s0+$0x10];
	v28 =	vmul.f32 v28, v53;
	(erf) = vpow2.f32 v1;
	v17 =	vsel vm15, v18, v25  }
0x441: {  	[tilespmem:s0+$0xFFFFFF60] =	vst v37;
	v1 =	vld [tilespmem:s0+$0x50];
	v18 =	vmul.f32 v49, v41;
	v23 =	vsel vm2, v23, v27;
	v27 =	vmul.f32 v21, v42  }
0x442: {  	[tilespmem:s0+$0xFFFFFF70] =	vst v15;
	v25 =	vld [tilespmem:s0+$0x30];
	v31 =	vmul.f32 v24, v47;
	v17 =	vmul.f32 $1.442695020e+00, v17  }
0x443: {  	v14 =	vld [tilespmem:s0+$0xB0];
	[tilespmem:s0+$0xFFFFFFA0] =	vst v26;
	v33 =	vmul.f32 v22, v50;
	v2 =	vmul.f32 $1.442695020e+00, v23  }
0x444: {  	v13 =	vld [tilespmem:s0+$0xC0];
	[tilespmem:s0+$0xFFFFFFB0] =	vst v0;
	v63 =	vmul.f32 v30, v61;
	(erf) = vpow2.f32 v17  }
0x445: {  	v15 =	vld [tilespmem:s0+$0xD0];
	[tilespmem:s0+$0xFFFFFFE0] =	vst v29;
	v32 =	vmul.f32 v19, v48;
	(erf) = vpow2.f32 v2  }
0x446: {  	s15 =	simm.s32 $0x9110;
	v16 =	vld [tilespmem:s0+$0xE0];
	[tilespmem:s0+$0x40] =	vst v28;
	v2 =	vmul.f32 v20, v45;
	v46 =	vmul.f32 v1, v54;
	v59 =	vpop (erf)  }
0x447: {  	s14 =	simm.s32 $0x66B0;
	v21 =	vld [tilespmem:s0+$0x70];
	v25 =	vmul.f32 v25, v51;
	[tilespmem:s15+$0x10] =	vst v59;
	v24 =	vperm.xlane v59, v62  }
0x448: {  	[tilespmem:s0+$0xFFFFFFC0] =	vst v18;
	v23 =	vperm.xlane v59, v3;
	v22 =	vperm.xlane v59, v4;
	v0 =	vld [tilespmem:s14+$0xF0]  }
0x449: {  	[tilespmem:s0+$0xFFFFFFD0] =	vst v27;
	v19 =	vperm.xlane v59, v5;
	v20 =	vperm.xlane v59, v6;
	v26 =	vld [tilespmem:s14+$0x80]  }
0x44a: {  	v36 =	vimm.s32 $0x7;
	[tilespmem:s0+$0x0] =	vst v31;
	v17 =	vperm.xlane v59, v7;
	v18 =	vperm.xlane v59, v58;
	v43 =	vpop (erf);
	v27 =	vld [tilespmem:s14+$0x90]  }
0x44b: {  	v30 =	vperm.xlane v59, v36;
	[tilespmem:s15+$0xFFFFFFF0] =	vst v43;
	v40 =	vperm.xlane v43, v62;
	v34 =	vld [tilespmem:s14+$0xA0]  }
0x44c: {  	[tilespmem:s0+$0x20] =	vst v33;
	v41 =	vperm.xlane v43, v3;
	v39 =	vperm.xlane v43, v4;
	v42 =	vld [tilespmem:s14+$0xFFFFFF80]  }
0x44d: {  	v8 =	vimm.s32 $0x7;
	[tilespmem:s0+$0x60] =	vst v63;
	v48 =	vperm.xlane v43, v5;
	v38 =	vperm.xlane v43, v6;
	v47 =	vld [tilespmem:s14+$0xFFFFFF90];
	v1 =	vpop (erf)  }
0x44e: {  	[tilespmem:s0+$0x50] =	vst v46;
	v37 =	vperm.xlane v43, v7;
	v35 =	vperm.xlane v43, v8;
	v46 =	vld [tilespmem:s14+$0xFFFFFFA0];
	v29 =	vpop (erf)  }
0x44f: {  	v63 =	vld [tilespmem:s14+$0xFFFFFFB0];
	v28 =	vperm.xlane v1, v3;
	v31 =	vperm.xlane v1, v4;
	[tilespmem:s15+$0xFFFFFFE0] =	vst v29  }
0x450: {  	[tilespmem:s0+$0x10] =	vst v32;
	v33 =	vperm.xlane v1, v6;
	v32 =	vperm.xlane v1, v7;
	v55 =	vld [tilespmem:s14+$0xFFFFFF00]  }
0x451: {  	v49 =	vperm.xlane v29, v62;
	v0 =	vmul.f32 v0, v30;
	v58 =	vld [tilespmem:s14+$0xFFFFFF10]  }
0x452: {  	v56 =	vperm.xlane v29, v3;
	v53 =	vperm.xlane v29, v4;
	v59 =	vld [tilespmem:s14+$0xFFFFFF20]  }
0x453: {  	[tilespmem:s0+$0xFFFFFFF0] =	vst v2;
	v2 =	vimm.s32 $0x6;
	v57 =	vperm.xlane v29, v5;
	v52 =	vperm.xlane v29, v6;
	v60 =	vld [tilespmem:s14+$0xFFFFFF30]  }
0x454: {  	v54 =	vperm.xlane v29, v7;
	v50 =	vperm.xlane v29, v2;
	v61 =	vld [tilespmem:s14+$0xFFFFFF40]  }
0x455: {  	[tilespmem:s0+$0x30] =	vst v25;
	v51 =	vperm.xlane v29, v36;
	v36 =	vperm.xlane v43, v2;
	v44 =	vld [tilespmem:s14+$0xFFFFFF50]  }
0x456: {  	[tilespmem:s15+$0x0] =	vst v1;
	v2 =	vimm.s32 $0x6;
	v30 =	vperm.xlane v1, v62;
	v29 =	vperm.xlane v1, v5;
	v45 =	vld [tilespmem:s14+$0xFFFFFF60]  }
0x457: {  	s18 =	simm.s32 $0x4;
	s21 =	simm.s32 $0x66B0;
	s23 =	simm.s32 $0x2D50;
	v43 =	vperm.xlane v1, v8;
	v62 =	vld [tilespmem:s14+$0xFFFFFF70];
	v25 =	vperm.xlane v1, v2;
	[tilespmem:s14+$0xF0] =	vst v0  }
.LBB2_14:
0x458: {  	v0 =	vld [tilespmem:s23+$0x10]  }
0x459: {  	s11 =	sadd.s32 $0x40, s11;
	v8 =	vld [tilespmem:$0x1FF80];
	v1 =	vmul.f32 v55, v49  }
0x45a: {  	v21 =	vmul.f32 v21, v12;
	v2 =	vmul.f32 v58, v56;
	v49 =	vld [tilespmem:s11+$0x10]  }
0x45b: {  	v12 =	vmov v43;
	v43 =	vmul.f32 v16, v10;
	v53 =	vmul.f32 v59, v53;
	v56 =	vld [tilespmem:s11+$0xFFFFFFE0];
	[tilespmem:s14+$0xFFFFFF00] =	vst v1  }
0x45c: {  	v55 =	vmul.f32 v60, v57;
	v44 =	vmul.f32 v44, v54;
	v57 =	vld [tilespmem:s23+$0xFFFFFFF0];
	[tilespmem:s14+$0xFFFFFF10] =	vst v2  }
0x45d: {  	v58 =	vmul.f32 v62, v51;
	v59 =	vld [tilespmem:s11+$0xFFFFFFF0];
	v1 =	vmul.f32 v61, v52;
	[tilespmem:s14+$0xFFFFFF20] =	vst v53  }
0x45e: {  	v40 =	vmul.f32 v42, v40;
	v41 =	vmul.f32 v47, v41;
	v60 =	vld [tilespmem:s23+$0x0];
	[tilespmem:s14+$0xFFFFFF30] =	vst v55  }
0x45f: {  	v39 =	vmul.f32 v46, v39;
	v62 =	vld [tilespmem:s11+$0x0];
	v23 =	vmul.f32 v27, v23;
	[tilespmem:s14+$0xFFFFFF40] =	vst v1  }
0x460: {  	v22 =	vmul.f32 v34, v22;
	v1 =	vmul.f32 v26, v24;
	v0 =	vadd.f32 v49, v0;
	v24 =	vld [tilespmem:s23+$0xFFFFFFE0]  }
0x461: {  	[tilespmem:s0+$0x70] =	vst v21;
	v2 =	vmul.f32 v45, v50;
	v45 =	vmul.f32 v13, v8;
	v13 =	vld [tilespmem:s14+$0xFFFFFFE0]  }
0x462: {  	[tilespmem:s14+$0xFFFFFF50] =	vst v44;
	v44 =	vmul.f32 v14, v9;
	v14 =	vadd.f32 v59, v57;
	v26 =	vmul.f32 $2.000000030e-01, v0  }
0x463: {  	v10 =	vmovc v18;
	v18 =	vld [tilespmem:s14+$0x0];
	v46 =	vmul.f32 v15, v11;
	v61 =	vmul.f32 v63, v48;
	[tilespmem:s14+$0xFFFFFF80] =	vst v40;
	vm0 =	vge.f32 v0, $0.0e+00  }
0x464: {  	[tilespmem:s14+$0xFFFFFF60] =	vst v2;
	v2 =	vld [tilespmem:s14+$0xFFFFFFC0];
	v16 =	vadd.f32 v62, v60;
	v15 =	vmul.f32 $2.000000030e-01, v14;
	v0 =	vsel vm0, v0, v26  }
0x465: {  	v11 =	vmovc v17;
	v8 =	vmovc v20;
	[tilespmem:s14+$0xFFFFFF90] =	vst v41;
	v20 =	vld [tilespmem:s14+$0xFFFFFFF0];
	vm15 =	vge.f32 v14, $0.0e+00;
	v0 =	vmul.f32 $1.442695020e+00, v0;
	v17 =	vadd.f32 v56, v24  }
0x466: {  	[tilespmem:s14+$0xFFFFFFA0] =	vst v39;
	v9 =	vmovc v19;
	v19 =	vld [tilespmem:s14+$0xFFFFFFD0];
	vm1 =	vge.f32 v16, $0.0e+00;
	v13 =	vmul.f32 v13, v36;
	v24 =	vmul.f32 $2.000000030e-01, v16  }
0x467: {  	[tilespmem:s14+$0x90] =	vst v23;
	v63 =	vld [tilespmem:s14+$0x60];
	v14 =	vsel vm15, v14, v15;
	(erf) = vpow2.f32 v0;
	v26 =	vmul.f32 $2.000000030e-01, v17  }
0x468: {  	[tilespmem:s14+$0xA0] =	vst v22;
	v15 =	vld [tilespmem:s14+$0x20];
	v14 =	vmul.f32 $1.442695020e+00, v14;
	vm2 =	vge.f32 v17, $0.0e+00;
	v16 =	vsel vm1, v16, v24  }
0x469: {  	[tilespmem:s14+$0x80] =	vst v1;
	v2 =	vmul.f32 v2, v38;
	v0 =	vld [tilespmem:s14+$0x10];
	v16 =	vmul.f32 $1.442695020e+00, v16;
	v1 =	vsel vm2, v17, v26  }
0x46a: {  	[tilespmem:s14+$0xFFFFFFB0] =	vst v61;
	v24 =	vld [tilespmem:s14+$0x30];
	(erf) = vpow2.f32 v14;
	v1 =	vmul.f32 $1.442695020e+00, v1  }
0x46b: {  	[tilespmem:s14+$0xFFFFFFC0] =	vst v2;
	v2 =	vld [tilespmem:s14+$0x50];
	v17 =	vmul.f32 v19, v37;
	(erf) = vpow2.f32 v16  }
0x46c: {  	[tilespmem:s14+$0xFFFFFF70] =	vst v58;
	v19 =	vld [tilespmem:s14+$0x40];
	(erf) = vpow2.f32 v1;
	v1 =	vmul.f32 v20, v35  }
0x46d: {  	[tilespmem:s14+$0xFFFFFFE0] =	vst v13;
	v16 =	vmul.f32 v18, v30  }
0x46e: {  	v21 =	vld [tilespmem:s14+$0x70];
	[tilespmem:s14+$0xFFFFFFF0] =	vst v1;
	v1 =	vmul.f32 v15, v31  }
0x46f: {  	v13 =	vld [tilespmem:s14+$0xC0];
	v0 =	vmul.f32 v0, v28;
	[tilespmem:s14+$0x0] =	vst v16  }
0x470: {  	s15 =	sadd.s32 $0x40, s15;
	v14 =	vld [tilespmem:s14+$0xB0];
	v28 =	vmul.f32 v24, v29;
	v2 =	vmul.f32 v2, v32;
	v29 =	vpop (erf);
	[tilespmem:s21+$0x20] =	vst v1  }
0x471: {  	v32 =	vimm.s32 $0x0;
	v30 =	vmul.f32 v19, v33;
	v15 =	vld [tilespmem:s14+$0xD0];
	v1 =	vmul.f32 v63, v25;
	[tilespmem:s15+$0x10] =	vst v29  }
0x472: {  	[tilespmem:s14+$0xFFFFFFD0] =	vst v17;
	s14 =	sadd.s32 $0x200, s14;
	v24 =	vperm.xlane v29, v32;
	v23 =	vperm.xlane v29, v3;
	v16 =	vld [tilespmem:s21+$0xE0]  }
0x473: {  	v33 =	vimm.s32 $0x1;
	v22 =	vperm.xlane v29, v4;
	v19 =	vperm.xlane v29, v5;
	v31 =	vld [tilespmem:s14+$0xF0]  }
0x474: {  	[tilespmem:s21+$0x10] =	vst v0;
	v20 =	vperm.xlane v29, v6;
	v17 =	vperm.xlane v29, v7;
	v3 =	vimm.s32 $0x6;
	v0 =	vpop (erf);
	v26 =	vld [tilespmem:s14+$0x80]  }
0x475: {  	v5 =	vimm.s32 $0x7;
	v27 =	vld [tilespmem:s14+$0x90];
	v18 =	vperm.xlane v29, v3;
	v40 =	vperm.xlane v0, v32  }
0x476: {  	v63 =	vimm.s32 $0x3;
	[tilespmem:s15+$0xFFFFFFF0] =	vst v0;
	v34 =	vld [tilespmem:s14+$0xA0];
	v25 =	vperm.xlane v29, v5;
	v41 =	vperm.xlane v0, v33  }
0x477: {  	[tilespmem:$0x1FF80] =	vst v8;
	v39 =	vperm.xlane v0, v4;
	v48 =	vperm.xlane v0, v63;
	v8 =	vpop (erf);
	v42 =	vld [tilespmem:s14+$0xFFFFFF80]  }
0x478: {  	[tilespmem:s21+$0x30] =	vst v28;
	v38 =	vperm.xlane v0, v6;
	v37 =	vperm.xlane v0, v7;
	v47 =	vld [tilespmem:s14+$0xFFFFFF90];
	v28 =	vpop (erf)  }
0x479: {  	v29 =	vperm.xlane v8, v63;
	[tilespmem:s15+$0xFFFFFFE0] =	vst v28;
	v57 =	vperm.xlane v28, v63;
	v63 =	vld [tilespmem:s14+$0xFFFFFFB0]  }
0x47a: {  	v36 =	vperm.xlane v0, v3;
	v35 =	vperm.xlane v0, v5;
	[tilespmem:s15+$0x0] =	vst v8;
	v55 =	vld [tilespmem:s14+$0xFFFFFF00]  }
0x47b: {  	[tilespmem:s21+$0x40] =	vst v30;
	v30 =	vperm.xlane v8, v32;
	v49 =	vperm.xlane v28, v32;
	v58 =	vld [tilespmem:s14+$0xFFFFFF10]  }
0x47c: {  	s18 =	sadd.s32 $0x4, s18;
	[tilespmem:s0+$0xB0] =	vst v44;
	v56 =	vperm.xlane v28, v33;
	v53 =	vperm.xlane v28, v4;
	v59 =	vld [tilespmem:s14+$0xFFFFFF20]  }
0x47d: {  	p1 =	slt.u32 s18, $0x4C;
	[tilespmem:s21+$0x50] =	vst v2;
	v52 =	vperm.xlane v28, v6;
	v25 =	vmul.f32 v31, v25;
	v60 =	vld [tilespmem:s14+$0xFFFFFF30]  }
.Ltmp6:
0x47e: {  	[tilespmem:s21+$0x60] =	vst v1;
	v54 =	vperm.xlane v28, v7;
	v50 =	vperm.xlane v28, v3;
	v61 =	vld [tilespmem:s14+$0xFFFFFF40];
	(pc) =	sbr.rel @p1 .LBB2_14-.Ltmp6, $4  }
0x47f: {  	v51 =	vperm.xlane v28, v5;
	v28 =	vperm.xlane v8, v33;
	v44 =	vld [tilespmem:s14+$0xFFFFFF50];
	[tilespmem:s14+$0xF0] =	vst v25  }
0x480: {  	v33 =	vperm.xlane v8, v6;
	v32 =	vperm.xlane v8, v7;
	v62 =	vld [tilespmem:s14+$0xFFFFFF70];
	[tilespmem:s0+$0xC0] =	vst v45  }
0x481: {  	v31 =	vperm.xlane v8, v4;
	v25 =	vperm.xlane v8, v3;
	v45 =	vld [tilespmem:s14+$0xFFFFFF60];
	[tilespmem:s0+$0xD0] =	vst v46  }
0x482: {  	s23 =	sadd.s32 $0x40, s23;
	v3 =	vimm.s32 $0x1;
	[tilespmem:s0+$0xE0] =	vst v43;
	s0 =	smov.u32 s21;
	s21 =	smov.u32 s14;
	v46 =	vld [tilespmem:s14+$0xFFFFFFA0];
	v43 =	vperm.xlane v8, v5;
	v5 =	vimm.s32 $0x3  }
0x483: {  	v0 =	vmul.f32 v55, v49  }
0x484: {  	v1 =	vmul.f32 v58, v56  }
0x485: {  	v2 =	vmul.f32 v59, v53;
	[tilespmem:s14+$0xFFFFFF00] =	vst v0  }
0x486: {  	v12 =	vmul.f32 v21, v12;
	[tilespmem:s14+$0xFFFFFF10] =	vst v1  }
0x487: {  	v21 =	vmul.f32 v26, v24;
	[tilespmem:s14+$0xFFFFFF20] =	vst v2  }
0x488: {  	v23 =	vmul.f32 v27, v23;
	[tilespmem:s0+$0x70] =	vst v12  }
0x489: {  	v22 =	vmul.f32 v34, v22;
	[tilespmem:s14+$0x80] =	vst v21  }
0x48a: {  	v0 =	vmul.f32 v60, v57;
	[tilespmem:s14+$0x90] =	vst v23  }
0x48b: {  	v1 =	vmul.f32 v61, v52;
	[tilespmem:s14+$0xA0] =	vst v22  }
0x48c: {  	v2 =	vmul.f32 v44, v54;
	[tilespmem:s14+$0xFFFFFF30] =	vst v0  }
0x48d: {  	v0 =	vmul.f32 v42, v40;
	[tilespmem:s14+$0xFFFFFF40] =	vst v1  }
0x48e: {  	v8 =	vmul.f32 v45, v50;
	[tilespmem:s14+$0xFFFFFF50] =	vst v2;
	v2 =	vld [tilespmem:s14+$0xFFFFFFD0]  }
0x48f: {  	v1 =	vld [tilespmem:s14+$0xFFFFFFC0];
	[tilespmem:s14+$0xFFFFFF80] =	vst v0;
	v0 =	vmul.f32 v62, v51  }
0x490: {  	v61 =	vmul.f32 v47, v41;
	[tilespmem:s14+$0xFFFFFF60] =	vst v8;
	v8 =	vld [tilespmem:s14+$0xFFFFFFE0]  }
0x491: {  	v39 =	vmul.f32 v46, v39;
	[tilespmem:s14+$0xFFFFFF70] =	vst v0;
	v0 =	vld [tilespmem:s14+$0xFFFFFFF0]  }
0x492: {  	v24 =	vld [tilespmem:s14+$0x0];
	[tilespmem:s14+$0xFFFFFF90] =	vst v61;
	v62 =	vmul.f32 v63, v48  }
0x493: {  	v12 =	vld [tilespmem:s14+$0x10];
	[tilespmem:s14+$0xFFFFFFA0] =	vst v39;
	v2 =	vmul.f32 v2, v37  }
0x494: {  	v21 =	vld [tilespmem:s14+$0x20];
	[tilespmem:s14+$0xFFFFFFB0] =	vst v62;
	v1 =	vmul.f32 v1, v38  }
0x495: {  	v23 =	vld [tilespmem:s14+$0x30];
	[tilespmem:s14+$0xFFFFFFD0] =	vst v2;
	v2 =	vmul.f32 v8, v36  }
0x496: {  	[tilespmem:s14+$0xFFFFFFC0] =	vst v1;
	v1 =	vld [tilespmem:s14+$0x40];
	v0 =	vmul.f32 v0, v35  }
0x497: {  	v8 =	vld [tilespmem:s14+$0x50];
	[tilespmem:s14+$0xFFFFFFE0] =	vst v2;
	v2 =	vmul.f32 v24, v30  }
0x498: {  	v12 =	vmul.f32 v12, v28;
	[tilespmem:s14+$0xFFFFFFF0] =	vst v0  }
0x499: {  	v22 =	vld [tilespmem:s14+$0x60];
	v0 =	vmul.f32 v21, v31;
	[tilespmem:s14+$0x0] =	vst v2  }
0x49a: {  	v24 =	vld [tilespmem:s14+$0x70];
	v2 =	vmul.f32 v23, v29;
	[tilespmem:s21+$0x10] =	vst v12  }
0x49b: {  	v1 =	vmul.f32 v1, v33;
	[tilespmem:s21+$0x20] =	vst v0  }
0x49c: {  	v0 =	vmul.f32 v8, v32;
	[tilespmem:s21+$0x30] =	vst v2  }
0x49d: {  	[tilespmem:s21+$0x40] =	vst v1  }
0x49e: {  	v8 =	vld [tilespmem:s14+$0xB0];
	[tilespmem:s21+$0x50] =	vst v0  }
0x49f: {  	v1 =	vmul.f32 v14, v9;
	v0 =	vld [tilespmem:$0x1FF80]  }
0x4a0: {  	v2 =	vmul.f32 v22, v25;
	v9 =	vld [tilespmem:s14+$0xC0]  }
0x4a1: {  	[tilespmem:s0+$0xB0] =	vst v1;
	v1 =	vmul.f32 v16, v10  }
0x4a2: {  	[tilespmem:s21+$0x60] =	vst v2;
	v2 =	vmul.f32 v15, v11;
	v10 =	vld [tilespmem:s21+$0xE0]  }
0x4a3: {  	v11 =	vld [tilespmem:s14+$0xD0];
	[tilespmem:s0+$0xE0] =	vst v1;
	v1 =	vmul.f32 v8, v19  }
0x4a4: {  	[tilespmem:s0+$0xD0] =	vst v2;
	v0 =	vmul.f32 v13, v0  }
0x4a5: {  	v2 =	vmul.f32 v9, v20;
	[tilespmem:s21+$0xB0] =	vst v1  }
0x4a6: {  	[tilespmem:s0+$0xC0] =	vst v0;
	v0 =	vmul.f32 v24, v43  }
0x4a7: {  	v1 =	vmul.f32 v10, v18;
	[tilespmem:s21+$0xC0] =	vst v2  }
0x4a8: {  	[tilespmem:s21+$0x70] =	vst v0;
	v0 =	vmul.f32 v11, v17  }
0x4a9: {  	[tilespmem:s21+$0xE0] =	vst v1  }
0x4aa: {  	s23 =	simm.s32 $0x90B0;
	[tilespmem:s21+$0xD0] =	vst v0  }
0x4ab: {  	[spmem:s3] =	stream.indirect.scatter.add.f32 [tilespmem:s23], [sflag:$0x6], $0x10, s24, s13, $0xb8;
	[tilespmem:$0x1F540] =	vst v63  }
0x4ac: {  	_ = 	snop  }
0x4ad: {  	[spmem:s2] =	stream.indirect.scatter.add.f32 [tilespmem:s31], [sflag:$0x6], $0x80, s24, s13, $0xb8;
	[tilespmem:$0x1F540] =	vst v63  }
0x4ae: {  	_ =	swait.ge [sflag:s16], $0x500  }
0x4af: {  	[sflag:s16] =	ssyncset.done $0x0  }
0x4b0: {  	[sflag:s16] =	ssyncadd.s32 $0xFFFFFB00  }
0x4b1: {  	_ =	swait.ge [sflag:s16], $0x2800  }
0x4b2: {  	[sflag:s16] =	ssyncset.done $0x0  }
0x4b3: {  	s24 =	simm.s32 $0x27B0;
	[sflag:s16] =	ssyncadd.s32 $0xFFFFD800  }
0x4b4: {  	[tilespmem:s24], [sflag:$0x3] =	stream.indirect.gather [hbm4b:s7+s13], $0x10, s4, s13, $0xb8;
	[tilespmem:$0x1F540] =	vst v63  }
0x4b5: {  	s28 =	simm.s32 $0x31B0;
	s24 =	simm.s32 $0x26C0  }
0x4b6: {  	[tilespmem:s28], [sflag:$0x3] =	stream.indirect.gather [hbm4b:s8+s13], $0x10, s24, s13, $0xb8;
	[tilespmem:$0x1F540] =	vst v63  }
0x4b7: {  	_ = 	snop  }
0x4b8: {  	[tilespmem:s20], [sflag:$0x3] =	stream.indirect.gather [hbm4b:s1+s13], $0x80, s4, s13, $0xb8;
	[tilespmem:$0x1F540] =	vst v63  }
0x4b9: {  	_ =	swait.ge [sflag:s26], $0x500  }
0x4ba: {  	[sflag:s26] =	ssyncset.done $0x0  }
0x4bb: {  	[sflag:s26] =	ssyncadd.s32 $0xFFFFFB00  }
0x4bc: {  	_ =	swait.ge [sflag:s26], $0x500  }
0x4bd: {  	[sflag:s26] =	ssyncset.done $0x0  }
0x4be: {  	[sflag:s26] =	ssyncadd.s32 $0xFFFFFB00  }
0x4bf: {  	_ =	swait.ge [sflag:s26], $0x2800  }
0x4c0: {  	[sflag:s26] =	ssyncset.done $0x0  }
0x4c1: {  	s29 =	simm.s32 $0x27D0;
	[sflag:s26] =	ssyncadd.s32 $0xFFFFD800  }
0x4c2: {  	s11 =	simm.s32 $0x31D0;
	v0 =	vld [tilespmem:s29+$0x10]  }
0x4c3: {  	v1 =	vld [tilespmem:s11+$0x10]  }
0x4c4: {  	v2 =	vld [tilespmem:s11+$0xFFFFFFE0]  }
0x4c5: {  	v8 =	vld [tilespmem:s29+$0xFFFFFFF0]  }
0x4c6: {  	v9 =	vld [tilespmem:s11+$0xFFFFFFF0]  }
0x4c7: {  	v10 =	vld [tilespmem:s29+$0x0]  }
0x4c8: {  	v11 =	vld [tilespmem:s11+$0x0]  }
0x4c9: {  	v0 =	vadd.f32 v1, v0;
	v1 =	vld [tilespmem:s29+$0xFFFFFFE0];
	_ =	sdelay $0x1  }
0x4ca: {  	v12 =	vmul.f32 $2.000000030e-01, v0  }
0x4cb: {  	v8 =	vadd.f32 v9, v8;
	vm0 =	vge.f32 v0, $0.0e+00  }
0x4cc: {  	v9 =	vadd.f32 v11, v10;
	v0 =	vsel vm0, v0, v12  }
0x4cd: {  	v10 =	vmul.f32 $2.000000030e-01, v8;
	v0 =	vmul.f32 $1.442695020e+00, v0;
	v1 =	vadd.f32 v2, v1  }
0x4ce: {  	vm11 =	vge.f32 v8, $0.0e+00;
	vm1 =	vge.f32 v9, $0.0e+00;
	v2 =	vmul.f32 $2.000000030e-01, v9  }
0x4cf: {  	v8 =	vsel vm11, v8, v10;
	(erf) = vpow2.f32 v0;
	v0 =	vmul.f32 $2.000000030e-01, v1  }
0x4d0: {  	v8 =	vmul.f32 $1.442695020e+00, v8;
	vm12 =	vge.f32 v1, $0.0e+00;
	v2 =	vsel vm1, v9, v2  }
0x4d1: {  	v0 =	vsel vm12, v1, v0;
	v1 =	vmul.f32 $1.442695020e+00, v2  }
0x4d2: {  	(erf) = vpow2.f32 v8;
	v0 =	vmul.f32 $1.442695020e+00, v0  }
0x4d3: {  	(erf) = vpow2.f32 v1  }
0x4d4: {  	(erf) = vpow2.f32 v0;
	_ =	sdelay $0x3  }
0x4d5: {  	s30 =	simm.s32 $0x8BD0;
	v0 =	vpop (erf)  }
0x4d6: {  	s0 =	simm.s32 $0x3CB0;
	[tilespmem:s30+$0x10] =	vst v0  }
0x4d7: {  	v1 =	vld [tilespmem:s0+$0xF0]  }
0x4d8: {  	v12 =	vpop (erf);
	v2 =	vld [tilespmem:s0+$0x80]  }
0x4d9: {  	v62 =	vimm.s32 $0x0;
	v13 =	vld [tilespmem:s0+$0x90];
	v15 =	vpop (erf)  }
0x4da: {  	v16 =	vperm.xlane v0, v62;
	v10 =	vperm.xlane v0, v6;
	[tilespmem:s30+$0xFFFFFFF0] =	vst v12;
	v14 =	vld [tilespmem:s0+$0xA0];
	v18 =	vpop (erf)  }
0x4db: {  	v19 =	vperm.xlane v0, v3;
	v20 =	vperm.xlane v0, v4;
	v17 =	vld [tilespmem:s0+$0xFFFFFF80];
	[tilespmem:s30+$0xFFFFFFE0] =	vst v18  }
0x4dc: {  	v9 =	vperm.xlane v0, v5;
	v11 =	vperm.xlane v0, v7;
	v21 =	vld [tilespmem:s0+$0xFFFFFF90];
	[tilespmem:$0x1FF70] =	vst v10  }
0x4dd: {  	v25 =	vimm.s32 $0x7;
	v24 =	vperm.xlane v12, v62;
	v26 =	vperm.xlane v12, v3;
	v22 =	vld [tilespmem:s0+$0xFFFFFF00]  }
0x4de: {  	v27 =	vperm.xlane v12, v4;
	v39 =	vperm.xlane v12, v5;
	v10 =	vimm.s32 $0x6;
	v23 =	vld [tilespmem:s0+$0xFFFFFF10]  }
0x4df: {  	v58 =	vimm.s32 $0x6;
	v10 =	vperm.xlane v0, v10;
	v0 =	vperm.xlane v0, v25;
	v25 =	vld [tilespmem:s0+$0xFFFFFF20]  }
0x4e0: {  	v63 =	vimm.s32 $0x7;
	v41 =	vperm.xlane v12, v6;
	v42 =	vperm.xlane v12, v7;
	v28 =	vld [tilespmem:s0+$0xFFFFFF30]  }
0x4e1: {  	v44 =	vperm.xlane v12, v58;
	v45 =	vperm.xlane v12, v63;
	v32 =	vld [tilespmem:s0+$0xFFFFFF50]  }
0x4e2: {  	v47 =	vperm.xlane v15, v62;
	v48 =	vperm.xlane v15, v3;
	v35 =	vld [tilespmem:s0+$0xFFFFFF60]  }
0x4e3: {  	v50 =	vperm.xlane v15, v4;
	v51 =	vperm.xlane v15, v5;
	v38 =	vld [tilespmem:s0+$0xFFFFFF70]  }
0x4e4: {  	v53 =	vperm.xlane v15, v6;
	v54 =	vperm.xlane v15, v7;
	v40 =	vld [tilespmem:s0+$0xFFFFFFA0]  }
0x4e5: {  	s15 =	simm.s32 $0x2810;
	v61 =	vperm.xlane v15, v58;
	v12 =	vperm.xlane v15, v63;
	v43 =	vld [tilespmem:s0+$0xFFFFFFB0]  }
0x4e6: {  	s11 =	simm.s32 $0x3210;
	v29 =	vperm.xlane v18, v62;
	v30 =	vperm.xlane v18, v3;
	v46 =	vld [tilespmem:s15+$0x10]  }
0x4e7: {  	v31 =	vperm.xlane v18, v4;
	v33 =	vperm.xlane v18, v5;
	v49 =	vld [tilespmem:s11+$0x10]  }
0x4e8: {  	v34 =	vperm.xlane v18, v6;
	v36 =	vperm.xlane v18, v7;
	v52 =	vld [tilespmem:s11+$0xFFFFFFE0]  }
0x4e9: {  	v37 =	vperm.xlane v18, v58;
	v18 =	vperm.xlane v18, v63;
	v60 =	vld [tilespmem:s15+$0xFFFFFFF0]  }
0x4ea: {  	v2 =	vmul.f32 v2, v16;
	v13 =	vmul.f32 v13, v19;
	v63 =	vld [tilespmem:s11+$0xFFFFFFF0]  }
0x4eb: {  	v17 =	vmul.f32 v17, v24;
	[tilespmem:s30+$0x0] =	vst v15;
	v16 =	vld [tilespmem:s0+$0xFFFFFFE0];
	v0 =	vmul.f32 v1, v0  }
0x4ec: {  	[tilespmem:s0+$0x80] =	vst v2;
	v1 =	vld [tilespmem:s0+$0xFFFFFF40];
	v22 =	vmul.f32 v22, v29;
	v23 =	vmul.f32 v23, v30  }
0x4ed: {  	[tilespmem:s0+$0x90] =	vst v13;
	v29 =	vld [tilespmem:s15+$0x0];
	v25 =	vmul.f32 v25, v31;
	v31 =	vmul.f32 v32, v36;
	v24 =	vadd.f32 v49, v46  }
0x4ee: {  	[tilespmem:s0+$0xFFFFFF80] =	vst v17;
	v30 =	vld [tilespmem:s11+$0x0];
	v15 =	vmul.f32 v38, v18;
	v18 =	vmul.f32 v21, v26  }
0x4ef: {  	[tilespmem:s0+$0xF0] =	vst v0;
	v36 =	vld [tilespmem:s15+$0xFFFFFFE0];
	v26 =	vmul.f32 v40, v27;
	v17 =	vadd.f32 v63, v60;
	v27 =	vmul.f32 $2.000000030e-01, v24  }
0x4f0: {  	v14 =	vmul.f32 v14, v20;
	v20 =	vld [tilespmem:s0+$0xFFFFFFF0];
	v28 =	vmul.f32 v28, v33;
	vm13 =	vge.f32 v24, $0.0e+00;
	[tilespmem:s0+$0xFFFFFF90] =	vst v18  }
0x4f1: {  	v37 =	vmul.f32 v35, v37;
	v49 =	vld [tilespmem:s0+$0xFFFFFFC0];
	[tilespmem:s0+$0xFFFFFF00] =	vst v22;
	v22 =	vmul.f32 $2.000000030e-01, v17;
	v19 =	vsel vm13, v24, v27  }
0x4f2: {  	v1 =	vmul.f32 v1, v34;
	vm14 =	vge.f32 v17, $0.0e+00;
	[tilespmem:s0+$0xFFFFFF30] =	vst v28;
	v28 =	vld [tilespmem:s0+$0x40];
	v19 =	vmul.f32 $1.442695020e+00, v19  }
0x4f3: {  	v21 =	vld [tilespmem:s0+$0xFFFFFFD0];
	v0 =	vmul.f32 v43, v39;
	[tilespmem:s0+$0xFFFFFF10] =	vst v23;
	v17 =	vsel vm14, v17, v22;
	v18 =	vadd.f32 v30, v29  }
0x4f4: {  	v24 =	vld [tilespmem:s0+$0x0];
	[tilespmem:s0+$0xFFFFFF40] =	vst v1;
	v23 =	vadd.f32 v52, v36;
	v1 =	vmul.f32 $1.442695020e+00, v17;
	(erf) = vpow2.f32 v19  }
0x4f5: {  	[tilespmem:s0+$0xFFFFFF20] =	vst v25;
	v22 =	vld [tilespmem:s0+$0x20];
	v29 =	vmul.f32 v16, v44;
	v25 =	vmul.f32 $2.000000030e-01, v18  }
0x4f6: {  	[tilespmem:s0+$0xA0] =	vst v14;
	v30 =	vld [tilespmem:s0+$0x60];
	vm15 =	vge.f32 v18, $0.0e+00;
	vm2 =	vge.f32 v23, $0.0e+00;
	v27 =	vmul.f32 $2.000000030e-01, v23  }
0x4f7: {  	[tilespmem:s0+$0xFFFFFF50] =	vst v31;
	v19 =	vld [tilespmem:s0+$0x10];
	v28 =	vmul.f32 v28, v53;
	(erf) = vpow2.f32 v1;
	v17 =	vsel vm15, v18, v25  }
0x4f8: {  	[tilespmem:s0+$0xFFFFFF60] =	vst v37;
	v1 =	vld [tilespmem:s0+$0x50];
	v18 =	vmul.f32 v49, v41;
	v23 =	vsel vm2, v23, v27;
	v27 =	vmul.f32 v21, v42  }
0x4f9: {  	[tilespmem:s0+$0xFFFFFF70] =	vst v15;
	v25 =	vld [tilespmem:s0+$0x30];
	v31 =	vmul.f32 v24, v47;
	v17 =	vmul.f32 $1.442695020e+00, v17  }
0x4fa: {  	v14 =	vld [tilespmem:s0+$0xB0];
	[tilespmem:s0+$0xFFFFFFA0] =	vst v26;
	v33 =	vmul.f32 v22, v50;
	v2 =	vmul.f32 $1.442695020e+00, v23  }
0x4fb: {  	v13 =	vld [tilespmem:s0+$0xC0];
	[tilespmem:s0+$0xFFFFFFB0] =	vst v0;
	v63 =	vmul.f32 v30, v61;
	(erf) = vpow2.f32 v17  }
0x4fc: {  	v15 =	vld [tilespmem:s0+$0xD0];
	[tilespmem:s0+$0xFFFFFFE0] =	vst v29;
	v32 =	vmul.f32 v19, v48;
	(erf) = vpow2.f32 v2  }
0x4fd: {  	s15 =	simm.s32 $0x8C10;
	v16 =	vld [tilespmem:s0+$0xE0];
	[tilespmem:s0+$0x40] =	vst v28;
	v2 =	vmul.f32 v20, v45;
	v46 =	vmul.f32 v1, v54;
	v59 =	vpop (erf)  }
0x4fe: {  	s14 =	simm.s32 $0x3EB0;
	v21 =	vld [tilespmem:s0+$0x70];
	v25 =	vmul.f32 v25, v51;
	[tilespmem:s15+$0x10] =	vst v59;
	v24 =	vperm.xlane v59, v62  }
0x4ff: {  	[tilespmem:s0+$0xFFFFFFC0] =	vst v18;
	v23 =	vperm.xlane v59, v3;
	v22 =	vperm.xlane v59, v4;
	v0 =	vld [tilespmem:s14+$0xF0]  }
0x500: {  	[tilespmem:s0+$0xFFFFFFD0] =	vst v27;
	v19 =	vperm.xlane v59, v5;
	v20 =	vperm.xlane v59, v6;
	v26 =	vld [tilespmem:s14+$0x80]  }
0x501: {  	v36 =	vimm.s32 $0x7;
	[tilespmem:s0+$0x0] =	vst v31;
	v17 =	vperm.xlane v59, v7;
	v18 =	vperm.xlane v59, v58;
	v43 =	vpop (erf);
	v27 =	vld [tilespmem:s14+$0x90]  }
0x502: {  	v30 =	vperm.xlane v59, v36;
	[tilespmem:s15+$0xFFFFFFF0] =	vst v43;
	v40 =	vperm.xlane v43, v62;
	v34 =	vld [tilespmem:s14+$0xA0]  }
0x503: {  	[tilespmem:s0+$0x20] =	vst v33;
	v41 =	vperm.xlane v43, v3;
	v39 =	vperm.xlane v43, v4;
	v42 =	vld [tilespmem:s14+$0xFFFFFF80]  }
0x504: {  	v8 =	vimm.s32 $0x7;
	[tilespmem:s0+$0x60] =	vst v63;
	v48 =	vperm.xlane v43, v5;
	v38 =	vperm.xlane v43, v6;
	v47 =	vld [tilespmem:s14+$0xFFFFFF90];
	v1 =	vpop (erf)  }
0x505: {  	[tilespmem:s0+$0x50] =	vst v46;
	v37 =	vperm.xlane v43, v7;
	v35 =	vperm.xlane v43, v8;
	v46 =	vld [tilespmem:s14+$0xFFFFFFA0];
	v29 =	vpop (erf)  }
0x506: {  	v63 =	vld [tilespmem:s14+$0xFFFFFFB0];
	v28 =	vperm.xlane v1, v3;
	v31 =	vperm.xlane v1, v4;
	[tilespmem:s15+$0xFFFFFFE0] =	vst v29  }
0x507: {  	[tilespmem:s0+$0x10] =	vst v32;
	v33 =	vperm.xlane v1, v6;
	v32 =	vperm.xlane v1, v7;
	v55 =	vld [tilespmem:s14+$0xFFFFFF00]  }
0x508: {  	v49 =	vperm.xlane v29, v62;
	v0 =	vmul.f32 v0, v30;
	v58 =	vld [tilespmem:s14+$0xFFFFFF10]  }
0x509: {  	v56 =	vperm.xlane v29, v3;
	v53 =	vperm.xlane v29, v4;
	v59 =	vld [tilespmem:s14+$0xFFFFFF20]  }
0x50a: {  	[tilespmem:s0+$0xFFFFFFF0] =	vst v2;
	v2 =	vimm.s32 $0x6;
	v57 =	vperm.xlane v29, v5;
	v52 =	vperm.xlane v29, v6;
	v60 =	vld [tilespmem:s14+$0xFFFFFF30]  }
0x50b: {  	v54 =	vperm.xlane v29, v7;
	v50 =	vperm.xlane v29, v2;
	v61 =	vld [tilespmem:s14+$0xFFFFFF40]  }
0x50c: {  	[tilespmem:s0+$0x30] =	vst v25;
	v51 =	vperm.xlane v29, v36;
	v36 =	vperm.xlane v43, v2;
	v44 =	vld [tilespmem:s14+$0xFFFFFF50]  }
0x50d: {  	[tilespmem:s15+$0x0] =	vst v1;
	v2 =	vimm.s32 $0x6;
	v30 =	vperm.xlane v1, v62;
	v29 =	vperm.xlane v1, v5;
	v45 =	vld [tilespmem:s14+$0xFFFFFF60]  }
0x50e: {  	s18 =	simm.s32 $0x4;
	s21 =	simm.s32 $0x3EB0;
	s23 =	simm.s32 $0x2850;
	v43 =	vperm.xlane v1, v8;
	v62 =	vld [tilespmem:s14+$0xFFFFFF70];
	v25 =	vperm.xlane v1, v2;
	[tilespmem:s14+$0xF0] =	vst v0  }
.LBB2_16:
0x50f: {  	v0 =	vld [tilespmem:s23+$0x10]  }
0x510: {  	s11 =	sadd.s32 $0x40, s11;
	v8 =	vld [tilespmem:$0x1FF70];
	v1 =	vmul.f32 v55, v49  }
0x511: {  	v21 =	vmul.f32 v21, v12;
	v2 =	vmul.f32 v58, v56;
	v49 =	vld [tilespmem:s11+$0x10]  }
0x512: {  	v12 =	vmov v43;
	v43 =	vmul.f32 v16, v10;
	v53 =	vmul.f32 v59, v53;
	v56 =	vld [tilespmem:s11+$0xFFFFFFE0];
	[tilespmem:s14+$0xFFFFFF00] =	vst v1  }
0x513: {  	v55 =	vmul.f32 v60, v57;
	v44 =	vmul.f32 v44, v54;
	v57 =	vld [tilespmem:s23+$0xFFFFFFF0];
	[tilespmem:s14+$0xFFFFFF10] =	vst v2  }
0x514: {  	v58 =	vmul.f32 v62, v51;
	v59 =	vld [tilespmem:s11+$0xFFFFFFF0];
	v1 =	vmul.f32 v61, v52;
	[tilespmem:s14+$0xFFFFFF20] =	vst v53  }
0x515: {  	v40 =	vmul.f32 v42, v40;
	v41 =	vmul.f32 v47, v41;
	v60 =	vld [tilespmem:s23+$0x0];
	[tilespmem:s14+$0xFFFFFF30] =	vst v55  }
0x516: {  	v39 =	vmul.f32 v46, v39;
	v62 =	vld [tilespmem:s11+$0x0];
	v23 =	vmul.f32 v27, v23;
	[tilespmem:s14+$0xFFFFFF40] =	vst v1  }
0x517: {  	v22 =	vmul.f32 v34, v22;
	v1 =	vmul.f32 v26, v24;
	v0 =	vadd.f32 v49, v0;
	v24 =	vld [tilespmem:s23+$0xFFFFFFE0]  }
0x518: {  	[tilespmem:s0+$0x70] =	vst v21;
	v2 =	vmul.f32 v45, v50;
	v45 =	vmul.f32 v13, v8;
	v13 =	vld [tilespmem:s14+$0xFFFFFFE0]  }
0x519: {  	[tilespmem:s14+$0xFFFFFF50] =	vst v44;
	v44 =	vmul.f32 v14, v9;
	v14 =	vadd.f32 v59, v57;
	v26 =	vmul.f32 $2.000000030e-01, v0  }
0x51a: {  	v10 =	vmovc v18;
	v18 =	vld [tilespmem:s14+$0x0];
	v46 =	vmul.f32 v15, v11;
	v61 =	vmul.f32 v63, v48;
	[tilespmem:s14+$0xFFFFFF80] =	vst v40;
	vm0 =	vge.f32 v0, $0.0e+00  }
0x51b: {  	[tilespmem:s14+$0xFFFFFF60] =	vst v2;
	v2 =	vld [tilespmem:s14+$0xFFFFFFC0];
	v16 =	vadd.f32 v62, v60;
	v15 =	vmul.f32 $2.000000030e-01, v14;
	v0 =	vsel vm0, v0, v26  }
0x51c: {  	v11 =	vmovc v17;
	v8 =	vmovc v20;
	[tilespmem:s14+$0xFFFFFF90] =	vst v41;
	v20 =	vld [tilespmem:s14+$0xFFFFFFF0];
	vm15 =	vge.f32 v14, $0.0e+00;
	v0 =	vmul.f32 $1.442695020e+00, v0;
	v17 =	vadd.f32 v56, v24  }
0x51d: {  	[tilespmem:s14+$0xFFFFFFA0] =	vst v39;
	v9 =	vmovc v19;
	v19 =	vld [tilespmem:s14+$0xFFFFFFD0];
	vm1 =	vge.f32 v16, $0.0e+00;
	v13 =	vmul.f32 v13, v36;
	v24 =	vmul.f32 $2.000000030e-01, v16  }
0x51e: {  	[tilespmem:s14+$0x90] =	vst v23;
	v63 =	vld [tilespmem:s14+$0x60];
	v14 =	vsel vm15, v14, v15;
	(erf) = vpow2.f32 v0;
	v26 =	vmul.f32 $2.000000030e-01, v17  }
0x51f: {  	[tilespmem:s14+$0xA0] =	vst v22;
	v15 =	vld [tilespmem:s14+$0x20];
	v14 =	vmul.f32 $1.442695020e+00, v14;
	vm2 =	vge.f32 v17, $0.0e+00;
	v16 =	vsel vm1, v16, v24  }
0x520: {  	[tilespmem:s14+$0x80] =	vst v1;
	v2 =	vmul.f32 v2, v38;
	v0 =	vld [tilespmem:s14+$0x10];
	v16 =	vmul.f32 $1.442695020e+00, v16;
	v1 =	vsel vm2, v17, v26  }
0x521: {  	[tilespmem:s14+$0xFFFFFFB0] =	vst v61;
	v24 =	vld [tilespmem:s14+$0x30];
	(erf) = vpow2.f32 v14;
	v1 =	vmul.f32 $1.442695020e+00, v1  }
0x522: {  	[tilespmem:s14+$0xFFFFFFC0] =	vst v2;
	v2 =	vld [tilespmem:s14+$0x50];
	v17 =	vmul.f32 v19, v37;
	(erf) = vpow2.f32 v16  }
0x523: {  	[tilespmem:s14+$0xFFFFFF70] =	vst v58;
	v19 =	vld [tilespmem:s14+$0x40];
	(erf) = vpow2.f32 v1;
	v1 =	vmul.f32 v20, v35  }
0x524: {  	[tilespmem:s14+$0xFFFFFFE0] =	vst v13;
	v16 =	vmul.f32 v18, v30  }
0x525: {  	v21 =	vld [tilespmem:s14+$0x70];
	[tilespmem:s14+$0xFFFFFFF0] =	vst v1;
	v1 =	vmul.f32 v15, v31  }
0x526: {  	v13 =	vld [tilespmem:s14+$0xC0];
	v0 =	vmul.f32 v0, v28;
	[tilespmem:s14+$0x0] =	vst v16  }
0x527: {  	s15 =	sadd.s32 $0x40, s15;
	v14 =	vld [tilespmem:s14+$0xB0];
	v28 =	vmul.f32 v24, v29;
	v2 =	vmul.f32 v2, v32;
	v29 =	vpop (erf);
	[tilespmem:s21+$0x20] =	vst v1  }
0x528: {  	v32 =	vimm.s32 $0x0;
	v30 =	vmul.f32 v19, v33;
	v15 =	vld [tilespmem:s14+$0xD0];
	v1 =	vmul.f32 v63, v25;
	[tilespmem:s15+$0x10] =	vst v29  }
0x529: {  	[tilespmem:s14+$0xFFFFFFD0] =	vst v17;
	s14 =	sadd.s32 $0x200, s14;
	v24 =	vperm.xlane v29, v32;
	v23 =	vperm.xlane v29, v3;
	v16 =	vld [tilespmem:s21+$0xE0]  }
0x52a: {  	v33 =	vimm.s32 $0x1;
	v22 =	vperm.xlane v29, v4;
	v19 =	vperm.xlane v29, v5;
	v31 =	vld [tilespmem:s14+$0xF0]  }
0x52b: {  	[tilespmem:s21+$0x10] =	vst v0;
	v20 =	vperm.xlane v29, v6;
	v17 =	vperm.xlane v29, v7;
	v3 =	vimm.s32 $0x6;
	v0 =	vpop (erf);
	v26 =	vld [tilespmem:s14+$0x80]  }
0x52c: {  	v5 =	vimm.s32 $0x7;
	v27 =	vld [tilespmem:s14+$0x90];
	v18 =	vperm.xlane v29, v3;
	v40 =	vperm.xlane v0, v32  }
0x52d: {  	v63 =	vimm.s32 $0x3;
	[tilespmem:s15+$0xFFFFFFF0] =	vst v0;
	v34 =	vld [tilespmem:s14+$0xA0];
	v25 =	vperm.xlane v29, v5;
	v41 =	vperm.xlane v0, v33  }
0x52e: {  	[tilespmem:$0x1FF70] =	vst v8;
	v39 =	vperm.xlane v0, v4;
	v48 =	vperm.xlane v0, v63;
	v8 =	vpop (erf);
	v42 =	vld [tilespmem:s14+$0xFFFFFF80]  }
0x52f: {  	[tilespmem:s21+$0x30] =	vst v28;
	v38 =	vperm.xlane v0, v6;
	v37 =	vperm.xlane v0, v7;
	v47 =	vld [tilespmem:s14+$0xFFFFFF90];
	v28 =	vpop (erf)  }
0x530: {  	v29 =	vperm.xlane v8, v63;
	[tilespmem:s15+$0xFFFFFFE0] =	vst v28;
	v57 =	vperm.xlane v28, v63;
	v63 =	vld [tilespmem:s14+$0xFFFFFFB0]  }
0x531: {  	v36 =	vperm.xlane v0, v3;
	v35 =	vperm.xlane v0, v5;
	[tilespmem:s15+$0x0] =	vst v8;
	v55 =	vld [tilespmem:s14+$0xFFFFFF00]  }
0x532: {  	[tilespmem:s21+$0x40] =	vst v30;
	v30 =	vperm.xlane v8, v32;
	v49 =	vperm.xlane v28, v32;
	v58 =	vld [tilespmem:s14+$0xFFFFFF10]  }
0x533: {  	s18 =	sadd.s32 $0x4, s18;
	[tilespmem:s0+$0xB0] =	vst v44;
	v56 =	vperm.xlane v28, v33;
	v53 =	vperm.xlane v28, v4;
	v59 =	vld [tilespmem:s14+$0xFFFFFF20]  }
0x534: {  	p1 =	slt.u32 s18, $0x4C;
	[tilespmem:s21+$0x50] =	vst v2;
	v52 =	vperm.xlane v28, v6;
	v25 =	vmul.f32 v31, v25;
	v60 =	vld [tilespmem:s14+$0xFFFFFF30]  }
.Ltmp7:
0x535: {  	[tilespmem:s21+$0x60] =	vst v1;
	v54 =	vperm.xlane v28, v7;
	v50 =	vperm.xlane v28, v3;
	v61 =	vld [tilespmem:s14+$0xFFFFFF40];
	(pc) =	sbr.rel @p1 .LBB2_16-.Ltmp7, $4  }
0x536: {  	v51 =	vperm.xlane v28, v5;
	v28 =	vperm.xlane v8, v33;
	v44 =	vld [tilespmem:s14+$0xFFFFFF50];
	[tilespmem:s14+$0xF0] =	vst v25  }
0x537: {  	v33 =	vperm.xlane v8, v6;
	v32 =	vperm.xlane v8, v7;
	v62 =	vld [tilespmem:s14+$0xFFFFFF70];
	[tilespmem:s0+$0xC0] =	vst v45  }
0x538: {  	v31 =	vperm.xlane v8, v4;
	v25 =	vperm.xlane v8, v3;
	v45 =	vld [tilespmem:s14+$0xFFFFFF60];
	[tilespmem:s0+$0xD0] =	vst v46  }
0x539: {  	s23 =	sadd.s32 $0x40, s23;
	v3 =	vimm.s32 $0x1;
	[tilespmem:s0+$0xE0] =	vst v43;
	s0 =	smov.u32 s21;
	s21 =	smov.u32 s14;
	v46 =	vld [tilespmem:s14+$0xFFFFFFA0];
	v43 =	vperm.xlane v8, v5;
	v5 =	vimm.s32 $0x3  }
0x53a: {  	v0 =	vmul.f32 v55, v49  }
0x53b: {  	v1 =	vmul.f32 v58, v56  }
0x53c: {  	v2 =	vmul.f32 v59, v53;
	[tilespmem:s14+$0xFFFFFF00] =	vst v0  }
0x53d: {  	v53 =	vmul.f32 v63, v48;
	[tilespmem:s14+$0xFFFFFF10] =	vst v1  }
0x53e: {  	v12 =	vmul.f32 v21, v12;
	[tilespmem:s14+$0xFFFFFF20] =	vst v2  }
0x53f: {  	v23 =	vmul.f32 v27, v23;
	[tilespmem:s14+$0xFFFFFFB0] =	vst v53  }
0x540: {  	v22 =	vmul.f32 v34, v22;
	[tilespmem:s0+$0x70] =	vst v12  }
0x541: {  	v0 =	vmul.f32 v60, v57;
	[tilespmem:s14+$0x90] =	vst v23  }
0x542: {  	v1 =	vmul.f32 v61, v52;
	[tilespmem:s14+$0xA0] =	vst v22  }
0x543: {  	v2 =	vmul.f32 v44, v54;
	[tilespmem:s14+$0xFFFFFF30] =	vst v0  }
0x544: {  	v0 =	vmul.f32 v42, v40;
	[tilespmem:s14+$0xFFFFFF40] =	vst v1  }
0x545: {  	v8 =	vmul.f32 v45, v50;
	[tilespmem:s14+$0xFFFFFF50] =	vst v2;
	v2 =	vld [tilespmem:s14+$0xFFFFFFD0]  }
0x546: {  	v1 =	vld [tilespmem:s14+$0xFFFFFFC0];
	[tilespmem:s14+$0xFFFFFF80] =	vst v0;
	v0 =	vmul.f32 v62, v51  }
0x547: {  	v52 =	vmul.f32 v47, v41;
	[tilespmem:s14+$0xFFFFFF60] =	vst v8;
	v8 =	vld [tilespmem:s14+$0xFFFFFFE0]  }
0x548: {  	v54 =	vmul.f32 v26, v24;
	[tilespmem:s14+$0xFFFFFF70] =	vst v0;
	v0 =	vld [tilespmem:s14+$0xFFFFFFF0]  }
0x549: {  	v55 =	vld [tilespmem:s14+$0x0];
	v39 =	vmul.f32 v46, v39;
	[tilespmem:s14+$0xFFFFFF90] =	vst v52  }
0x54a: {  	v56 =	vld [tilespmem:s14+$0x10];
	[tilespmem:s14+$0x80] =	vst v54;
	v2 =	vmul.f32 v2, v37  }
0x54b: {  	v57 =	vld [tilespmem:s14+$0x20];
	[tilespmem:s14+$0xFFFFFFA0] =	vst v39;
	v1 =	vmul.f32 v1, v38  }
0x54c: {  	v58 =	vld [tilespmem:s14+$0x30];
	[tilespmem:s14+$0xFFFFFFD0] =	vst v2;
	v2 =	vmul.f32 v8, v36  }
0x54d: {  	[tilespmem:s14+$0xFFFFFFC0] =	vst v1;
	v1 =	vld [tilespmem:s14+$0x40];
	v0 =	vmul.f32 v0, v35  }
0x54e: {  	v8 =	vld [tilespmem:s14+$0x50];
	[tilespmem:s14+$0xFFFFFFE0] =	vst v2;
	v2 =	vmul.f32 v55, v30  }
0x54f: {  	v12 =	vmul.f32 v56, v28;
	[tilespmem:s14+$0xFFFFFFF0] =	vst v0  }
0x550: {  	v59 =	vld [tilespmem:s14+$0x60];
	v0 =	vmul.f32 v57, v31;
	[tilespmem:s14+$0x0] =	vst v2  }
0x551: {  	v60 =	vld [tilespmem:s14+$0x70];
	v2 =	vmul.f32 v58, v29;
	[tilespmem:s21+$0x10] =	vst v12  }
0x552: {  	v1 =	vmul.f32 v1, v33;
	[tilespmem:s21+$0x20] =	vst v0  }
0x553: {  	v0 =	vmul.f32 v8, v32;
	[tilespmem:s21+$0x30] =	vst v2  }
0x554: {  	[tilespmem:s21+$0x40] =	vst v1  }
0x555: {  	v8 =	vld [tilespmem:s14+$0xB0];
	[tilespmem:s21+$0x50] =	vst v0  }
0x556: {  	v1 =	vmul.f32 v14, v9;
	v0 =	vld [tilespmem:$0x1FF70]  }
0x557: {  	v61 =	vld [tilespmem:s14+$0xC0];
	v2 =	vmul.f32 v59, v25  }
0x558: {  	[tilespmem:s0+$0xB0] =	vst v1;
	v1 =	vmul.f32 v16, v10  }
0x559: {  	v63 =	vld [tilespmem:s21+$0xE0];
	[tilespmem:s21+$0x60] =	vst v2;
	v2 =	vmul.f32 v15, v11  }
0x55a: {  	v62 =	vld [tilespmem:s14+$0xD0];
	[tilespmem:s0+$0xE0] =	vst v1;
	v1 =	vmul.f32 v8, v19  }
0x55b: {  	[tilespmem:s0+$0xD0] =	vst v2;
	v0 =	vmul.f32 v13, v0  }
0x55c: {  	v2 =	vmul.f32 v61, v20;
	[tilespmem:s21+$0xB0] =	vst v1  }
0x55d: {  	[tilespmem:s0+$0xC0] =	vst v0;
	v0 =	vmul.f32 v60, v43  }
0x55e: {  	v1 =	vmul.f32 v63, v18;
	[tilespmem:s21+$0xC0] =	vst v2  }
0x55f: {  	[tilespmem:s21+$0x70] =	vst v0;
	v0 =	vmul.f32 v62, v17  }
0x560: {  	[tilespmem:s21+$0xE0] =	vst v1  }
0x561: {  	s23 =	simm.s32 $0x8BB0;
	[tilespmem:s21+$0xD0] =	vst v0  }
0x562: {  	[spmem:s3] =	stream.indirect.scatter.add.f32 [tilespmem:s23], [sflag:$0x5], $0x10, s24, s13, $0xb8;
	[tilespmem:$0x1F540] =	vst v63  }
0x563: {  	_ = 	snop  }
0x564: {  	[spmem:s2] =	stream.indirect.scatter.add.f32 [tilespmem:s20], [sflag:$0x5], $0x80, s24, s13, $0xb8;
	[tilespmem:$0x1F540] =	vst v63  }
0x565: {  	_ =	swait.ge [sflag:s17], $0x500  }
0x566: {  	[sflag:s17] =	ssyncset.done $0x0  }
0x567: {  	[sflag:s17] =	ssyncadd.s32 $0xFFFFFB00  }
0x568: {  	_ =	swait.ge [sflag:s17], $0x2800  }
0x569: {  	[sflag:s17] =	ssyncset.done $0x0  }
0x56a: {  	[sflag:s17] =	ssyncadd.s32 $0xFFFFD800  }
0x56b: {  	_ =	swait.ge [sflag:s16], $0x500  }
0x56c: {  	[sflag:s16] =	ssyncset.done $0x0  }
0x56d: {  	[sflag:s16] =	ssyncadd.s32 $0xFFFFFB00  }
0x56e: {  	_ =	swait.ge [sflag:s16], $0x2800  }
0x56f: {  	[sflag:s16] =	ssyncset.done $0x0  }
0x570: {  	[sflag:s16] =	ssyncadd.s32 $0xFFFFD800  }
0x571: {  	[bflag:$0x0] =	sbarrier.arrive $0xFFFF  }
0x572: {  	s28 =	rddreg [dreg:$0x5]  }
0x573: {  	s14 =	rddreg [dreg:$0x11]  }
0x574: {  	s18 =	rddreg [dreg:$0x9]  }
0x575: {  	s21 =	simm.s32 $0x7;
	s11 =	rddreg [dreg:$0x1a];
	s0 =	sadd.s32 s28, s14  }
0x576: {  	[hbm:s0], [sflag:s18] =	dma.local [spmem:s11], $0x2700  }
0x577: {  	_ =	swait.ge [sflag:s21], $0x2700  }
0x578: {  	s11 =	rddreg [dreg:$0x6]  }
0x579: {  	[sflag:s21] =	ssyncset.done $0x0;
	s15 =	rddreg [dreg:$0x12]  }
0x57a: {  	s23 =	rddreg [dreg:$0x1b];
	[sflag:s21] =	ssyncadd.s32 $0xFFFFD900;
	s0 =	sadd.s32 @p0 s11, s15  }
0x57b: {  	[hbm:s0], [sflag:s18] =	dma.local @p0 [spmem:s23], $0x4E0  }
0x57c: {  	s0 =	simm.s32 @p0 $0x7  }
0x57d: {  	_ =	swait.ge @p0 [sflag:s0], $0x4E0  }
0x57e: {  	[sflag:s0] =	ssyncset.done @p0 $0x0  }
0x57f: {  	[sflag:s0] =	ssyncadd.s32 @p0 $0xFFFFFB20;
	s0 =	sadd.s32 @!p0 $0x27000, s14;
	s14 =	rddreg [dreg:$0x1c]  }
0x580: {  	[hbm:s0], [sflag:s18] =	dma.local @!p0 [spmem:s14], $0x100  }
0x581: {  	s0 =	simm.s32 @!p0 $0x7  }
0x582: {  	_ =	swait.ge @!p0 [sflag:s0], $0x100  }
0x583: {  	[sflag:s0] =	ssyncset.done @!p0 $0x0  }
0x584: {  	s11 =	sadd.s32 @!p0 s11, s15;
	s14 =	rddreg [dreg:$0x1d];
	[sflag:s0] =	ssyncadd.s32 @!p0 $0xFFFFFF00  }
0x585: {  	[hbm:s11], [sflag:s18] =	dma.local @!p0 [spmem:s14], $0x4E0  }
0x586: {  	_ =	swait.ge @!p0 [sflag:s0], $0x4E0  }
0x587: {  	[sflag:s0] =	ssyncset.done @!p0 $0x0  }
0x588: {  	s11 =	sadd.s32 @!p0 $0x4E00, s15;
	s14 =	rddreg [dreg:$0x1e];
	[sflag:s0] =	ssyncadd.s32 @!p0 $0xFFFFFB20  }
0x589: {  	[hbm:s11], [sflag:s18] =	dma.local @!p0 [spmem:s14], $0x20  }
0x58a: {  	_ =	swait.ge @!p0 [sflag:s0], $0x20  }
0x58b: {  	s29 =	rddreg [dreg:$0x19]  }
0x58c: {  	s30 =	rddreg [dreg:$0x13];
	s14 =	sadd.s32 $0x1, s29  }
0x58d: {  	p1 =	sne.s32 s14, s30  }
.Ltmp8:
0x58e: {  	_ = 	snop;
	(pc) =	sbr.rel @p1 .LBB2_1-.Ltmp8, $3  }
0x58f: {  	_ =	sdelay $0x1  }
0x590: {  	[sflag:s0] =	ssyncset.done @!p0 $0x0  }
0x591: {  	v2 =	vimm.s32 $0x7;
	v1 =	vimm.s32 $0x6;
	v0 =	vimm.s32 $0x0;
	[sflag:s0] =	ssyncadd.s32 @!p0 $0xFFFFFFE0  }
0x592: {  	_ =	sfence.sel $0x180000  }
0x593: {  	[bflag:$0x0] =	sbarrier.arrive $0xFFFF  }
0x594: {  	_ =	strace $0x90000047  }
0x595: {  	s0 =	stileid.u32;
	[bflag:$0x2] =	sbarrier.arrive $0xFFFF  }
0x596: {  	p0 =	sne.s32 s0, $0x0;
	s0 =	rddreg [dreg:$0x4]  }
0x597: {  	s0 =	sadd.s32 @!p0 $0x100000, s0  }
0x598: {  	[sflag:s0] =	ssyncadd.tile.s32 @!p0 $0x1;
	_ =	shalt  }
.Lfunc_end2:
_tile_overlayer_lowered:
.L_overlay_start_2:
0x599: {  	(tag) =	ssettag $0x2  }
0x59a: {  	s0 =	rddreg [dreg:$0x0];
	s2 =	stileid.u32  }
0x59b: {  	s1 =	rddreg [dreg:$0x1];
	p0 =	sne.s32 s2, $0x0  }
0x59c: {  	s3 =	rddreg [dreg:$0x2];
	[bflag:$0x3] =	sbarrier.arrive $0xFFFF;
	s2 =	simm.s32 @!p0 $0x1C07  }
0x59d: {  	[timem:s3], [sflag:s2] =	dma.local @!p0 [hbm:s0], s1  }
0x59e: {  	s0 =	simm.s32 @!p0 $0x7  }
0x59f: {  	_ =	swait.ge @!p0 [sflag:s0], s1  }
0x5a0: {  	s1 =	ssub.s32 @!p0 $0x0, s1;
	[sflag:s0] =	ssyncset.done @!p0 $0x0  }
0x5a1: {  	[sflag:s0] =	ssyncadd.s32 @!p0 s1  }
0x5a2: {  	[bflag:$0x3] =	sbarrier.arrive $0xFFFF  }
0x5a3: {  	_ =	shalt  }

</sc_bundles>
